<compile_context>
chip_gen: v7x
topology: tpu7x:2x2x1
jax: 0.10.2.dev20260603
libtpu: 0.0.44.dev20260713+nightly
codegen_flags: <defaults>
</compile_context>

<pallas_src>
import functools
import math

import jax
import jax.numpy as jnp
from jax import lax
from jax.experimental import pallas as pl
from jax.experimental.pallas import tpu as pltpu
from jax.experimental.pallas import tpu_sc as plsc

NUM_SEG = 16
TOTAL = 32768
D = 128
DW = D + 16
NW = 32

SPLIT = 4096
PER_W = SPLIT // NW
RB = 128
NB = PER_W // RB
NCH = D // 16
NGRP = PER_W // 16
NSTEP = math.ceil(math.log2(NGRP))

TCB = 4096
NTC = (TOTAL - SPLIT) // TCB


def _sc_partials(flat, ids):
    mesh = plsc.VectorSubcoreMesh(core_axis_name="c", subcore_axis_name="s")

    @functools.partial(
        pl.kernel,
        out_type=jax.ShapeDtypeStruct((NW, NUM_SEG, DW), jnp.float32),
        mesh=mesh,
        compiler_params=pltpu.CompilerParams(needs_layout_passes=False),
        scratch_types=[
            pltpu.VMEM((PER_W,), jnp.int32),
            pltpu.VMEM((RB, D), jnp.float32),
            pltpu.VMEM((RB, D), jnp.float32),
            pltpu.VMEM((NUM_SEG, DW), jnp.float32),
            pltpu.SemaphoreType.DMA,
            pltpu.SemaphoreType.DMA,
            pltpu.SemaphoreType.DMA,
        ],
    )
    def k(flat_hbm, ids_hbm, accs_out, idv, buf0, buf1, acc,
          sem0, sem1, semi):
        cid = lax.axis_index("c")
        sid = lax.axis_index("s")
        wid = cid * 16 + sid
        base = wid * PER_W

        idcp = pltpu.async_copy(ids_hbm.at[pl.ds(base, PER_W)], idv, semi)

        bufs = (buf0, buf1)
        sems = (sem0, sem1)
        handles = [None, None]
        handles[0] = pltpu.async_copy(
            flat_hbm.at[pl.ds(base, RB)], buf0, sem0)

        zeros16 = jnp.zeros((16,), jnp.float32)
        for s in range(NUM_SEG):
            for j in range(NCH):
                acc[s, pl.ds(j * 16, 16)] = zeros16
        idcp.wait()

        def searchsorted(s):
            lo = jnp.int32(0)
            hi = jnp.int32(NGRP)
            for _ in range(NSTEP):
                mid = (lo + hi) >> 1
                leader = idv[pl.ds(mid * 16, 16)][0]
                pred = leader < s
                lo = jnp.where(pred, mid + 1, lo)
                hi = jnp.where(pred, hi, mid)
            g = jnp.maximum(lo - 1, 0)
            grp = idv[pl.ds(g * 16, 16)]
            cnt = jnp.sum((grp < s).astype(jnp.int32))
            return g * 16 + cnt

        bnd = [jnp.int32(0)]
        for s in range(1, NUM_SEG):
            bnd.append(searchsorted(s))
        bnd.append(jnp.int32(PER_W))

        for s in range(NUM_SEG):
            n = (bnd[s + 1] - bnd[s]).astype(jnp.float32)
            acc[s, pl.ds(D, 16)] = jnp.full((16,), 1.0, jnp.float32) * n

        for b in range(NB):
            if b + 1 < NB:
                handles[(b + 1) % 2] = pltpu.async_copy(
                    flat_hbm.at[pl.ds(base + (b + 1) * RB, RB)],
                    bufs[(b + 1) % 2], sems[(b + 1) % 2])
            handles[b % 2].wait()
            buf = bufs[b % 2]

            for s in range(NUM_SEG):
                lo = jnp.clip(bnd[s] - b * RB, 0, RB)
                hi = jnp.clip(bnd[s + 1] - b * RB, 0, RB)
                carry0 = tuple(zeros16 for _ in range(NCH))

                @pl.when(hi > lo)
                def _(s=s, lo=lo, hi=hi, buf=buf, carry0=carry0):
                    def body(r, c):
                        return tuple(
                            c[j] + buf[r, pl.ds(j * 16, 16)]
                            for j in range(NCH))

                    sums_s = plsc.parallel_loop(lo, hi, carry=carry0)(body)
                    for j in range(NCH):
                        acc[s, pl.ds(j * 16, 16)] += sums_s[j]

        pltpu.sync_copy(acc, accs_out.at[wid])

    return k(flat, ids)


def _tc_body(flat_ref, ids_ref, s_ref, c_ref, acc_s, acc_c):
    g = pl.program_id(0)

    @pl.when(g == 0)
    def _():
        acc_s[...] = jnp.zeros((NUM_SEG, D), jnp.float32)
        acc_c[...] = jnp.zeros((NUM_SEG, D), jnp.float32)

    ids = ids_ref[0, 0]
    oh = (lax.broadcasted_iota(jnp.int32, (NUM_SEG, TCB), 0)
          == ids[None, :]).astype(jnp.float32)
    acc_s[...] += jnp.dot(oh, flat_ref[...],
                          preferred_element_type=jnp.float32)
    acc_c[...] += jnp.broadcast_to(
        jnp.sum(oh, axis=1, keepdims=True), (NUM_SEG, D))

    @pl.when(g == NTC - 1)
    def _():
        s_ref[...] = acc_s[...]
        c_ref[...] = acc_c[...]


def _combine_body(part_ref, ts_ref, tcnt_ref, o_ref):
    p = part_ref[...]
    s = ts_ref[...] + jnp.sum(p[:, :, :D], axis=0)
    c = tcnt_ref[...][:, :1] + jnp.sum(p[:, :, D], axis=0)[:, None]
    o_ref[...] = s / jnp.maximum(c, 1.0)


def kernel(flat, segment_ids):
    ids = segment_ids.astype(jnp.int32)
    partials = _sc_partials(flat, ids)
    ids3 = ids.reshape(TOTAL // TCB, 1, TCB)
    tc_sums, tc_cnts = pl.pallas_call(
        _tc_body,
        grid=(NTC,),
        in_specs=[
            pl.BlockSpec((TCB, D), lambda g: (SPLIT // TCB + g, 0)),
            pl.BlockSpec((1, 1, TCB), lambda g: (SPLIT // TCB + g, 0, 0)),
        ],
        out_specs=[
            pl.BlockSpec((NUM_SEG, D), lambda g: (0, 0)),
            pl.BlockSpec((NUM_SEG, D), lambda g: (0, 0)),
        ],
        scratch_shapes=[
            pltpu.VMEM((NUM_SEG, D), jnp.float32),
            pltpu.VMEM((NUM_SEG, D), jnp.float32),
        ],
        out_shape=[
            jax.ShapeDtypeStruct((NUM_SEG, D), jnp.float32),
            jax.ShapeDtypeStruct((NUM_SEG, D), jnp.float32),
        ],
    )(flat, ids3)
    return pl.pallas_call(
        _combine_body,
        out_shape=jax.ShapeDtypeStruct((NUM_SEG, D), jnp.float32),
    )(partials, tc_sums, tc_cnts)

# --- scband reference (transcript-rebuilt; emitter-appended) ---
"""Pipeline reference for scband-embedding-mean-11879879541813 (READ-ONLY COPY).

The authoritative reference and input builder live on the scoring server;
editing this copy changes nothing except your own understanding.
"""

import jax, jax.numpy as jnp
import numpy as np

NUM_SEGMENTS = 16
TOTAL_TOK = 32768
D = 128

def setup_inputs(seed: int = 0) -> dict:
    key = jax.random.key(seed)
    k1, k2 = jax.random.split(key)
    flat = jax.random.normal(k1, (TOTAL_TOK, D), dtype=jnp.float32)
    segment_ids = jnp.sort(jax.random.randint(k2, (TOTAL_TOK,), 0, NUM_SEGMENTS)).astype(jnp.int64)
    return {"flat": flat, "segment_ids": segment_ids}

def reference(flat, segment_ids):
    # tf.reduce_mean(ragged, axis=1) == per-segment mean over the ragged token axis
    sums = jax.ops.segment_sum(flat, segment_ids, num_segments=NUM_SEGMENTS)
    counts = jnp.bincount(segment_ids, length=NUM_SEGMENTS).astype(flat.dtype)
    counts = jnp.maximum(counts, 1.0)  # guard empty rows (tf yields NaN; we guard for stability)
    return sums / counts[:, None]

if __name__ == "__main__":
    import jax
    _d = setup_inputs()
    print(jax.jit(kernel)(*tuple(_d.values())))

</pallas_src>

<mosaic_0001>
#map = affine_map<(d0, d1) -> (0, 0)>
#map1 = affine_map<(d0, d1) -> (0)>
#map2 = affine_map<(d0, d1) -> (0, 0, 0)>
module attributes {stable_mosaic.version = 14 : i64} {
  func.func @k(%arg0: i32, %arg1: i32, %arg2: memref<32768x128xf32, #tpu.memory_space<hbm>>, %arg3: memref<32768xi32, #tpu.memory_space<hbm>>, %arg4: memref<32x16x144xf32, #tpu.memory_space<hbm>>, %arg5: memref<128xi32, #tpu.memory_space<vmem>>, %arg6: memref<128x128xf32, #tpu.memory_space<vmem>>, %arg7: memref<128x128xf32, #tpu.memory_space<vmem>>, %arg8: memref<16x144xf32, #tpu.memory_space<vmem>>, %arg9: memref<!tpu.dma_semaphore, #tpu.memory_space<semaphore_mem>>, %arg10: memref<!tpu.dma_semaphore, #tpu.memory_space<semaphore_mem>>, %arg11: memref<!tpu.dma_semaphore, #tpu.memory_space<semaphore_mem>>) attributes {dimension_semantics = [#tpu.dimension_semantics<core_parallel>, #tpu.dimension_semantics<subcore_parallel>], iteration_bounds = array<i64: 2, 16>, scalar_prefetch = 0 : i64, scratch_operands = 7 : i64, tpu.core_type = #tpu.core_type<sc_vector_subcore>, window_params = [{transform_indices = #map}, {transform_indices = #map1}, {transform_indices = #map2}]} {
    %mul3A = arith.constant 16 : i32
    %mul3A_0 = arith.muli %arg0, %mul3A : i32
    %add3A = arith.addi %mul3A_0, %arg1 : i32
    %mul3A_1 = arith.constant 128 : i32
    %mul3A_2 = arith.muli %add3A, %mul3A_1 : i32
    %dma_start3A = tpu.memref_slice %arg3[%mul3A_2] : memref<32768xi32, #tpu.memory_space<hbm>> -> memref<128xi32, #tpu.memory_space<hbm>>
    %dma_start3A_3 = tpu.memref_slice %arg3[%mul3A_2] : memref<32768xi32, #tpu.memory_space<hbm>> -> memref<128xi32, #tpu.memory_space<hbm>>
    tpu.enqueue_dma source(%dma_start3A_3 : memref<128xi32, #tpu.memory_space<hbm>>) target(%arg5 : memref<128xi32, #tpu.memory_space<vmem>>) target_semaphore(%arg11 : memref<!tpu.dma_semaphore, #tpu.memory_space<semaphore_mem>>)
    %dma_start3A_4 = arith.constant 0 : i32
    %dma_start3A_5 = tpu.memref_slice %arg2[%mul3A_2, %dma_start3A_4] : memref<32768x128xf32, #tpu.memory_space<hbm>> -> memref<128x128xf32, #tpu.memory_space<hbm>>
    %dma_start3A_6 = arith.constant 0 : i32
    %dma_start3A_7 = tpu.memref_slice %arg2[%mul3A_2, %dma_start3A_6] : memref<32768x128xf32, #tpu.memory_space<hbm>> -> memref<128x128xf32, #tpu.memory_space<hbm>>
    tpu.enqueue_dma source(%dma_start3A_7 : memref<128x128xf32, #tpu.memory_space<hbm>>) target(%arg6 : memref<128x128xf32, #tpu.memory_space<vmem>>) target_semaphore(%arg9 : memref<!tpu.dma_semaphore, #tpu.memory_space<semaphore_mem>>)
    %broadcast_in_dim3A = arith.constant 0.000000e+00 : f32
    %broadcast_in_dim3A_8 = vector.broadcast %broadcast_in_dim3A : f32 to vector<16xf32>
    %swap3A = arith.constant 0 : i32
    %swap3A_9 = arith.index_cast %swap3A : i32 to index
    %swap3A_10 = arith.constant 0 : index
    %swap3A_11 = tpu.vector_load %arg8[%swap3A_9, %swap3A_10] {strides = array<i32>} : memref<16x144xf32, #tpu.memory_space<vmem>>, vector<16xf32>,
    tpu.vector_store %arg8[%swap3A_9, %swap3A_10], %broadcast_in_dim3A_8 {strides = array<i32>} : memref<16x144xf32, #tpu.memory_space<vmem>>, vector<16xf32>,
    %swap3A_12 = arith.constant 0 : i32
    %swap3A_13 = arith.index_cast %swap3A_12 : i32 to index
    %swap3A_14 = arith.constant 16 : index
    %swap3A_15 = tpu.vector_load %arg8[%swap3A_13, %swap3A_14] {strides = array<i32>} : memref<16x144xf32, #tpu.memory_space<vmem>>, vector<16xf32>,
    tpu.vector_store %arg8[%swap3A_13, %swap3A_14], %broadcast_in_dim3A_8 {strides = array<i32>} : memref<16x144xf32, #tpu.memory_space<vmem>>, vector<16xf32>,
    %swap3A_16 = arith.constant 0 : i32
    %swap3A_17 = arith.index_cast %swap3A_16 : i32 to index
    %swap3A_18 = arith.constant 32 : index
    %swap3A_19 = tpu.vector_load %arg8[%swap3A_17, %swap3A_18] {strides = array<i32>} : memref<16x144xf32, #tpu.memory_space<vmem>>, vector<16xf32>,
    tpu.vector_store %arg8[%swap3A_17, %swap3A_18], %broadcast_in_dim3A_8 {strides = array<i32>} : memref<16x144xf32, #tpu.memory_space<vmem>>, vector<16xf32>,
    %swap3A_20 = arith.constant 0 : i32
    %swap3A_21 = arith.index_cast %swap3A_20 : i32 to index
    %swap3A_22 = arith.constant 48 : index
    %swap3A_23 = tpu.vector_load %arg8[%swap3A_21, %swap3A_22] {strides = array<i32>} : memref<16x144xf32, #tpu.memory_space<vmem>>, vector<16xf32>,
    tpu.vector_store %arg8[%swap3A_21, %swap3A_22], %broadcast_in_dim3A_8 {strides = array<i32>} : memref<16x144xf32, #tpu.memory_space<vmem>>, vector<16xf32>,
    %swap3A_24 = arith.constant 0 : i32
    %swap3A_25 = arith.index_cast %swap3A_24 : i32 to index
    %swap3A_26 = arith.constant 64 : index
    %swap3A_27 = tpu.vector_load %arg8[%swap3A_25, %swap3A_26] {strides = array<i32>} : memref<16x144xf32, #tpu.memory_space<vmem>>, vector<16xf32>,
    tpu.vector_store %arg8[%swap3A_25, %swap3A_26], %broadcast_in_dim3A_8 {strides = array<i32>} : memref<16x144xf32, #tpu.memory_space<vmem>>, vector<16xf32>,
    %swap3A_28 = arith.constant 0 : i32
    %swap3A_29 = arith.index_cast %swap3A_28 : i32 to index
    %swap3A_30 = arith.constant 80 : index
    %swap3A_31 = tpu.vector_load %arg8[%swap3A_29, %swap3A_30] {strides = array<i32>} : memref<16x144xf32, #tpu.memory_space<vmem>>, vector<16xf32>,
    tpu.vector_store %arg8[%swap3A_29, %swap3A_30], %broadcast_in_dim3A_8 {strides = array<i32>} : memref<16x144xf32, #tpu.memory_space<vmem>>, vector<16xf32>,
    %swap3A_32 = arith.constant 0 : i32
    %swap3A_33 = arith.index_cast %swap3A_32 : i32 to index
    %swap3A_34 = arith.constant 96 : index
    %swap3A_35 = tpu.vector_load %arg8[%swap3A_33, %swap3A_34] {strides = array<i32>} : memref<16x144xf32, #tpu.memory_space<vmem>>, vector<16xf32>,
    tpu.vector_store %arg8[%swap3A_33, %swap3A_34], %broadcast_in_dim3A_8 {strides = array<i32>} : memref<16x144xf32, #tpu.memory_space<vmem>>, vector<16xf32>,
    %swap3A_36 = arith.constant 0 : i32
    %swap3A_37 = arith.index_cast %swap3A_36 : i32 to index
    %swap3A_38 = arith.constant 112 : index
    %swap3A_39 = tpu.vector_load %arg8[%swap3A_37, %swap3A_38] {strides = array<i32>} : memref<16x144xf32, #tpu.memory_space<vmem>>, vector<16xf32>,
    tpu.vector_store %arg8[%swap3A_37, %swap3A_38], %broadcast_in_dim3A_8 {strides = array<i32>} : memref<16x144xf32, #tpu.memory_space<vmem>>, vector<16xf32>,
    %swap3A_40 = arith.constant 1 : i32
    %swap3A_41 = arith.index_cast %swap3A_40 : i32 to index
    %swap3A_42 = arith.constant 0 : index
    %swap3A_43 = tpu.vector_load %arg8[%swap3A_41, %swap3A_42] {strides = array<i32>} : memref<16x144xf32, #tpu.memory_space<vmem>>, vector<16xf32>,
    tpu.vector_store %arg8[%swap3A_41, %swap3A_42], %broadcast_in_dim3A_8 {strides = array<i32>} : memref<16x144xf32, #tpu.memory_space<vmem>>, vector<16xf32>,
    %swap3A_44 = arith.constant 1 : i32
    %swap3A_45 = arith.index_cast %swap3A_44 : i32 to index
    %swap3A_46 = arith.constant 16 : index
    %swap3A_47 = tpu.vector_load %arg8[%swap3A_45, %swap3A_46] {strides = array<i32>} : memref<16x144xf32, #tpu.memory_space<vmem>>, vector<16xf32>,
    tpu.vector_store %arg8[%swap3A_45, %swap3A_46], %broadcast_in_dim3A_8 {strides = array<i32>} : memref<16x144xf32, #tpu.memory_space<vmem>>, vector<16xf32>,
    %swap3A_48 = arith.constant 1 : i32
    %swap3A_49 = arith.index_cast %swap3A_48 : i32 to index
    %swap3A_50 = arith.constant 32 : index
    %swap3A_51 = tpu.vector_load %arg8[%swap3A_49, %swap3A_50] {strides = array<i32>} : memref<16x144xf32, #tpu.memory_space<vmem>>, vector<16xf32>,
    tpu.vector_store %arg8[%swap3A_49, %swap3A_50], %broadcast_in_dim3A_8 {strides = array<i32>} : memref<16x144xf32, #tpu.memory_space<vmem>>, vector<16xf32>,
    %swap3A_52 = arith.constant 1 : i32
    %swap3A_53 = arith.index_cast %swap3A_52 : i32 to index
    %swap3A_54 = arith.constant 48 : index
    %swap3A_55 = tpu.vector_load %arg8[%swap3A_53, %swap3A_54] {strides = array<i32>} : memref<16x144xf32, #tpu.memory_space<vmem>>, vector<16xf32>,
    tpu.vector_store %arg8[%swap3A_53, %swap3A_54], %broadcast_in_dim3A_8 {strides = array<i32>} : memref<16x144xf32, #tpu.memory_space<vmem>>, vector<16xf32>,
    %swap3A_56 = arith.constant 1 : i32
    %swap3A_57 = arith.index_cast %swap3A_56 : i32 to index
    %swap3A_58 = arith.constant 64 : index
    %swap3A_59 = tpu.vector_load %arg8[%swap3A_57, %swap3A_58] {strides = array<i32>} : memref<16x144xf32, #tpu.memory_space<vmem>>, vector<16xf32>,
    tpu.vector_store %arg8[%swap3A_57, %swap3A_58], %broadcast_in_dim3A_8 {strides = array<i32>} : memref<16x144xf32, #tpu.memory_space<vmem>>, vector<16xf32>,
    %swap3A_60 = arith.constant 1 : i32
    %swap3A_61 = arith.index_cast %swap3A_60 : i32 to index
    %swap3A_62 = arith.constant 80 : index
    %swap3A_63 = tpu.vector_load %arg8[%swap3A_61, %swap3A_62] {strides = array<i32>} : memref<16x144xf32, #tpu.memory_space<vmem>>, vector<16xf32>,
    tpu.vector_store %arg8[%swap3A_61, %swap3A_62], %broadcast_in_dim3A_8 {strides = array<i32>} : memref<16x144xf32, #tpu.memory_space<vmem>>, vector<16xf32>,
    %swap3A_64 = arith.constant 1 : i32
    %swap3A_65 = arith.index_cast %swap3A_64 : i32 to index
    %swap3A_66 = arith.constant 96 : index
    %swap3A_67 = tpu.vector_load %arg8[%swap3A_65, %swap3A_66] {strides = array<i32>} : memref<16x144xf32, #tpu.memory_space<vmem>>, vector<16xf32>,
    tpu.vector_store %arg8[%swap3A_65, %swap3A_66], %broadcast_in_dim3A_8 {strides = array<i32>} : memref<16x144xf32, #tpu.memory_space<vmem>>, vector<16xf32>,
    %swap3A_68 = arith.constant 1 : i32
    %swap3A_69 = arith.index_cast %swap3A_68 : i32 to index
    %swap3A_70 = arith.constant 112 : index
    %swap3A_71 = tpu.vector_load %arg8[%swap3A_69, %swap3A_70] {strides = array<i32>} : memref<16x144xf32, #tpu.memory_space<vmem>>, vector<16xf32>,
    tpu.vector_store %arg8[%swap3A_69, %swap3A_70], %broadcast_in_dim3A_8 {strides = array<i32>} : memref<16x144xf32, #tpu.memory_space<vmem>>, vector<16xf32>,
    %swap3A_72 = arith.constant 2 : i32
    %swap3A_73 = arith.index_cast %swap3A_72 : i32 to index
    %swap3A_74 = arith.constant 0 : index
    %swap3A_75 = tpu.vector_load %arg8[%swap3A_73, %swap3A_74] {strides = array<i32>} : memref<16x144xf32, #tpu.memory_space<vmem>>, vector<16xf32>,
    tpu.vector_store %arg8[%swap3A_73, %swap3A_74], %broadcast_in_dim3A_8 {strides = array<i32>} : memref<16x144xf32, #tpu.memory_space<vmem>>, vector<16xf32>,
    %swap3A_76 = arith.constant 2 : i32
    %swap3A_77 = arith.index_cast %swap3A_76 : i32 to index
    %swap3A_78 = arith.constant 16 : index
    %swap3A_79 = tpu.vector_load %arg8[%swap3A_77, %swap3A_78] {strides = array<i32>} : memref<16x144xf32, #tpu.memory_space<vmem>>, vector<16xf32>,
    tpu.vector_store %arg8[%swap3A_77, %swap3A_78], %broadcast_in_dim3A_8 {strides = array<i32>} : memref<16x144xf32, #tpu.memory_space<vmem>>, vector<16xf32>,
    %swap3A_80 = arith.constant 2 : i32
    %swap3A_81 = arith.index_cast %swap3A_80 : i32 to index
    %swap3A_82 = arith.constant 32 : index
    %swap3A_83 = tpu.vector_load %arg8[%swap3A_81, %swap3A_82] {strides = array<i32>} : memref<16x144xf32, #tpu.memory_space<vmem>>, vector<16xf32>,
    tpu.vector_store %arg8[%swap3A_81, %swap3A_82], %broadcast_in_dim3A_8 {strides = array<i32>} : memref<16x144xf32, #tpu.memory_space<vmem>>, vector<16xf32>,
    %swap3A_84 = arith.constant 2 : i32
    %swap3A_85 = arith.index_cast %swap3A_84 : i32 to index
    %swap3A_86 = arith.constant 48 : index
    %swap3A_87 = tpu.vector_load %arg8[%swap3A_85, %swap3A_86] {strides = array<i32>} : memref<16x144xf32, #tpu.memory_space<vmem>>, vector<16xf32>,
    tpu.vector_store %arg8[%swap3A_85, %swap3A_86], %broadcast_in_dim3A_8 {strides = array<i32>} : memref<16x144xf32, #tpu.memory_space<vmem>>, vector<16xf32>,
    %swap3A_88 = arith.constant 2 : i32
    %swap3A_89 = arith.index_cast %swap3A_88 : i32 to index
    %swap3A_90 = arith.constant 64 : index
    %swap3A_91 = tpu.vector_load %arg8[%swap3A_89, %swap3A_90] {strides = array<i32>} : memref<16x144xf32, #tpu.memory_space<vmem>>, vector<16xf32>,
    tpu.vector_store %arg8[%swap3A_89, %swap3A_90], %broadcast_in_dim3A_8 {strides = array<i32>} : memref<16x144xf32, #tpu.memory_space<vmem>>, vector<16xf32>,
    %swap3A_92 = arith.constant 2 : i32
    %swap3A_93 = arith.index_cast %swap3A_92 : i32 to index
    %swap3A_94 = arith.constant 80 : index
    %swap3A_95 = tpu.vector_load %arg8[%swap3A_93, %swap3A_94] {strides = array<i32>} : memref<16x144xf32, #tpu.memory_space<vmem>>, vector<16xf32>,
    tpu.vector_store %arg8[%swap3A_93, %swap3A_94], %broadcast_in_dim3A_8 {strides = array<i32>} : memref<16x144xf32, #tpu.memory_space<vmem>>, vector<16xf32>,
    %swap3A_96 = arith.constant 2 : i32
    %swap3A_97 = arith.index_cast %swap3A_96 : i32 to index
    %swap3A_98 = arith.constant 96 : index
    %swap3A_99 = tpu.vector_load %arg8[%swap3A_97, %swap3A_98] {strides = array<i32>} : memref<16x144xf32, #tpu.memory_space<vmem>>, vector<16xf32>,
    tpu.vector_store %arg8[%swap3A_97, %swap3A_98], %broadcast_in_dim3A_8 {strides = array<i32>} : memref<16x144xf32, #tpu.memory_space<vmem>>, vector<16xf32>,
    %swap3A_100 = arith.constant 2 : i32
    %swap3A_101 = arith.index_cast %swap3A_100 : i32 to index
    %swap3A_102 = arith.constant 112 : index
    %swap3A_103 = tpu.vector_load %arg8[%swap3A_101, %swap3A_102] {strides = array<i32>} : memref<16x144xf32, #tpu.memory_space<vmem>>, vector<16xf32>,
    tpu.vector_store %arg8[%swap3A_101, %swap3A_102], %broadcast_in_dim3A_8 {strides = array<i32>} : memref<16x144xf32, #tpu.memory_space<vmem>>, vector<16xf32>,
    %swap3A_104 = arith.constant 3 : i32
    %swap3A_105 = arith.index_cast %swap3A_104 : i32 to index
    %swap3A_106 = arith.constant 0 : index
    %swap3A_107 = tpu.vector_load %arg8[%swap3A_105, %swap3A_106] {strides = array<i32>} : memref<16x144xf32, #tpu.memory_space<vmem>>, vector<16xf32>,
    tpu.vector_store %arg8[%swap3A_105, %swap3A_106], %broadcast_in_dim3A_8 {strides = array<i32>} : memref<16x144xf32, #tpu.memory_space<vmem>>, vector<16xf32>,
    %swap3A_108 = arith.constant 3 : i32
    %swap3A_109 = arith.index_cast %swap3A_108 : i32 to index
    %swap3A_110 = arith.constant 16 : index
    %swap3A_111 = tpu.vector_load %arg8[%swap3A_109, %swap3A_110] {strides = array<i32>} : memref<16x144xf32, #tpu.memory_space<vmem>>, vector<16xf32>,
    tpu.vector_store %arg8[%swap3A_109, %swap3A_110], %broadcast_in_dim3A_8 {strides = array<i32>} : memref<16x144xf32, #tpu.memory_space<vmem>>, vector<16xf32>,
    %swap3A_112 = arith.constant 3 : i32
    %swap3A_113 = arith.index_cast %swap3A_112 : i32 to index
    %swap3A_114 = arith.constant 32 : index
    %swap3A_115 = tpu.vector_load %arg8[%swap3A_113, %swap3A_114] {strides = array<i32>} : memref<16x144xf32, #tpu.memory_space<vmem>>, vector<16xf32>,
    tpu.vector_store %arg8[%swap3A_113, %swap3A_114], %broadcast_in_dim3A_8 {strides = array<i32>} : memref<16x144xf32, #tpu.memory_space<vmem>>, vector<16xf32>,
    %swap3A_116 = arith.constant 3 : i32
    %swap3A_117 = arith.index_cast %swap3A_116 : i32 to index
    %swap3A_118 = arith.constant 48 : index
    %swap3A_119 = tpu.vector_load %arg8[%swap3A_117, %swap3A_118] {strides = array<i32>} : memref<16x144xf32, #tpu.memory_space<vmem>>, vector<16xf32>,
    tpu.vector_store %arg8[%swap3A_117, %swap3A_118], %broadcast_in_dim3A_8 {strides = array<i32>} : memref<16x144xf32, #tpu.memory_space<vmem>>, vector<16xf32>,
    %swap3A_120 = arith.constant 3 : i32
    %swap3A_121 = arith.index_cast %swap3A_120 : i32 to index
    %swap3A_122 = arith.constant 64 : index
    %swap3A_123 = tpu.vector_load %arg8[%swap3A_121, %swap3A_122] {strides = array<i32>} : memref<16x144xf32, #tpu.memory_space<vmem>>, vector<16xf32>,
    tpu.vector_store %arg8[%swap3A_121, %swap3A_122], %broadcast_in_dim3A_8 {strides = array<i32>} : memref<16x144xf32, #tpu.memory_space<vmem>>, vector<16xf32>,
    %swap3A_124 = arith.constant 3 : i32
    %swap3A_125 = arith.index_cast %swap3A_124 : i32 to index
    %swap3A_126 = arith.constant 80 : index
    %swap3A_127 = tpu.vector_load %arg8[%swap3A_125, %swap3A_126] {strides = array<i32>} : memref<16x144xf32, #tpu.memory_space<vmem>>, vector<16xf32>,
    tpu.vector_store %arg8[%swap3A_125, %swap3A_126], %broadcast_in_dim3A_8 {strides = array<i32>} : memref<16x144xf32, #tpu.memory_space<vmem>>, vector<16xf32>,
    %swap3A_128 = arith.constant 3 : i32
    %swap3A_129 = arith.index_cast %swap3A_128 : i32 to index
    %swap3A_130 = arith.constant 96 : index
    %swap3A_131 = tpu.vector_load %arg8[%swap3A_129, %swap3A_130] {strides = array<i32>} : memref<16x144xf32, #tpu.memory_space<vmem>>, vector<16xf32>,
    tpu.vector_store %arg8[%swap3A_129, %swap3A_130], %broadcast_in_dim3A_8 {strides = array<i32>} : memref<16x144xf32, #tpu.memory_space<vmem>>, vector<16xf32>,
    %swap3A_132 = arith.constant 3 : i32
    %swap3A_133 = arith.index_cast %swap3A_132 : i32 to index
    %swap3A_134 = arith.constant 112 : index
    %swap3A_135 = tpu.vector_load %arg8[%swap3A_133, %swap3A_134] {strides = array<i32>} : memref<16x144xf32, #tpu.memory_space<vmem>>, vector<16xf32>,
    tpu.vector_store %arg8[%swap3A_133, %swap3A_134], %broadcast_in_dim3A_8 {strides = array<i32>} : memref<16x144xf32, #tpu.memory_space<vmem>>, vector<16xf32>,
    %swap3A_136 = arith.constant 4 : i32
    %swap3A_137 = arith.index_cast %swap3A_136 : i32 to index
    %swap3A_138 = arith.constant 0 : index
    %swap3A_139 = tpu.vector_load %arg8[%swap3A_137, %swap3A_138] {strides = array<i32>} : memref<16x144xf32, #tpu.memory_space<vmem>>, vector<16xf32>,
    tpu.vector_store %arg8[%swap3A_137, %swap3A_138], %broadcast_in_dim3A_8 {strides = array<i32>} : memref<16x144xf32, #tpu.memory_space<vmem>>, vector<16xf32>,
    %swap3A_140 = arith.constant 4 : i32
    %swap3A_141 = arith.index_cast %swap3A_140 : i32 to index
    %swap3A_142 = arith.constant 16 : index
    %swap3A_143 = tpu.vector_load %arg8[%swap3A_141, %swap3A_142] {strides = array<i32>} : memref<16x144xf32, #tpu.memory_space<vmem>>, vector<16xf32>,
    tpu.vector_store %arg8[%swap3A_141, %swap3A_142], %broadcast_in_dim3A_8 {strides = array<i32>} : memref<16x144xf32, #tpu.memory_space<vmem>>, vector<16xf32>,
    %swap3A_144 = arith.constant 4 : i32
    %swap3A_145 = arith.index_cast %swap3A_144 : i32 to index
    %swap3A_146 = arith.constant 32 : index
    %swap3A_147 = tpu.vector_load %arg8[%swap3A_145, %swap3A_146] {strides = array<i32>} : memref<16x144xf32, #tpu.memory_space<vmem>>, vector<16xf32>,
    tpu.vector_store %arg8[%swap3A_145, %swap3A_146], %broadcast_in_dim3A_8 {strides = array<i32>} : memref<16x144xf32, #tpu.memory_space<vmem>>, vector<16xf32>,
    %swap3A_148 = arith.constant 4 : i32
    %swap3A_149 = arith.index_cast %swap3A_148 : i32 to index
    %swap3A_150 = arith.constant 48 : index
    %swap3A_151 = tpu.vector_load %arg8[%swap3A_149, %swap3A_150] {strides = array<i32>} : memref<16x144xf32, #tpu.memory_space<vmem>>, vector<16xf32>,
    tpu.vector_store %arg8[%swap3A_149, %swap3A_150], %broadcast_in_dim3A_8 {strides = array<i32>} : memref<16x144xf32, #tpu.memory_space<vmem>>, vector<16xf32>,
    %swap3A_152 = arith.constant 4 : i32
    %swap3A_153 = arith.index_cast %swap3A_152 : i32 to index
    %swap3A_154 = arith.constant 64 : index
    %swap3A_155 = tpu.vector_load %arg8[%swap3A_153, %swap3A_154] {strides = array<i32>} : memref<16x144xf32, #tpu.memory_space<vmem>>, vector<16xf32>,
    tpu.vector_store %arg8[%swap3A_153, %swap3A_154], %broadcast_in_dim3A_8 {strides = array<i32>} : memref<16x144xf32, #tpu.memory_space<vmem>>, vector<16xf32>,
    %swap3A_156 = arith.constant 4 : i32
    %swap3A_157 = arith.index_cast %swap3A_156 : i32 to index
    %swap3A_158 = arith.constant 80 : index
    %swap3A_159 = tpu.vector_load %arg8[%swap3A_157, %swap3A_158] {strides = array<i32>} : memref<16x144xf32, #tpu.memory_space<vmem>>, vector<16xf32>,
    tpu.vector_store %arg8[%swap3A_157, %swap3A_158], %broadcast_in_dim3A_8 {strides = array<i32>} : memref<16x144xf32, #tpu.memory_space<vmem>>, vector<16xf32>,
    %swap3A_160 = arith.constant 4 : i32
    %swap3A_161 = arith.index_cast %swap3A_160 : i32 to index
    %swap3A_162 = arith.constant 96 : index
    %swap3A_163 = tpu.vector_load %arg8[%swap3A_161, %swap3A_162] {strides = array<i32>} : memref<16x144xf32, #tpu.memory_space<vmem>>, vector<16xf32>,
    tpu.vector_store %arg8[%swap3A_161, %swap3A_162], %broadcast_in_dim3A_8 {strides = array<i32>} : memref<16x144xf32, #tpu.memory_space<vmem>>, vector<16xf32>,
    %swap3A_164 = arith.constant 4 : i32
    %swap3A_165 = arith.index_cast %swap3A_164 : i32 to index
    %swap3A_166 = arith.constant 112 : index
    %swap3A_167 = tpu.vector_load %arg8[%swap3A_165, %swap3A_166] {strides = array<i32>} : memref<16x144xf32, #tpu.memory_space<vmem>>, vector<16xf32>,
    tpu.vector_store %arg8[%swap3A_165, %swap3A_166], %broadcast_in_dim3A_8 {strides = array<i32>} : memref<16x144xf32, #tpu.memory_space<vmem>>, vector<16xf32>,
    %swap3A_168 = arith.constant 5 : i32
    %swap3A_169 = arith.index_cast %swap3A_168 : i32 to index
    %swap3A_170 = arith.constant 0 : index
    %swap3A_171 = tpu.vector_load %arg8[%swap3A_169, %swap3A_170] {strides = array<i32>} : memref<16x144xf32, #tpu.memory_space<vmem>>, vector<16xf32>,
    tpu.vector_store %arg8[%swap3A_169, %swap3A_170], %broadcast_in_dim3A_8 {strides = array<i32>} : memref<16x144xf32, #tpu.memory_space<vmem>>, vector<16xf32>,
    %swap3A_172 = arith.constant 5 : i32
    %swap3A_173 = arith.index_cast %swap3A_172 : i32 to index
    %swap3A_174 = arith.constant 16 : index
    %swap3A_175 = tpu.vector_load %arg8[%swap3A_173, %swap3A_174] {strides = array<i32>} : memref<16x144xf32, #tpu.memory_space<vmem>>, vector<16xf32>,
    tpu.vector_store %arg8[%swap3A_173, %swap3A_174], %broadcast_in_dim3A_8 {strides = array<i32>} : memref<16x144xf32, #tpu.memory_space<vmem>>, vector<16xf32>,
    %swap3A_176 = arith.constant 5 : i32
    %swap3A_177 = arith.index_cast %swap3A_176 : i32 to index
    %swap3A_178 = arith.constant 32 : index
    %swap3A_179 = tpu.vector_load %arg8[%swap3A_177, %swap3A_178] {strides = array<i32>} : memref<16x144xf32, #tpu.memory_space<vmem>>, vector<16xf32>,
    tpu.vector_store %arg8[%swap3A_177, %swap3A_178], %broadcast_in_dim3A_8 {strides = array<i32>} : memref<16x144xf32, #tpu.memory_space<vmem>>, vector<16xf32>,
    %swap3A_180 = arith.constant 5 : i32
    %swap3A_181 = arith.index_cast %swap3A_180 : i32 to index
    %swap3A_182 = arith.constant 48 : index
    %swap3A_183 = tpu.vector_load %arg8[%swap3A_181, %swap3A_182] {strides = array<i32>} : memref<16x144xf32, #tpu.memory_space<vmem>>, vector<16xf32>,
    tpu.vector_store %arg8[%swap3A_181, %swap3A_182], %broadcast_in_dim3A_8 {strides = array<i32>} : memref<16x144xf32, #tpu.memory_space<vmem>>, vector<16xf32>,
    %swap3A_184 = arith.constant 5 : i32
    %swap3A_185 = arith.index_cast %swap3A_184 : i32 to index
    %swap3A_186 = arith.constant 64 : index
    %swap3A_187 = tpu.vector_load %arg8[%swap3A_185, %swap3A_186] {strides = array<i32>} : memref<16x144xf32, #tpu.memory_space<vmem>>, vector<16xf32>,
    tpu.vector_store %arg8[%swap3A_185, %swap3A_186], %broadcast_in_dim3A_8 {strides = array<i32>} : memref<16x144xf32, #tpu.memory_space<vmem>>, vector<16xf32>,
    %swap3A_188 = arith.constant 5 : i32
    %swap3A_189 = arith.index_cast %swap3A_188 : i32 to index
    %swap3A_190 = arith.constant 80 : index
    %swap3A_191 = tpu.vector_load %arg8[%swap3A_189, %swap3A_190] {strides = array<i32>} : memref<16x144xf32, #tpu.memory_space<vmem>>, vector<16xf32>,
    tpu.vector_store %arg8[%swap3A_189, %swap3A_190], %broadcast_in_dim3A_8 {strides = array<i32>} : memref<16x144xf32, #tpu.memory_space<vmem>>, vector<16xf32>,
    %swap3A_192 = arith.constant 5 : i32
    %swap3A_193 = arith.index_cast %swap3A_192 : i32 to index
    %swap3A_194 = arith.constant 96 : index
    %swap3A_195 = tpu.vector_load %arg8[%swap3A_193, %swap3A_194] {strides = array<i32>} : memref<16x144xf32, #tpu.memory_space<vmem>>, vector<16xf32>,
    tpu.vector_store %arg8[%swap3A_193, %swap3A_194], %broadcast_in_dim3A_8 {strides = array<i32>} : memref<16x144xf32, #tpu.memory_space<vmem>>, vector<16xf32>,
    %swap3A_196 = arith.constant 5 : i32
    %swap3A_197 = arith.index_cast %swap3A_196 : i32 to index
    %swap3A_198 = arith.constant 112 : index
    %swap3A_199 = tpu.vector_load %arg8[%swap3A_197, %swap3A_198] {strides = array<i32>} : memref<16x144xf32, #tpu.memory_space<vmem>>, vector<16xf32>,
    tpu.vector_store %arg8[%swap3A_197, %swap3A_198], %broadcast_in_dim3A_8 {strides = array<i32>} : memref<16x144xf32, #tpu.memory_space<vmem>>, vector<16xf32>,
    %swap3A_200 = arith.constant 6 : i32
    %swap3A_201 = arith.index_cast %swap3A_200 : i32 to index
    %swap3A_202 = arith.constant 0 : index
    %swap3A_203 = tpu.vector_load %arg8[%swap3A_201, %swap3A_202] {strides = array<i32>} : memref<16x144xf32, #tpu.memory_space<vmem>>, vector<16xf32>,
    tpu.vector_store %arg8[%swap3A_201, %swap3A_202], %broadcast_in_dim3A_8 {strides = array<i32>} : memref<16x144xf32, #tpu.memory_space<vmem>>, vector<16xf32>,
    %swap3A_204 = arith.constant 6 : i32
    %swap3A_205 = arith.index_cast %swap3A_204 : i32 to index
    %swap3A_206 = arith.constant 16 : index
    %swap3A_207 = tpu.vector_load %arg8[%swap3A_205, %swap3A_206] {strides = array<i32>} : memref<16x144xf32, #tpu.memory_space<vmem>>, vector<16xf32>,
    tpu.vector_store %arg8[%swap3A_205, %swap3A_206], %broadcast_in_dim3A_8 {strides = array<i32>} : memref<16x144xf32, #tpu.memory_space<vmem>>, vector<16xf32>,
    %swap3A_208 = arith.constant 6 : i32
    %swap3A_209 = arith.index_cast %swap3A_208 : i32 to index
    %swap3A_210 = arith.constant 32 : index
    %swap3A_211 = tpu.vector_load %arg8[%swap3A_209, %swap3A_210] {strides = array<i32>} : memref<16x144xf32, #tpu.memory_space<vmem>>, vector<16xf32>,
    tpu.vector_store %arg8[%swap3A_209, %swap3A_210], %broadcast_in_dim3A_8 {strides = array<i32>} : memref<16x144xf32, #tpu.memory_space<vmem>>, vector<16xf32>,
    %swap3A_212 = arith.constant 6 : i32
    %swap3A_213 = arith.index_cast %swap3A_212 : i32 to index
    %swap3A_214 = arith.constant 48 : index
    %swap3A_215 = tpu.vector_load %arg8[%swap3A_213, %swap3A_214] {strides = array<i32>} : memref<16x144xf32, #tpu.memory_space<vmem>>, vector<16xf32>,
    tpu.vector_store %arg8[%swap3A_213, %swap3A_214], %broadcast_in_dim3A_8 {strides = array<i32>} : memref<16x144xf32, #tpu.memory_space<vmem>>, vector<16xf32>,
    %swap3A_216 = arith.constant 6 : i32
    %swap3A_217 = arith.index_cast %swap3A_216 : i32 to index
    %swap3A_218 = arith.constant 64 : index
    %swap3A_219 = tpu.vector_load %arg8[%swap3A_217, %swap3A_218] {strides = array<i32>} : memref<16x144xf32, #tpu.memory_space<vmem>>, vector<16xf32>,
    tpu.vector_store %arg8[%swap3A_217, %swap3A_218], %broadcast_in_dim3A_8 {strides = array<i32>} : memref<16x144xf32, #tpu.memory_space<vmem>>, vector<16xf32>,
    %swap3A_220 = arith.constant 6 : i32
    %swap3A_221 = arith.index_cast %swap3A_220 : i32 to index
    %swap3A_222 = arith.constant 80 : index
    %swap3A_223 = tpu.vector_load %arg8[%swap3A_221, %swap3A_222] {strides = array<i32>} : memref<16x144xf32, #tpu.memory_space<vmem>>, vector<16xf32>,
    tpu.vector_store %arg8[%swap3A_221, %swap3A_222], %broadcast_in_dim3A_8 {strides = array<i32>} : memref<16x144xf32, #tpu.memory_space<vmem>>, vector<16xf32>,
    %swap3A_224 = arith.constant 6 : i32
    %swap3A_225 = arith.index_cast %swap3A_224 : i32 to index
    %swap3A_226 = arith.constant 96 : index
    %swap3A_227 = tpu.vector_load %arg8[%swap3A_225, %swap3A_226] {strides = array<i32>} : memref<16x144xf32, #tpu.memory_space<vmem>>, vector<16xf32>,
    tpu.vector_store %arg8[%swap3A_225, %swap3A_226], %broadcast_in_dim3A_8 {strides = array<i32>} : memref<16x144xf32, #tpu.memory_space<vmem>>, vector<16xf32>,
    %swap3A_228 = arith.constant 6 : i32
    %swap3A_229 = arith.index_cast %swap3A_228 : i32 to index
    %swap3A_230 = arith.constant 112 : index
    %swap3A_231 = tpu.vector_load %arg8[%swap3A_229, %swap3A_230] {strides = array<i32>} : memref<16x144xf32, #tpu.memory_space<vmem>>, vector<16xf32>,
    tpu.vector_store %arg8[%swap3A_229, %swap3A_230], %broadcast_in_dim3A_8 {strides = array<i32>} : memref<16x144xf32, #tpu.memory_space<vmem>>, vector<16xf32>,
    %swap3A_232 = arith.constant 7 : i32
    %swap3A_233 = arith.index_cast %swap3A_232 : i32 to index
    %swap3A_234 = arith.constant 0 : index
    %swap3A_235 = tpu.vector_load %arg8[%swap3A_233, %swap3A_234] {strides = array<i32>} : memref<16x144xf32, #tpu.memory_space<vmem>>, vector<16xf32>,
    tpu.vector_store %arg8[%swap3A_233, %swap3A_234], %broadcast_in_dim3A_8 {strides = array<i32>} : memref<16x144xf32, #tpu.memory_space<vmem>>, vector<16xf32>,
    %swap3A_236 = arith.constant 7 : i32
    %swap3A_237 = arith.index_cast %swap3A_236 : i32 to index
    %swap3A_238 = arith.constant 16 : index
    %swap3A_239 = tpu.vector_load %arg8[%swap3A_237, %swap3A_238] {strides = array<i32>} : memref<16x144xf32, #tpu.memory_space<vmem>>, vector<16xf32>,
    tpu.vector_store %arg8[%swap3A_237, %swap3A_238], %broadcast_in_dim3A_8 {strides = array<i32>} : memref<16x144xf32, #tpu.memory_space<vmem>>, vector<16xf32>,
    %swap3A_240 = arith.constant 7 : i32
    %swap3A_241 = arith.index_cast %swap3A_240 : i32 to index
    %swap3A_242 = arith.constant 32 : index
    %swap3A_243 = tpu.vector_load %arg8[%swap3A_241, %swap3A_242] {strides = array<i32>} : memref<16x144xf32, #tpu.memory_space<vmem>>, vector<16xf32>,
    tpu.vector_store %arg8[%swap3A_241, %swap3A_242], %broadcast_in_dim3A_8 {strides = array<i32>} : memref<16x144xf32, #tpu.memory_space<vmem>>, vector<16xf32>,
    %swap3A_244 = arith.constant 7 : i32
    %swap3A_245 = arith.index_cast %swap3A_244 : i32 to index
    %swap3A_246 = arith.constant 48 : index
    %swap3A_247 = tpu.vector_load %arg8[%swap3A_245, %swap3A_246] {strides = array<i32>} : memref<16x144xf32, #tpu.memory_space<vmem>>, vector<16xf32>,
    tpu.vector_store %arg8[%swap3A_245, %swap3A_246], %broadcast_in_dim3A_8 {strides = array<i32>} : memref<16x144xf32, #tpu.memory_space<vmem>>, vector<16xf32>,
    %swap3A_248 = arith.constant 7 : i32
    %swap3A_249 = arith.index_cast %swap3A_248 : i32 to index
    %swap3A_250 = arith.constant 64 : index
    %swap3A_251 = tpu.vector_load %arg8[%swap3A_249, %swap3A_250] {strides = array<i32>} : memref<16x144xf32, #tpu.memory_space<vmem>>, vector<16xf32>,
    tpu.vector_store %arg8[%swap3A_249, %swap3A_250], %broadcast_in_dim3A_8 {strides = array<i32>} : memref<16x144xf32, #tpu.memory_space<vmem>>, vector<16xf32>,
    %swap3A_252 = arith.constant 7 : i32
    %swap3A_253 = arith.index_cast %swap3A_252 : i32 to index
    %swap3A_254 = arith.constant 80 : index
    %swap3A_255 = tpu.vector_load %arg8[%swap3A_253, %swap3A_254] {strides = array<i32>} : memref<16x144xf32, #tpu.memory_space<vmem>>, vector<16xf32>,
    tpu.vector_store %arg8[%swap3A_253, %swap3A_254], %broadcast_in_dim3A_8 {strides = array<i32>} : memref<16x144xf32, #tpu.memory_space<vmem>>, vector<16xf32>,
    %swap3A_256 = arith.constant 7 : i32
    %swap3A_257 = arith.index_cast %swap3A_256 : i32 to index
    %swap3A_258 = arith.constant 96 : index
    %swap3A_259 = tpu.vector_load %arg8[%swap3A_257, %swap3A_258] {strides = array<i32>} : memref<16x144xf32, #tpu.memory_space<vmem>>, vector<16xf32>,
    tpu.vector_store %arg8[%swap3A_257, %swap3A_258], %broadcast_in_dim3A_8 {strides = array<i32>} : memref<16x144xf32, #tpu.memory_space<vmem>>, vector<16xf32>,
    %swap3A_260 = arith.constant 7 : i32
    %swap3A_261 = arith.index_cast %swap3A_260 : i32 to index
    %swap3A_262 = arith.constant 112 : index
    %swap3A_263 = tpu.vector_load %arg8[%swap3A_261, %swap3A_262] {strides = array<i32>} : memref<16x144xf32, #tpu.memory_space<vmem>>, vector<16xf32>,
    tpu.vector_store %arg8[%swap3A_261, %swap3A_262], %broadcast_in_dim3A_8 {strides = array<i32>} : memref<16x144xf32, #tpu.memory_space<vmem>>, vector<16xf32>,
    %swap3A_264 = arith.constant 8 : i32
    %swap3A_265 = arith.index_cast %swap3A_264 : i32 to index
    %swap3A_266 = arith.constant 0 : index
    %swap3A_267 = tpu.vector_load %arg8[%swap3A_265, %swap3A_266] {strides = array<i32>} : memref<16x144xf32, #tpu.memory_space<vmem>>, vector<16xf32>,
    tpu.vector_store %arg8[%swap3A_265, %swap3A_266], %broadcast_in_dim3A_8 {strides = array<i32>} : memref<16x144xf32, #tpu.memory_space<vmem>>, vector<16xf32>,
    %swap3A_268 = arith.constant 8 : i32
    %swap3A_269 = arith.index_cast %swap3A_268 : i32 to index
    %swap3A_270 = arith.constant 16 : index
    %swap3A_271 = tpu.vector_load %arg8[%swap3A_269, %swap3A_270] {strides = array<i32>} : memref<16x144xf32, #tpu.memory_space<vmem>>, vector<16xf32>,
    tpu.vector_store %arg8[%swap3A_269, %swap3A_270], %broadcast_in_dim3A_8 {strides = array<i32>} : memref<16x144xf32, #tpu.memory_space<vmem>>, vector<16xf32>,
    %swap3A_272 = arith.constant 8 : i32
    %swap3A_273 = arith.index_cast %swap3A_272 : i32 to index
    %swap3A_274 = arith.constant 32 : index
    %swap3A_275 = tpu.vector_load %arg8[%swap3A_273, %swap3A_274] {strides = array<i32>} : memref<16x144xf32, #tpu.memory_space<vmem>>, vector<16xf32>,
    tpu.vector_store %arg8[%swap3A_273, %swap3A_274], %broadcast_in_dim3A_8 {strides = array<i32>} : memref<16x144xf32, #tpu.memory_space<vmem>>, vector<16xf32>,
    %swap3A_276 = arith.constant 8 : i32
    %swap3A_277 = arith.index_cast %swap3A_276 : i32 to index
    %swap3A_278 = arith.constant 48 : index
    %swap3A_279 = tpu.vector_load %arg8[%swap3A_277, %swap3A_278] {strides = array<i32>} : memref<16x144xf32, #tpu.memory_space<vmem>>, vector<16xf32>,
    tpu.vector_store %arg8[%swap3A_277, %swap3A_278], %broadcast_in_dim3A_8 {strides = array<i32>} : memref<16x144xf32, #tpu.memory_space<vmem>>, vector<16xf32>,
    %swap3A_280 = arith.constant 8 : i32
    %swap3A_281 = arith.index_cast %swap3A_280 : i32 to index
    %swap3A_282 = arith.constant 64 : index
    %swap3A_283 = tpu.vector_load %arg8[%swap3A_281, %swap3A_282] {strides = array<i32>} : memref<16x144xf32, #tpu.memory_space<vmem>>, vector<16xf32>,
    tpu.vector_store %arg8[%swap3A_281, %swap3A_282], %broadcast_in_dim3A_8 {strides = array<i32>} : memref<16x144xf32, #tpu.memory_space<vmem>>, vector<16xf32>,
    %swap3A_284 = arith.constant 8 : i32
    %swap3A_285 = arith.index_cast %swap3A_284 : i32 to index
    %swap3A_286 = arith.constant 80 : index
    %swap3A_287 = tpu.vector_load %arg8[%swap3A_285, %swap3A_286] {strides = array<i32>} : memref<16x144xf32, #tpu.memory_space<vmem>>, vector<16xf32>,
    tpu.vector_store %arg8[%swap3A_285, %swap3A_286], %broadcast_in_dim3A_8 {strides = array<i32>} : memref<16x144xf32, #tpu.memory_space<vmem>>, vector<16xf32>,
    %swap3A_288 = arith.constant 8 : i32
    %swap3A_289 = arith.index_cast %swap3A_288 : i32 to index
    %swap3A_290 = arith.constant 96 : index
    %swap3A_291 = tpu.vector_load %arg8[%swap3A_289, %swap3A_290] {strides = array<i32>} : memref<16x144xf32, #tpu.memory_space<vmem>>, vector<16xf32>,
    tpu.vector_store %arg8[%swap3A_289, %swap3A_290], %broadcast_in_dim3A_8 {strides = array<i32>} : memref<16x144xf32, #tpu.memory_space<vmem>>, vector<16xf32>,
    %swap3A_292 = arith.constant 8 : i32
    %swap3A_293 = arith.index_cast %swap3A_292 : i32 to index
    %swap3A_294 = arith.constant 112 : index
    %swap3A_295 = tpu.vector_load %arg8[%swap3A_293, %swap3A_294] {strides = array<i32>} : memref<16x144xf32, #tpu.memory_space<vmem>>, vector<16xf32>,
    tpu.vector_store %arg8[%swap3A_293, %swap3A_294], %broadcast_in_dim3A_8 {strides = array<i32>} : memref<16x144xf32, #tpu.memory_space<vmem>>, vector<16xf32>,
    %swap3A_296 = arith.constant 9 : i32
    %swap3A_297 = arith.index_cast %swap3A_296 : i32 to index
    %swap3A_298 = arith.constant 0 : index
    %swap3A_299 = tpu.vector_load %arg8[%swap3A_297, %swap3A_298] {strides = array<i32>} : memref<16x144xf32, #tpu.memory_space<vmem>>, vector<16xf32>,
    tpu.vector_store %arg8[%swap3A_297, %swap3A_298], %broadcast_in_dim3A_8 {strides = array<i32>} : memref<16x144xf32, #tpu.memory_space<vmem>>, vector<16xf32>,
    %swap3A_300 = arith.constant 9 : i32
    %swap3A_301 = arith.index_cast %swap3A_300 : i32 to index
    %swap3A_302 = arith.constant 16 : index
    %swap3A_303 = tpu.vector_load %arg8[%swap3A_301, %swap3A_302] {strides = array<i32>} : memref<16x144xf32, #tpu.memory_space<vmem>>, vector<16xf32>,
    tpu.vector_store %arg8[%swap3A_301, %swap3A_302], %broadcast_in_dim3A_8 {strides = array<i32>} : memref<16x144xf32, #tpu.memory_space<vmem>>, vector<16xf32>,
    %swap3A_304 = arith.constant 9 : i32
    %swap3A_305 = arith.index_cast %swap3A_304 : i32 to index
    %swap3A_306 = arith.constant 32 : index
    %swap3A_307 = tpu.vector_load %arg8[%swap3A_305, %swap3A_306] {strides = array<i32>} : memref<16x144xf32, #tpu.memory_space<vmem>>, vector<16xf32>,
    tpu.vector_store %arg8[%swap3A_305, %swap3A_306], %broadcast_in_dim3A_8 {strides = array<i32>} : memref<16x144xf32, #tpu.memory_space<vmem>>, vector<16xf32>,
    %swap3A_308 = arith.constant 9 : i32
    %swap3A_309 = arith.index_cast %swap3A_308 : i32 to index
    %swap3A_310 = arith.constant 48 : index
    %swap3A_311 = tpu.vector_load %arg8[%swap3A_309, %swap3A_310] {strides = array<i32>} : memref<16x144xf32, #tpu.memory_space<vmem>>, vector<16xf32>,
    tpu.vector_store %arg8[%swap3A_309, %swap3A_310], %broadcast_in_dim3A_8 {strides = array<i32>} : memref<16x144xf32, #tpu.memory_space<vmem>>, vector<16xf32>,
    %swap3A_312 = arith.constant 9 : i32
    %swap3A_313 = arith.index_cast %swap3A_312 : i32 to index
    %swap3A_314 = arith.constant 64 : index
    %swap3A_315 = tpu.vector_load %arg8[%swap3A_313, %swap3A_314] {strides = array<i32>} : memref<16x144xf32, #tpu.memory_space<vmem>>, vector<16xf32>,
    tpu.vector_store %arg8[%swap3A_313, %swap3A_314], %broadcast_in_dim3A_8 {strides = array<i32>} : memref<16x144xf32, #tpu.memory_space<vmem>>, vector<16xf32>,
    %swap3A_316 = arith.constant 9 : i32
    %swap3A_317 = arith.index_cast %swap3A_316 : i32 to index
    %swap3A_318 = arith.constant 80 : index
    %swap3A_319 = tpu.vector_load %arg8[%swap3A_317, %swap3A_318] {strides = array<i32>} : memref<16x144xf32, #tpu.memory_space<vmem>>, vector<16xf32>,
    tpu.vector_store %arg8[%swap3A_317, %swap3A_318], %broadcast_in_dim3A_8 {strides = array<i32>} : memref<16x144xf32, #tpu.memory_space<vmem>>, vector<16xf32>,
    %swap3A_320 = arith.constant 9 : i32
    %swap3A_321 = arith.index_cast %swap3A_320 : i32 to index
    %swap3A_322 = arith.constant 96 : index
    %swap3A_323 = tpu.vector_load %arg8[%swap3A_321, %swap3A_322] {strides = array<i32>} : memref<16x144xf32, #tpu.memory_space<vmem>>, vector<16xf32>,
    tpu.vector_store %arg8[%swap3A_321, %swap3A_322], %broadcast_in_dim3A_8 {strides = array<i32>} : memref<16x144xf32, #tpu.memory_space<vmem>>, vector<16xf32>,
    %swap3A_324 = arith.constant 9 : i32
    %swap3A_325 = arith.index_cast %swap3A_324 : i32 to index
    %swap3A_326 = arith.constant 112 : index
    %swap3A_327 = tpu.vector_load %arg8[%swap3A_325, %swap3A_326] {strides = array<i32>} : memref<16x144xf32, #tpu.memory_space<vmem>>, vector<16xf32>,
    tpu.vector_store %arg8[%swap3A_325, %swap3A_326], %broadcast_in_dim3A_8 {strides = array<i32>} : memref<16x144xf32, #tpu.memory_space<vmem>>, vector<16xf32>,
    %swap3A_328 = arith.constant 10 : i32
    %swap3A_329 = arith.index_cast %swap3A_328 : i32 to index
    %swap3A_330 = arith.constant 0 : index
    %swap3A_331 = tpu.vector_load %arg8[%swap3A_329, %swap3A_330] {strides = array<i32>} : memref<16x144xf32, #tpu.memory_space<vmem>>, vector<16xf32>,
    tpu.vector_store %arg8[%swap3A_329, %swap3A_330], %broadcast_in_dim3A_8 {strides = array<i32>} : memref<16x144xf32, #tpu.memory_space<vmem>>, vector<16xf32>,
    %swap3A_332 = arith.constant 10 : i32
    %swap3A_333 = arith.index_cast %swap3A_332 : i32 to index
    %swap3A_334 = arith.constant 16 : index
    %swap3A_335 = tpu.vector_load %arg8[%swap3A_333, %swap3A_334] {strides = array<i32>} : memref<16x144xf32, #tpu.memory_space<vmem>>, vector<16xf32>,
    tpu.vector_store %arg8[%swap3A_333, %swap3A_334], %broadcast_in_dim3A_8 {strides = array<i32>} : memref<16x144xf32, #tpu.memory_space<vmem>>, vector<16xf32>,
    %swap3A_336 = arith.constant 10 : i32
    %swap3A_337 = arith.index_cast %swap3A_336 : i32 to index
    %swap3A_338 = arith.constant 32 : index
    %swap3A_339 = tpu.vector_load %arg8[%swap3A_337, %swap3A_338] {strides = array<i32>} : memref<16x144xf32, #tpu.memory_space<vmem>>, vector<16xf32>,
    tpu.vector_store %arg8[%swap3A_337, %swap3A_338], %broadcast_in_dim3A_8 {strides = array<i32>} : memref<16x144xf32, #tpu.memory_space<vmem>>, vector<16xf32>,
    %swap3A_340 = arith.constant 10 : i32
    %swap3A_341 = arith.index_cast %swap3A_340 : i32 to index
    %swap3A_342 = arith.constant 48 : index
    %swap3A_343 = tpu.vector_load %arg8[%swap3A_341, %swap3A_342] {strides = array<i32>} : memref<16x144xf32, #tpu.memory_space<vmem>>, vector<16xf32>,
    tpu.vector_store %arg8[%swap3A_341, %swap3A_342], %broadcast_in_dim3A_8 {strides = array<i32>} : memref<16x144xf32, #tpu.memory_space<vmem>>, vector<16xf32>,
    %swap3A_344 = arith.constant 10 : i32
    %swap3A_345 = arith.index_cast %swap3A_344 : i32 to index
    %swap3A_346 = arith.constant 64 : index
    %swap3A_347 = tpu.vector_load %arg8[%swap3A_345, %swap3A_346] {strides = array<i32>} : memref<16x144xf32, #tpu.memory_space<vmem>>, vector<16xf32>,
    tpu.vector_store %arg8[%swap3A_345, %swap3A_346], %broadcast_in_dim3A_8 {strides = array<i32>} : memref<16x144xf32, #tpu.memory_space<vmem>>, vector<16xf32>,
    %swap3A_348 = arith.constant 10 : i32
    %swap3A_349 = arith.index_cast %swap3A_348 : i32 to index
    %swap3A_350 = arith.constant 80 : index
    %swap3A_351 = tpu.vector_load %arg8[%swap3A_349, %swap3A_350] {strides = array<i32>} : memref<16x144xf32, #tpu.memory_space<vmem>>, vector<16xf32>,
    tpu.vector_store %arg8[%swap3A_349, %swap3A_350], %broadcast_in_dim3A_8 {strides = array<i32>} : memref<16x144xf32, #tpu.memory_space<vmem>>, vector<16xf32>,
    %swap3A_352 = arith.constant 10 : i32
    %swap3A_353 = arith.index_cast %swap3A_352 : i32 to index
    %swap3A_354 = arith.constant 96 : index
    %swap3A_355 = tpu.vector_load %arg8[%swap3A_353, %swap3A_354] {strides = array<i32>} : memref<16x144xf32, #tpu.memory_space<vmem>>, vector<16xf32>,
    tpu.vector_store %arg8[%swap3A_353, %swap3A_354], %broadcast_in_dim3A_8 {strides = array<i32>} : memref<16x144xf32, #tpu.memory_space<vmem>>, vector<16xf32>,
    %swap3A_356 = arith.constant 10 : i32
    %swap3A_357 = arith.index_cast %swap3A_356 : i32 to index
    %swap3A_358 = arith.constant 112 : index
    %swap3A_359 = tpu.vector_load %arg8[%swap3A_357, %swap3A_358] {strides = array<i32>} : memref<16x144xf32, #tpu.memory_space<vmem>>, vector<16xf32>,
    tpu.vector_store %arg8[%swap3A_357, %swap3A_358], %broadcast_in_dim3A_8 {strides = array<i32>} : memref<16x144xf32, #tpu.memory_space<vmem>>, vector<16xf32>,
    %swap3A_360 = arith.constant 11 : i32
    %swap3A_361 = arith.index_cast %swap3A_360 : i32 to index
    %swap3A_362 = arith.constant 0 : index
    %swap3A_363 = tpu.vector_load %arg8[%swap3A_361, %swap3A_362] {strides = array<i32>} : memref<16x144xf32, #tpu.memory_space<vmem>>, vector<16xf32>,
    tpu.vector_store %arg8[%swap3A_361, %swap3A_362], %broadcast_in_dim3A_8 {strides = array<i32>} : memref<16x144xf32, #tpu.memory_space<vmem>>, vector<16xf32>,
    %swap3A_364 = arith.constant 11 : i32
    %swap3A_365 = arith.index_cast %swap3A_364 : i32 to index
    %swap3A_366 = arith.constant 16 : index
    %swap3A_367 = tpu.vector_load %arg8[%swap3A_365, %swap3A_366] {strides = array<i32>} : memref<16x144xf32, #tpu.memory_space<vmem>>, vector<16xf32>,
    tpu.vector_store %arg8[%swap3A_365, %swap3A_366], %broadcast_in_dim3A_8 {strides = array<i32>} : memref<16x144xf32, #tpu.memory_space<vmem>>, vector<16xf32>,
    %swap3A_368 = arith.constant 11 : i32
    %swap3A_369 = arith.index_cast %swap3A_368 : i32 to index
    %swap3A_370 = arith.constant 32 : index
    %swap3A_371 = tpu.vector_load %arg8[%swap3A_369, %swap3A_370] {strides = array<i32>} : memref<16x144xf32, #tpu.memory_space<vmem>>, vector<16xf32>,
    tpu.vector_store %arg8[%swap3A_369, %swap3A_370], %broadcast_in_dim3A_8 {strides = array<i32>} : memref<16x144xf32, #tpu.memory_space<vmem>>, vector<16xf32>,
    %swap3A_372 = arith.constant 11 : i32
    %swap3A_373 = arith.index_cast %swap3A_372 : i32 to index
    %swap3A_374 = arith.constant 48 : index
    %swap3A_375 = tpu.vector_load %arg8[%swap3A_373, %swap3A_374] {strides = array<i32>} : memref<16x144xf32, #tpu.memory_space<vmem>>, vector<16xf32>,
    tpu.vector_store %arg8[%swap3A_373, %swap3A_374], %broadcast_in_dim3A_8 {strides = array<i32>} : memref<16x144xf32, #tpu.memory_space<vmem>>, vector<16xf32>,
    %swap3A_376 = arith.constant 11 : i32
    %swap3A_377 = arith.index_cast %swap3A_376 : i32 to index
    %swap3A_378 = arith.constant 64 : index
    %swap3A_379 = tpu.vector_load %arg8[%swap3A_377, %swap3A_378] {strides = array<i32>} : memref<16x144xf32, #tpu.memory_space<vmem>>, vector<16xf32>,
    tpu.vector_store %arg8[%swap3A_377, %swap3A_378], %broadcast_in_dim3A_8 {strides = array<i32>} : memref<16x144xf32, #tpu.memory_space<vmem>>, vector<16xf32>,
    %swap3A_380 = arith.constant 11 : i32
    %swap3A_381 = arith.index_cast %swap3A_380 : i32 to index
    %swap3A_382 = arith.constant 80 : index
    %swap3A_383 = tpu.vector_load %arg8[%swap3A_381, %swap3A_382] {strides = array<i32>} : memref<16x144xf32, #tpu.memory_space<vmem>>, vector<16xf32>,
    tpu.vector_store %arg8[%swap3A_381, %swap3A_382], %broadcast_in_dim3A_8 {strides = array<i32>} : memref<16x144xf32, #tpu.memory_space<vmem>>, vector<16xf32>,
    %swap3A_384 = arith.constant 11 : i32
    %swap3A_385 = arith.index_cast %swap3A_384 : i32 to index
    %swap3A_386 = arith.constant 96 : index
    %swap3A_387 = tpu.vector_load %arg8[%swap3A_385, %swap3A_386] {strides = array<i32>} : memref<16x144xf32, #tpu.memory_space<vmem>>, vector<16xf32>,
    tpu.vector_store %arg8[%swap3A_385, %swap3A_386], %broadcast_in_dim3A_8 {strides = array<i32>} : memref<16x144xf32, #tpu.memory_space<vmem>>, vector<16xf32>,
    %swap3A_388 = arith.constant 11 : i32
    %swap3A_389 = arith.index_cast %swap3A_388 : i32 to index
    %swap3A_390 = arith.constant 112 : index
    %swap3A_391 = tpu.vector_load %arg8[%swap3A_389, %swap3A_390] {strides = array<i32>} : memref<16x144xf32, #tpu.memory_space<vmem>>, vector<16xf32>,
    tpu.vector_store %arg8[%swap3A_389, %swap3A_390], %broadcast_in_dim3A_8 {strides = array<i32>} : memref<16x144xf32, #tpu.memory_space<vmem>>, vector<16xf32>,
    %swap3A_392 = arith.constant 12 : i32
    %swap3A_393 = arith.index_cast %swap3A_392 : i32 to index
    %swap3A_394 = arith.constant 0 : index
    %swap3A_395 = tpu.vector_load %arg8[%swap3A_393, %swap3A_394] {strides = array<i32>} : memref<16x144xf32, #tpu.memory_space<vmem>>, vector<16xf32>,
    tpu.vector_store %arg8[%swap3A_393, %swap3A_394], %broadcast_in_dim3A_8 {strides = array<i32>} : memref<16x144xf32, #tpu.memory_space<vmem>>, vector<16xf32>,
    %swap3A_396 = arith.constant 12 : i32
    %swap3A_397 = arith.index_cast %swap3A_396 : i32 to index
    %swap3A_398 = arith.constant 16 : index
    %swap3A_399 = tpu.vector_load %arg8[%swap3A_397, %swap3A_398] {strides = array<i32>} : memref<16x144xf32, #tpu.memory_space<vmem>>, vector<16xf32>,
    tpu.vector_store %arg8[%swap3A_397, %swap3A_398], %broadcast_in_dim3A_8 {strides = array<i32>} : memref<16x144xf32, #tpu.memory_space<vmem>>, vector<16xf32>,
    %swap3A_400 = arith.constant 12 : i32
    %swap3A_401 = arith.index_cast %swap3A_400 : i32 to index
    %swap3A_402 = arith.constant 32 : index
    %swap3A_403 = tpu.vector_load %arg8[%swap3A_401, %swap3A_402] {strides = array<i32>} : memref<16x144xf32, #tpu.memory_space<vmem>>, vector<16xf32>,
    tpu.vector_store %arg8[%swap3A_401, %swap3A_402], %broadcast_in_dim3A_8 {strides = array<i32>} : memref<16x144xf32, #tpu.memory_space<vmem>>, vector<16xf32>,
    %swap3A_404 = arith.constant 12 : i32
    %swap3A_405 = arith.index_cast %swap3A_404 : i32 to index
    %swap3A_406 = arith.constant 48 : index
    %swap3A_407 = tpu.vector_load %arg8[%swap3A_405, %swap3A_406] {strides = array<i32>} : memref<16x144xf32, #tpu.memory_space<vmem>>, vector<16xf32>,
    tpu.vector_store %arg8[%swap3A_405, %swap3A_406], %broadcast_in_dim3A_8 {strides = array<i32>} : memref<16x144xf32, #tpu.memory_space<vmem>>, vector<16xf32>,
    %swap3A_408 = arith.constant 12 : i32
    %swap3A_409 = arith.index_cast %swap3A_408 : i32 to index
    %swap3A_410 = arith.constant 64 : index
    %swap3A_411 = tpu.vector_load %arg8[%swap3A_409, %swap3A_410] {strides = array<i32>} : memref<16x144xf32, #tpu.memory_space<vmem>>, vector<16xf32>,
    tpu.vector_store %arg8[%swap3A_409, %swap3A_410], %broadcast_in_dim3A_8 {strides = array<i32>} : memref<16x144xf32, #tpu.memory_space<vmem>>, vector<16xf32>,
    %swap3A_412 = arith.constant 12 : i32
    %swap3A_413 = arith.index_cast %swap3A_412 : i32 to index
    %swap3A_414 = arith.constant 80 : index
    %swap3A_415 = tpu.vector_load %arg8[%swap3A_413, %swap3A_414] {strides = array<i32>} : memref<16x144xf32, #tpu.memory_space<vmem>>, vector<16xf32>,
    tpu.vector_store %arg8[%swap3A_413, %swap3A_414], %broadcast_in_dim3A_8 {strides = array<i32>} : memref<16x144xf32, #tpu.memory_space<vmem>>, vector<16xf32>,
    %swap3A_416 = arith.constant 12 : i32
    %swap3A_417 = arith.index_cast %swap3A_416 : i32 to index
    %swap3A_418 = arith.constant 96 : index
    %swap3A_419 = tpu.vector_load %arg8[%swap3A_417, %swap3A_418] {strides = array<i32>} : memref<16x144xf32, #tpu.memory_space<vmem>>, vector<16xf32>,
    tpu.vector_store %arg8[%swap3A_417, %swap3A_418], %broadcast_in_dim3A_8 {strides = array<i32>} : memref<16x144xf32, #tpu.memory_space<vmem>>, vector<16xf32>,
    %swap3A_420 = arith.constant 12 : i32
    %swap3A_421 = arith.index_cast %swap3A_420 : i32 to index
    %swap3A_422 = arith.constant 112 : index
    %swap3A_423 = tpu.vector_load %arg8[%swap3A_421, %swap3A_422] {strides = array<i32>} : memref<16x144xf32, #tpu.memory_space<vmem>>, vector<16xf32>,
    tpu.vector_store %arg8[%swap3A_421, %swap3A_422], %broadcast_in_dim3A_8 {strides = array<i32>} : memref<16x144xf32, #tpu.memory_space<vmem>>, vector<16xf32>,
    %swap3A_424 = arith.constant 13 : i32
    %swap3A_425 = arith.index_cast %swap3A_424 : i32 to index
    %swap3A_426 = arith.constant 0 : index
    %swap3A_427 = tpu.vector_load %arg8[%swap3A_425, %swap3A_426] {strides = array<i32>} : memref<16x144xf32, #tpu.memory_space<vmem>>, vector<16xf32>,
    tpu.vector_store %arg8[%swap3A_425, %swap3A_426], %broadcast_in_dim3A_8 {strides = array<i32>} : memref<16x144xf32, #tpu.memory_space<vmem>>, vector<16xf32>,
    %swap3A_428 = arith.constant 13 : i32
    %swap3A_429 = arith.index_cast %swap3A_428 : i32 to index
    %swap3A_430 = arith.constant 16 : index
    %swap3A_431 = tpu.vector_load %arg8[%swap3A_429, %swap3A_430] {strides = array<i32>} : memref<16x144xf32, #tpu.memory_space<vmem>>, vector<16xf32>,
    tpu.vector_store %arg8[%swap3A_429, %swap3A_430], %broadcast_in_dim3A_8 {strides = array<i32>} : memref<16x144xf32, #tpu.memory_space<vmem>>, vector<16xf32>,
    %swap3A_432 = arith.constant 13 : i32
    %swap3A_433 = arith.index_cast %swap3A_432 : i32 to index
    %swap3A_434 = arith.constant 32 : index
    %swap3A_435 = tpu.vector_load %arg8[%swap3A_433, %swap3A_434] {strides = array<i32>} : memref<16x144xf32, #tpu.memory_space<vmem>>, vector<16xf32>,
    tpu.vector_store %arg8[%swap3A_433, %swap3A_434], %broadcast_in_dim3A_8 {strides = array<i32>} : memref<16x144xf32, #tpu.memory_space<vmem>>, vector<16xf32>,
    %swap3A_436 = arith.constant 13 : i32
    %swap3A_437 = arith.index_cast %swap3A_436 : i32 to index
    %swap3A_438 = arith.constant 48 : index
    %swap3A_439 = tpu.vector_load %arg8[%swap3A_437, %swap3A_438] {strides = array<i32>} : memref<16x144xf32, #tpu.memory_space<vmem>>, vector<16xf32>,
    tpu.vector_store %arg8[%swap3A_437, %swap3A_438], %broadcast_in_dim3A_8 {strides = array<i32>} : memref<16x144xf32, #tpu.memory_space<vmem>>, vector<16xf32>,
    %swap3A_440 = arith.constant 13 : i32
    %swap3A_441 = arith.index_cast %swap3A_440 : i32 to index
    %swap3A_442 = arith.constant 64 : index
    %swap3A_443 = tpu.vector_load %arg8[%swap3A_441, %swap3A_442] {strides = array<i32>} : memref<16x144xf32, #tpu.memory_space<vmem>>, vector<16xf32>,
    tpu.vector_store %arg8[%swap3A_441, %swap3A_442], %broadcast_in_dim3A_8 {strides = array<i32>} : memref<16x144xf32, #tpu.memory_space<vmem>>, vector<16xf32>,
    %swap3A_444 = arith.constant 13 : i32
    %swap3A_445 = arith.index_cast %swap3A_444 : i32 to index
    %swap3A_446 = arith.constant 80 : index
    %swap3A_447 = tpu.vector_load %arg8[%swap3A_445, %swap3A_446] {strides = array<i32>} : memref<16x144xf32, #tpu.memory_space<vmem>>, vector<16xf32>,
    tpu.vector_store %arg8[%swap3A_445, %swap3A_446], %broadcast_in_dim3A_8 {strides = array<i32>} : memref<16x144xf32, #tpu.memory_space<vmem>>, vector<16xf32>,
    %swap3A_448 = arith.constant 13 : i32
    %swap3A_449 = arith.index_cast %swap3A_448 : i32 to index
    %swap3A_450 = arith.constant 96 : index
    %swap3A_451 = tpu.vector_load %arg8[%swap3A_449, %swap3A_450] {strides = array<i32>} : memref<16x144xf32, #tpu.memory_space<vmem>>, vector<16xf32>,
    tpu.vector_store %arg8[%swap3A_449, %swap3A_450], %broadcast_in_dim3A_8 {strides = array<i32>} : memref<16x144xf32, #tpu.memory_space<vmem>>, vector<16xf32>,
    %swap3A_452 = arith.constant 13 : i32
    %swap3A_453 = arith.index_cast %swap3A_452 : i32 to index
    %swap3A_454 = arith.constant 112 : index
    %swap3A_455 = tpu.vector_load %arg8[%swap3A_453, %swap3A_454] {strides = array<i32>} : memref<16x144xf32, #tpu.memory_space<vmem>>, vector<16xf32>,
    tpu.vector_store %arg8[%swap3A_453, %swap3A_454], %broadcast_in_dim3A_8 {strides = array<i32>} : memref<16x144xf32, #tpu.memory_space<vmem>>, vector<16xf32>,
    %swap3A_456 = arith.constant 14 : i32
    %swap3A_457 = arith.index_cast %swap3A_456 : i32 to index
    %swap3A_458 = arith.constant 0 : index
    %swap3A_459 = tpu.vector_load %arg8[%swap3A_457, %swap3A_458] {strides = array<i32>} : memref<16x144xf32, #tpu.memory_space<vmem>>, vector<16xf32>,
    tpu.vector_store %arg8[%swap3A_457, %swap3A_458], %broadcast_in_dim3A_8 {strides = array<i32>} : memref<16x144xf32, #tpu.memory_space<vmem>>, vector<16xf32>,
    %swap3A_460 = arith.constant 14 : i32
    %swap3A_461 = arith.index_cast %swap3A_460 : i32 to index
    %swap3A_462 = arith.constant 16 : index
    %swap3A_463 = tpu.vector_load %arg8[%swap3A_461, %swap3A_462] {strides = array<i32>} : memref<16x144xf32, #tpu.memory_space<vmem>>, vector<16xf32>,
    tpu.vector_store %arg8[%swap3A_461, %swap3A_462], %broadcast_in_dim3A_8 {strides = array<i32>} : memref<16x144xf32, #tpu.memory_space<vmem>>, vector<16xf32>,
    %swap3A_464 = arith.constant 14 : i32
    %swap3A_465 = arith.index_cast %swap3A_464 : i32 to index
    %swap3A_466 = arith.constant 32 : index
    %swap3A_467 = tpu.vector_load %arg8[%swap3A_465, %swap3A_466] {strides = array<i32>} : memref<16x144xf32, #tpu.memory_space<vmem>>, vector<16xf32>,
    tpu.vector_store %arg8[%swap3A_465, %swap3A_466], %broadcast_in_dim3A_8 {strides = array<i32>} : memref<16x144xf32, #tpu.memory_space<vmem>>, vector<16xf32>,
    %swap3A_468 = arith.constant 14 : i32
    %swap3A_469 = arith.index_cast %swap3A_468 : i32 to index
    %swap3A_470 = arith.constant 48 : index
    %swap3A_471 = tpu.vector_load %arg8[%swap3A_469, %swap3A_470] {strides = array<i32>} : memref<16x144xf32, #tpu.memory_space<vmem>>, vector<16xf32>,
    tpu.vector_store %arg8[%swap3A_469, %swap3A_470], %broadcast_in_dim3A_8 {strides = array<i32>} : memref<16x144xf32, #tpu.memory_space<vmem>>, vector<16xf32>,
    %swap3A_472 = arith.constant 14 : i32
    %swap3A_473 = arith.index_cast %swap3A_472 : i32 to index
    %swap3A_474 = arith.constant 64 : index
    %swap3A_475 = tpu.vector_load %arg8[%swap3A_473, %swap3A_474] {strides = array<i32>} : memref<16x144xf32, #tpu.memory_space<vmem>>, vector<16xf32>,
    tpu.vector_store %arg8[%swap3A_473, %swap3A_474], %broadcast_in_dim3A_8 {strides = array<i32>} : memref<16x144xf32, #tpu.memory_space<vmem>>, vector<16xf32>,
    %swap3A_476 = arith.constant 14 : i32
    %swap3A_477 = arith.index_cast %swap3A_476 : i32 to index
    %swap3A_478 = arith.constant 80 : index
    %swap3A_479 = tpu.vector_load %arg8[%swap3A_477, %swap3A_478] {strides = array<i32>} : memref<16x144xf32, #tpu.memory_space<vmem>>, vector<16xf32>,
    tpu.vector_store %arg8[%swap3A_477, %swap3A_478], %broadcast_in_dim3A_8 {strides = array<i32>} : memref<16x144xf32, #tpu.memory_space<vmem>>, vector<16xf32>,
    %swap3A_480 = arith.constant 14 : i32
    %swap3A_481 = arith.index_cast %swap3A_480 : i32 to index
    %swap3A_482 = arith.constant 96 : index
    %swap3A_483 = tpu.vector_load %arg8[%swap3A_481, %swap3A_482] {strides = array<i32>} : memref<16x144xf32, #tpu.memory_space<vmem>>, vector<16xf32>,
    tpu.vector_store %arg8[%swap3A_481, %swap3A_482], %broadcast_in_dim3A_8 {strides = array<i32>} : memref<16x144xf32, #tpu.memory_space<vmem>>, vector<16xf32>,
    %swap3A_484 = arith.constant 14 : i32
    %swap3A_485 = arith.index_cast %swap3A_484 : i32 to index
    %swap3A_486 = arith.constant 112 : index
    %swap3A_487 = tpu.vector_load %arg8[%swap3A_485, %swap3A_486] {strides = array<i32>} : memref<16x144xf32, #tpu.memory_space<vmem>>, vector<16xf32>,
    tpu.vector_store %arg8[%swap3A_485, %swap3A_486], %broadcast_in_dim3A_8 {strides = array<i32>} : memref<16x144xf32, #tpu.memory_space<vmem>>, vector<16xf32>,
    %swap3A_488 = arith.constant 15 : i32
    %swap3A_489 = arith.index_cast %swap3A_488 : i32 to index
    %swap3A_490 = arith.constant 0 : index
    %swap3A_491 = tpu.vector_load %arg8[%swap3A_489, %swap3A_490] {strides = array<i32>} : memref<16x144xf32, #tpu.memory_space<vmem>>, vector<16xf32>,
    tpu.vector_store %arg8[%swap3A_489, %swap3A_490], %broadcast_in_dim3A_8 {strides = array<i32>} : memref<16x144xf32, #tpu.memory_space<vmem>>, vector<16xf32>,
    %swap3A_492 = arith.constant 15 : i32
    %swap3A_493 = arith.index_cast %swap3A_492 : i32 to index
    %swap3A_494 = arith.constant 16 : index
    %swap3A_495 = tpu.vector_load %arg8[%swap3A_493, %swap3A_494] {strides = array<i32>} : memref<16x144xf32, #tpu.memory_space<vmem>>, vector<16xf32>,
    tpu.vector_store %arg8[%swap3A_493, %swap3A_494], %broadcast_in_dim3A_8 {strides = array<i32>} : memref<16x144xf32, #tpu.memory_space<vmem>>, vector<16xf32>,
    %swap3A_496 = arith.constant 15 : i32
    %swap3A_497 = arith.index_cast %swap3A_496 : i32 to index
    %swap3A_498 = arith.constant 32 : index
    %swap3A_499 = tpu.vector_load %arg8[%swap3A_497, %swap3A_498] {strides = array<i32>} : memref<16x144xf32, #tpu.memory_space<vmem>>, vector<16xf32>,
    tpu.vector_store %arg8[%swap3A_497, %swap3A_498], %broadcast_in_dim3A_8 {strides = array<i32>} : memref<16x144xf32, #tpu.memory_space<vmem>>, vector<16xf32>,
    %swap3A_500 = arith.constant 15 : i32
    %swap3A_501 = arith.index_cast %swap3A_500 : i32 to index
    %swap3A_502 = arith.constant 48 : index
    %swap3A_503 = tpu.vector_load %arg8[%swap3A_501, %swap3A_502] {strides = array<i32>} : memref<16x144xf32, #tpu.memory_space<vmem>>, vector<16xf32>,
    tpu.vector_store %arg8[%swap3A_501, %swap3A_502], %broadcast_in_dim3A_8 {strides = array<i32>} : memref<16x144xf32, #tpu.memory_space<vmem>>, vector<16xf32>,
    %swap3A_504 = arith.constant 15 : i32
    %swap3A_505 = arith.index_cast %swap3A_504 : i32 to index
    %swap3A_506 = arith.constant 64 : index
    %swap3A_507 = tpu.vector_load %arg8[%swap3A_505, %swap3A_506] {strides = array<i32>} : memref<16x144xf32, #tpu.memory_space<vmem>>, vector<16xf32>,
    tpu.vector_store %arg8[%swap3A_505, %swap3A_506], %broadcast_in_dim3A_8 {strides = array<i32>} : memref<16x144xf32, #tpu.memory_space<vmem>>, vector<16xf32>,
    %swap3A_508 = arith.constant 15 : i32
    %swap3A_509 = arith.index_cast %swap3A_508 : i32 to index
    %swap3A_510 = arith.constant 80 : index
    %swap3A_511 = tpu.vector_load %arg8[%swap3A_509, %swap3A_510] {strides = array<i32>} : memref<16x144xf32, #tpu.memory_space<vmem>>, vector<16xf32>,
    tpu.vector_store %arg8[%swap3A_509, %swap3A_510], %broadcast_in_dim3A_8 {strides = array<i32>} : memref<16x144xf32, #tpu.memory_space<vmem>>, vector<16xf32>,
    %swap3A_512 = arith.constant 15 : i32
    %swap3A_513 = arith.index_cast %swap3A_512 : i32 to index
    %swap3A_514 = arith.constant 96 : index
    %swap3A_515 = tpu.vector_load %arg8[%swap3A_513, %swap3A_514] {strides = array<i32>} : memref<16x144xf32, #tpu.memory_space<vmem>>, vector<16xf32>,
    tpu.vector_store %arg8[%swap3A_513, %swap3A_514], %broadcast_in_dim3A_8 {strides = array<i32>} : memref<16x144xf32, #tpu.memory_space<vmem>>, vector<16xf32>,
    %swap3A_516 = arith.constant 15 : i32
    %swap3A_517 = arith.index_cast %swap3A_516 : i32 to index
    %swap3A_518 = arith.constant 112 : index
    %swap3A_519 = tpu.vector_load %arg8[%swap3A_517, %swap3A_518] {strides = array<i32>} : memref<16x144xf32, #tpu.memory_space<vmem>>, vector<16xf32>,
    tpu.vector_store %arg8[%swap3A_517, %swap3A_518], %broadcast_in_dim3A_8 {strides = array<i32>} : memref<16x144xf32, #tpu.memory_space<vmem>>, vector<16xf32>,
    %dma_wait3A = tpu.memref_slice %arg3[%mul3A_2] : memref<32768xi32, #tpu.memory_space<hbm>> -> memref<128xi32, #tpu.memory_space<hbm>>
    %dma_wait3A_520 = tpu.memref_slice %arg3[%mul3A_2] : memref<32768xi32, #tpu.memory_space<hbm>> -> memref<128xi32, #tpu.memory_space<hbm>>
    tpu.wait_dma2 semaphore(%arg11 : memref<!tpu.dma_semaphore, #tpu.memory_space<semaphore_mem>>) src(%dma_wait3A_520 : memref<128xi32, #tpu.memory_space<hbm>>) dst(%arg5 : memref<128xi32, #tpu.memory_space<vmem>>)
    %add3A_521 = arith.constant 0 : i32
    %add3A_522 = arith.constant 8 : i32
    %add3A_523 = arith.addi %add3A_521, %add3A_522 : i32
    %shift_right_arithmetic3A = arith.constant 1 : i32
    %shift_right_arithmetic3A_524 = arith.shrsi %add3A_523, %shift_right_arithmetic3A : i32
    %mul3A_525 = arith.constant 16 : i32
    %mul3A_526 = arith.muli %shift_right_arithmetic3A_524, %mul3A_525 : i32
    %get3A = arith.index_cast %mul3A_526 : i32 to index
    %get3A_527 = tpu.vector_load %arg5[%get3A] {strides = array<i32>} : memref<128xi32, #tpu.memory_space<vmem>>, vector<16xi32>,
    %slice3A = vector.extract_strided_slice %get3A_527 {offsets = [0], sizes = [1], strides = [1]} : vector<16xi32> to vector<1xi32>
    %squeeze3A = vector.extract %slice3A[0] : i32 from vector<1xi32>
    %lt3A = arith.constant 1 : i32
    %lt3A_528 = arith.cmpi slt, %squeeze3A, %lt3A : i32
    %add3A_529 = arith.constant 1 : i32
    %add3A_530 = arith.addi %shift_right_arithmetic3A_524, %add3A_529 : i32
    %jit3A = arith.constant 0 : i32
    %select_n3A = arith.select %lt3A_528, %add3A_530, %jit3A : i32
    %jit3A_531 = arith.constant 8 : i32
    %select_n3A_532 = arith.select %lt3A_528, %jit3A_531, %shift_right_arithmetic3A_524 : i32
    %add3A_533 = arith.addi %select_n3A, %select_n3A_532 : i32
    %shift_right_arithmetic3A_534 = arith.constant 1 : i32
    %shift_right_arithmetic3A_535 = arith.shrsi %add3A_533, %shift_right_arithmetic3A_534 : i32
    %mul3A_536 = arith.constant 16 : i32
    %mul3A_537 = arith.muli %shift_right_arithmetic3A_535, %mul3A_536 : i32
    %get3A_538 = arith.index_cast %mul3A_537 : i32 to index
    %get3A_539 = tpu.vector_load %arg5[%get3A_538] {strides = array<i32>} : memref<128xi32, #tpu.memory_space<vmem>>, vector<16xi32>,
    %slice3A_540 = vector.extract_strided_slice %get3A_539 {offsets = [0], sizes = [1], strides = [1]} : vector<16xi32> to vector<1xi32>
    %squeeze3A_541 = vector.extract %slice3A_540[0] : i32 from vector<1xi32>
    %lt3A_542 = arith.constant 1 : i32
    %lt3A_543 = arith.cmpi slt, %squeeze3A_541, %lt3A_542 : i32
    %add3A_544 = arith.constant 1 : i32
    %add3A_545 = arith.addi %shift_right_arithmetic3A_535, %add3A_544 : i32
    %select_n3A_546 = arith.select %lt3A_543, %add3A_545, %select_n3A : i32
    %select_n3A_547 = arith.select %lt3A_543, %select_n3A_532, %shift_right_arithmetic3A_535 : i32
    %add3A_548 = arith.addi %select_n3A_546, %select_n3A_547 : i32
    %shift_right_arithmetic3A_549 = arith.constant 1 : i32
    %shift_right_arithmetic3A_550 = arith.shrsi %add3A_548, %shift_right_arithmetic3A_549 : i32
    %mul3A_551 = arith.constant 16 : i32
    %mul3A_552 = arith.muli %shift_right_arithmetic3A_550, %mul3A_551 : i32
    %get3A_553 = arith.index_cast %mul3A_552 : i32 to index
    %get3A_554 = tpu.vector_load %arg5[%get3A_553] {strides = array<i32>} : memref<128xi32, #tpu.memory_space<vmem>>, vector<16xi32>,
    %slice3A_555 = vector.extract_strided_slice %get3A_554 {offsets = [0], sizes = [1], strides = [1]} : vector<16xi32> to vector<1xi32>
    %squeeze3A_556 = vector.extract %slice3A_555[0] : i32 from vector<1xi32>
    %lt3A_557 = arith.constant 1 : i32
    %lt3A_558 = arith.cmpi slt, %squeeze3A_556, %lt3A_557 : i32
    %add3A_559 = arith.constant 1 : i32
    %add3A_560 = arith.addi %shift_right_arithmetic3A_550, %add3A_559 : i32
    %select_n3A_561 = arith.select %lt3A_558, %add3A_560, %select_n3A_546 : i32
    %select_n3A_562 = arith.select %lt3A_558, %select_n3A_547, %shift_right_arithmetic3A_550 : i32
    %sub3A = arith.constant 1 : i32
    %sub3A_563 = arith.subi %select_n3A_561, %sub3A : i32
    %max3A = arith.constant 0 : i32
    %max3A_564 = arith.maxsi %sub3A_563, %max3A : i32
    %mul3A_565 = arith.constant 16 : i32
    %mul3A_566 = arith.muli %max3A_564, %mul3A_565 : i32
    %get3A_567 = arith.index_cast %mul3A_566 : i32 to index
    %get3A_568 = tpu.vector_load %arg5[%get3A_567] {strides = array<i32>} : memref<128xi32, #tpu.memory_space<vmem>>, vector<16xi32>,
    %lt3A_569 = arith.constant 1 : i32
    %lt3A_570 = vector.broadcast %lt3A_569 : i32 to vector<16xi32>
    %lt3A_571 = arith.cmpi slt, %get3A_568, %lt3A_570 : vector<16xi32>
    %convert_element_type3A = arith.extui %lt3A_571 : vector<16xi1> to vector<16xi32>
    %reduce_sum3A = arith.constant true
    %reduce_sum3A_572 = vector.broadcast %reduce_sum3A : i1 to vector<16xi1>
    %reduce_sum3A_573 = tpu.scan <sum>, %convert_element_type3A masked %reduce_sum3A_572 : vector<16xi32>, vector<16xi1> -> vector<16xi32>
    %reduce_sum3A_574 = vector.extract %reduce_sum3A_573[15] : i32 from vector<16xi32>
    %mul3A_575 = arith.constant 16 : i32
    %mul3A_576 = arith.muli %max3A_564, %mul3A_575 : i32
    %add3A_577 = arith.addi %mul3A_576, %reduce_sum3A_574 : i32
    %add3A_578 = arith.constant 0 : i32
    %add3A_579 = arith.constant 8 : i32
    %add3A_580 = arith.addi %add3A_578, %add3A_579 : i32
    %shift_right_arithmetic3A_581 = arith.constant 1 : i32
    %shift_right_arithmetic3A_582 = arith.shrsi %add3A_580, %shift_right_arithmetic3A_581 : i32
    %mul3A_583 = arith.constant 16 : i32
    %mul3A_584 = arith.muli %shift_right_arithmetic3A_582, %mul3A_583 : i32
    %get3A_585 = arith.index_cast %mul3A_584 : i32 to index
    %get3A_586 = tpu.vector_load %arg5[%get3A_585] {strides = array<i32>} : memref<128xi32, #tpu.memory_space<vmem>>, vector<16xi32>,
    %slice3A_587 = vector.extract_strided_slice %get3A_586 {offsets = [0], sizes = [1], strides = [1]} : vector<16xi32> to vector<1xi32>
    %squeeze3A_588 = vector.extract %slice3A_587[0] : i32 from vector<1xi32>
    %lt3A_589 = arith.constant 2 : i32
    %lt3A_590 = arith.cmpi slt, %squeeze3A_588, %lt3A_589 : i32
    %add3A_591 = arith.constant 1 : i32
    %add3A_592 = arith.addi %shift_right_arithmetic3A_582, %add3A_591 : i32
    %jit3A_593 = arith.constant 0 : i32
    %select_n3A_594 = arith.select %lt3A_590, %add3A_592, %jit3A_593 : i32
    %jit3A_595 = arith.constant 8 : i32
    %select_n3A_596 = arith.select %lt3A_590, %jit3A_595, %shift_right_arithmetic3A_582 : i32
    %add3A_597 = arith.addi %select_n3A_594, %select_n3A_596 : i32
    %shift_right_arithmetic3A_598 = arith.constant 1 : i32
    %shift_right_arithmetic3A_599 = arith.shrsi %add3A_597, %shift_right_arithmetic3A_598 : i32
    %mul3A_600 = arith.constant 16 : i32
    %mul3A_601 = arith.muli %shift_right_arithmetic3A_599, %mul3A_600 : i32
    %get3A_602 = arith.index_cast %mul3A_601 : i32 to index
    %get3A_603 = tpu.vector_load %arg5[%get3A_602] {strides = array<i32>} : memref<128xi32, #tpu.memory_space<vmem>>, vector<16xi32>,
    %slice3A_604 = vector.extract_strided_slice %get3A_603 {offsets = [0], sizes = [1], strides = [1]} : vector<16xi32> to vector<1xi32>
    %squeeze3A_605 = vector.extract %slice3A_604[0] : i32 from vector<1xi32>
    %lt3A_606 = arith.constant 2 : i32
    %lt3A_607 = arith.cmpi slt, %squeeze3A_605, %lt3A_606 : i32
    %add3A_608 = arith.constant 1 : i32
    %add3A_609 = arith.addi %shift_right_arithmetic3A_599, %add3A_608 : i32
    %select_n3A_610 = arith.select %lt3A_607, %add3A_609, %select_n3A_594 : i32
    %select_n3A_611 = arith.select %lt3A_607, %select_n3A_596, %shift_right_arithmetic3A_599 : i32
    %add3A_612 = arith.addi %select_n3A_610, %select_n3A_611 : i32
    %shift_right_arithmetic3A_613 = arith.constant 1 : i32
    %shift_right_arithmetic3A_614 = arith.shrsi %add3A_612, %shift_right_arithmetic3A_613 : i32
    %mul3A_615 = arith.constant 16 : i32
    %mul3A_616 = arith.muli %shift_right_arithmetic3A_614, %mul3A_615 : i32
    %get3A_617 = arith.index_cast %mul3A_616 : i32 to index
    %get3A_618 = tpu.vector_load %arg5[%get3A_617] {strides = array<i32>} : memref<128xi32, #tpu.memory_space<vmem>>, vector<16xi32>,
    %slice3A_619 = vector.extract_strided_slice %get3A_618 {offsets = [0], sizes = [1], strides = [1]} : vector<16xi32> to vector<1xi32>
    %squeeze3A_620 = vector.extract %slice3A_619[0] : i32 from vector<1xi32>
    %lt3A_621 = arith.constant 2 : i32
    %lt3A_622 = arith.cmpi slt, %squeeze3A_620, %lt3A_621 : i32
    %add3A_623 = arith.constant 1 : i32
    %add3A_624 = arith.addi %shift_right_arithmetic3A_614, %add3A_623 : i32
    %select_n3A_625 = arith.select %lt3A_622, %add3A_624, %select_n3A_610 : i32
    %select_n3A_626 = arith.select %lt3A_622, %select_n3A_611, %shift_right_arithmetic3A_614 : i32
    %sub3A_627 = arith.constant 1 : i32
    %sub3A_628 = arith.subi %select_n3A_625, %sub3A_627 : i32
    %max3A_629 = arith.constant 0 : i32
    %max3A_630 = arith.maxsi %sub3A_628, %max3A_629 : i32
    %mul3A_631 = arith.constant 16 : i32
    %mul3A_632 = arith.muli %max3A_630, %mul3A_631 : i32
    %get3A_633 = arith.index_cast %mul3A_632 : i32 to index
    %get3A_634 = tpu.vector_load %arg5[%get3A_633] {strides = array<i32>} : memref<128xi32, #tpu.memory_space<vmem>>, vector<16xi32>,
    %lt3A_635 = arith.constant 2 : i32
    %lt3A_636 = vector.broadcast %lt3A_635 : i32 to vector<16xi32>
    %lt3A_637 = arith.cmpi slt, %get3A_634, %lt3A_636 : vector<16xi32>
    %convert_element_type3A_638 = arith.extui %lt3A_637 : vector<16xi1> to vector<16xi32>
    %reduce_sum3A_639 = arith.constant true
    %reduce_sum3A_640 = vector.broadcast %reduce_sum3A_639 : i1 to vector<16xi1>
    %reduce_sum3A_641 = tpu.scan <sum>, %convert_element_type3A_638 masked %reduce_sum3A_640 : vector<16xi32>, vector<16xi1> -> vector<16xi32>
    %reduce_sum3A_642 = vector.extract %reduce_sum3A_641[15] : i32 from vector<16xi32>
    %mul3A_643 = arith.constant 16 : i32
    %mul3A_644 = arith.muli %max3A_630, %mul3A_643 : i32
    %add3A_645 = arith.addi %mul3A_644, %reduce_sum3A_642 : i32
    %add3A_646 = arith.constant 0 : i32
    %add3A_647 = arith.constant 8 : i32
    %add3A_648 = arith.addi %add3A_646, %add3A_647 : i32
    %shift_right_arithmetic3A_649 = arith.constant 1 : i32
    %shift_right_arithmetic3A_650 = arith.shrsi %add3A_648, %shift_right_arithmetic3A_649 : i32
    %mul3A_651 = arith.constant 16 : i32
    %mul3A_652 = arith.muli %shift_right_arithmetic3A_650, %mul3A_651 : i32
    %get3A_653 = arith.index_cast %mul3A_652 : i32 to index
    %get3A_654 = tpu.vector_load %arg5[%get3A_653] {strides = array<i32>} : memref<128xi32, #tpu.memory_space<vmem>>, vector<16xi32>,
    %slice3A_655 = vector.extract_strided_slice %get3A_654 {offsets = [0], sizes = [1], strides = [1]} : vector<16xi32> to vector<1xi32>
    %squeeze3A_656 = vector.extract %slice3A_655[0] : i32 from vector<1xi32>
    %lt3A_657 = arith.constant 3 : i32
    %lt3A_658 = arith.cmpi slt, %squeeze3A_656, %lt3A_657 : i32
    %add3A_659 = arith.constant 1 : i32
    %add3A_660 = arith.addi %shift_right_arithmetic3A_650, %add3A_659 : i32
    %jit3A_661 = arith.constant 0 : i32
    %select_n3A_662 = arith.select %lt3A_658, %add3A_660, %jit3A_661 : i32
    %jit3A_663 = arith.constant 8 : i32
    %select_n3A_664 = arith.select %lt3A_658, %jit3A_663, %shift_right_arithmetic3A_650 : i32
    %add3A_665 = arith.addi %select_n3A_662, %select_n3A_664 : i32
    %shift_right_arithmetic3A_666 = arith.constant 1 : i32
    %shift_right_arithmetic3A_667 = arith.shrsi %add3A_665, %shift_right_arithmetic3A_666 : i32
    %mul3A_668 = arith.constant 16 : i32
    %mul3A_669 = arith.muli %shift_right_arithmetic3A_667, %mul3A_668 : i32
    %get3A_670 = arith.index_cast %mul3A_669 : i32 to index
    %get3A_671 = tpu.vector_load %arg5[%get3A_670] {strides = array<i32>} : memref<128xi32, #tpu.memory_space<vmem>>, vector<16xi32>,
    %slice3A_672 = vector.extract_strided_slice %get3A_671 {offsets = [0], sizes = [1], strides = [1]} : vector<16xi32> to vector<1xi32>
    %squeeze3A_673 = vector.extract %slice3A_672[0] : i32 from vector<1xi32>
    %lt3A_674 = arith.constant 3 : i32
    %lt3A_675 = arith.cmpi slt, %squeeze3A_673, %lt3A_674 : i32
    %add3A_676 = arith.constant 1 : i32
    %add3A_677 = arith.addi %shift_right_arithmetic3A_667, %add3A_676 : i32
    %select_n3A_678 = arith.select %lt3A_675, %add3A_677, %select_n3A_662 : i32
    %select_n3A_679 = arith.select %lt3A_675, %select_n3A_664, %shift_right_arithmetic3A_667 : i32
    %add3A_680 = arith.addi %select_n3A_678, %select_n3A_679 : i32
    %shift_right_arithmetic3A_681 = arith.constant 1 : i32
    %shift_right_arithmetic3A_682 = arith.shrsi %add3A_680, %shift_right_arithmetic3A_681 : i32
    %mul3A_683 = arith.constant 16 : i32
    %mul3A_684 = arith.muli %shift_right_arithmetic3A_682, %mul3A_683 : i32
    %get3A_685 = arith.index_cast %mul3A_684 : i32 to index
    %get3A_686 = tpu.vector_load %arg5[%get3A_685] {strides = array<i32>} : memref<128xi32, #tpu.memory_space<vmem>>, vector<16xi32>,
    %slice3A_687 = vector.extract_strided_slice %get3A_686 {offsets = [0], sizes = [1], strides = [1]} : vector<16xi32> to vector<1xi32>
    %squeeze3A_688 = vector.extract %slice3A_687[0] : i32 from vector<1xi32>
    %lt3A_689 = arith.constant 3 : i32
    %lt3A_690 = arith.cmpi slt, %squeeze3A_688, %lt3A_689 : i32
    %add3A_691 = arith.constant 1 : i32
    %add3A_692 = arith.addi %shift_right_arithmetic3A_682, %add3A_691 : i32
    %select_n3A_693 = arith.select %lt3A_690, %add3A_692, %select_n3A_678 : i32
    %select_n3A_694 = arith.select %lt3A_690, %select_n3A_679, %shift_right_arithmetic3A_682 : i32
    %sub3A_695 = arith.constant 1 : i32
    %sub3A_696 = arith.subi %select_n3A_693, %sub3A_695 : i32
    %max3A_697 = arith.constant 0 : i32
    %max3A_698 = arith.maxsi %sub3A_696, %max3A_697 : i32
    %mul3A_699 = arith.constant 16 : i32
    %mul3A_700 = arith.muli %max3A_698, %mul3A_699 : i32
    %get3A_701 = arith.index_cast %mul3A_700 : i32 to index
    %get3A_702 = tpu.vector_load %arg5[%get3A_701] {strides = array<i32>} : memref<128xi32, #tpu.memory_space<vmem>>, vector<16xi32>,
    %lt3A_703 = arith.constant 3 : i32
    %lt3A_704 = vector.broadcast %lt3A_703 : i32 to vector<16xi32>
    %lt3A_705 = arith.cmpi slt, %get3A_702, %lt3A_704 : vector<16xi32>
    %convert_element_type3A_706 = arith.extui %lt3A_705 : vector<16xi1> to vector<16xi32>
    %reduce_sum3A_707 = arith.constant true
    %reduce_sum3A_708 = vector.broadcast %reduce_sum3A_707 : i1 to vector<16xi1>
    %reduce_sum3A_709 = tpu.scan <sum>, %convert_element_type3A_706 masked %reduce_sum3A_708 : vector<16xi32>, vector<16xi1> -> vector<16xi32>
    %reduce_sum3A_710 = vector.extract %reduce_sum3A_709[15] : i32 from vector<16xi32>
    %mul3A_711 = arith.constant 16 : i32
    %mul3A_712 = arith.muli %max3A_698, %mul3A_711 : i32
    %add3A_713 = arith.addi %mul3A_712, %reduce_sum3A_710 : i32
    %add3A_714 = arith.constant 0 : i32
    %add3A_715 = arith.constant 8 : i32
    %add3A_716 = arith.addi %add3A_714, %add3A_715 : i32
    %shift_right_arithmetic3A_717 = arith.constant 1 : i32
    %shift_right_arithmetic3A_718 = arith.shrsi %add3A_716, %shift_right_arithmetic3A_717 : i32
    %mul3A_719 = arith.constant 16 : i32
    %mul3A_720 = arith.muli %shift_right_arithmetic3A_718, %mul3A_719 : i32
    %get3A_721 = arith.index_cast %mul3A_720 : i32 to index
    %get3A_722 = tpu.vector_load %arg5[%get3A_721] {strides = array<i32>} : memref<128xi32, #tpu.memory_space<vmem>>, vector<16xi32>,
    %slice3A_723 = vector.extract_strided_slice %get3A_722 {offsets = [0], sizes = [1], strides = [1]} : vector<16xi32> to vector<1xi32>
    %squeeze3A_724 = vector.extract %slice3A_723[0] : i32 from vector<1xi32>
    %lt3A_725 = arith.constant 4 : i32
    %lt3A_726 = arith.cmpi slt, %squeeze3A_724, %lt3A_725 : i32
    %add3A_727 = arith.constant 1 : i32
    %add3A_728 = arith.addi %shift_right_arithmetic3A_718, %add3A_727 : i32
    %jit3A_729 = arith.constant 0 : i32
    %select_n3A_730 = arith.select %lt3A_726, %add3A_728, %jit3A_729 : i32
    %jit3A_731 = arith.constant 8 : i32
    %select_n3A_732 = arith.select %lt3A_726, %jit3A_731, %shift_right_arithmetic3A_718 : i32
    %add3A_733 = arith.addi %select_n3A_730, %select_n3A_732 : i32
    %shift_right_arithmetic3A_734 = arith.constant 1 : i32
    %shift_right_arithmetic3A_735 = arith.shrsi %add3A_733, %shift_right_arithmetic3A_734 : i32
    %mul3A_736 = arith.constant 16 : i32
    %mul3A_737 = arith.muli %shift_right_arithmetic3A_735, %mul3A_736 : i32
    %get3A_738 = arith.index_cast %mul3A_737 : i32 to index
    %get3A_739 = tpu.vector_load %arg5[%get3A_738] {strides = array<i32>} : memref<128xi32, #tpu.memory_space<vmem>>, vector<16xi32>,
    %slice3A_740 = vector.extract_strided_slice %get3A_739 {offsets = [0], sizes = [1], strides = [1]} : vector<16xi32> to vector<1xi32>
    %squeeze3A_741 = vector.extract %slice3A_740[0] : i32 from vector<1xi32>
    %lt3A_742 = arith.constant 4 : i32
    %lt3A_743 = arith.cmpi slt, %squeeze3A_741, %lt3A_742 : i32
    %add3A_744 = arith.constant 1 : i32
    %add3A_745 = arith.addi %shift_right_arithmetic3A_735, %add3A_744 : i32
    %select_n3A_746 = arith.select %lt3A_743, %add3A_745, %select_n3A_730 : i32
    %select_n3A_747 = arith.select %lt3A_743, %select_n3A_732, %shift_right_arithmetic3A_735 : i32
    %add3A_748 = arith.addi %select_n3A_746, %select_n3A_747 : i32
    %shift_right_arithmetic3A_749 = arith.constant 1 : i32
    %shift_right_arithmetic3A_750 = arith.shrsi %add3A_748, %shift_right_arithmetic3A_749 : i32
    %mul3A_751 = arith.constant 16 : i32
    %mul3A_752 = arith.muli %shift_right_arithmetic3A_750, %mul3A_751 : i32
    %get3A_753 = arith.index_cast %mul3A_752 : i32 to index
    %get3A_754 = tpu.vector_load %arg5[%get3A_753] {strides = array<i32>} : memref<128xi32, #tpu.memory_space<vmem>>, vector<16xi32>,
    %slice3A_755 = vector.extract_strided_slice %get3A_754 {offsets = [0], sizes = [1], strides = [1]} : vector<16xi32> to vector<1xi32>
    %squeeze3A_756 = vector.extract %slice3A_755[0] : i32 from vector<1xi32>
    %lt3A_757 = arith.constant 4 : i32
    %lt3A_758 = arith.cmpi slt, %squeeze3A_756, %lt3A_757 : i32
    %add3A_759 = arith.constant 1 : i32
    %add3A_760 = arith.addi %shift_right_arithmetic3A_750, %add3A_759 : i32
    %select_n3A_761 = arith.select %lt3A_758, %add3A_760, %select_n3A_746 : i32
    %select_n3A_762 = arith.select %lt3A_758, %select_n3A_747, %shift_right_arithmetic3A_750 : i32
    %sub3A_763 = arith.constant 1 : i32
    %sub3A_764 = arith.subi %select_n3A_761, %sub3A_763 : i32
    %max3A_765 = arith.constant 0 : i32
    %max3A_766 = arith.maxsi %sub3A_764, %max3A_765 : i32
    %mul3A_767 = arith.constant 16 : i32
    %mul3A_768 = arith.muli %max3A_766, %mul3A_767 : i32
    %get3A_769 = arith.index_cast %mul3A_768 : i32 to index
    %get3A_770 = tpu.vector_load %arg5[%get3A_769] {strides = array<i32>} : memref<128xi32, #tpu.memory_space<vmem>>, vector<16xi32>,
    %lt3A_771 = arith.constant 4 : i32
    %lt3A_772 = vector.broadcast %lt3A_771 : i32 to vector<16xi32>
    %lt3A_773 = arith.cmpi slt, %get3A_770, %lt3A_772 : vector<16xi32>
    %convert_element_type3A_774 = arith.extui %lt3A_773 : vector<16xi1> to vector<16xi32>
    %reduce_sum3A_775 = arith.constant true
    %reduce_sum3A_776 = vector.broadcast %reduce_sum3A_775 : i1 to vector<16xi1>
    %reduce_sum3A_777 = tpu.scan <sum>, %convert_element_type3A_774 masked %reduce_sum3A_776 : vector<16xi32>, vector<16xi1> -> vector<16xi32>
    %reduce_sum3A_778 = vector.extract %reduce_sum3A_777[15] : i32 from vector<16xi32>
    %mul3A_779 = arith.constant 16 : i32
    %mul3A_780 = arith.muli %max3A_766, %mul3A_779 : i32
    %add3A_781 = arith.addi %mul3A_780, %reduce_sum3A_778 : i32
    %add3A_782 = arith.constant 0 : i32
    %add3A_783 = arith.constant 8 : i32
    %add3A_784 = arith.addi %add3A_782, %add3A_783 : i32
    %shift_right_arithmetic3A_785 = arith.constant 1 : i32
    %shift_right_arithmetic3A_786 = arith.shrsi %add3A_784, %shift_right_arithmetic3A_785 : i32
    %mul3A_787 = arith.constant 16 : i32
    %mul3A_788 = arith.muli %shift_right_arithmetic3A_786, %mul3A_787 : i32
    %get3A_789 = arith.index_cast %mul3A_788 : i32 to index
    %get3A_790 = tpu.vector_load %arg5[%get3A_789] {strides = array<i32>} : memref<128xi32, #tpu.memory_space<vmem>>, vector<16xi32>,
    %slice3A_791 = vector.extract_strided_slice %get3A_790 {offsets = [0], sizes = [1], strides = [1]} : vector<16xi32> to vector<1xi32>
    %squeeze3A_792 = vector.extract %slice3A_791[0] : i32 from vector<1xi32>
    %lt3A_793 = arith.constant 5 : i32
    %lt3A_794 = arith.cmpi slt, %squeeze3A_792, %lt3A_793 : i32
    %add3A_795 = arith.constant 1 : i32
    %add3A_796 = arith.addi %shift_right_arithmetic3A_786, %add3A_795 : i32
    %jit3A_797 = arith.constant 0 : i32
    %select_n3A_798 = arith.select %lt3A_794, %add3A_796, %jit3A_797 : i32
    %jit3A_799 = arith.constant 8 : i32
    %select_n3A_800 = arith.select %lt3A_794, %jit3A_799, %shift_right_arithmetic3A_786 : i32
    %add3A_801 = arith.addi %select_n3A_798, %select_n3A_800 : i32
    %shift_right_arithmetic3A_802 = arith.constant 1 : i32
    %shift_right_arithmetic3A_803 = arith.shrsi %add3A_801, %shift_right_arithmetic3A_802 : i32
    %mul3A_804 = arith.constant 16 : i32
    %mul3A_805 = arith.muli %shift_right_arithmetic3A_803, %mul3A_804 : i32
    %get3A_806 = arith.index_cast %mul3A_805 : i32 to index
    %get3A_807 = tpu.vector_load %arg5[%get3A_806] {strides = array<i32>} : memref<128xi32, #tpu.memory_space<vmem>>, vector<16xi32>,
    %slice3A_808 = vector.extract_strided_slice %get3A_807 {offsets = [0], sizes = [1], strides = [1]} : vector<16xi32> to vector<1xi32>
    %squeeze3A_809 = vector.extract %slice3A_808[0] : i32 from vector<1xi32>
    %lt3A_810 = arith.constant 5 : i32
    %lt3A_811 = arith.cmpi slt, %squeeze3A_809, %lt3A_810 : i32
    %add3A_812 = arith.constant 1 : i32
    %add3A_813 = arith.addi %shift_right_arithmetic3A_803, %add3A_812 : i32
    %select_n3A_814 = arith.select %lt3A_811, %add3A_813, %select_n3A_798 : i32
    %select_n3A_815 = arith.select %lt3A_811, %select_n3A_800, %shift_right_arithmetic3A_803 : i32
    %add3A_816 = arith.addi %select_n3A_814, %select_n3A_815 : i32
    %shift_right_arithmetic3A_817 = arith.constant 1 : i32
    %shift_right_arithmetic3A_818 = arith.shrsi %add3A_816, %shift_right_arithmetic3A_817 : i32
    %mul3A_819 = arith.constant 16 : i32
    %mul3A_820 = arith.muli %shift_right_arithmetic3A_818, %mul3A_819 : i32
    %get3A_821 = arith.index_cast %mul3A_820 : i32 to index
    %get3A_822 = tpu.vector_load %arg5[%get3A_821] {strides = array<i32>} : memref<128xi32, #tpu.memory_space<vmem>>, vector<16xi32>,
    %slice3A_823 = vector.extract_strided_slice %get3A_822 {offsets = [0], sizes = [1], strides = [1]} : vector<16xi32> to vector<1xi32>
    %squeeze3A_824 = vector.extract %slice3A_823[0] : i32 from vector<1xi32>
    %lt3A_825 = arith.constant 5 : i32
    %lt3A_826 = arith.cmpi slt, %squeeze3A_824, %lt3A_825 : i32
    %add3A_827 = arith.constant 1 : i32
    %add3A_828 = arith.addi %shift_right_arithmetic3A_818, %add3A_827 : i32
    %select_n3A_829 = arith.select %lt3A_826, %add3A_828, %select_n3A_814 : i32
    %select_n3A_830 = arith.select %lt3A_826, %select_n3A_815, %shift_right_arithmetic3A_818 : i32
    %sub3A_831 = arith.constant 1 : i32
    %sub3A_832 = arith.subi %select_n3A_829, %sub3A_831 : i32
    %max3A_833 = arith.constant 0 : i32
    %max3A_834 = arith.maxsi %sub3A_832, %max3A_833 : i32
    %mul3A_835 = arith.constant 16 : i32
    %mul3A_836 = arith.muli %max3A_834, %mul3A_835 : i32
    %get3A_837 = arith.index_cast %mul3A_836 : i32 to index
    %get3A_838 = tpu.vector_load %arg5[%get3A_837] {strides = array<i32>} : memref<128xi32, #tpu.memory_space<vmem>>, vector<16xi32>,
    %lt3A_839 = arith.constant 5 : i32
    %lt3A_840 = vector.broadcast %lt3A_839 : i32 to vector<16xi32>
    %lt3A_841 = arith.cmpi slt, %get3A_838, %lt3A_840 : vector<16xi32>
    %convert_element_type3A_842 = arith.extui %lt3A_841 : vector<16xi1> to vector<16xi32>
    %reduce_sum3A_843 = arith.constant true
    %reduce_sum3A_844 = vector.broadcast %reduce_sum3A_843 : i1 to vector<16xi1>
    %reduce_sum3A_845 = tpu.scan <sum>, %convert_element_type3A_842 masked %reduce_sum3A_844 : vector<16xi32>, vector<16xi1> -> vector<16xi32>
    %reduce_sum3A_846 = vector.extract %reduce_sum3A_845[15] : i32 from vector<16xi32>
    %mul3A_847 = arith.constant 16 : i32
    %mul3A_848 = arith.muli %max3A_834, %mul3A_847 : i32
    %add3A_849 = arith.addi %mul3A_848, %reduce_sum3A_846 : i32
    %add3A_850 = arith.constant 0 : i32
    %add3A_851 = arith.constant 8 : i32
    %add3A_852 = arith.addi %add3A_850, %add3A_851 : i32
    %shift_right_arithmetic3A_853 = arith.constant 1 : i32
    %shift_right_arithmetic3A_854 = arith.shrsi %add3A_852, %shift_right_arithmetic3A_853 : i32
    %mul3A_855 = arith.constant 16 : i32
    %mul3A_856 = arith.muli %shift_right_arithmetic3A_854, %mul3A_855 : i32
    %get3A_857 = arith.index_cast %mul3A_856 : i32 to index
    %get3A_858 = tpu.vector_load %arg5[%get3A_857] {strides = array<i32>} : memref<128xi32, #tpu.memory_space<vmem>>, vector<16xi32>,
    %slice3A_859 = vector.extract_strided_slice %get3A_858 {offsets = [0], sizes = [1], strides = [1]} : vector<16xi32> to vector<1xi32>
    %squeeze3A_860 = vector.extract %slice3A_859[0] : i32 from vector<1xi32>
    %lt3A_861 = arith.constant 6 : i32
    %lt3A_862 = arith.cmpi slt, %squeeze3A_860, %lt3A_861 : i32
    %add3A_863 = arith.constant 1 : i32
    %add3A_864 = arith.addi %shift_right_arithmetic3A_854, %add3A_863 : i32
    %jit3A_865 = arith.constant 0 : i32
    %select_n3A_866 = arith.select %lt3A_862, %add3A_864, %jit3A_865 : i32
    %jit3A_867 = arith.constant 8 : i32
    %select_n3A_868 = arith.select %lt3A_862, %jit3A_867, %shift_right_arithmetic3A_854 : i32
    %add3A_869 = arith.addi %select_n3A_866, %select_n3A_868 : i32
    %shift_right_arithmetic3A_870 = arith.constant 1 : i32
    %shift_right_arithmetic3A_871 = arith.shrsi %add3A_869, %shift_right_arithmetic3A_870 : i32
    %mul3A_872 = arith.constant 16 : i32
    %mul3A_873 = arith.muli %shift_right_arithmetic3A_871, %mul3A_872 : i32
    %get3A_874 = arith.index_cast %mul3A_873 : i32 to index
    %get3A_875 = tpu.vector_load %arg5[%get3A_874] {strides = array<i32>} : memref<128xi32, #tpu.memory_space<vmem>>, vector<16xi32>,
    %slice3A_876 = vector.extract_strided_slice %get3A_875 {offsets = [0], sizes = [1], strides = [1]} : vector<16xi32> to vector<1xi32>
    %squeeze3A_877 = vector.extract %slice3A_876[0] : i32 from vector<1xi32>
    %lt3A_878 = arith.constant 6 : i32
    %lt3A_879 = arith.cmpi slt, %squeeze3A_877, %lt3A_878 : i32
    %add3A_880 = arith.constant 1 : i32
    %add3A_881 = arith.addi %shift_right_arithmetic3A_871, %add3A_880 : i32
    %select_n3A_882 = arith.select %lt3A_879, %add3A_881, %select_n3A_866 : i32
    %select_n3A_883 = arith.select %lt3A_879, %select_n3A_868, %shift_right_arithmetic3A_871 : i32
    %add3A_884 = arith.addi %select_n3A_882, %select_n3A_883 : i32
    %shift_right_arithmetic3A_885 = arith.constant 1 : i32
    %shift_right_arithmetic3A_886 = arith.shrsi %add3A_884, %shift_right_arithmetic3A_885 : i32
    %mul3A_887 = arith.constant 16 : i32
    %mul3A_888 = arith.muli %shift_right_arithmetic3A_886, %mul3A_887 : i32
    %get3A_889 = arith.index_cast %mul3A_888 : i32 to index
    %get3A_890 = tpu.vector_load %arg5[%get3A_889] {strides = array<i32>} : memref<128xi32, #tpu.memory_space<vmem>>, vector<16xi32>,
    %slice3A_891 = vector.extract_strided_slice %get3A_890 {offsets = [0], sizes = [1], strides = [1]} : vector<16xi32> to vector<1xi32>
    %squeeze3A_892 = vector.extract %slice3A_891[0] : i32 from vector<1xi32>
    %lt3A_893 = arith.constant 6 : i32
    %lt3A_894 = arith.cmpi slt, %squeeze3A_892, %lt3A_893 : i32
    %add3A_895 = arith.constant 1 : i32
    %add3A_896 = arith.addi %shift_right_arithmetic3A_886, %add3A_895 : i32
    %select_n3A_897 = arith.select %lt3A_894, %add3A_896, %select_n3A_882 : i32
    %select_n3A_898 = arith.select %lt3A_894, %select_n3A_883, %shift_right_arithmetic3A_886 : i32
    %sub3A_899 = arith.constant 1 : i32
    %sub3A_900 = arith.subi %select_n3A_897, %sub3A_899 : i32
    %max3A_901 = arith.constant 0 : i32
    %max3A_902 = arith.maxsi %sub3A_900, %max3A_901 : i32
    %mul3A_903 = arith.constant 16 : i32
    %mul3A_904 = arith.muli %max3A_902, %mul3A_903 : i32
    %get3A_905 = arith.index_cast %mul3A_904 : i32 to index
    %get3A_906 = tpu.vector_load %arg5[%get3A_905] {strides = array<i32>} : memref<128xi32, #tpu.memory_space<vmem>>, vector<16xi32>,
    %lt3A_907 = arith.constant 6 : i32
    %lt3A_908 = vector.broadcast %lt3A_907 : i32 to vector<16xi32>
    %lt3A_909 = arith.cmpi slt, %get3A_906, %lt3A_908 : vector<16xi32>
    %convert_element_type3A_910 = arith.extui %lt3A_909 : vector<16xi1> to vector<16xi32>
    %reduce_sum3A_911 = arith.constant true
    %reduce_sum3A_912 = vector.broadcast %reduce_sum3A_911 : i1 to vector<16xi1>
    %reduce_sum3A_913 = tpu.scan <sum>, %convert_element_type3A_910 masked %reduce_sum3A_912 : vector<16xi32>, vector<16xi1> -> vector<16xi32>
    %reduce_sum3A_914 = vector.extract %reduce_sum3A_913[15] : i32 from vector<16xi32>
    %mul3A_915 = arith.constant 16 : i32
    %mul3A_916 = arith.muli %max3A_902, %mul3A_915 : i32
    %add3A_917 = arith.addi %mul3A_916, %reduce_sum3A_914 : i32
    %add3A_918 = arith.constant 0 : i32
    %add3A_919 = arith.constant 8 : i32
    %add3A_920 = arith.addi %add3A_918, %add3A_919 : i32
    %shift_right_arithmetic3A_921 = arith.constant 1 : i32
    %shift_right_arithmetic3A_922 = arith.shrsi %add3A_920, %shift_right_arithmetic3A_921 : i32
    %mul3A_923 = arith.constant 16 : i32
    %mul3A_924 = arith.muli %shift_right_arithmetic3A_922, %mul3A_923 : i32
    %get3A_925 = arith.index_cast %mul3A_924 : i32 to index
    %get3A_926 = tpu.vector_load %arg5[%get3A_925] {strides = array<i32>} : memref<128xi32, #tpu.memory_space<vmem>>, vector<16xi32>,
    %slice3A_927 = vector.extract_strided_slice %get3A_926 {offsets = [0], sizes = [1], strides = [1]} : vector<16xi32> to vector<1xi32>
    %squeeze3A_928 = vector.extract %slice3A_927[0] : i32 from vector<1xi32>
    %lt3A_929 = arith.constant 7 : i32
    %lt3A_930 = arith.cmpi slt, %squeeze3A_928, %lt3A_929 : i32
    %add3A_931 = arith.constant 1 : i32
    %add3A_932 = arith.addi %shift_right_arithmetic3A_922, %add3A_931 : i32
    %jit3A_933 = arith.constant 0 : i32
    %select_n3A_934 = arith.select %lt3A_930, %add3A_932, %jit3A_933 : i32
    %jit3A_935 = arith.constant 8 : i32
    %select_n3A_936 = arith.select %lt3A_930, %jit3A_935, %shift_right_arithmetic3A_922 : i32
    %add3A_937 = arith.addi %select_n3A_934, %select_n3A_936 : i32
    %shift_right_arithmetic3A_938 = arith.constant 1 : i32
    %shift_right_arithmetic3A_939 = arith.shrsi %add3A_937, %shift_right_arithmetic3A_938 : i32
    %mul3A_940 = arith.constant 16 : i32
    %mul3A_941 = arith.muli %shift_right_arithmetic3A_939, %mul3A_940 : i32
    %get3A_942 = arith.index_cast %mul3A_941 : i32 to index
    %get3A_943 = tpu.vector_load %arg5[%get3A_942] {strides = array<i32>} : memref<128xi32, #tpu.memory_space<vmem>>, vector<16xi32>,
    %slice3A_944 = vector.extract_strided_slice %get3A_943 {offsets = [0], sizes = [1], strides = [1]} : vector<16xi32> to vector<1xi32>
    %squeeze3A_945 = vector.extract %slice3A_944[0] : i32 from vector<1xi32>
    %lt3A_946 = arith.constant 7 : i32
    %lt3A_947 = arith.cmpi slt, %squeeze3A_945, %lt3A_946 : i32
    %add3A_948 = arith.constant 1 : i32
    %add3A_949 = arith.addi %shift_right_arithmetic3A_939, %add3A_948 : i32
    %select_n3A_950 = arith.select %lt3A_947, %add3A_949, %select_n3A_934 : i32
    %select_n3A_951 = arith.select %lt3A_947, %select_n3A_936, %shift_right_arithmetic3A_939 : i32
    %add3A_952 = arith.addi %select_n3A_950, %select_n3A_951 : i32
    %shift_right_arithmetic3A_953 = arith.constant 1 : i32
    %shift_right_arithmetic3A_954 = arith.shrsi %add3A_952, %shift_right_arithmetic3A_953 : i32
    %mul3A_955 = arith.constant 16 : i32
    %mul3A_956 = arith.muli %shift_right_arithmetic3A_954, %mul3A_955 : i32
    %get3A_957 = arith.index_cast %mul3A_956 : i32 to index
    %get3A_958 = tpu.vector_load %arg5[%get3A_957] {strides = array<i32>} : memref<128xi32, #tpu.memory_space<vmem>>, vector<16xi32>,
    %slice3A_959 = vector.extract_strided_slice %get3A_958 {offsets = [0], sizes = [1], strides = [1]} : vector<16xi32> to vector<1xi32>
    %squeeze3A_960 = vector.extract %slice3A_959[0] : i32 from vector<1xi32>
    %lt3A_961 = arith.constant 7 : i32
    %lt3A_962 = arith.cmpi slt, %squeeze3A_960, %lt3A_961 : i32
    %add3A_963 = arith.constant 1 : i32
    %add3A_964 = arith.addi %shift_right_arithmetic3A_954, %add3A_963 : i32
    %select_n3A_965 = arith.select %lt3A_962, %add3A_964, %select_n3A_950 : i32
    %select_n3A_966 = arith.select %lt3A_962, %select_n3A_951, %shift_right_arithmetic3A_954 : i32
    %sub3A_967 = arith.constant 1 : i32
    %sub3A_968 = arith.subi %select_n3A_965, %sub3A_967 : i32
    %max3A_969 = arith.constant 0 : i32
    %max3A_970 = arith.maxsi %sub3A_968, %max3A_969 : i32
    %mul3A_971 = arith.constant 16 : i32
    %mul3A_972 = arith.muli %max3A_970, %mul3A_971 : i32
    %get3A_973 = arith.index_cast %mul3A_972 : i32 to index
    %get3A_974 = tpu.vector_load %arg5[%get3A_973] {strides = array<i32>} : memref<128xi32, #tpu.memory_space<vmem>>, vector<16xi32>,
    %lt3A_975 = arith.constant 7 : i32
    %lt3A_976 = vector.broadcast %lt3A_975 : i32 to vector<16xi32>
    %lt3A_977 = arith.cmpi slt, %get3A_974, %lt3A_976 : vector<16xi32>
    %convert_element_type3A_978 = arith.extui %lt3A_977 : vector<16xi1> to vector<16xi32>
    %reduce_sum3A_979 = arith.constant true
    %reduce_sum3A_980 = vector.broadcast %reduce_sum3A_979 : i1 to vector<16xi1>
    %reduce_sum3A_981 = tpu.scan <sum>, %convert_element_type3A_978 masked %reduce_sum3A_980 : vector<16xi32>, vector<16xi1> -> vector<16xi32>
    %reduce_sum3A_982 = vector.extract %reduce_sum3A_981[15] : i32 from vector<16xi32>
    %mul3A_983 = arith.constant 16 : i32
    %mul3A_984 = arith.muli %max3A_970, %mul3A_983 : i32
    %add3A_985 = arith.addi %mul3A_984, %reduce_sum3A_982 : i32
    %add3A_986 = arith.constant 0 : i32
    %add3A_987 = arith.constant 8 : i32
    %add3A_988 = arith.addi %add3A_986, %add3A_987 : i32
    %shift_right_arithmetic3A_989 = arith.constant 1 : i32
    %shift_right_arithmetic3A_990 = arith.shrsi %add3A_988, %shift_right_arithmetic3A_989 : i32
    %mul3A_991 = arith.constant 16 : i32
    %mul3A_992 = arith.muli %shift_right_arithmetic3A_990, %mul3A_991 : i32
    %get3A_993 = arith.index_cast %mul3A_992 : i32 to index
    %get3A_994 = tpu.vector_load %arg5[%get3A_993] {strides = array<i32>} : memref<128xi32, #tpu.memory_space<vmem>>, vector<16xi32>,
    %slice3A_995 = vector.extract_strided_slice %get3A_994 {offsets = [0], sizes = [1], strides = [1]} : vector<16xi32> to vector<1xi32>
    %squeeze3A_996 = vector.extract %slice3A_995[0] : i32 from vector<1xi32>
    %lt3A_997 = arith.constant 8 : i32
    %lt3A_998 = arith.cmpi slt, %squeeze3A_996, %lt3A_997 : i32
    %add3A_999 = arith.constant 1 : i32
    %add3A_1000 = arith.addi %shift_right_arithmetic3A_990, %add3A_999 : i32
    %jit3A_1001 = arith.constant 0 : i32
    %select_n3A_1002 = arith.select %lt3A_998, %add3A_1000, %jit3A_1001 : i32
    %jit3A_1003 = arith.constant 8 : i32
    %select_n3A_1004 = arith.select %lt3A_998, %jit3A_1003, %shift_right_arithmetic3A_990 : i32
    %add3A_1005 = arith.addi %select_n3A_1002, %select_n3A_1004 : i32
    %shift_right_arithmetic3A_1006 = arith.constant 1 : i32
    %shift_right_arithmetic3A_1007 = arith.shrsi %add3A_1005, %shift_right_arithmetic3A_1006 : i32
    %mul3A_1008 = arith.constant 16 : i32
    %mul3A_1009 = arith.muli %shift_right_arithmetic3A_1007, %mul3A_1008 : i32
    %get3A_1010 = arith.index_cast %mul3A_1009 : i32 to index
    %get3A_1011 = tpu.vector_load %arg5[%get3A_1010] {strides = array<i32>} : memref<128xi32, #tpu.memory_space<vmem>>, vector<16xi32>,
    %slice3A_1012 = vector.extract_strided_slice %get3A_1011 {offsets = [0], sizes = [1], strides = [1]} : vector<16xi32> to vector<1xi32>
    %squeeze3A_1013 = vector.extract %slice3A_1012[0] : i32 from vector<1xi32>
    %lt3A_1014 = arith.constant 8 : i32
    %lt3A_1015 = arith.cmpi slt, %squeeze3A_1013, %lt3A_1014 : i32
    %add3A_1016 = arith.constant 1 : i32
    %add3A_1017 = arith.addi %shift_right_arithmetic3A_1007, %add3A_1016 : i32
    %select_n3A_1018 = arith.select %lt3A_1015, %add3A_1017, %select_n3A_1002 : i32
    %select_n3A_1019 = arith.select %lt3A_1015, %select_n3A_1004, %shift_right_arithmetic3A_1007 : i32
    %add3A_1020 = arith.addi %select_n3A_1018, %select_n3A_1019 : i32
    %shift_right_arithmetic3A_1021 = arith.constant 1 : i32
    %shift_right_arithmetic3A_1022 = arith.shrsi %add3A_1020, %shift_right_arithmetic3A_1021 : i32
    %mul3A_1023 = arith.constant 16 : i32
    %mul3A_1024 = arith.muli %shift_right_arithmetic3A_1022, %mul3A_1023 : i32
    %get3A_1025 = arith.index_cast %mul3A_1024 : i32 to index
    %get3A_1026 = tpu.vector_load %arg5[%get3A_1025] {strides = array<i32>} : memref<128xi32, #tpu.memory_space<vmem>>, vector<16xi32>,
    %slice3A_1027 = vector.extract_strided_slice %get3A_1026 {offsets = [0], sizes = [1], strides = [1]} : vector<16xi32> to vector<1xi32>
    %squeeze3A_1028 = vector.extract %slice3A_1027[0] : i32 from vector<1xi32>
    %lt3A_1029 = arith.constant 8 : i32
    %lt3A_1030 = arith.cmpi slt, %squeeze3A_1028, %lt3A_1029 : i32
    %add3A_1031 = arith.constant 1 : i32
    %add3A_1032 = arith.addi %shift_right_arithmetic3A_1022, %add3A_1031 : i32
    %select_n3A_1033 = arith.select %lt3A_1030, %add3A_1032, %select_n3A_1018 : i32
    %select_n3A_1034 = arith.select %lt3A_1030, %select_n3A_1019, %shift_right_arithmetic3A_1022 : i32
    %sub3A_1035 = arith.constant 1 : i32
    %sub3A_1036 = arith.subi %select_n3A_1033, %sub3A_1035 : i32
    %max3A_1037 = arith.constant 0 : i32
    %max3A_1038 = arith.maxsi %sub3A_1036, %max3A_1037 : i32
    %mul3A_1039 = arith.constant 16 : i32
    %mul3A_1040 = arith.muli %max3A_1038, %mul3A_1039 : i32
    %get3A_1041 = arith.index_cast %mul3A_1040 : i32 to index
    %get3A_1042 = tpu.vector_load %arg5[%get3A_1041] {strides = array<i32>} : memref<128xi32, #tpu.memory_space<vmem>>, vector<16xi32>,
    %lt3A_1043 = arith.constant 8 : i32
    %lt3A_1044 = vector.broadcast %lt3A_1043 : i32 to vector<16xi32>
    %lt3A_1045 = arith.cmpi slt, %get3A_1042, %lt3A_1044 : vector<16xi32>
    %convert_element_type3A_1046 = arith.extui %lt3A_1045 : vector<16xi1> to vector<16xi32>
    %reduce_sum3A_1047 = arith.constant true
    %reduce_sum3A_1048 = vector.broadcast %reduce_sum3A_1047 : i1 to vector<16xi1>
    %reduce_sum3A_1049 = tpu.scan <sum>, %convert_element_type3A_1046 masked %reduce_sum3A_1048 : vector<16xi32>, vector<16xi1> -> vector<16xi32>
    %reduce_sum3A_1050 = vector.extract %reduce_sum3A_1049[15] : i32 from vector<16xi32>
    %mul3A_1051 = arith.constant 16 : i32
    %mul3A_1052 = arith.muli %max3A_1038, %mul3A_1051 : i32
    %add3A_1053 = arith.addi %mul3A_1052, %reduce_sum3A_1050 : i32
    %add3A_1054 = arith.constant 0 : i32
    %add3A_1055 = arith.constant 8 : i32
    %add3A_1056 = arith.addi %add3A_1054, %add3A_1055 : i32
    %shift_right_arithmetic3A_1057 = arith.constant 1 : i32
    %shift_right_arithmetic3A_1058 = arith.shrsi %add3A_1056, %shift_right_arithmetic3A_1057 : i32
    %mul3A_1059 = arith.constant 16 : i32
    %mul3A_1060 = arith.muli %shift_right_arithmetic3A_1058, %mul3A_1059 : i32
    %get3A_1061 = arith.index_cast %mul3A_1060 : i32 to index
    %get3A_1062 = tpu.vector_load %arg5[%get3A_1061] {strides = array<i32>} : memref<128xi32, #tpu.memory_space<vmem>>, vector<16xi32>,
    %slice3A_1063 = vector.extract_strided_slice %get3A_1062 {offsets = [0], sizes = [1], strides = [1]} : vector<16xi32> to vector<1xi32>
    %squeeze3A_1064 = vector.extract %slice3A_1063[0] : i32 from vector<1xi32>
    %lt3A_1065 = arith.constant 9 : i32
    %lt3A_1066 = arith.cmpi slt, %squeeze3A_1064, %lt3A_1065 : i32
    %add3A_1067 = arith.constant 1 : i32
    %add3A_1068 = arith.addi %shift_right_arithmetic3A_1058, %add3A_1067 : i32
    %jit3A_1069 = arith.constant 0 : i32
    %select_n3A_1070 = arith.select %lt3A_1066, %add3A_1068, %jit3A_1069 : i32
    %jit3A_1071 = arith.constant 8 : i32
    %select_n3A_1072 = arith.select %lt3A_1066, %jit3A_1071, %shift_right_arithmetic3A_1058 : i32
    %add3A_1073 = arith.addi %select_n3A_1070, %select_n3A_1072 : i32
    %shift_right_arithmetic3A_1074 = arith.constant 1 : i32
    %shift_right_arithmetic3A_1075 = arith.shrsi %add3A_1073, %shift_right_arithmetic3A_1074 : i32
    %mul3A_1076 = arith.constant 16 : i32
    %mul3A_1077 = arith.muli %shift_right_arithmetic3A_1075, %mul3A_1076 : i32
    %get3A_1078 = arith.index_cast %mul3A_1077 : i32 to index
    %get3A_1079 = tpu.vector_load %arg5[%get3A_1078] {strides = array<i32>} : memref<128xi32, #tpu.memory_space<vmem>>, vector<16xi32>,
    %slice3A_1080 = vector.extract_strided_slice %get3A_1079 {offsets = [0], sizes = [1], strides = [1]} : vector<16xi32> to vector<1xi32>
    %squeeze3A_1081 = vector.extract %slice3A_1080[0] : i32 from vector<1xi32>
    %lt3A_1082 = arith.constant 9 : i32
    %lt3A_1083 = arith.cmpi slt, %squeeze3A_1081, %lt3A_1082 : i32
    %add3A_1084 = arith.constant 1 : i32
    %add3A_1085 = arith.addi %shift_right_arithmetic3A_1075, %add3A_1084 : i32
    %select_n3A_1086 = arith.select %lt3A_1083, %add3A_1085, %select_n3A_1070 : i32
    %select_n3A_1087 = arith.select %lt3A_1083, %select_n3A_1072, %shift_right_arithmetic3A_1075 : i32
    %add3A_1088 = arith.addi %select_n3A_1086, %select_n3A_1087 : i32
    %shift_right_arithmetic3A_1089 = arith.constant 1 : i32
    %shift_right_arithmetic3A_1090 = arith.shrsi %add3A_1088, %shift_right_arithmetic3A_1089 : i32
    %mul3A_1091 = arith.constant 16 : i32
    %mul3A_1092 = arith.muli %shift_right_arithmetic3A_1090, %mul3A_1091 : i32
    %get3A_1093 = arith.index_cast %mul3A_1092 : i32 to index
    %get3A_1094 = tpu.vector_load %arg5[%get3A_1093] {strides = array<i32>} : memref<128xi32, #tpu.memory_space<vmem>>, vector<16xi32>,
    %slice3A_1095 = vector.extract_strided_slice %get3A_1094 {offsets = [0], sizes = [1], strides = [1]} : vector<16xi32> to vector<1xi32>
    %squeeze3A_1096 = vector.extract %slice3A_1095[0] : i32 from vector<1xi32>
    %lt3A_1097 = arith.constant 9 : i32
    %lt3A_1098 = arith.cmpi slt, %squeeze3A_1096, %lt3A_1097 : i32
    %add3A_1099 = arith.constant 1 : i32
    %add3A_1100 = arith.addi %shift_right_arithmetic3A_1090, %add3A_1099 : i32
    %select_n3A_1101 = arith.select %lt3A_1098, %add3A_1100, %select_n3A_1086 : i32
    %select_n3A_1102 = arith.select %lt3A_1098, %select_n3A_1087, %shift_right_arithmetic3A_1090 : i32
    %sub3A_1103 = arith.constant 1 : i32
    %sub3A_1104 = arith.subi %select_n3A_1101, %sub3A_1103 : i32
    %max3A_1105 = arith.constant 0 : i32
    %max3A_1106 = arith.maxsi %sub3A_1104, %max3A_1105 : i32
    %mul3A_1107 = arith.constant 16 : i32
    %mul3A_1108 = arith.muli %max3A_1106, %mul3A_1107 : i32
    %get3A_1109 = arith.index_cast %mul3A_1108 : i32 to index
    %get3A_1110 = tpu.vector_load %arg5[%get3A_1109] {strides = array<i32>} : memref<128xi32, #tpu.memory_space<vmem>>, vector<16xi32>,
    %lt3A_1111 = arith.constant 9 : i32
    %lt3A_1112 = vector.broadcast %lt3A_1111 : i32 to vector<16xi32>
    %lt3A_1113 = arith.cmpi slt, %get3A_1110, %lt3A_1112 : vector<16xi32>
    %convert_element_type3A_1114 = arith.extui %lt3A_1113 : vector<16xi1> to vector<16xi32>
    %reduce_sum3A_1115 = arith.constant true
    %reduce_sum3A_1116 = vector.broadcast %reduce_sum3A_1115 : i1 to vector<16xi1>
    %reduce_sum3A_1117 = tpu.scan <sum>, %convert_element_type3A_1114 masked %reduce_sum3A_1116 : vector<16xi32>, vector<16xi1> -> vector<16xi32>
    %reduce_sum3A_1118 = vector.extract %reduce_sum3A_1117[15] : i32 from vector<16xi32>
    %mul3A_1119 = arith.constant 16 : i32
    %mul3A_1120 = arith.muli %max3A_1106, %mul3A_1119 : i32
    %add3A_1121 = arith.addi %mul3A_1120, %reduce_sum3A_1118 : i32
    %add3A_1122 = arith.constant 0 : i32
    %add3A_1123 = arith.constant 8 : i32
    %add3A_1124 = arith.addi %add3A_1122, %add3A_1123 : i32
    %shift_right_arithmetic3A_1125 = arith.constant 1 : i32
    %shift_right_arithmetic3A_1126 = arith.shrsi %add3A_1124, %shift_right_arithmetic3A_1125 : i32
    %mul3A_1127 = arith.constant 16 : i32
    %mul3A_1128 = arith.muli %shift_right_arithmetic3A_1126, %mul3A_1127 : i32
    %get3A_1129 = arith.index_cast %mul3A_1128 : i32 to index
    %get3A_1130 = tpu.vector_load %arg5[%get3A_1129] {strides = array<i32>} : memref<128xi32, #tpu.memory_space<vmem>>, vector<16xi32>,
    %slice3A_1131 = vector.extract_strided_slice %get3A_1130 {offsets = [0], sizes = [1], strides = [1]} : vector<16xi32> to vector<1xi32>
    %squeeze3A_1132 = vector.extract %slice3A_1131[0] : i32 from vector<1xi32>
    %lt3A_1133 = arith.constant 10 : i32
    %lt3A_1134 = arith.cmpi slt, %squeeze3A_1132, %lt3A_1133 : i32
    %add3A_1135 = arith.constant 1 : i32
    %add3A_1136 = arith.addi %shift_right_arithmetic3A_1126, %add3A_1135 : i32
    %jit3A_1137 = arith.constant 0 : i32
    %select_n3A_1138 = arith.select %lt3A_1134, %add3A_1136, %jit3A_1137 : i32
    %jit3A_1139 = arith.constant 8 : i32
    %select_n3A_1140 = arith.select %lt3A_1134, %jit3A_1139, %shift_right_arithmetic3A_1126 : i32
    %add3A_1141 = arith.addi %select_n3A_1138, %select_n3A_1140 : i32
    %shift_right_arithmetic3A_1142 = arith.constant 1 : i32
    %shift_right_arithmetic3A_1143 = arith.shrsi %add3A_1141, %shift_right_arithmetic3A_1142 : i32
    %mul3A_1144 = arith.constant 16 : i32
    %mul3A_1145 = arith.muli %shift_right_arithmetic3A_1143, %mul3A_1144 : i32
    %get3A_1146 = arith.index_cast %mul3A_1145 : i32 to index
    %get3A_1147 = tpu.vector_load %arg5[%get3A_1146] {strides = array<i32>} : memref<128xi32, #tpu.memory_space<vmem>>, vector<16xi32>,
    %slice3A_1148 = vector.extract_strided_slice %get3A_1147 {offsets = [0], sizes = [1], strides = [1]} : vector<16xi32> to vector<1xi32>
    %squeeze3A_1149 = vector.extract %slice3A_1148[0] : i32 from vector<1xi32>
    %lt3A_1150 = arith.constant 10 : i32
    %lt3A_1151 = arith.cmpi slt, %squeeze3A_1149, %lt3A_1150 : i32
    %add3A_1152 = arith.constant 1 : i32
    %add3A_1153 = arith.addi %shift_right_arithmetic3A_1143, %add3A_1152 : i32
    %select_n3A_1154 = arith.select %lt3A_1151, %add3A_1153, %select_n3A_1138 : i32
    %select_n3A_1155 = arith.select %lt3A_1151, %select_n3A_1140, %shift_right_arithmetic3A_1143 : i32
    %add3A_1156 = arith.addi %select_n3A_1154, %select_n3A_1155 : i32
    %shift_right_arithmetic3A_1157 = arith.constant 1 : i32
    %shift_right_arithmetic3A_1158 = arith.shrsi %add3A_1156, %shift_right_arithmetic3A_1157 : i32
    %mul3A_1159 = arith.constant 16 : i32
    %mul3A_1160 = arith.muli %shift_right_arithmetic3A_1158, %mul3A_1159 : i32
    %get3A_1161 = arith.index_cast %mul3A_1160 : i32 to index
    %get3A_1162 = tpu.vector_load %arg5[%get3A_1161] {strides = array<i32>} : memref<128xi32, #tpu.memory_space<vmem>>, vector<16xi32>,
    %slice3A_1163 = vector.extract_strided_slice %get3A_1162 {offsets = [0], sizes = [1], strides = [1]} : vector<16xi32> to vector<1xi32>
    %squeeze3A_1164 = vector.extract %slice3A_1163[0] : i32 from vector<1xi32>
    %lt3A_1165 = arith.constant 10 : i32
    %lt3A_1166 = arith.cmpi slt, %squeeze3A_1164, %lt3A_1165 : i32
    %add3A_1167 = arith.constant 1 : i32
    %add3A_1168 = arith.addi %shift_right_arithmetic3A_1158, %add3A_1167 : i32
    %select_n3A_1169 = arith.select %lt3A_1166, %add3A_1168, %select_n3A_1154 : i32
    %select_n3A_1170 = arith.select %lt3A_1166, %select_n3A_1155, %shift_right_arithmetic3A_1158 : i32
    %sub3A_1171 = arith.constant 1 : i32
    %sub3A_1172 = arith.subi %select_n3A_1169, %sub3A_1171 : i32
    %max3A_1173 = arith.constant 0 : i32
    %max3A_1174 = arith.maxsi %sub3A_1172, %max3A_1173 : i32
    %mul3A_1175 = arith.constant 16 : i32
    %mul3A_1176 = arith.muli %max3A_1174, %mul3A_1175 : i32
    %get3A_1177 = arith.index_cast %mul3A_1176 : i32 to index
    %get3A_1178 = tpu.vector_load %arg5[%get3A_1177] {strides = array<i32>} : memref<128xi32, #tpu.memory_space<vmem>>, vector<16xi32>,
    %lt3A_1179 = arith.constant 10 : i32
    %lt3A_1180 = vector.broadcast %lt3A_1179 : i32 to vector<16xi32>
    %lt3A_1181 = arith.cmpi slt, %get3A_1178, %lt3A_1180 : vector<16xi32>
    %convert_element_type3A_1182 = arith.extui %lt3A_1181 : vector<16xi1> to vector<16xi32>
    %reduce_sum3A_1183 = arith.constant true
    %reduce_sum3A_1184 = vector.broadcast %reduce_sum3A_1183 : i1 to vector<16xi1>
    %reduce_sum3A_1185 = tpu.scan <sum>, %convert_element_type3A_1182 masked %reduce_sum3A_1184 : vector<16xi32>, vector<16xi1> -> vector<16xi32>
    %reduce_sum3A_1186 = vector.extract %reduce_sum3A_1185[15] : i32 from vector<16xi32>
    %mul3A_1187 = arith.constant 16 : i32
    %mul3A_1188 = arith.muli %max3A_1174, %mul3A_1187 : i32
    %add3A_1189 = arith.addi %mul3A_1188, %reduce_sum3A_1186 : i32
    %add3A_1190 = arith.constant 0 : i32
    %add3A_1191 = arith.constant 8 : i32
    %add3A_1192 = arith.addi %add3A_1190, %add3A_1191 : i32
    %shift_right_arithmetic3A_1193 = arith.constant 1 : i32
    %shift_right_arithmetic3A_1194 = arith.shrsi %add3A_1192, %shift_right_arithmetic3A_1193 : i32
    %mul3A_1195 = arith.constant 16 : i32
    %mul3A_1196 = arith.muli %shift_right_arithmetic3A_1194, %mul3A_1195 : i32
    %get3A_1197 = arith.index_cast %mul3A_1196 : i32 to index
    %get3A_1198 = tpu.vector_load %arg5[%get3A_1197] {strides = array<i32>} : memref<128xi32, #tpu.memory_space<vmem>>, vector<16xi32>,
    %slice3A_1199 = vector.extract_strided_slice %get3A_1198 {offsets = [0], sizes = [1], strides = [1]} : vector<16xi32> to vector<1xi32>
    %squeeze3A_1200 = vector.extract %slice3A_1199[0] : i32 from vector<1xi32>
    %lt3A_1201 = arith.constant 11 : i32
    %lt3A_1202 = arith.cmpi slt, %squeeze3A_1200, %lt3A_1201 : i32
    %add3A_1203 = arith.constant 1 : i32
    %add3A_1204 = arith.addi %shift_right_arithmetic3A_1194, %add3A_1203 : i32
    %jit3A_1205 = arith.constant 0 : i32
    %select_n3A_1206 = arith.select %lt3A_1202, %add3A_1204, %jit3A_1205 : i32
    %jit3A_1207 = arith.constant 8 : i32
    %select_n3A_1208 = arith.select %lt3A_1202, %jit3A_1207, %shift_right_arithmetic3A_1194 : i32
    %add3A_1209 = arith.addi %select_n3A_1206, %select_n3A_1208 : i32
    %shift_right_arithmetic3A_1210 = arith.constant 1 : i32
    %shift_right_arithmetic3A_1211 = arith.shrsi %add3A_1209, %shift_right_arithmetic3A_1210 : i32
    %mul3A_1212 = arith.constant 16 : i32
    %mul3A_1213 = arith.muli %shift_right_arithmetic3A_1211, %mul3A_1212 : i32
    %get3A_1214 = arith.index_cast %mul3A_1213 : i32 to index
    %get3A_1215 = tpu.vector_load %arg5[%get3A_1214] {strides = array<i32>} : memref<128xi32, #tpu.memory_space<vmem>>, vector<16xi32>,
    %slice3A_1216 = vector.extract_strided_slice %get3A_1215 {offsets = [0], sizes = [1], strides = [1]} : vector<16xi32> to vector<1xi32>
    %squeeze3A_1217 = vector.extract %slice3A_1216[0] : i32 from vector<1xi32>
    %lt3A_1218 = arith.constant 11 : i32
    %lt3A_1219 = arith.cmpi slt, %squeeze3A_1217, %lt3A_1218 : i32
    %add3A_1220 = arith.constant 1 : i32
    %add3A_1221 = arith.addi %shift_right_arithmetic3A_1211, %add3A_1220 : i32
    %select_n3A_1222 = arith.select %lt3A_1219, %add3A_1221, %select_n3A_1206 : i32
    %select_n3A_1223 = arith.select %lt3A_1219, %select_n3A_1208, %shift_right_arithmetic3A_1211 : i32
    %add3A_1224 = arith.addi %select_n3A_1222, %select_n3A_1223 : i32
    %shift_right_arithmetic3A_1225 = arith.constant 1 : i32
    %shift_right_arithmetic3A_1226 = arith.shrsi %add3A_1224, %shift_right_arithmetic3A_1225 : i32
    %mul3A_1227 = arith.constant 16 : i32
    %mul3A_1228 = arith.muli %shift_right_arithmetic3A_1226, %mul3A_1227 : i32
    %get3A_1229 = arith.index_cast %mul3A_1228 : i32 to index
    %get3A_1230 = tpu.vector_load %arg5[%get3A_1229] {strides = array<i32>} : memref<128xi32, #tpu.memory_space<vmem>>, vector<16xi32>,
    %slice3A_1231 = vector.extract_strided_slice %get3A_1230 {offsets = [0], sizes = [1], strides = [1]} : vector<16xi32> to vector<1xi32>
    %squeeze3A_1232 = vector.extract %slice3A_1231[0] : i32 from vector<1xi32>
    %lt3A_1233 = arith.constant 11 : i32
    %lt3A_1234 = arith.cmpi slt, %squeeze3A_1232, %lt3A_1233 : i32
    %add3A_1235 = arith.constant 1 : i32
    %add3A_1236 = arith.addi %shift_right_arithmetic3A_1226, %add3A_1235 : i32
    %select_n3A_1237 = arith.select %lt3A_1234, %add3A_1236, %select_n3A_1222 : i32
    %select_n3A_1238 = arith.select %lt3A_1234, %select_n3A_1223, %shift_right_arithmetic3A_1226 : i32
    %sub3A_1239 = arith.constant 1 : i32
    %sub3A_1240 = arith.subi %select_n3A_1237, %sub3A_1239 : i32
    %max3A_1241 = arith.constant 0 : i32
    %max3A_1242 = arith.maxsi %sub3A_1240, %max3A_1241 : i32
    %mul3A_1243 = arith.constant 16 : i32
    %mul3A_1244 = arith.muli %max3A_1242, %mul3A_1243 : i32
    %get3A_1245 = arith.index_cast %mul3A_1244 : i32 to index
    %get3A_1246 = tpu.vector_load %arg5[%get3A_1245] {strides = array<i32>} : memref<128xi32, #tpu.memory_space<vmem>>, vector<16xi32>,
    %lt3A_1247 = arith.constant 11 : i32
    %lt3A_1248 = vector.broadcast %lt3A_1247 : i32 to vector<16xi32>
    %lt3A_1249 = arith.cmpi slt, %get3A_1246, %lt3A_1248 : vector<16xi32>
    %convert_element_type3A_1250 = arith.extui %lt3A_1249 : vector<16xi1> to vector<16xi32>
    %reduce_sum3A_1251 = arith.constant true
    %reduce_sum3A_1252 = vector.broadcast %reduce_sum3A_1251 : i1 to vector<16xi1>
    %reduce_sum3A_1253 = tpu.scan <sum>, %convert_element_type3A_1250 masked %reduce_sum3A_1252 : vector<16xi32>, vector<16xi1> -> vector<16xi32>
    %reduce_sum3A_1254 = vector.extract %reduce_sum3A_1253[15] : i32 from vector<16xi32>
    %mul3A_1255 = arith.constant 16 : i32
    %mul3A_1256 = arith.muli %max3A_1242, %mul3A_1255 : i32
    %add3A_1257 = arith.addi %mul3A_1256, %reduce_sum3A_1254 : i32
    %add3A_1258 = arith.constant 0 : i32
    %add3A_1259 = arith.constant 8 : i32
    %add3A_1260 = arith.addi %add3A_1258, %add3A_1259 : i32
    %shift_right_arithmetic3A_1261 = arith.constant 1 : i32
    %shift_right_arithmetic3A_1262 = arith.shrsi %add3A_1260, %shift_right_arithmetic3A_1261 : i32
    %mul3A_1263 = arith.constant 16 : i32
    %mul3A_1264 = arith.muli %shift_right_arithmetic3A_1262, %mul3A_1263 : i32
    %get3A_1265 = arith.index_cast %mul3A_1264 : i32 to index
    %get3A_1266 = tpu.vector_load %arg5[%get3A_1265] {strides = array<i32>} : memref<128xi32, #tpu.memory_space<vmem>>, vector<16xi32>,
    %slice3A_1267 = vector.extract_strided_slice %get3A_1266 {offsets = [0], sizes = [1], strides = [1]} : vector<16xi32> to vector<1xi32>
    %squeeze3A_1268 = vector.extract %slice3A_1267[0] : i32 from vector<1xi32>
    %lt3A_1269 = arith.constant 12 : i32
    %lt3A_1270 = arith.cmpi slt, %squeeze3A_1268, %lt3A_1269 : i32
    %add3A_1271 = arith.constant 1 : i32
    %add3A_1272 = arith.addi %shift_right_arithmetic3A_1262, %add3A_1271 : i32
    %jit3A_1273 = arith.constant 0 : i32
    %select_n3A_1274 = arith.select %lt3A_1270, %add3A_1272, %jit3A_1273 : i32
    %jit3A_1275 = arith.constant 8 : i32
    %select_n3A_1276 = arith.select %lt3A_1270, %jit3A_1275, %shift_right_arithmetic3A_1262 : i32
    %add3A_1277 = arith.addi %select_n3A_1274, %select_n3A_1276 : i32
    %shift_right_arithmetic3A_1278 = arith.constant 1 : i32
    %shift_right_arithmetic3A_1279 = arith.shrsi %add3A_1277, %shift_right_arithmetic3A_1278 : i32
    %mul3A_1280 = arith.constant 16 : i32
    %mul3A_1281 = arith.muli %shift_right_arithmetic3A_1279, %mul3A_1280 : i32
    %get3A_1282 = arith.index_cast %mul3A_1281 : i32 to index
    %get3A_1283 = tpu.vector_load %arg5[%get3A_1282] {strides = array<i32>} : memref<128xi32, #tpu.memory_space<vmem>>, vector<16xi32>,
    %slice3A_1284 = vector.extract_strided_slice %get3A_1283 {offsets = [0], sizes = [1], strides = [1]} : vector<16xi32> to vector<1xi32>
    %squeeze3A_1285 = vector.extract %slice3A_1284[0] : i32 from vector<1xi32>
    %lt3A_1286 = arith.constant 12 : i32
    %lt3A_1287 = arith.cmpi slt, %squeeze3A_1285, %lt3A_1286 : i32
    %add3A_1288 = arith.constant 1 : i32
    %add3A_1289 = arith.addi %shift_right_arithmetic3A_1279, %add3A_1288 : i32
    %select_n3A_1290 = arith.select %lt3A_1287, %add3A_1289, %select_n3A_1274 : i32
    %select_n3A_1291 = arith.select %lt3A_1287, %select_n3A_1276, %shift_right_arithmetic3A_1279 : i32
    %add3A_1292 = arith.addi %select_n3A_1290, %select_n3A_1291 : i32
    %shift_right_arithmetic3A_1293 = arith.constant 1 : i32
    %shift_right_arithmetic3A_1294 = arith.shrsi %add3A_1292, %shift_right_arithmetic3A_1293 : i32
    %mul3A_1295 = arith.constant 16 : i32
    %mul3A_1296 = arith.muli %shift_right_arithmetic3A_1294, %mul3A_1295 : i32
    %get3A_1297 = arith.index_cast %mul3A_1296 : i32 to index
    %get3A_1298 = tpu.vector_load %arg5[%get3A_1297] {strides = array<i32>} : memref<128xi32, #tpu.memory_space<vmem>>, vector<16xi32>,
    %slice3A_1299 = vector.extract_strided_slice %get3A_1298 {offsets = [0], sizes = [1], strides = [1]} : vector<16xi32> to vector<1xi32>
    %squeeze3A_1300 = vector.extract %slice3A_1299[0] : i32 from vector<1xi32>
    %lt3A_1301 = arith.constant 12 : i32
    %lt3A_1302 = arith.cmpi slt, %squeeze3A_1300, %lt3A_1301 : i32
    %add3A_1303 = arith.constant 1 : i32
    %add3A_1304 = arith.addi %shift_right_arithmetic3A_1294, %add3A_1303 : i32
    %select_n3A_1305 = arith.select %lt3A_1302, %add3A_1304, %select_n3A_1290 : i32
    %select_n3A_1306 = arith.select %lt3A_1302, %select_n3A_1291, %shift_right_arithmetic3A_1294 : i32
    %sub3A_1307 = arith.constant 1 : i32
    %sub3A_1308 = arith.subi %select_n3A_1305, %sub3A_1307 : i32
    %max3A_1309 = arith.constant 0 : i32
    %max3A_1310 = arith.maxsi %sub3A_1308, %max3A_1309 : i32
    %mul3A_1311 = arith.constant 16 : i32
    %mul3A_1312 = arith.muli %max3A_1310, %mul3A_1311 : i32
    %get3A_1313 = arith.index_cast %mul3A_1312 : i32 to index
    %get3A_1314 = tpu.vector_load %arg5[%get3A_1313] {strides = array<i32>} : memref<128xi32, #tpu.memory_space<vmem>>, vector<16xi32>,
    %lt3A_1315 = arith.constant 12 : i32
    %lt3A_1316 = vector.broadcast %lt3A_1315 : i32 to vector<16xi32>
    %lt3A_1317 = arith.cmpi slt, %get3A_1314, %lt3A_1316 : vector<16xi32>
    %convert_element_type3A_1318 = arith.extui %lt3A_1317 : vector<16xi1> to vector<16xi32>
    %reduce_sum3A_1319 = arith.constant true
    %reduce_sum3A_1320 = vector.broadcast %reduce_sum3A_1319 : i1 to vector<16xi1>
    %reduce_sum3A_1321 = tpu.scan <sum>, %convert_element_type3A_1318 masked %reduce_sum3A_1320 : vector<16xi32>, vector<16xi1> -> vector<16xi32>
    %reduce_sum3A_1322 = vector.extract %reduce_sum3A_1321[15] : i32 from vector<16xi32>
    %mul3A_1323 = arith.constant 16 : i32
    %mul3A_1324 = arith.muli %max3A_1310, %mul3A_1323 : i32
    %add3A_1325 = arith.addi %mul3A_1324, %reduce_sum3A_1322 : i32
    %add3A_1326 = arith.constant 0 : i32
    %add3A_1327 = arith.constant 8 : i32
    %add3A_1328 = arith.addi %add3A_1326, %add3A_1327 : i32
    %shift_right_arithmetic3A_1329 = arith.constant 1 : i32
    %shift_right_arithmetic3A_1330 = arith.shrsi %add3A_1328, %shift_right_arithmetic3A_1329 : i32
    %mul3A_1331 = arith.constant 16 : i32
    %mul3A_1332 = arith.muli %shift_right_arithmetic3A_1330, %mul3A_1331 : i32
    %get3A_1333 = arith.index_cast %mul3A_1332 : i32 to index
    %get3A_1334 = tpu.vector_load %arg5[%get3A_1333] {strides = array<i32>} : memref<128xi32, #tpu.memory_space<vmem>>, vector<16xi32>,
    %slice3A_1335 = vector.extract_strided_slice %get3A_1334 {offsets = [0], sizes = [1], strides = [1]} : vector<16xi32> to vector<1xi32>
    %squeeze3A_1336 = vector.extract %slice3A_1335[0] : i32 from vector<1xi32>
    %lt3A_1337 = arith.constant 13 : i32
    %lt3A_1338 = arith.cmpi slt, %squeeze3A_1336, %lt3A_1337 : i32
    %add3A_1339 = arith.constant 1 : i32
    %add3A_1340 = arith.addi %shift_right_arithmetic3A_1330, %add3A_1339 : i32
    %jit3A_1341 = arith.constant 0 : i32
    %select_n3A_1342 = arith.select %lt3A_1338, %add3A_1340, %jit3A_1341 : i32
    %jit3A_1343 = arith.constant 8 : i32
    %select_n3A_1344 = arith.select %lt3A_1338, %jit3A_1343, %shift_right_arithmetic3A_1330 : i32
    %add3A_1345 = arith.addi %select_n3A_1342, %select_n3A_1344 : i32
    %shift_right_arithmetic3A_1346 = arith.constant 1 : i32
    %shift_right_arithmetic3A_1347 = arith.shrsi %add3A_1345, %shift_right_arithmetic3A_1346 : i32
    %mul3A_1348 = arith.constant 16 : i32
    %mul3A_1349 = arith.muli %shift_right_arithmetic3A_1347, %mul3A_1348 : i32
    %get3A_1350 = arith.index_cast %mul3A_1349 : i32 to index
    %get3A_1351 = tpu.vector_load %arg5[%get3A_1350] {strides = array<i32>} : memref<128xi32, #tpu.memory_space<vmem>>, vector<16xi32>,
    %slice3A_1352 = vector.extract_strided_slice %get3A_1351 {offsets = [0], sizes = [1], strides = [1]} : vector<16xi32> to vector<1xi32>
    %squeeze3A_1353 = vector.extract %slice3A_1352[0] : i32 from vector<1xi32>
    %lt3A_1354 = arith.constant 13 : i32
    %lt3A_1355 = arith.cmpi slt, %squeeze3A_1353, %lt3A_1354 : i32
    %add3A_1356 = arith.constant 1 : i32
    %add3A_1357 = arith.addi %shift_right_arithmetic3A_1347, %add3A_1356 : i32
    %select_n3A_1358 = arith.select %lt3A_1355, %add3A_1357, %select_n3A_1342 : i32
    %select_n3A_1359 = arith.select %lt3A_1355, %select_n3A_1344, %shift_right_arithmetic3A_1347 : i32
    %add3A_1360 = arith.addi %select_n3A_1358, %select_n3A_1359 : i32
    %shift_right_arithmetic3A_1361 = arith.constant 1 : i32
    %shift_right_arithmetic3A_1362 = arith.shrsi %add3A_1360, %shift_right_arithmetic3A_1361 : i32
    %mul3A_1363 = arith.constant 16 : i32
    %mul3A_1364 = arith.muli %shift_right_arithmetic3A_1362, %mul3A_1363 : i32
    %get3A_1365 = arith.index_cast %mul3A_1364 : i32 to index
    %get3A_1366 = tpu.vector_load %arg5[%get3A_1365] {strides = array<i32>} : memref<128xi32, #tpu.memory_space<vmem>>, vector<16xi32>,
    %slice3A_1367 = vector.extract_strided_slice %get3A_1366 {offsets = [0], sizes = [1], strides = [1]} : vector<16xi32> to vector<1xi32>
    %squeeze3A_1368 = vector.extract %slice3A_1367[0] : i32 from vector<1xi32>
    %lt3A_1369 = arith.constant 13 : i32
    %lt3A_1370 = arith.cmpi slt, %squeeze3A_1368, %lt3A_1369 : i32
    %add3A_1371 = arith.constant 1 : i32
    %add3A_1372 = arith.addi %shift_right_arithmetic3A_1362, %add3A_1371 : i32
    %select_n3A_1373 = arith.select %lt3A_1370, %add3A_1372, %select_n3A_1358 : i32
    %select_n3A_1374 = arith.select %lt3A_1370, %select_n3A_1359, %shift_right_arithmetic3A_1362 : i32
    %sub3A_1375 = arith.constant 1 : i32
    %sub3A_1376 = arith.subi %select_n3A_1373, %sub3A_1375 : i32
    %max3A_1377 = arith.constant 0 : i32
    %max3A_1378 = arith.maxsi %sub3A_1376, %max3A_1377 : i32
    %mul3A_1379 = arith.constant 16 : i32
    %mul3A_1380 = arith.muli %max3A_1378, %mul3A_1379 : i32
    %get3A_1381 = arith.index_cast %mul3A_1380 : i32 to index
    %get3A_1382 = tpu.vector_load %arg5[%get3A_1381] {strides = array<i32>} : memref<128xi32, #tpu.memory_space<vmem>>, vector<16xi32>,
    %lt3A_1383 = arith.constant 13 : i32
    %lt3A_1384 = vector.broadcast %lt3A_1383 : i32 to vector<16xi32>
    %lt3A_1385 = arith.cmpi slt, %get3A_1382, %lt3A_1384 : vector<16xi32>
    %convert_element_type3A_1386 = arith.extui %lt3A_1385 : vector<16xi1> to vector<16xi32>
    %reduce_sum3A_1387 = arith.constant true
    %reduce_sum3A_1388 = vector.broadcast %reduce_sum3A_1387 : i1 to vector<16xi1>
    %reduce_sum3A_1389 = tpu.scan <sum>, %convert_element_type3A_1386 masked %reduce_sum3A_1388 : vector<16xi32>, vector<16xi1> -> vector<16xi32>
    %reduce_sum3A_1390 = vector.extract %reduce_sum3A_1389[15] : i32 from vector<16xi32>
    %mul3A_1391 = arith.constant 16 : i32
    %mul3A_1392 = arith.muli %max3A_1378, %mul3A_1391 : i32
    %add3A_1393 = arith.addi %mul3A_1392, %reduce_sum3A_1390 : i32
    %add3A_1394 = arith.constant 0 : i32
    %add3A_1395 = arith.constant 8 : i32
    %add3A_1396 = arith.addi %add3A_1394, %add3A_1395 : i32
    %shift_right_arithmetic3A_1397 = arith.constant 1 : i32
    %shift_right_arithmetic3A_1398 = arith.shrsi %add3A_1396, %shift_right_arithmetic3A_1397 : i32
    %mul3A_1399 = arith.constant 16 : i32
    %mul3A_1400 = arith.muli %shift_right_arithmetic3A_1398, %mul3A_1399 : i32
    %get3A_1401 = arith.index_cast %mul3A_1400 : i32 to index
    %get3A_1402 = tpu.vector_load %arg5[%get3A_1401] {strides = array<i32>} : memref<128xi32, #tpu.memory_space<vmem>>, vector<16xi32>,
    %slice3A_1403 = vector.extract_strided_slice %get3A_1402 {offsets = [0], sizes = [1], strides = [1]} : vector<16xi32> to vector<1xi32>
    %squeeze3A_1404 = vector.extract %slice3A_1403[0] : i32 from vector<1xi32>
    %lt3A_1405 = arith.constant 14 : i32
    %lt3A_1406 = arith.cmpi slt, %squeeze3A_1404, %lt3A_1405 : i32
    %add3A_1407 = arith.constant 1 : i32
    %add3A_1408 = arith.addi %shift_right_arithmetic3A_1398, %add3A_1407 : i32
    %jit3A_1409 = arith.constant 0 : i32
    %select_n3A_1410 = arith.select %lt3A_1406, %add3A_1408, %jit3A_1409 : i32
    %jit3A_1411 = arith.constant 8 : i32
    %select_n3A_1412 = arith.select %lt3A_1406, %jit3A_1411, %shift_right_arithmetic3A_1398 : i32
    %add3A_1413 = arith.addi %select_n3A_1410, %select_n3A_1412 : i32
    %shift_right_arithmetic3A_1414 = arith.constant 1 : i32
    %shift_right_arithmetic3A_1415 = arith.shrsi %add3A_1413, %shift_right_arithmetic3A_1414 : i32
    %mul3A_1416 = arith.constant 16 : i32
    %mul3A_1417 = arith.muli %shift_right_arithmetic3A_1415, %mul3A_1416 : i32
    %get3A_1418 = arith.index_cast %mul3A_1417 : i32 to index
    %get3A_1419 = tpu.vector_load %arg5[%get3A_1418] {strides = array<i32>} : memref<128xi32, #tpu.memory_space<vmem>>, vector<16xi32>,
    %slice3A_1420 = vector.extract_strided_slice %get3A_1419 {offsets = [0], sizes = [1], strides = [1]} : vector<16xi32> to vector<1xi32>
    %squeeze3A_1421 = vector.extract %slice3A_1420[0] : i32 from vector<1xi32>
    %lt3A_1422 = arith.constant 14 : i32
    %lt3A_1423 = arith.cmpi slt, %squeeze3A_1421, %lt3A_1422 : i32
    %add3A_1424 = arith.constant 1 : i32
    %add3A_1425 = arith.addi %shift_right_arithmetic3A_1415, %add3A_1424 : i32
    %select_n3A_1426 = arith.select %lt3A_1423, %add3A_1425, %select_n3A_1410 : i32
    %select_n3A_1427 = arith.select %lt3A_1423, %select_n3A_1412, %shift_right_arithmetic3A_1415 : i32
    %add3A_1428 = arith.addi %select_n3A_1426, %select_n3A_1427 : i32
    %shift_right_arithmetic3A_1429 = arith.constant 1 : i32
    %shift_right_arithmetic3A_1430 = arith.shrsi %add3A_1428, %shift_right_arithmetic3A_1429 : i32
    %mul3A_1431 = arith.constant 16 : i32
    %mul3A_1432 = arith.muli %shift_right_arithmetic3A_1430, %mul3A_1431 : i32
    %get3A_1433 = arith.index_cast %mul3A_1432 : i32 to index
    %get3A_1434 = tpu.vector_load %arg5[%get3A_1433] {strides = array<i32>} : memref<128xi32, #tpu.memory_space<vmem>>, vector<16xi32>,
    %slice3A_1435 = vector.extract_strided_slice %get3A_1434 {offsets = [0], sizes = [1], strides = [1]} : vector<16xi32> to vector<1xi32>
    %squeeze3A_1436 = vector.extract %slice3A_1435[0] : i32 from vector<1xi32>
    %lt3A_1437 = arith.constant 14 : i32
    %lt3A_1438 = arith.cmpi slt, %squeeze3A_1436, %lt3A_1437 : i32
    %add3A_1439 = arith.constant 1 : i32
    %add3A_1440 = arith.addi %shift_right_arithmetic3A_1430, %add3A_1439 : i32
    %select_n3A_1441 = arith.select %lt3A_1438, %add3A_1440, %select_n3A_1426 : i32
    %select_n3A_1442 = arith.select %lt3A_1438, %select_n3A_1427, %shift_right_arithmetic3A_1430 : i32
    %sub3A_1443 = arith.constant 1 : i32
    %sub3A_1444 = arith.subi %select_n3A_1441, %sub3A_1443 : i32
    %max3A_1445 = arith.constant 0 : i32
    %max3A_1446 = arith.maxsi %sub3A_1444, %max3A_1445 : i32
    %mul3A_1447 = arith.constant 16 : i32
    %mul3A_1448 = arith.muli %max3A_1446, %mul3A_1447 : i32
    %get3A_1449 = arith.index_cast %mul3A_1448 : i32 to index
    %get3A_1450 = tpu.vector_load %arg5[%get3A_1449] {strides = array<i32>} : memref<128xi32, #tpu.memory_space<vmem>>, vector<16xi32>,
    %lt3A_1451 = arith.constant 14 : i32
    %lt3A_1452 = vector.broadcast %lt3A_1451 : i32 to vector<16xi32>
    %lt3A_1453 = arith.cmpi slt, %get3A_1450, %lt3A_1452 : vector<16xi32>
    %convert_element_type3A_1454 = arith.extui %lt3A_1453 : vector<16xi1> to vector<16xi32>
    %reduce_sum3A_1455 = arith.constant true
    %reduce_sum3A_1456 = vector.broadcast %reduce_sum3A_1455 : i1 to vector<16xi1>
    %reduce_sum3A_1457 = tpu.scan <sum>, %convert_element_type3A_1454 masked %reduce_sum3A_1456 : vector<16xi32>, vector<16xi1> -> vector<16xi32>
    %reduce_sum3A_1458 = vector.extract %reduce_sum3A_1457[15] : i32 from vector<16xi32>
    %mul3A_1459 = arith.constant 16 : i32
    %mul3A_1460 = arith.muli %max3A_1446, %mul3A_1459 : i32
    %add3A_1461 = arith.addi %mul3A_1460, %reduce_sum3A_1458 : i32
    %add3A_1462 = arith.constant 0 : i32
    %add3A_1463 = arith.constant 8 : i32
    %add3A_1464 = arith.addi %add3A_1462, %add3A_1463 : i32
    %shift_right_arithmetic3A_1465 = arith.constant 1 : i32
    %shift_right_arithmetic3A_1466 = arith.shrsi %add3A_1464, %shift_right_arithmetic3A_1465 : i32
    %mul3A_1467 = arith.constant 16 : i32
    %mul3A_1468 = arith.muli %shift_right_arithmetic3A_1466, %mul3A_1467 : i32
    %get3A_1469 = arith.index_cast %mul3A_1468 : i32 to index
    %get3A_1470 = tpu.vector_load %arg5[%get3A_1469] {strides = array<i32>} : memref<128xi32, #tpu.memory_space<vmem>>, vector<16xi32>,
    %slice3A_1471 = vector.extract_strided_slice %get3A_1470 {offsets = [0], sizes = [1], strides = [1]} : vector<16xi32> to vector<1xi32>
    %squeeze3A_1472 = vector.extract %slice3A_1471[0] : i32 from vector<1xi32>
    %lt3A_1473 = arith.constant 15 : i32
    %lt3A_1474 = arith.cmpi slt, %squeeze3A_1472, %lt3A_1473 : i32
    %add3A_1475 = arith.constant 1 : i32
    %add3A_1476 = arith.addi %shift_right_arithmetic3A_1466, %add3A_1475 : i32
    %jit3A_1477 = arith.constant 0 : i32
    %select_n3A_1478 = arith.select %lt3A_1474, %add3A_1476, %jit3A_1477 : i32
    %jit3A_1479 = arith.constant 8 : i32
    %select_n3A_1480 = arith.select %lt3A_1474, %jit3A_1479, %shift_right_arithmetic3A_1466 : i32
    %add3A_1481 = arith.addi %select_n3A_1478, %select_n3A_1480 : i32
    %shift_right_arithmetic3A_1482 = arith.constant 1 : i32
    %shift_right_arithmetic3A_1483 = arith.shrsi %add3A_1481, %shift_right_arithmetic3A_1482 : i32
    %mul3A_1484 = arith.constant 16 : i32
    %mul3A_1485 = arith.muli %shift_right_arithmetic3A_1483, %mul3A_1484 : i32
    %get3A_1486 = arith.index_cast %mul3A_1485 : i32 to index
    %get3A_1487 = tpu.vector_load %arg5[%get3A_1486] {strides = array<i32>} : memref<128xi32, #tpu.memory_space<vmem>>, vector<16xi32>,
    %slice3A_1488 = vector.extract_strided_slice %get3A_1487 {offsets = [0], sizes = [1], strides = [1]} : vector<16xi32> to vector<1xi32>
    %squeeze3A_1489 = vector.extract %slice3A_1488[0] : i32 from vector<1xi32>
    %lt3A_1490 = arith.constant 15 : i32
    %lt3A_1491 = arith.cmpi slt, %squeeze3A_1489, %lt3A_1490 : i32
    %add3A_1492 = arith.constant 1 : i32
    %add3A_1493 = arith.addi %shift_right_arithmetic3A_1483, %add3A_1492 : i32
    %select_n3A_1494 = arith.select %lt3A_1491, %add3A_1493, %select_n3A_1478 : i32
    %select_n3A_1495 = arith.select %lt3A_1491, %select_n3A_1480, %shift_right_arithmetic3A_1483 : i32
    %add3A_1496 = arith.addi %select_n3A_1494, %select_n3A_1495 : i32
    %shift_right_arithmetic3A_1497 = arith.constant 1 : i32
    %shift_right_arithmetic3A_1498 = arith.shrsi %add3A_1496, %shift_right_arithmetic3A_1497 : i32
    %mul3A_1499 = arith.constant 16 : i32
    %mul3A_1500 = arith.muli %shift_right_arithmetic3A_1498, %mul3A_1499 : i32
    %get3A_1501 = arith.index_cast %mul3A_1500 : i32 to index
    %get3A_1502 = tpu.vector_load %arg5[%get3A_1501] {strides = array<i32>} : memref<128xi32, #tpu.memory_space<vmem>>, vector<16xi32>,
    %slice3A_1503 = vector.extract_strided_slice %get3A_1502 {offsets = [0], sizes = [1], strides = [1]} : vector<16xi32> to vector<1xi32>
    %squeeze3A_1504 = vector.extract %slice3A_1503[0] : i32 from vector<1xi32>
    %lt3A_1505 = arith.constant 15 : i32
    %lt3A_1506 = arith.cmpi slt, %squeeze3A_1504, %lt3A_1505 : i32
    %add3A_1507 = arith.constant 1 : i32
    %add3A_1508 = arith.addi %shift_right_arithmetic3A_1498, %add3A_1507 : i32
    %select_n3A_1509 = arith.select %lt3A_1506, %add3A_1508, %select_n3A_1494 : i32
    %select_n3A_1510 = arith.select %lt3A_1506, %select_n3A_1495, %shift_right_arithmetic3A_1498 : i32
    %sub3A_1511 = arith.constant 1 : i32
    %sub3A_1512 = arith.subi %select_n3A_1509, %sub3A_1511 : i32
    %max3A_1513 = arith.constant 0 : i32
    %max3A_1514 = arith.maxsi %sub3A_1512, %max3A_1513 : i32
    %mul3A_1515 = arith.constant 16 : i32
    %mul3A_1516 = arith.muli %max3A_1514, %mul3A_1515 : i32
    %get3A_1517 = arith.index_cast %mul3A_1516 : i32 to index
    %get3A_1518 = tpu.vector_load %arg5[%get3A_1517] {strides = array<i32>} : memref<128xi32, #tpu.memory_space<vmem>>, vector<16xi32>,
    %lt3A_1519 = arith.constant 15 : i32
    %lt3A_1520 = vector.broadcast %lt3A_1519 : i32 to vector<16xi32>
    %lt3A_1521 = arith.cmpi slt, %get3A_1518, %lt3A_1520 : vector<16xi32>
    %convert_element_type3A_1522 = arith.extui %lt3A_1521 : vector<16xi1> to vector<16xi32>
    %reduce_sum3A_1523 = arith.constant true
    %reduce_sum3A_1524 = vector.broadcast %reduce_sum3A_1523 : i1 to vector<16xi1>
    %reduce_sum3A_1525 = tpu.scan <sum>, %convert_element_type3A_1522 masked %reduce_sum3A_1524 : vector<16xi32>, vector<16xi1> -> vector<16xi32>
    %reduce_sum3A_1526 = vector.extract %reduce_sum3A_1525[15] : i32 from vector<16xi32>
    %mul3A_1527 = arith.constant 16 : i32
    %mul3A_1528 = arith.muli %max3A_1514, %mul3A_1527 : i32
    %add3A_1529 = arith.addi %mul3A_1528, %reduce_sum3A_1526 : i32
    %sub3A_1530 = arith.constant 0 : i32
    %sub3A_1531 = arith.subi %add3A_577, %sub3A_1530 : i32
    %convert_element_type3A_1532 = arith.sitofp %sub3A_1531 : i32 to f32
    %broadcast_in_dim3A_1533 = arith.constant 1.000000e+00 : f32
    %broadcast_in_dim3A_1534 = vector.broadcast %broadcast_in_dim3A_1533 : f32 to vector<16xf32>
    %mul3A_1535 = vector.broadcast %convert_element_type3A_1532 : f32 to vector<16xf32>
    %mul3A_1536 = arith.mulf %broadcast_in_dim3A_1534, %mul3A_1535 : vector<16xf32>
    %swap3A_1537 = arith.constant 0 : i32
    %swap3A_1538 = arith.index_cast %swap3A_1537 : i32 to index
    %swap3A_1539 = arith.constant 128 : index
    %swap3A_1540 = tpu.vector_load %arg8[%swap3A_1538, %swap3A_1539] {strides = array<i32>} : memref<16x144xf32, #tpu.memory_space<vmem>>, vector<16xf32>,
    tpu.vector_store %arg8[%swap3A_1538, %swap3A_1539], %mul3A_1536 {strides = array<i32>} : memref<16x144xf32, #tpu.memory_space<vmem>>, vector<16xf32>,
    %sub3A_1541 = arith.subi %add3A_645, %add3A_577 : i32
    %convert_element_type3A_1542 = arith.sitofp %sub3A_1541 : i32 to f32
    %broadcast_in_dim3A_1543 = arith.constant 1.000000e+00 : f32
    %broadcast_in_dim3A_1544 = vector.broadcast %broadcast_in_dim3A_1543 : f32 to vector<16xf32>
    %mul3A_1545 = vector.broadcast %convert_element_type3A_1542 : f32 to vector<16xf32>
    %mul3A_1546 = arith.mulf %broadcast_in_dim3A_1544, %mul3A_1545 : vector<16xf32>
    %swap3A_1547 = arith.constant 1 : i32
    %swap3A_1548 = arith.index_cast %swap3A_1547 : i32 to index
    %swap3A_1549 = arith.constant 128 : index
    %swap3A_1550 = tpu.vector_load %arg8[%swap3A_1548, %swap3A_1549] {strides = array<i32>} : memref<16x144xf32, #tpu.memory_space<vmem>>, vector<16xf32>,
    tpu.vector_store %arg8[%swap3A_1548, %swap3A_1549], %mul3A_1546 {strides = array<i32>} : memref<16x144xf32, #tpu.memory_space<vmem>>, vector<16xf32>,
    %sub3A_1551 = arith.subi %add3A_713, %add3A_645 : i32
    %convert_element_type3A_1552 = arith.sitofp %sub3A_1551 : i32 to f32
    %broadcast_in_dim3A_1553 = arith.constant 1.000000e+00 : f32
    %broadcast_in_dim3A_1554 = vector.broadcast %broadcast_in_dim3A_1553 : f32 to vector<16xf32>
    %mul3A_1555 = vector.broadcast %convert_element_type3A_1552 : f32 to vector<16xf32>
    %mul3A_1556 = arith.mulf %broadcast_in_dim3A_1554, %mul3A_1555 : vector<16xf32>
    %swap3A_1557 = arith.constant 2 : i32
    %swap3A_1558 = arith.index_cast %swap3A_1557 : i32 to index
    %swap3A_1559 = arith.constant 128 : index
    %swap3A_1560 = tpu.vector_load %arg8[%swap3A_1558, %swap3A_1559] {strides = array<i32>} : memref<16x144xf32, #tpu.memory_space<vmem>>, vector<16xf32>,
    tpu.vector_store %arg8[%swap3A_1558, %swap3A_1559], %mul3A_1556 {strides = array<i32>} : memref<16x144xf32, #tpu.memory_space<vmem>>, vector<16xf32>,
    %sub3A_1561 = arith.subi %add3A_781, %add3A_713 : i32
    %convert_element_type3A_1562 = arith.sitofp %sub3A_1561 : i32 to f32
    %broadcast_in_dim3A_1563 = arith.constant 1.000000e+00 : f32
    %broadcast_in_dim3A_1564 = vector.broadcast %broadcast_in_dim3A_1563 : f32 to vector<16xf32>
    %mul3A_1565 = vector.broadcast %convert_element_type3A_1562 : f32 to vector<16xf32>
    %mul3A_1566 = arith.mulf %broadcast_in_dim3A_1564, %mul3A_1565 : vector<16xf32>
    %swap3A_1567 = arith.constant 3 : i32
    %swap3A_1568 = arith.index_cast %swap3A_1567 : i32 to index
    %swap3A_1569 = arith.constant 128 : index
    %swap3A_1570 = tpu.vector_load %arg8[%swap3A_1568, %swap3A_1569] {strides = array<i32>} : memref<16x144xf32, #tpu.memory_space<vmem>>, vector<16xf32>,
    tpu.vector_store %arg8[%swap3A_1568, %swap3A_1569], %mul3A_1566 {strides = array<i32>} : memref<16x144xf32, #tpu.memory_space<vmem>>, vector<16xf32>,
    %sub3A_1571 = arith.subi %add3A_849, %add3A_781 : i32
    %convert_element_type3A_1572 = arith.sitofp %sub3A_1571 : i32 to f32
    %broadcast_in_dim3A_1573 = arith.constant 1.000000e+00 : f32
    %broadcast_in_dim3A_1574 = vector.broadcast %broadcast_in_dim3A_1573 : f32 to vector<16xf32>
    %mul3A_1575 = vector.broadcast %convert_element_type3A_1572 : f32 to vector<16xf32>
    %mul3A_1576 = arith.mulf %broadcast_in_dim3A_1574, %mul3A_1575 : vector<16xf32>
    %swap3A_1577 = arith.constant 4 : i32
    %swap3A_1578 = arith.index_cast %swap3A_1577 : i32 to index
    %swap3A_1579 = arith.constant 128 : index
    %swap3A_1580 = tpu.vector_load %arg8[%swap3A_1578, %swap3A_1579] {strides = array<i32>} : memref<16x144xf32, #tpu.memory_space<vmem>>, vector<16xf32>,
    tpu.vector_store %arg8[%swap3A_1578, %swap3A_1579], %mul3A_1576 {strides = array<i32>} : memref<16x144xf32, #tpu.memory_space<vmem>>, vector<16xf32>,
    %sub3A_1581 = arith.subi %add3A_917, %add3A_849 : i32
    %convert_element_type3A_1582 = arith.sitofp %sub3A_1581 : i32 to f32
    %broadcast_in_dim3A_1583 = arith.constant 1.000000e+00 : f32
    %broadcast_in_dim3A_1584 = vector.broadcast %broadcast_in_dim3A_1583 : f32 to vector<16xf32>
    %mul3A_1585 = vector.broadcast %convert_element_type3A_1582 : f32 to vector<16xf32>
    %mul3A_1586 = arith.mulf %broadcast_in_dim3A_1584, %mul3A_1585 : vector<16xf32>
    %swap3A_1587 = arith.constant 5 : i32
    %swap3A_1588 = arith.index_cast %swap3A_1587 : i32 to index
    %swap3A_1589 = arith.constant 128 : index
    %swap3A_1590 = tpu.vector_load %arg8[%swap3A_1588, %swap3A_1589] {strides = array<i32>} : memref<16x144xf32, #tpu.memory_space<vmem>>, vector<16xf32>,
    tpu.vector_store %arg8[%swap3A_1588, %swap3A_1589], %mul3A_1586 {strides = array<i32>} : memref<16x144xf32, #tpu.memory_space<vmem>>, vector<16xf32>,
    %sub3A_1591 = arith.subi %add3A_985, %add3A_917 : i32
    %convert_element_type3A_1592 = arith.sitofp %sub3A_1591 : i32 to f32
    %broadcast_in_dim3A_1593 = arith.constant 1.000000e+00 : f32
    %broadcast_in_dim3A_1594 = vector.broadcast %broadcast_in_dim3A_1593 : f32 to vector<16xf32>
    %mul3A_1595 = vector.broadcast %convert_element_type3A_1592 : f32 to vector<16xf32>
    %mul3A_1596 = arith.mulf %broadcast_in_dim3A_1594, %mul3A_1595 : vector<16xf32>
    %swap3A_1597 = arith.constant 6 : i32
    %swap3A_1598 = arith.index_cast %swap3A_1597 : i32 to index
    %swap3A_1599 = arith.constant 128 : index
    %swap3A_1600 = tpu.vector_load %arg8[%swap3A_1598, %swap3A_1599] {strides = array<i32>} : memref<16x144xf32, #tpu.memory_space<vmem>>, vector<16xf32>,
    tpu.vector_store %arg8[%swap3A_1598, %swap3A_1599], %mul3A_1596 {strides = array<i32>} : memref<16x144xf32, #tpu.memory_space<vmem>>, vector<16xf32>,
    %sub3A_1601 = arith.subi %add3A_1053, %add3A_985 : i32
    %convert_element_type3A_1602 = arith.sitofp %sub3A_1601 : i32 to f32
    %broadcast_in_dim3A_1603 = arith.constant 1.000000e+00 : f32
    %broadcast_in_dim3A_1604 = vector.broadcast %broadcast_in_dim3A_1603 : f32 to vector<16xf32>
    %mul3A_1605 = vector.broadcast %convert_element_type3A_1602 : f32 to vector<16xf32>
    %mul3A_1606 = arith.mulf %broadcast_in_dim3A_1604, %mul3A_1605 : vector<16xf32>
    %swap3A_1607 = arith.constant 7 : i32
    %swap3A_1608 = arith.index_cast %swap3A_1607 : i32 to index
    %swap3A_1609 = arith.constant 128 : index
    %swap3A_1610 = tpu.vector_load %arg8[%swap3A_1608, %swap3A_1609] {strides = array<i32>} : memref<16x144xf32, #tpu.memory_space<vmem>>, vector<16xf32>,
    tpu.vector_store %arg8[%swap3A_1608, %swap3A_1609], %mul3A_1606 {strides = array<i32>} : memref<16x144xf32, #tpu.memory_space<vmem>>, vector<16xf32>,
    %sub3A_1611 = arith.subi %add3A_1121, %add3A_1053 : i32
    %convert_element_type3A_1612 = arith.sitofp %sub3A_1611 : i32 to f32
    %broadcast_in_dim3A_1613 = arith.constant 1.000000e+00 : f32
    %broadcast_in_dim3A_1614 = vector.broadcast %broadcast_in_dim3A_1613 : f32 to vector<16xf32>
    %mul3A_1615 = vector.broadcast %convert_element_type3A_1612 : f32 to vector<16xf32>
    %mul3A_1616 = arith.mulf %broadcast_in_dim3A_1614, %mul3A_1615 : vector<16xf32>
    %swap3A_1617 = arith.constant 8 : i32
    %swap3A_1618 = arith.index_cast %swap3A_1617 : i32 to index
    %swap3A_1619 = arith.constant 128 : index
    %swap3A_1620 = tpu.vector_load %arg8[%swap3A_1618, %swap3A_1619] {strides = array<i32>} : memref<16x144xf32, #tpu.memory_space<vmem>>, vector<16xf32>,
    tpu.vector_store %arg8[%swap3A_1618, %swap3A_1619], %mul3A_1616 {strides = array<i32>} : memref<16x144xf32, #tpu.memory_space<vmem>>, vector<16xf32>,
    %sub3A_1621 = arith.subi %add3A_1189, %add3A_1121 : i32
    %convert_element_type3A_1622 = arith.sitofp %sub3A_1621 : i32 to f32
    %broadcast_in_dim3A_1623 = arith.constant 1.000000e+00 : f32
    %broadcast_in_dim3A_1624 = vector.broadcast %broadcast_in_dim3A_1623 : f32 to vector<16xf32>
    %mul3A_1625 = vector.broadcast %convert_element_type3A_1622 : f32 to vector<16xf32>
    %mul3A_1626 = arith.mulf %broadcast_in_dim3A_1624, %mul3A_1625 : vector<16xf32>
    %swap3A_1627 = arith.constant 9 : i32
    %swap3A_1628 = arith.index_cast %swap3A_1627 : i32 to index
    %swap3A_1629 = arith.constant 128 : index
    %swap3A_1630 = tpu.vector_load %arg8[%swap3A_1628, %swap3A_1629] {strides = array<i32>} : memref<16x144xf32, #tpu.memory_space<vmem>>, vector<16xf32>,
    tpu.vector_store %arg8[%swap3A_1628, %swap3A_1629], %mul3A_1626 {strides = array<i32>} : memref<16x144xf32, #tpu.memory_space<vmem>>, vector<16xf32>,
    %sub3A_1631 = arith.subi %add3A_1257, %add3A_1189 : i32
    %convert_element_type3A_1632 = arith.sitofp %sub3A_1631 : i32 to f32
    %broadcast_in_dim3A_1633 = arith.constant 1.000000e+00 : f32
    %broadcast_in_dim3A_1634 = vector.broadcast %broadcast_in_dim3A_1633 : f32 to vector<16xf32>
    %mul3A_1635 = vector.broadcast %convert_element_type3A_1632 : f32 to vector<16xf32>
    %mul3A_1636 = arith.mulf %broadcast_in_dim3A_1634, %mul3A_1635 : vector<16xf32>
    %swap3A_1637 = arith.constant 10 : i32
    %swap3A_1638 = arith.index_cast %swap3A_1637 : i32 to index
    %swap3A_1639 = arith.constant 128 : index
    %swap3A_1640 = tpu.vector_load %arg8[%swap3A_1638, %swap3A_1639] {strides = array<i32>} : memref<16x144xf32, #tpu.memory_space<vmem>>, vector<16xf32>,
    tpu.vector_store %arg8[%swap3A_1638, %swap3A_1639], %mul3A_1636 {strides = array<i32>} : memref<16x144xf32, #tpu.memory_space<vmem>>, vector<16xf32>,
    %sub3A_1641 = arith.subi %add3A_1325, %add3A_1257 : i32
    %convert_element_type3A_1642 = arith.sitofp %sub3A_1641 : i32 to f32
    %broadcast_in_dim3A_1643 = arith.constant 1.000000e+00 : f32
    %broadcast_in_dim3A_1644 = vector.broadcast %broadcast_in_dim3A_1643 : f32 to vector<16xf32>
    %mul3A_1645 = vector.broadcast %convert_element_type3A_1642 : f32 to vector<16xf32>
    %mul3A_1646 = arith.mulf %broadcast_in_dim3A_1644, %mul3A_1645 : vector<16xf32>
    %swap3A_1647 = arith.constant 11 : i32
    %swap3A_1648 = arith.index_cast %swap3A_1647 : i32 to index
    %swap3A_1649 = arith.constant 128 : index
    %swap3A_1650 = tpu.vector_load %arg8[%swap3A_1648, %swap3A_1649] {strides = array<i32>} : memref<16x144xf32, #tpu.memory_space<vmem>>, vector<16xf32>,
    tpu.vector_store %arg8[%swap3A_1648, %swap3A_1649], %mul3A_1646 {strides = array<i32>} : memref<16x144xf32, #tpu.memory_space<vmem>>, vector<16xf32>,
    %sub3A_1651 = arith.subi %add3A_1393, %add3A_1325 : i32
    %convert_element_type3A_1652 = arith.sitofp %sub3A_1651 : i32 to f32
    %broadcast_in_dim3A_1653 = arith.constant 1.000000e+00 : f32
    %broadcast_in_dim3A_1654 = vector.broadcast %broadcast_in_dim3A_1653 : f32 to vector<16xf32>
    %mul3A_1655 = vector.broadcast %convert_element_type3A_1652 : f32 to vector<16xf32>
    %mul3A_1656 = arith.mulf %broadcast_in_dim3A_1654, %mul3A_1655 : vector<16xf32>
    %swap3A_1657 = arith.constant 12 : i32
    %swap3A_1658 = arith.index_cast %swap3A_1657 : i32 to index
    %swap3A_1659 = arith.constant 128 : index
    %swap3A_1660 = tpu.vector_load %arg8[%swap3A_1658, %swap3A_1659] {strides = array<i32>} : memref<16x144xf32, #tpu.memory_space<vmem>>, vector<16xf32>,
    tpu.vector_store %arg8[%swap3A_1658, %swap3A_1659], %mul3A_1656 {strides = array<i32>} : memref<16x144xf32, #tpu.memory_space<vmem>>, vector<16xf32>,
    %sub3A_1661 = arith.subi %add3A_1461, %add3A_1393 : i32
    %convert_element_type3A_1662 = arith.sitofp %sub3A_1661 : i32 to f32
    %broadcast_in_dim3A_1663 = arith.constant 1.000000e+00 : f32
    %broadcast_in_dim3A_1664 = vector.broadcast %broadcast_in_dim3A_1663 : f32 to vector<16xf32>
    %mul3A_1665 = vector.broadcast %convert_element_type3A_1662 : f32 to vector<16xf32>
    %mul3A_1666 = arith.mulf %broadcast_in_dim3A_1664, %mul3A_1665 : vector<16xf32>
    %swap3A_1667 = arith.constant 13 : i32
    %swap3A_1668 = arith.index_cast %swap3A_1667 : i32 to index
    %swap3A_1669 = arith.constant 128 : index
    %swap3A_1670 = tpu.vector_load %arg8[%swap3A_1668, %swap3A_1669] {strides = array<i32>} : memref<16x144xf32, #tpu.memory_space<vmem>>, vector<16xf32>,
    tpu.vector_store %arg8[%swap3A_1668, %swap3A_1669], %mul3A_1666 {strides = array<i32>} : memref<16x144xf32, #tpu.memory_space<vmem>>, vector<16xf32>,
    %sub3A_1671 = arith.subi %add3A_1529, %add3A_1461 : i32
    %convert_element_type3A_1672 = arith.sitofp %sub3A_1671 : i32 to f32
    %broadcast_in_dim3A_1673 = arith.constant 1.000000e+00 : f32
    %broadcast_in_dim3A_1674 = vector.broadcast %broadcast_in_dim3A_1673 : f32 to vector<16xf32>
    %mul3A_1675 = vector.broadcast %convert_element_type3A_1672 : f32 to vector<16xf32>
    %mul3A_1676 = arith.mulf %broadcast_in_dim3A_1674, %mul3A_1675 : vector<16xf32>
    %swap3A_1677 = arith.constant 14 : i32
    %swap3A_1678 = arith.index_cast %swap3A_1677 : i32 to index
    %swap3A_1679 = arith.constant 128 : index
    %swap3A_1680 = tpu.vector_load %arg8[%swap3A_1678, %swap3A_1679] {strides = array<i32>} : memref<16x144xf32, #tpu.memory_space<vmem>>, vector<16xf32>,
    tpu.vector_store %arg8[%swap3A_1678, %swap3A_1679], %mul3A_1676 {strides = array<i32>} : memref<16x144xf32, #tpu.memory_space<vmem>>, vector<16xf32>,
    %sub3A_1681 = arith.constant 128 : i32
    %sub3A_1682 = arith.subi %sub3A_1681, %add3A_1529 : i32
    %convert_element_type3A_1683 = arith.sitofp %sub3A_1682 : i32 to f32
    %broadcast_in_dim3A_1684 = arith.constant 1.000000e+00 : f32
    %broadcast_in_dim3A_1685 = vector.broadcast %broadcast_in_dim3A_1684 : f32 to vector<16xf32>
    %mul3A_1686 = vector.broadcast %convert_element_type3A_1683 : f32 to vector<16xf32>
    %mul3A_1687 = arith.mulf %broadcast_in_dim3A_1685, %mul3A_1686 : vector<16xf32>
    %swap3A_1688 = arith.constant 15 : i32
    %swap3A_1689 = arith.index_cast %swap3A_1688 : i32 to index
    %swap3A_1690 = arith.constant 128 : index
    %swap3A_1691 = tpu.vector_load %arg8[%swap3A_1689, %swap3A_1690] {strides = array<i32>} : memref<16x144xf32, #tpu.memory_space<vmem>>, vector<16xf32>,
    tpu.vector_store %arg8[%swap3A_1689, %swap3A_1690], %mul3A_1687 {strides = array<i32>} : memref<16x144xf32, #tpu.memory_space<vmem>>, vector<16xf32>,
    %dma_wait3A_1692 = arith.constant 0 : i32
    %dma_wait3A_1693 = tpu.memref_slice %arg2[%mul3A_2, %dma_wait3A_1692] : memref<32768x128xf32, #tpu.memory_space<hbm>> -> memref<128x128xf32, #tpu.memory_space<hbm>>
    %dma_wait3A_1694 = arith.constant 0 : i32
    %dma_wait3A_1695 = tpu.memref_slice %arg2[%mul3A_2, %dma_wait3A_1694] : memref<32768x128xf32, #tpu.memory_space<hbm>> -> memref<128x128xf32, #tpu.memory_space<hbm>>
    tpu.wait_dma2 semaphore(%arg9 : memref<!tpu.dma_semaphore, #tpu.memory_space<semaphore_mem>>) src(%dma_wait3A_1695 : memref<128x128xf32, #tpu.memory_space<hbm>>) dst(%arg6 : memref<128x128xf32, #tpu.memory_space<vmem>>)
    %sub3A_1696 = arith.constant 0 : i32
    %sub3A_1697 = arith.constant 0 : i32
    %sub3A_1698 = arith.subi %sub3A_1696, %sub3A_1697 : i32
    %jit3A_1699 = arith.constant 0 : i32
    %jit3A_1700 = arith.constant 128 : i32
    %max3A_1701 = arith.maxsi %jit3A_1699, %sub3A_1698 : i32
    %min3A = arith.minsi %jit3A_1700, %max3A_1701 : i32
    %sub3A_1702 = arith.constant 0 : i32
    %sub3A_1703 = arith.subi %add3A_577, %sub3A_1702 : i32
    %jit3A_1704 = arith.constant 0 : i32
    %jit3A_1705 = arith.constant 128 : i32
    %max3A_1706 = arith.maxsi %jit3A_1704, %sub3A_1703 : i32
    %min3A_1707 = arith.minsi %jit3A_1705, %max3A_1706 : i32
    %gt3A = arith.cmpi sgt, %min3A_1707, %min3A : i32
    %convert_element_type3A_1708 = arith.extui %gt3A : i1 to i32
    %cond3A = arith.constant 0 : i32
    %cond3A_1709 = arith.cmpi ne, %convert_element_type3A_1708, %cond3A : i32
    scf.if %cond3A_1709 {
      %parallel_loop3A = arith.constant 1 : i32
      %parallel_loop3A_1951:8 = scf.for %parallel_loop3A_2024 = %min3A to %min3A_1707 step %parallel_loop3A iter_args(%parallel_loop3A_2025 = %broadcast_in_dim3A_8, %parallel_loop3A_2026 = %broadcast_in_dim3A_8, %parallel_loop3A_2027 = %broadcast_in_dim3A_8, %parallel_loop3A_2028 = %broadcast_in_dim3A_8, %parallel_loop3A_2029 = %broadcast_in_dim3A_8, %parallel_loop3A_2030 = %broadcast_in_dim3A_8, %parallel_loop3A_2031 = %broadcast_in_dim3A_8, %parallel_loop3A_2032 = %broadcast_in_dim3A_8) -> (vector<16xf32>, vector<16xf32>, vector<16xf32>, vector<16xf32>, vector<16xf32>, vector<16xf32>, vector<16xf32>, vector<16xf32>)  : i32 {
        %parallel_loop3A_2033 = arith.index_cast %parallel_loop3A_2024 : i32 to index
        %parallel_loop3A_2034 = arith.constant 0 : index
        %parallel_loop3A_2035 = tpu.vector_load %arg6[%parallel_loop3A_2033, %parallel_loop3A_2034] {strides = array<i32>} : memref<128x128xf32, #tpu.memory_space<vmem>>, vector<16xf32>,
        %parallel_loop3A_2036 = arith.addf %parallel_loop3A_2025, %parallel_loop3A_2035 : vector<16xf32>
        %parallel_loop3A_2037 = arith.index_cast %parallel_loop3A_2024 : i32 to index
        %parallel_loop3A_2038 = arith.constant 16 : index
        %parallel_loop3A_2039 = tpu.vector_load %arg6[%parallel_loop3A_2037, %parallel_loop3A_2038] {strides = array<i32>} : memref<128x128xf32, #tpu.memory_space<vmem>>, vector<16xf32>,
        %parallel_loop3A_2040 = arith.addf %parallel_loop3A_2026, %parallel_loop3A_2039 : vector<16xf32>
        %parallel_loop3A_2041 = arith.index_cast %parallel_loop3A_2024 : i32 to index
        %parallel_loop3A_2042 = arith.constant 32 : index
        %parallel_loop3A_2043 = tpu.vector_load %arg6[%parallel_loop3A_2041, %parallel_loop3A_2042] {strides = array<i32>} : memref<128x128xf32, #tpu.memory_space<vmem>>, vector<16xf32>,
        %parallel_loop3A_2044 = arith.addf %parallel_loop3A_2027, %parallel_loop3A_2043 : vector<16xf32>
        %parallel_loop3A_2045 = arith.index_cast %parallel_loop3A_2024 : i32 to index
        %parallel_loop3A_2046 = arith.constant 48 : index
        %parallel_loop3A_2047 = tpu.vector_load %arg6[%parallel_loop3A_2045, %parallel_loop3A_2046] {strides = array<i32>} : memref<128x128xf32, #tpu.memory_space<vmem>>, vector<16xf32>,
        %parallel_loop3A_2048 = arith.addf %parallel_loop3A_2028, %parallel_loop3A_2047 : vector<16xf32>
        %parallel_loop3A_2049 = arith.index_cast %parallel_loop3A_2024 : i32 to index
        %parallel_loop3A_2050 = arith.constant 64 : index
        %parallel_loop3A_2051 = tpu.vector_load %arg6[%parallel_loop3A_2049, %parallel_loop3A_2050] {strides = array<i32>} : memref<128x128xf32, #tpu.memory_space<vmem>>, vector<16xf32>,
        %parallel_loop3A_2052 = arith.addf %parallel_loop3A_2029, %parallel_loop3A_2051 : vector<16xf32>
        %parallel_loop3A_2053 = arith.index_cast %parallel_loop3A_2024 : i32 to index
        %parallel_loop3A_2054 = arith.constant 80 : index
        %parallel_loop3A_2055 = tpu.vector_load %arg6[%parallel_loop3A_2053, %parallel_loop3A_2054] {strides = array<i32>} : memref<128x128xf32, #tpu.memory_space<vmem>>, vector<16xf32>,
        %parallel_loop3A_2056 = arith.addf %parallel_loop3A_2030, %parallel_loop3A_2055 : vector<16xf32>
        %parallel_loop3A_2057 = arith.index_cast %parallel_loop3A_2024 : i32 to index
        %parallel_loop3A_2058 = arith.constant 96 : index
        %parallel_loop3A_2059 = tpu.vector_load %arg6[%parallel_loop3A_2057, %parallel_loop3A_2058] {strides = array<i32>} : memref<128x128xf32, #tpu.memory_space<vmem>>, vector<16xf32>,
        %parallel_loop3A_2060 = arith.addf %parallel_loop3A_2031, %parallel_loop3A_2059 : vector<16xf32>
        %parallel_loop3A_2061 = arith.index_cast %parallel_loop3A_2024 : i32 to index
        %parallel_loop3A_2062 = arith.constant 112 : index
        %parallel_loop3A_2063 = tpu.vector_load %arg6[%parallel_loop3A_2061, %parallel_loop3A_2062] {strides = array<i32>} : memref<128x128xf32, #tpu.memory_space<vmem>>, vector<16xf32>,
        %parallel_loop3A_2064 = arith.addf %parallel_loop3A_2032, %parallel_loop3A_2063 : vector<16xf32>
        scf.yield %parallel_loop3A_2036, %parallel_loop3A_2040, %parallel_loop3A_2044, %parallel_loop3A_2048, %parallel_loop3A_2052, %parallel_loop3A_2056, %parallel_loop3A_2060, %parallel_loop3A_2064 : vector<16xf32>, vector<16xf32>, vector<16xf32>, vector<16xf32>, vector<16xf32>, vector<16xf32>, vector<16xf32>, vector<16xf32>
      } {sc.loop_unroll_factor = 1 : i64, sc.parallel_access}
      %get3A_1952 = arith.constant 0 : i32
      %get3A_1953 = arith.index_cast %get3A_1952 : i32 to index
      %get3A_1954 = arith.constant 0 : index
      %get3A_1955 = tpu.vector_load %arg8[%get3A_1953, %get3A_1954] {strides = array<i32>} : memref<16x144xf32, #tpu.memory_space<vmem>>, vector<16xf32>,
      %add3A_1956 = arith.addf %get3A_1955, %parallel_loop3A_1951#0 : vector<16xf32>
      %swap3A_1957 = arith.constant 0 : i32
      %swap3A_1958 = arith.index_cast %swap3A_1957 : i32 to index
      %swap3A_1959 = arith.constant 0 : index
      %swap3A_1960 = tpu.vector_load %arg8[%swap3A_1958, %swap3A_1959] {strides = array<i32>} : memref<16x144xf32, #tpu.memory_space<vmem>>, vector<16xf32>,
      tpu.vector_store %arg8[%swap3A_1958, %swap3A_1959], %add3A_1956 {strides = array<i32>} : memref<16x144xf32, #tpu.memory_space<vmem>>, vector<16xf32>,
      %get3A_1961 = arith.constant 0 : i32
      %get3A_1962 = arith.index_cast %get3A_1961 : i32 to index
      %get3A_1963 = arith.constant 16 : index
      %get3A_1964 = tpu.vector_load %arg8[%get3A_1962, %get3A_1963] {strides = array<i32>} : memref<16x144xf32, #tpu.memory_space<vmem>>, vector<16xf32>,
      %add3A_1965 = arith.addf %get3A_1964, %parallel_loop3A_1951#1 : vector<16xf32>
      %swap3A_1966 = arith.constant 0 : i32
      %swap3A_1967 = arith.index_cast %swap3A_1966 : i32 to index
      %swap3A_1968 = arith.constant 16 : index
      %swap3A_1969 = tpu.vector_load %arg8[%swap3A_1967, %swap3A_1968] {strides = array<i32>} : memref<16x144xf32, #tpu.memory_space<vmem>>, vector<16xf32>,
      tpu.vector_store %arg8[%swap3A_1967, %swap3A_1968], %add3A_1965 {strides = array<i32>} : memref<16x144xf32, #tpu.memory_space<vmem>>, vector<16xf32>,
      %get3A_1970 = arith.constant 0 : i32
      %get3A_1971 = arith.index_cast %get3A_1970 : i32 to index
      %get3A_1972 = arith.constant 32 : index
      %get3A_1973 = tpu.vector_load %arg8[%get3A_1971, %get3A_1972] {strides = array<i32>} : memref<16x144xf32, #tpu.memory_space<vmem>>, vector<16xf32>,
      %add3A_1974 = arith.addf %get3A_1973, %parallel_loop3A_1951#2 : vector<16xf32>
      %swap3A_1975 = arith.constant 0 : i32
      %swap3A_1976 = arith.index_cast %swap3A_1975 : i32 to index
      %swap3A_1977 = arith.constant 32 : index
      %swap3A_1978 = tpu.vector_load %arg8[%swap3A_1976, %swap3A_1977] {strides = array<i32>} : memref<16x144xf32, #tpu.memory_space<vmem>>, vector<16xf32>,
      tpu.vector_store %arg8[%swap3A_1976, %swap3A_1977], %add3A_1974 {strides = array<i32>} : memref<16x144xf32, #tpu.memory_space<vmem>>, vector<16xf32>,
      %get3A_1979 = arith.constant 0 : i32
      %get3A_1980 = arith.index_cast %get3A_1979 : i32 to index
      %get3A_1981 = arith.constant 48 : index
      %get3A_1982 = tpu.vector_load %arg8[%get3A_1980, %get3A_1981] {strides = array<i32>} : memref<16x144xf32, #tpu.memory_space<vmem>>, vector<16xf32>,
      %add3A_1983 = arith.addf %get3A_1982, %parallel_loop3A_1951#3 : vector<16xf32>
      %swap3A_1984 = arith.constant 0 : i32
      %swap3A_1985 = arith.index_cast %swap3A_1984 : i32 to index
      %swap3A_1986 = arith.constant 48 : index
      %swap3A_1987 = tpu.vector_load %arg8[%swap3A_1985, %swap3A_1986] {strides = array<i32>} : memref<16x144xf32, #tpu.memory_space<vmem>>, vector<16xf32>,
      tpu.vector_store %arg8[%swap3A_1985, %swap3A_1986], %add3A_1983 {strides = array<i32>} : memref<16x144xf32, #tpu.memory_space<vmem>>, vector<16xf32>,
      %get3A_1988 = arith.constant 0 : i32
      %get3A_1989 = arith.index_cast %get3A_1988 : i32 to index
      %get3A_1990 = arith.constant 64 : index
      %get3A_1991 = tpu.vector_load %arg8[%get3A_1989, %get3A_1990] {strides = array<i32>} : memref<16x144xf32, #tpu.memory_space<vmem>>, vector<16xf32>,
      %add3A_1992 = arith.addf %get3A_1991, %parallel_loop3A_1951#4 : vector<16xf32>
      %swap3A_1993 = arith.constant 0 : i32
      %swap3A_1994 = arith.index_cast %swap3A_1993 : i32 to index
      %swap3A_1995 = arith.constant 64 : index
      %swap3A_1996 = tpu.vector_load %arg8[%swap3A_1994, %swap3A_1995] {strides = array<i32>} : memref<16x144xf32, #tpu.memory_space<vmem>>, vector<16xf32>,
      tpu.vector_store %arg8[%swap3A_1994, %swap3A_1995], %add3A_1992 {strides = array<i32>} : memref<16x144xf32, #tpu.memory_space<vmem>>, vector<16xf32>,
      %get3A_1997 = arith.constant 0 : i32
      %get3A_1998 = arith.index_cast %get3A_1997 : i32 to index
      %get3A_1999 = arith.constant 80 : index
      %get3A_2000 = tpu.vector_load %arg8[%get3A_1998, %get3A_1999] {strides = array<i32>} : memref<16x144xf32, #tpu.memory_space<vmem>>, vector<16xf32>,
      %add3A_2001 = arith.addf %get3A_2000, %parallel_loop3A_1951#5 : vector<16xf32>
      %swap3A_2002 = arith.constant 0 : i32
      %swap3A_2003 = arith.index_cast %swap3A_2002 : i32 to index
      %swap3A_2004 = arith.constant 80 : index
      %swap3A_2005 = tpu.vector_load %arg8[%swap3A_2003, %swap3A_2004] {strides = array<i32>} : memref<16x144xf32, #tpu.memory_space<vmem>>, vector<16xf32>,
      tpu.vector_store %arg8[%swap3A_2003, %swap3A_2004], %add3A_2001 {strides = array<i32>} : memref<16x144xf32, #tpu.memory_space<vmem>>, vector<16xf32>,
      %get3A_2006 = arith.constant 0 : i32
      %get3A_2007 = arith.index_cast %get3A_2006 : i32 to index
      %get3A_2008 = arith.constant 96 : index
      %get3A_2009 = tpu.vector_load %arg8[%get3A_2007, %get3A_2008] {strides = array<i32>} : memref<16x144xf32, #tpu.memory_space<vmem>>, vector<16xf32>,
      %add3A_2010 = arith.addf %get3A_2009, %parallel_loop3A_1951#6 : vector<16xf32>
      %swap3A_2011 = arith.constant 0 : i32
      %swap3A_2012 = arith.index_cast %swap3A_2011 : i32 to index
      %swap3A_2013 = arith.constant 96 : index
      %swap3A_2014 = tpu.vector_load %arg8[%swap3A_2012, %swap3A_2013] {strides = array<i32>} : memref<16x144xf32, #tpu.memory_space<vmem>>, vector<16xf32>,
      tpu.vector_store %arg8[%swap3A_2012, %swap3A_2013], %add3A_2010 {strides = array<i32>} : memref<16x144xf32, #tpu.memory_space<vmem>>, vector<16xf32>,
      %get3A_2015 = arith.constant 0 : i32
      %get3A_2016 = arith.index_cast %get3A_2015 : i32 to index
      %get3A_2017 = arith.constant 112 : index
      %get3A_2018 = tpu.vector_load %arg8[%get3A_2016, %get3A_2017] {strides = array<i32>} : memref<16x144xf32, #tpu.memory_space<vmem>>, vector<16xf32>,
      %add3A_2019 = arith.addf %get3A_2018, %parallel_loop3A_1951#7 : vector<16xf32>
      %swap3A_2020 = arith.constant 0 : i32
      %swap3A_2021 = arith.index_cast %swap3A_2020 : i32 to index
      %swap3A_2022 = arith.constant 112 : index
      %swap3A_2023 = tpu.vector_load %arg8[%swap3A_2021, %swap3A_2022] {strides = array<i32>} : memref<16x144xf32, #tpu.memory_space<vmem>>, vector<16xf32>,
      tpu.vector_store %arg8[%swap3A_2021, %swap3A_2022], %add3A_2019 {strides = array<i32>} : memref<16x144xf32, #tpu.memory_space<vmem>>, vector<16xf32>,
    } else {
    }
    %sub3A_1710 = arith.constant 0 : i32
    %sub3A_1711 = arith.subi %add3A_577, %sub3A_1710 : i32
    %jit3A_1712 = arith.constant 0 : i32
    %jit3A_1713 = arith.constant 128 : i32
    %max3A_1714 = arith.maxsi %jit3A_1712, %sub3A_1711 : i32
    %min3A_1715 = arith.minsi %jit3A_1713, %max3A_1714 : i32
    %sub3A_1716 = arith.constant 0 : i32
    %sub3A_1717 = arith.subi %add3A_645, %sub3A_1716 : i32
    %jit3A_1718 = arith.constant 0 : i32
    %jit3A_1719 = arith.constant 128 : i32
    %max3A_1720 = arith.maxsi %jit3A_1718, %sub3A_1717 : i32
    %min3A_1721 = arith.minsi %jit3A_1719, %max3A_1720 : i32
    %gt3A_1722 = arith.cmpi sgt, %min3A_1721, %min3A_1715 : i32
    %convert_element_type3A_1723 = arith.extui %gt3A_1722 : i1 to i32
    %cond3A_1724 = arith.constant 0 : i32
    %cond3A_1725 = arith.cmpi ne, %convert_element_type3A_1723, %cond3A_1724 : i32
    scf.if %cond3A_1725 {
      %parallel_loop3A = arith.constant 1 : i32
      %parallel_loop3A_1951:8 = scf.for %parallel_loop3A_2024 = %min3A_1715 to %min3A_1721 step %parallel_loop3A iter_args(%parallel_loop3A_2025 = %broadcast_in_dim3A_8, %parallel_loop3A_2026 = %broadcast_in_dim3A_8, %parallel_loop3A_2027 = %broadcast_in_dim3A_8, %parallel_loop3A_2028 = %broadcast_in_dim3A_8, %parallel_loop3A_2029 = %broadcast_in_dim3A_8, %parallel_loop3A_2030 = %broadcast_in_dim3A_8, %parallel_loop3A_2031 = %broadcast_in_dim3A_8, %parallel_loop3A_2032 = %broadcast_in_dim3A_8) -> (vector<16xf32>, vector<16xf32>, vector<16xf32>, vector<16xf32>, vector<16xf32>, vector<16xf32>, vector<16xf32>, vector<16xf32>)  : i32 {
        %parallel_loop3A_2033 = arith.index_cast %parallel_loop3A_2024 : i32 to index
        %parallel_loop3A_2034 = arith.constant 0 : index
        %parallel_loop3A_2035 = tpu.vector_load %arg6[%parallel_loop3A_2033, %parallel_loop3A_2034] {strides = array<i32>} : memref<128x128xf32, #tpu.memory_space<vmem>>, vector<16xf32>,
        %parallel_loop3A_2036 = arith.addf %parallel_loop3A_2025, %parallel_loop3A_2035 : vector<16xf32>
        %parallel_loop3A_2037 = arith.index_cast %parallel_loop3A_2024 : i32 to index
        %parallel_loop3A_2038 = arith.constant 16 : index
        %parallel_loop3A_2039 = tpu.vector_load %arg6[%parallel_loop3A_2037, %parallel_loop3A_2038] {strides = array<i32>} : memref<128x128xf32, #tpu.memory_space<vmem>>, vector<16xf32>,
        %parallel_loop3A_2040 = arith.addf %parallel_loop3A_2026, %parallel_loop3A_2039 : vector<16xf32>
        %parallel_loop3A_2041 = arith.index_cast %parallel_loop3A_2024 : i32 to index
        %parallel_loop3A_2042 = arith.constant 32 : index
        %parallel_loop3A_2043 = tpu.vector_load %arg6[%parallel_loop3A_2041, %parallel_loop3A_2042] {strides = array<i32>} : memref<128x128xf32, #tpu.memory_space<vmem>>, vector<16xf32>,
        %parallel_loop3A_2044 = arith.addf %parallel_loop3A_2027, %parallel_loop3A_2043 : vector<16xf32>
        %parallel_loop3A_2045 = arith.index_cast %parallel_loop3A_2024 : i32 to index
        %parallel_loop3A_2046 = arith.constant 48 : index
        %parallel_loop3A_2047 = tpu.vector_load %arg6[%parallel_loop3A_2045, %parallel_loop3A_2046] {strides = array<i32>} : memref<128x128xf32, #tpu.memory_space<vmem>>, vector<16xf32>,
        %parallel_loop3A_2048 = arith.addf %parallel_loop3A_2028, %parallel_loop3A_2047 : vector<16xf32>
        %parallel_loop3A_2049 = arith.index_cast %parallel_loop3A_2024 : i32 to index
        %parallel_loop3A_2050 = arith.constant 64 : index
        %parallel_loop3A_2051 = tpu.vector_load %arg6[%parallel_loop3A_2049, %parallel_loop3A_2050] {strides = array<i32>} : memref<128x128xf32, #tpu.memory_space<vmem>>, vector<16xf32>,
        %parallel_loop3A_2052 = arith.addf %parallel_loop3A_2029, %parallel_loop3A_2051 : vector<16xf32>
        %parallel_loop3A_2053 = arith.index_cast %parallel_loop3A_2024 : i32 to index
        %parallel_loop3A_2054 = arith.constant 80 : index
        %parallel_loop3A_2055 = tpu.vector_load %arg6[%parallel_loop3A_2053, %parallel_loop3A_2054] {strides = array<i32>} : memref<128x128xf32, #tpu.memory_space<vmem>>, vector<16xf32>,
        %parallel_loop3A_2056 = arith.addf %parallel_loop3A_2030, %parallel_loop3A_2055 : vector<16xf32>
        %parallel_loop3A_2057 = arith.index_cast %parallel_loop3A_2024 : i32 to index
        %parallel_loop3A_2058 = arith.constant 96 : index
        %parallel_loop3A_2059 = tpu.vector_load %arg6[%parallel_loop3A_2057, %parallel_loop3A_2058] {strides = array<i32>} : memref<128x128xf32, #tpu.memory_space<vmem>>, vector<16xf32>,
        %parallel_loop3A_2060 = arith.addf %parallel_loop3A_2031, %parallel_loop3A_2059 : vector<16xf32>
        %parallel_loop3A_2061 = arith.index_cast %parallel_loop3A_2024 : i32 to index
        %parallel_loop3A_2062 = arith.constant 112 : index
        %parallel_loop3A_2063 = tpu.vector_load %arg6[%parallel_loop3A_2061, %parallel_loop3A_2062] {strides = array<i32>} : memref<128x128xf32, #tpu.memory_space<vmem>>, vector<16xf32>,
        %parallel_loop3A_2064 = arith.addf %parallel_loop3A_2032, %parallel_loop3A_2063 : vector<16xf32>
        scf.yield %parallel_loop3A_2036, %parallel_loop3A_2040, %parallel_loop3A_2044, %parallel_loop3A_2048, %parallel_loop3A_2052, %parallel_loop3A_2056, %parallel_loop3A_2060, %parallel_loop3A_2064 : vector<16xf32>, vector<16xf32>, vector<16xf32>, vector<16xf32>, vector<16xf32>, vector<16xf32>, vector<16xf32>, vector<16xf32>
      } {sc.loop_unroll_factor = 1 : i64, sc.parallel_access}
      %get3A_1952 = arith.constant 1 : i32
      %get3A_1953 = arith.index_cast %get3A_1952 : i32 to index
      %get3A_1954 = arith.constant 0 : index
      %get3A_1955 = tpu.vector_load %arg8[%get3A_1953, %get3A_1954] {strides = array<i32>} : memref<16x144xf32, #tpu.memory_space<vmem>>, vector<16xf32>,
      %add3A_1956 = arith.addf %get3A_1955, %parallel_loop3A_1951#0 : vector<16xf32>
      %swap3A_1957 = arith.constant 1 : i32
      %swap3A_1958 = arith.index_cast %swap3A_1957 : i32 to index
      %swap3A_1959 = arith.constant 0 : index
      %swap3A_1960 = tpu.vector_load %arg8[%swap3A_1958, %swap3A_1959] {strides = array<i32>} : memref<16x144xf32, #tpu.memory_space<vmem>>, vector<16xf32>,
      tpu.vector_store %arg8[%swap3A_1958, %swap3A_1959], %add3A_1956 {strides = array<i32>} : memref<16x144xf32, #tpu.memory_space<vmem>>, vector<16xf32>,
      %get3A_1961 = arith.constant 1 : i32
      %get3A_1962 = arith.index_cast %get3A_1961 : i32 to index
      %get3A_1963 = arith.constant 16 : index
      %get3A_1964 = tpu.vector_load %arg8[%get3A_1962, %get3A_1963] {strides = array<i32>} : memref<16x144xf32, #tpu.memory_space<vmem>>, vector<16xf32>,
      %add3A_1965 = arith.addf %get3A_1964, %parallel_loop3A_1951#1 : vector<16xf32>
      %swap3A_1966 = arith.constant 1 : i32
      %swap3A_1967 = arith.index_cast %swap3A_1966 : i32 to index
      %swap3A_1968 = arith.constant 16 : index
      %swap3A_1969 = tpu.vector_load %arg8[%swap3A_1967, %swap3A_1968] {strides = array<i32>} : memref<16x144xf32, #tpu.memory_space<vmem>>, vector<16xf32>,
      tpu.vector_store %arg8[%swap3A_1967, %swap3A_1968], %add3A_1965 {strides = array<i32>} : memref<16x144xf32, #tpu.memory_space<vmem>>, vector<16xf32>,
      %get3A_1970 = arith.constant 1 : i32
      %get3A_1971 = arith.index_cast %get3A_1970 : i32 to index
      %get3A_1972 = arith.constant 32 : index
      %get3A_1973 = tpu.vector_load %arg8[%get3A_1971, %get3A_1972] {strides = array<i32>} : memref<16x144xf32, #tpu.memory_space<vmem>>, vector<16xf32>,
      %add3A_1974 = arith.addf %get3A_1973, %parallel_loop3A_1951#2 : vector<16xf32>
      %swap3A_1975 = arith.constant 1 : i32
      %swap3A_1976 = arith.index_cast %swap3A_1975 : i32 to index
      %swap3A_1977 = arith.constant 32 : index
      %swap3A_1978 = tpu.vector_load %arg8[%swap3A_1976, %swap3A_1977] {strides = array<i32>} : memref<16x144xf32, #tpu.memory_space<vmem>>, vector<16xf32>,
      tpu.vector_store %arg8[%swap3A_1976, %swap3A_1977], %add3A_1974 {strides = array<i32>} : memref<16x144xf32, #tpu.memory_space<vmem>>, vector<16xf32>,
      %get3A_1979 = arith.constant 1 : i32
      %get3A_1980 = arith.index_cast %get3A_1979 : i32 to index
      %get3A_1981 = arith.constant 48 : index
      %get3A_1982 = tpu.vector_load %arg8[%get3A_1980, %get3A_1981] {strides = array<i32>} : memref<16x144xf32, #tpu.memory_space<vmem>>, vector<16xf32>,
      %add3A_1983 = arith.addf %get3A_1982, %parallel_loop3A_1951#3 : vector<16xf32>
      %swap3A_1984 = arith.constant 1 : i32
      %swap3A_1985 = arith.index_cast %swap3A_1984 : i32 to index
      %swap3A_1986 = arith.constant 48 : index
      %swap3A_1987 = tpu.vector_load %arg8[%swap3A_1985, %swap3A_1986] {strides = array<i32>} : memref<16x144xf32, #tpu.memory_space<vmem>>, vector<16xf32>,
      tpu.vector_store %arg8[%swap3A_1985, %swap3A_1986], %add3A_1983 {strides = array<i32>} : memref<16x144xf32, #tpu.memory_space<vmem>>, vector<16xf32>,
      %get3A_1988 = arith.constant 1 : i32
      %get3A_1989 = arith.index_cast %get3A_1988 : i32 to index
      %get3A_1990 = arith.constant 64 : index
      %get3A_1991 = tpu.vector_load %arg8[%get3A_1989, %get3A_1990] {strides = array<i32>} : memref<16x144xf32, #tpu.memory_space<vmem>>, vector<16xf32>,
      %add3A_1992 = arith.addf %get3A_1991, %parallel_loop3A_1951#4 : vector<16xf32>
      %swap3A_1993 = arith.constant 1 : i32
      %swap3A_1994 = arith.index_cast %swap3A_1993 : i32 to index
      %swap3A_1995 = arith.constant 64 : index
      %swap3A_1996 = tpu.vector_load %arg8[%swap3A_1994, %swap3A_1995] {strides = array<i32>} : memref<16x144xf32, #tpu.memory_space<vmem>>, vector<16xf32>,
      tpu.vector_store %arg8[%swap3A_1994, %swap3A_1995], %add3A_1992 {strides = array<i32>} : memref<16x144xf32, #tpu.memory_space<vmem>>, vector<16xf32>,
      %get3A_1997 = arith.constant 1 : i32
      %get3A_1998 = arith.index_cast %get3A_1997 : i32 to index
      %get3A_1999 = arith.constant 80 : index
      %get3A_2000 = tpu.vector_load %arg8[%get3A_1998, %get3A_1999] {strides = array<i32>} : memref<16x144xf32, #tpu.memory_space<vmem>>, vector<16xf32>,
      %add3A_2001 = arith.addf %get3A_2000, %parallel_loop3A_1951#5 : vector<16xf32>
      %swap3A_2002 = arith.constant 1 : i32
      %swap3A_2003 = arith.index_cast %swap3A_2002 : i32 to index
      %swap3A_2004 = arith.constant 80 : index
      %swap3A_2005 = tpu.vector_load %arg8[%swap3A_2003, %swap3A_2004] {strides = array<i32>} : memref<16x144xf32, #tpu.memory_space<vmem>>, vector<16xf32>,
      tpu.vector_store %arg8[%swap3A_2003, %swap3A_2004], %add3A_2001 {strides = array<i32>} : memref<16x144xf32, #tpu.memory_space<vmem>>, vector<16xf32>,
      %get3A_2006 = arith.constant 1 : i32
      %get3A_2007 = arith.index_cast %get3A_2006 : i32 to index
      %get3A_2008 = arith.constant 96 : index
      %get3A_2009 = tpu.vector_load %arg8[%get3A_2007, %get3A_2008] {strides = array<i32>} : memref<16x144xf32, #tpu.memory_space<vmem>>, vector<16xf32>,
      %add3A_2010 = arith.addf %get3A_2009, %parallel_loop3A_1951#6 : vector<16xf32>
      %swap3A_2011 = arith.constant 1 : i32
      %swap3A_2012 = arith.index_cast %swap3A_2011 : i32 to index
      %swap3A_2013 = arith.constant 96 : index
      %swap3A_2014 = tpu.vector_load %arg8[%swap3A_2012, %swap3A_2013] {strides = array<i32>} : memref<16x144xf32, #tpu.memory_space<vmem>>, vector<16xf32>,
      tpu.vector_store %arg8[%swap3A_2012, %swap3A_2013], %add3A_2010 {strides = array<i32>} : memref<16x144xf32, #tpu.memory_space<vmem>>, vector<16xf32>,
      %get3A_2015 = arith.constant 1 : i32
      %get3A_2016 = arith.index_cast %get3A_2015 : i32 to index
      %get3A_2017 = arith.constant 112 : index
      %get3A_2018 = tpu.vector_load %arg8[%get3A_2016, %get3A_2017] {strides = array<i32>} : memref<16x144xf32, #tpu.memory_space<vmem>>, vector<16xf32>,
      %add3A_2019 = arith.addf %get3A_2018, %parallel_loop3A_1951#7 : vector<16xf32>
      %swap3A_2020 = arith.constant 1 : i32
      %swap3A_2021 = arith.index_cast %swap3A_2020 : i32 to index
      %swap3A_2022 = arith.constant 112 : index
      %swap3A_2023 = tpu.vector_load %arg8[%swap3A_2021, %swap3A_2022] {strides = array<i32>} : memref<16x144xf32, #tpu.memory_space<vmem>>, vector<16xf32>,
      tpu.vector_store %arg8[%swap3A_2021, %swap3A_2022], %add3A_2019 {strides = array<i32>} : memref<16x144xf32, #tpu.memory_space<vmem>>, vector<16xf32>,
    } else {
    }
    %sub3A_1726 = arith.constant 0 : i32
    %sub3A_1727 = arith.subi %add3A_645, %sub3A_1726 : i32
    %jit3A_1728 = arith.constant 0 : i32
    %jit3A_1729 = arith.constant 128 : i32
    %max3A_1730 = arith.maxsi %jit3A_1728, %sub3A_1727 : i32
    %min3A_1731 = arith.minsi %jit3A_1729, %max3A_1730 : i32
    %sub3A_1732 = arith.constant 0 : i32
    %sub3A_1733 = arith.subi %add3A_713, %sub3A_1732 : i32
    %jit3A_1734 = arith.constant 0 : i32
    %jit3A_1735 = arith.constant 128 : i32
    %max3A_1736 = arith.maxsi %jit3A_1734, %sub3A_1733 : i32
    %min3A_1737 = arith.minsi %jit3A_1735, %max3A_1736 : i32
    %gt3A_1738 = arith.cmpi sgt, %min3A_1737, %min3A_1731 : i32
    %convert_element_type3A_1739 = arith.extui %gt3A_1738 : i1 to i32
    %cond3A_1740 = arith.constant 0 : i32
    %cond3A_1741 = arith.cmpi ne, %convert_element_type3A_1739, %cond3A_1740 : i32
    scf.if %cond3A_1741 {
      %parallel_loop3A = arith.constant 1 : i32
      %parallel_loop3A_1951:8 = scf.for %parallel_loop3A_2024 = %min3A_1731 to %min3A_1737 step %parallel_loop3A iter_args(%parallel_loop3A_2025 = %broadcast_in_dim3A_8, %parallel_loop3A_2026 = %broadcast_in_dim3A_8, %parallel_loop3A_2027 = %broadcast_in_dim3A_8, %parallel_loop3A_2028 = %broadcast_in_dim3A_8, %parallel_loop3A_2029 = %broadcast_in_dim3A_8, %parallel_loop3A_2030 = %broadcast_in_dim3A_8, %parallel_loop3A_2031 = %broadcast_in_dim3A_8, %parallel_loop3A_2032 = %broadcast_in_dim3A_8) -> (vector<16xf32>, vector<16xf32>, vector<16xf32>, vector<16xf32>, vector<16xf32>, vector<16xf32>, vector<16xf32>, vector<16xf32>)  : i32 {
        %parallel_loop3A_2033 = arith.index_cast %parallel_loop3A_2024 : i32 to index
        %parallel_loop3A_2034 = arith.constant 0 : index
        %parallel_loop3A_2035 = tpu.vector_load %arg6[%parallel_loop3A_2033, %parallel_loop3A_2034] {strides = array<i32>} : memref<128x128xf32, #tpu.memory_space<vmem>>, vector<16xf32>,
        %parallel_loop3A_2036 = arith.addf %parallel_loop3A_2025, %parallel_loop3A_2035 : vector<16xf32>
        %parallel_loop3A_2037 = arith.index_cast %parallel_loop3A_2024 : i32 to index
        %parallel_loop3A_2038 = arith.constant 16 : index
        %parallel_loop3A_2039 = tpu.vector_load %arg6[%parallel_loop3A_2037, %parallel_loop3A_2038] {strides = array<i32>} : memref<128x128xf32, #tpu.memory_space<vmem>>, vector<16xf32>,
        %parallel_loop3A_2040 = arith.addf %parallel_loop3A_2026, %parallel_loop3A_2039 : vector<16xf32>
        %parallel_loop3A_2041 = arith.index_cast %parallel_loop3A_2024 : i32 to index
        %parallel_loop3A_2042 = arith.constant 32 : index
        %parallel_loop3A_2043 = tpu.vector_load %arg6[%parallel_loop3A_2041, %parallel_loop3A_2042] {strides = array<i32>} : memref<128x128xf32, #tpu.memory_space<vmem>>, vector<16xf32>,
        %parallel_loop3A_2044 = arith.addf %parallel_loop3A_2027, %parallel_loop3A_2043 : vector<16xf32>
        %parallel_loop3A_2045 = arith.index_cast %parallel_loop3A_2024 : i32 to index
        %parallel_loop3A_2046 = arith.constant 48 : index
        %parallel_loop3A_2047 = tpu.vector_load %arg6[%parallel_loop3A_2045, %parallel_loop3A_2046] {strides = array<i32>} : memref<128x128xf32, #tpu.memory_space<vmem>>, vector<16xf32>,
        %parallel_loop3A_2048 = arith.addf %parallel_loop3A_2028, %parallel_loop3A_2047 : vector<16xf32>
        %parallel_loop3A_2049 = arith.index_cast %parallel_loop3A_2024 : i32 to index
        %parallel_loop3A_2050 = arith.constant 64 : index
        %parallel_loop3A_2051 = tpu.vector_load %arg6[%parallel_loop3A_2049, %parallel_loop3A_2050] {strides = array<i32>} : memref<128x128xf32, #tpu.memory_space<vmem>>, vector<16xf32>,
        %parallel_loop3A_2052 = arith.addf %parallel_loop3A_2029, %parallel_loop3A_2051 : vector<16xf32>
        %parallel_loop3A_2053 = arith.index_cast %parallel_loop3A_2024 : i32 to index
        %parallel_loop3A_2054 = arith.constant 80 : index
        %parallel_loop3A_2055 = tpu.vector_load %arg6[%parallel_loop3A_2053, %parallel_loop3A_2054] {strides = array<i32>} : memref<128x128xf32, #tpu.memory_space<vmem>>, vector<16xf32>,
        %parallel_loop3A_2056 = arith.addf %parallel_loop3A_2030, %parallel_loop3A_2055 : vector<16xf32>
        %parallel_loop3A_2057 = arith.index_cast %parallel_loop3A_2024 : i32 to index
        %parallel_loop3A_2058 = arith.constant 96 : index
        %parallel_loop3A_2059 = tpu.vector_load %arg6[%parallel_loop3A_2057, %parallel_loop3A_2058] {strides = array<i32>} : memref<128x128xf32, #tpu.memory_space<vmem>>, vector<16xf32>,
        %parallel_loop3A_2060 = arith.addf %parallel_loop3A_2031, %parallel_loop3A_2059 : vector<16xf32>
        %parallel_loop3A_2061 = arith.index_cast %parallel_loop3A_2024 : i32 to index
        %parallel_loop3A_2062 = arith.constant 112 : index
        %parallel_loop3A_2063 = tpu.vector_load %arg6[%parallel_loop3A_2061, %parallel_loop3A_2062] {strides = array<i32>} : memref<128x128xf32, #tpu.memory_space<vmem>>, vector<16xf32>,
        %parallel_loop3A_2064 = arith.addf %parallel_loop3A_2032, %parallel_loop3A_2063 : vector<16xf32>
        scf.yield %parallel_loop3A_2036, %parallel_loop3A_2040, %parallel_loop3A_2044, %parallel_loop3A_2048, %parallel_loop3A_2052, %parallel_loop3A_2056, %parallel_loop3A_2060, %parallel_loop3A_2064 : vector<16xf32>, vector<16xf32>, vector<16xf32>, vector<16xf32>, vector<16xf32>, vector<16xf32>, vector<16xf32>, vector<16xf32>
      } {sc.loop_unroll_factor = 1 : i64, sc.parallel_access}
      %get3A_1952 = arith.constant 2 : i32
      %get3A_1953 = arith.index_cast %get3A_1952 : i32 to index
      %get3A_1954 = arith.constant 0 : index
      %get3A_1955 = tpu.vector_load %arg8[%get3A_1953, %get3A_1954] {strides = array<i32>} : memref<16x144xf32, #tpu.memory_space<vmem>>, vector<16xf32>,
      %add3A_1956 = arith.addf %get3A_1955, %parallel_loop3A_1951#0 : vector<16xf32>
      %swap3A_1957 = arith.constant 2 : i32
      %swap3A_1958 = arith.index_cast %swap3A_1957 : i32 to index
      %swap3A_1959 = arith.constant 0 : index
      %swap3A_1960 = tpu.vector_load %arg8[%swap3A_1958, %swap3A_1959] {strides = array<i32>} : memref<16x144xf32, #tpu.memory_space<vmem>>, vector<16xf32>,
      tpu.vector_store %arg8[%swap3A_1958, %swap3A_1959], %add3A_1956 {strides = array<i32>} : memref<16x144xf32, #tpu.memory_space<vmem>>, vector<16xf32>,
      %get3A_1961 = arith.constant 2 : i32
      %get3A_1962 = arith.index_cast %get3A_1961 : i32 to index
      %get3A_1963 = arith.constant 16 : index
      %get3A_1964 = tpu.vector_load %arg8[%get3A_1962, %get3A_1963] {strides = array<i32>} : memref<16x144xf32, #tpu.memory_space<vmem>>, vector<16xf32>,
      %add3A_1965 = arith.addf %get3A_1964, %parallel_loop3A_1951#1 : vector<16xf32>
      %swap3A_1966 = arith.constant 2 : i32
      %swap3A_1967 = arith.index_cast %swap3A_1966 : i32 to index
      %swap3A_1968 = arith.constant 16 : index
      %swap3A_1969 = tpu.vector_load %arg8[%swap3A_1967, %swap3A_1968] {strides = array<i32>} : memref<16x144xf32, #tpu.memory_space<vmem>>, vector<16xf32>,
      tpu.vector_store %arg8[%swap3A_1967, %swap3A_1968], %add3A_1965 {strides = array<i32>} : memref<16x144xf32, #tpu.memory_space<vmem>>, vector<16xf32>,
      %get3A_1970 = arith.constant 2 : i32
      %get3A_1971 = arith.index_cast %get3A_1970 : i32 to index
      %get3A_1972 = arith.constant 32 : index
      %get3A_1973 = tpu.vector_load %arg8[%get3A_1971, %get3A_1972] {strides = array<i32>} : memref<16x144xf32, #tpu.memory_space<vmem>>, vector<16xf32>,
      %add3A_1974 = arith.addf %get3A_1973, %parallel_loop3A_1951#2 : vector<16xf32>
      %swap3A_1975 = arith.constant 2 : i32
      %swap3A_1976 = arith.index_cast %swap3A_1975 : i32 to index
      %swap3A_1977 = arith.constant 32 : index
      %swap3A_1978 = tpu.vector_load %arg8[%swap3A_1976, %swap3A_1977] {strides = array<i32>} : memref<16x144xf32, #tpu.memory_space<vmem>>, vector<16xf32>,
      tpu.vector_store %arg8[%swap3A_1976, %swap3A_1977], %add3A_1974 {strides = array<i32>} : memref<16x144xf32, #tpu.memory_space<vmem>>, vector<16xf32>,
      %get3A_1979 = arith.constant 2 : i32
      %get3A_1980 = arith.index_cast %get3A_1979 : i32 to index
      %get3A_1981 = arith.constant 48 : index
      %get3A_1982 = tpu.vector_load %arg8[%get3A_1980, %get3A_1981] {strides = array<i32>} : memref<16x144xf32, #tpu.memory_space<vmem>>, vector<16xf32>,
      %add3A_1983 = arith.addf %get3A_1982, %parallel_loop3A_1951#3 : vector<16xf32>
      %swap3A_1984 = arith.constant 2 : i32
      %swap3A_1985 = arith.index_cast %swap3A_1984 : i32 to index
      %swap3A_1986 = arith.constant 48 : index
      %swap3A_1987 = tpu.vector_load %arg8[%swap3A_1985, %swap3A_1986] {strides = array<i32>} : memref<16x144xf32, #tpu.memory_space<vmem>>, vector<16xf32>,
      tpu.vector_store %arg8[%swap3A_1985, %swap3A_1986], %add3A_1983 {strides = array<i32>} : memref<16x144xf32, #tpu.memory_space<vmem>>, vector<16xf32>,
      %get3A_1988 = arith.constant 2 : i32
      %get3A_1989 = arith.index_cast %get3A_1988 : i32 to index
      %get3A_1990 = arith.constant 64 : index
      %get3A_1991 = tpu.vector_load %arg8[%get3A_1989, %get3A_1990] {strides = array<i32>} : memref<16x144xf32, #tpu.memory_space<vmem>>, vector<16xf32>,
      %add3A_1992 = arith.addf %get3A_1991, %parallel_loop3A_1951#4 : vector<16xf32>
      %swap3A_1993 = arith.constant 2 : i32
      %swap3A_1994 = arith.index_cast %swap3A_1993 : i32 to index
      %swap3A_1995 = arith.constant 64 : index
      %swap3A_1996 = tpu.vector_load %arg8[%swap3A_1994, %swap3A_1995] {strides = array<i32>} : memref<16x144xf32, #tpu.memory_space<vmem>>, vector<16xf32>,
      tpu.vector_store %arg8[%swap3A_1994, %swap3A_1995], %add3A_1992 {strides = array<i32>} : memref<16x144xf32, #tpu.memory_space<vmem>>, vector<16xf32>,
      %get3A_1997 = arith.constant 2 : i32
      %get3A_1998 = arith.index_cast %get3A_1997 : i32 to index
      %get3A_1999 = arith.constant 80 : index
      %get3A_2000 = tpu.vector_load %arg8[%get3A_1998, %get3A_1999] {strides = array<i32>} : memref<16x144xf32, #tpu.memory_space<vmem>>, vector<16xf32>,
      %add3A_2001 = arith.addf %get3A_2000, %parallel_loop3A_1951#5 : vector<16xf32>
      %swap3A_2002 = arith.constant 2 : i32
      %swap3A_2003 = arith.index_cast %swap3A_2002 : i32 to index
      %swap3A_2004 = arith.constant 80 : index
      %swap3A_2005 = tpu.vector_load %arg8[%swap3A_2003, %swap3A_2004] {strides = array<i32>} : memref<16x144xf32, #tpu.memory_space<vmem>>, vector<16xf32>,
      tpu.vector_store %arg8[%swap3A_2003, %swap3A_2004], %add3A_2001 {strides = array<i32>} : memref<16x144xf32, #tpu.memory_space<vmem>>, vector<16xf32>,
      %get3A_2006 = arith.constant 2 : i32
      %get3A_2007 = arith.index_cast %get3A_2006 : i32 to index
      %get3A_2008 = arith.constant 96 : index
      %get3A_2009 = tpu.vector_load %arg8[%get3A_2007, %get3A_2008] {strides = array<i32>} : memref<16x144xf32, #tpu.memory_space<vmem>>, vector<16xf32>,
      %add3A_2010 = arith.addf %get3A_2009, %parallel_loop3A_1951#6 : vector<16xf32>
      %swap3A_2011 = arith.constant 2 : i32
      %swap3A_2012 = arith.index_cast %swap3A_2011 : i32 to index
      %swap3A_2013 = arith.constant 96 : index
      %swap3A_2014 = tpu.vector_load %arg8[%swap3A_2012, %swap3A_2013] {strides = array<i32>} : memref<16x144xf32, #tpu.memory_space<vmem>>, vector<16xf32>,
      tpu.vector_store %arg8[%swap3A_2012, %swap3A_2013], %add3A_2010 {strides = array<i32>} : memref<16x144xf32, #tpu.memory_space<vmem>>, vector<16xf32>,
      %get3A_2015 = arith.constant 2 : i32
      %get3A_2016 = arith.index_cast %get3A_2015 : i32 to index
      %get3A_2017 = arith.constant 112 : index
      %get3A_2018 = tpu.vector_load %arg8[%get3A_2016, %get3A_2017] {strides = array<i32>} : memref<16x144xf32, #tpu.memory_space<vmem>>, vector<16xf32>,
      %add3A_2019 = arith.addf %get3A_2018, %parallel_loop3A_1951#7 : vector<16xf32>
      %swap3A_2020 = arith.constant 2 : i32
      %swap3A_2021 = arith.index_cast %swap3A_2020 : i32 to index
      %swap3A_2022 = arith.constant 112 : index
      %swap3A_2023 = tpu.vector_load %arg8[%swap3A_2021, %swap3A_2022] {strides = array<i32>} : memref<16x144xf32, #tpu.memory_space<vmem>>, vector<16xf32>,
      tpu.vector_store %arg8[%swap3A_2021, %swap3A_2022], %add3A_2019 {strides = array<i32>} : memref<16x144xf32, #tpu.memory_space<vmem>>, vector<16xf32>,
    } else {
    }
    %sub3A_1742 = arith.constant 0 : i32
    %sub3A_1743 = arith.subi %add3A_713, %sub3A_1742 : i32
    %jit3A_1744 = arith.constant 0 : i32
    %jit3A_1745 = arith.constant 128 : i32
    %max3A_1746 = arith.maxsi %jit3A_1744, %sub3A_1743 : i32
    %min3A_1747 = arith.minsi %jit3A_1745, %max3A_1746 : i32
    %sub3A_1748 = arith.constant 0 : i32
    %sub3A_1749 = arith.subi %add3A_781, %sub3A_1748 : i32
    %jit3A_1750 = arith.constant 0 : i32
    %jit3A_1751 = arith.constant 128 : i32
    %max3A_1752 = arith.maxsi %jit3A_1750, %sub3A_1749 : i32
    %min3A_1753 = arith.minsi %jit3A_1751, %max3A_1752 : i32
    %gt3A_1754 = arith.cmpi sgt, %min3A_1753, %min3A_1747 : i32
    %convert_element_type3A_1755 = arith.extui %gt3A_1754 : i1 to i32
    %cond3A_1756 = arith.constant 0 : i32
    %cond3A_1757 = arith.cmpi ne, %convert_element_type3A_1755, %cond3A_1756 : i32
    scf.if %cond3A_1757 {
      %parallel_loop3A = arith.constant 1 : i32
      %parallel_loop3A_1951:8 = scf.for %parallel_loop3A_2024 = %min3A_1747 to %min3A_1753 step %parallel_loop3A iter_args(%parallel_loop3A_2025 = %broadcast_in_dim3A_8, %parallel_loop3A_2026 = %broadcast_in_dim3A_8, %parallel_loop3A_2027 = %broadcast_in_dim3A_8, %parallel_loop3A_2028 = %broadcast_in_dim3A_8, %parallel_loop3A_2029 = %broadcast_in_dim3A_8, %parallel_loop3A_2030 = %broadcast_in_dim3A_8, %parallel_loop3A_2031 = %broadcast_in_dim3A_8, %parallel_loop3A_2032 = %broadcast_in_dim3A_8) -> (vector<16xf32>, vector<16xf32>, vector<16xf32>, vector<16xf32>, vector<16xf32>, vector<16xf32>, vector<16xf32>, vector<16xf32>)  : i32 {
        %parallel_loop3A_2033 = arith.index_cast %parallel_loop3A_2024 : i32 to index
        %parallel_loop3A_2034 = arith.constant 0 : index
        %parallel_loop3A_2035 = tpu.vector_load %arg6[%parallel_loop3A_2033, %parallel_loop3A_2034] {strides = array<i32>} : memref<128x128xf32, #tpu.memory_space<vmem>>, vector<16xf32>,
        %parallel_loop3A_2036 = arith.addf %parallel_loop3A_2025, %parallel_loop3A_2035 : vector<16xf32>
        %parallel_loop3A_2037 = arith.index_cast %parallel_loop3A_2024 : i32 to index
        %parallel_loop3A_2038 = arith.constant 16 : index
        %parallel_loop3A_2039 = tpu.vector_load %arg6[%parallel_loop3A_2037, %parallel_loop3A_2038] {strides = array<i32>} : memref<128x128xf32, #tpu.memory_space<vmem>>, vector<16xf32>,
        %parallel_loop3A_2040 = arith.addf %parallel_loop3A_2026, %parallel_loop3A_2039 : vector<16xf32>
        %parallel_loop3A_2041 = arith.index_cast %parallel_loop3A_2024 : i32 to index
        %parallel_loop3A_2042 = arith.constant 32 : index
        %parallel_loop3A_2043 = tpu.vector_load %arg6[%parallel_loop3A_2041, %parallel_loop3A_2042] {strides = array<i32>} : memref<128x128xf32, #tpu.memory_space<vmem>>, vector<16xf32>,
        %parallel_loop3A_2044 = arith.addf %parallel_loop3A_2027, %parallel_loop3A_2043 : vector<16xf32>
        %parallel_loop3A_2045 = arith.index_cast %parallel_loop3A_2024 : i32 to index
        %parallel_loop3A_2046 = arith.constant 48 : index
        %parallel_loop3A_2047 = tpu.vector_load %arg6[%parallel_loop3A_2045, %parallel_loop3A_2046] {strides = array<i32>} : memref<128x128xf32, #tpu.memory_space<vmem>>, vector<16xf32>,
        %parallel_loop3A_2048 = arith.addf %parallel_loop3A_2028, %parallel_loop3A_2047 : vector<16xf32>
        %parallel_loop3A_2049 = arith.index_cast %parallel_loop3A_2024 : i32 to index
        %parallel_loop3A_2050 = arith.constant 64 : index
        %parallel_loop3A_2051 = tpu.vector_load %arg6[%parallel_loop3A_2049, %parallel_loop3A_2050] {strides = array<i32>} : memref<128x128xf32, #tpu.memory_space<vmem>>, vector<16xf32>,
        %parallel_loop3A_2052 = arith.addf %parallel_loop3A_2029, %parallel_loop3A_2051 : vector<16xf32>
        %parallel_loop3A_2053 = arith.index_cast %parallel_loop3A_2024 : i32 to index
        %parallel_loop3A_2054 = arith.constant 80 : index
        %parallel_loop3A_2055 = tpu.vector_load %arg6[%parallel_loop3A_2053, %parallel_loop3A_2054] {strides = array<i32>} : memref<128x128xf32, #tpu.memory_space<vmem>>, vector<16xf32>,
        %parallel_loop3A_2056 = arith.addf %parallel_loop3A_2030, %parallel_loop3A_2055 : vector<16xf32>
        %parallel_loop3A_2057 = arith.index_cast %parallel_loop3A_2024 : i32 to index
        %parallel_loop3A_2058 = arith.constant 96 : index
        %parallel_loop3A_2059 = tpu.vector_load %arg6[%parallel_loop3A_2057, %parallel_loop3A_2058] {strides = array<i32>} : memref<128x128xf32, #tpu.memory_space<vmem>>, vector<16xf32>,
        %parallel_loop3A_2060 = arith.addf %parallel_loop3A_2031, %parallel_loop3A_2059 : vector<16xf32>
        %parallel_loop3A_2061 = arith.index_cast %parallel_loop3A_2024 : i32 to index
        %parallel_loop3A_2062 = arith.constant 112 : index
        %parallel_loop3A_2063 = tpu.vector_load %arg6[%parallel_loop3A_2061, %parallel_loop3A_2062] {strides = array<i32>} : memref<128x128xf32, #tpu.memory_space<vmem>>, vector<16xf32>,
        %parallel_loop3A_2064 = arith.addf %parallel_loop3A_2032, %parallel_loop3A_2063 : vector<16xf32>
        scf.yield %parallel_loop3A_2036, %parallel_loop3A_2040, %parallel_loop3A_2044, %parallel_loop3A_2048, %parallel_loop3A_2052, %parallel_loop3A_2056, %parallel_loop3A_2060, %parallel_loop3A_2064 : vector<16xf32>, vector<16xf32>, vector<16xf32>, vector<16xf32>, vector<16xf32>, vector<16xf32>, vector<16xf32>, vector<16xf32>
      } {sc.loop_unroll_factor = 1 : i64, sc.parallel_access}
      %get3A_1952 = arith.constant 3 : i32
      %get3A_1953 = arith.index_cast %get3A_1952 : i32 to index
      %get3A_1954 = arith.constant 0 : index
      %get3A_1955 = tpu.vector_load %arg8[%get3A_1953, %get3A_1954] {strides = array<i32>} : memref<16x144xf32, #tpu.memory_space<vmem>>, vector<16xf32>,
      %add3A_1956 = arith.addf %get3A_1955, %parallel_loop3A_1951#0 : vector<16xf32>
      %swap3A_1957 = arith.constant 3 : i32
      %swap3A_1958 = arith.index_cast %swap3A_1957 : i32 to index
      %swap3A_1959 = arith.constant 0 : index
      %swap3A_1960 = tpu.vector_load %arg8[%swap3A_1958, %swap3A_1959] {strides = array<i32>} : memref<16x144xf32, #tpu.memory_space<vmem>>, vector<16xf32>,
      tpu.vector_store %arg8[%swap3A_1958, %swap3A_1959], %add3A_1956 {strides = array<i32>} : memref<16x144xf32, #tpu.memory_space<vmem>>, vector<16xf32>,
      %get3A_1961 = arith.constant 3 : i32
      %get3A_1962 = arith.index_cast %get3A_1961 : i32 to index
      %get3A_1963 = arith.constant 16 : index
      %get3A_1964 = tpu.vector_load %arg8[%get3A_1962, %get3A_1963] {strides = array<i32>} : memref<16x144xf32, #tpu.memory_space<vmem>>, vector<16xf32>,
      %add3A_1965 = arith.addf %get3A_1964, %parallel_loop3A_1951#1 : vector<16xf32>
      %swap3A_1966 = arith.constant 3 : i32
      %swap3A_1967 = arith.index_cast %swap3A_1966 : i32 to index
      %swap3A_1968 = arith.constant 16 : index
      %swap3A_1969 = tpu.vector_load %arg8[%swap3A_1967, %swap3A_1968] {strides = array<i32>} : memref<16x144xf32, #tpu.memory_space<vmem>>, vector<16xf32>,
      tpu.vector_store %arg8[%swap3A_1967, %swap3A_1968], %add3A_1965 {strides = array<i32>} : memref<16x144xf32, #tpu.memory_space<vmem>>, vector<16xf32>,
      %get3A_1970 = arith.constant 3 : i32
      %get3A_1971 = arith.index_cast %get3A_1970 : i32 to index
      %get3A_1972 = arith.constant 32 : index
      %get3A_1973 = tpu.vector_load %arg8[%get3A_1971, %get3A_1972] {strides = array<i32>} : memref<16x144xf32, #tpu.memory_space<vmem>>, vector<16xf32>,
      %add3A_1974 = arith.addf %get3A_1973, %parallel_loop3A_1951#2 : vector<16xf32>
      %swap3A_1975 = arith.constant 3 : i32
      %swap3A_1976 = arith.index_cast %swap3A_1975 : i32 to index
      %swap3A_1977 = arith.constant 32 : index
      %swap3A_1978 = tpu.vector_load %arg8[%swap3A_1976, %swap3A_1977] {strides = array<i32>} : memref<16x144xf32, #tpu.memory_space<vmem>>, vector<16xf32>,
      tpu.vector_store %arg8[%swap3A_1976, %swap3A_1977], %add3A_1974 {strides = array<i32>} : memref<16x144xf32, #tpu.memory_space<vmem>>, vector<16xf32>,
      %get3A_1979 = arith.constant 3 : i32
      %get3A_1980 = arith.index_cast %get3A_1979 : i32 to index
      %get3A_1981 = arith.constant 48 : index
      %get3A_1982 = tpu.vector_load %arg8[%get3A_1980, %get3A_1981] {strides = array<i32>} : memref<16x144xf32, #tpu.memory_space<vmem>>, vector<16xf32>,
      %add3A_1983 = arith.addf %get3A_1982, %parallel_loop3A_1951#3 : vector<16xf32>
      %swap3A_1984 = arith.constant 3 : i32
      %swap3A_1985 = arith.index_cast %swap3A_1984 : i32 to index
      %swap3A_1986 = arith.constant 48 : index
      %swap3A_1987 = tpu.vector_load %arg8[%swap3A_1985, %swap3A_1986] {strides = array<i32>} : memref<16x144xf32, #tpu.memory_space<vmem>>, vector<16xf32>,
      tpu.vector_store %arg8[%swap3A_1985, %swap3A_1986], %add3A_1983 {strides = array<i32>} : memref<16x144xf32, #tpu.memory_space<vmem>>, vector<16xf32>,
      %get3A_1988 = arith.constant 3 : i32
      %get3A_1989 = arith.index_cast %get3A_1988 : i32 to index
      %get3A_1990 = arith.constant 64 : index
      %get3A_1991 = tpu.vector_load %arg8[%get3A_1989, %get3A_1990] {strides = array<i32>} : memref<16x144xf32, #tpu.memory_space<vmem>>, vector<16xf32>,
      %add3A_1992 = arith.addf %get3A_1991, %parallel_loop3A_1951#4 : vector<16xf32>
      %swap3A_1993 = arith.constant 3 : i32
      %swap3A_1994 = arith.index_cast %swap3A_1993 : i32 to index
      %swap3A_1995 = arith.constant 64 : index
      %swap3A_1996 = tpu.vector_load %arg8[%swap3A_1994, %swap3A_1995] {strides = array<i32>} : memref<16x144xf32, #tpu.memory_space<vmem>>, vector<16xf32>,
      tpu.vector_store %arg8[%swap3A_1994, %swap3A_1995], %add3A_1992 {strides = array<i32>} : memref<16x144xf32, #tpu.memory_space<vmem>>, vector<16xf32>,
      %get3A_1997 = arith.constant 3 : i32
      %get3A_1998 = arith.index_cast %get3A_1997 : i32 to index
      %get3A_1999 = arith.constant 80 : index
      %get3A_2000 = tpu.vector_load %arg8[%get3A_1998, %get3A_1999] {strides = array<i32>} : memref<16x144xf32, #tpu.memory_space<vmem>>, vector<16xf32>,
      %add3A_2001 = arith.addf %get3A_2000, %parallel_loop3A_1951#5 : vector<16xf32>
      %swap3A_2002 = arith.constant 3 : i32
      %swap3A_2003 = arith.index_cast %swap3A_2002 : i32 to index
      %swap3A_2004 = arith.constant 80 : index
      %swap3A_2005 = tpu.vector_load %arg8[%swap3A_2003, %swap3A_2004] {strides = array<i32>} : memref<16x144xf32, #tpu.memory_space<vmem>>, vector<16xf32>,
      tpu.vector_store %arg8[%swap3A_2003, %swap3A_2004], %add3A_2001 {strides = array<i32>} : memref<16x144xf32, #tpu.memory_space<vmem>>, vector<16xf32>,
      %get3A_2006 = arith.constant 3 : i32
      %get3A_2007 = arith.index_cast %get3A_2006 : i32 to index
      %get3A_2008 = arith.constant 96 : index
      %get3A_2009 = tpu.vector_load %arg8[%get3A_2007, %get3A_2008] {strides = array<i32>} : memref<16x144xf32, #tpu.memory_space<vmem>>, vector<16xf32>,
      %add3A_2010 = arith.addf %get3A_2009, %parallel_loop3A_1951#6 : vector<16xf32>
      %swap3A_2011 = arith.constant 3 : i32
      %swap3A_2012 = arith.index_cast %swap3A_2011 : i32 to index
      %swap3A_2013 = arith.constant 96 : index
      %swap3A_2014 = tpu.vector_load %arg8[%swap3A_2012, %swap3A_2013] {strides = array<i32>} : memref<16x144xf32, #tpu.memory_space<vmem>>, vector<16xf32>,
      tpu.vector_store %arg8[%swap3A_2012, %swap3A_2013], %add3A_2010 {strides = array<i32>} : memref<16x144xf32, #tpu.memory_space<vmem>>, vector<16xf32>,
      %get3A_2015 = arith.constant 3 : i32
      %get3A_2016 = arith.index_cast %get3A_2015 : i32 to index
      %get3A_2017 = arith.constant 112 : index
      %get3A_2018 = tpu.vector_load %arg8[%get3A_2016, %get3A_2017] {strides = array<i32>} : memref<16x144xf32, #tpu.memory_space<vmem>>, vector<16xf32>,
      %add3A_2019 = arith.addf %get3A_2018, %parallel_loop3A_1951#7 : vector<16xf32>
      %swap3A_2020 = arith.constant 3 : i32
      %swap3A_2021 = arith.index_cast %swap3A_2020 : i32 to index
      %swap3A_2022 = arith.constant 112 : index
      %swap3A_2023 = tpu.vector_load %arg8[%swap3A_2021, %swap3A_2022] {strides = array<i32>} : memref<16x144xf32, #tpu.memory_space<vmem>>, vector<16xf32>,
      tpu.vector_store %arg8[%swap3A_2021, %swap3A_2022], %add3A_2019 {strides = array<i32>} : memref<16x144xf32, #tpu.memory_space<vmem>>, vector<16xf32>,
    } else {
    }
    %sub3A_1758 = arith.constant 0 : i32
    %sub3A_1759 = arith.subi %add3A_781, %sub3A_1758 : i32
    %jit3A_1760 = arith.constant 0 : i32
    %jit3A_1761 = arith.constant 128 : i32
    %max3A_1762 = arith.maxsi %jit3A_1760, %sub3A_1759 : i32
    %min3A_1763 = arith.minsi %jit3A_1761, %max3A_1762 : i32
    %sub3A_1764 = arith.constant 0 : i32
    %sub3A_1765 = arith.subi %add3A_849, %sub3A_1764 : i32
    %jit3A_1766 = arith.constant 0 : i32
    %jit3A_1767 = arith.constant 128 : i32
    %max3A_1768 = arith.maxsi %jit3A_1766, %sub3A_1765 : i32
    %min3A_1769 = arith.minsi %jit3A_1767, %max3A_1768 : i32
    %gt3A_1770 = arith.cmpi sgt, %min3A_1769, %min3A_1763 : i32
    %convert_element_type3A_1771 = arith.extui %gt3A_1770 : i1 to i32
    %cond3A_1772 = arith.constant 0 : i32
    %cond3A_1773 = arith.cmpi ne, %convert_element_type3A_1771, %cond3A_1772 : i32
    scf.if %cond3A_1773 {
      %parallel_loop3A = arith.constant 1 : i32
      %parallel_loop3A_1951:8 = scf.for %parallel_loop3A_2024 = %min3A_1763 to %min3A_1769 step %parallel_loop3A iter_args(%parallel_loop3A_2025 = %broadcast_in_dim3A_8, %parallel_loop3A_2026 = %broadcast_in_dim3A_8, %parallel_loop3A_2027 = %broadcast_in_dim3A_8, %parallel_loop3A_2028 = %broadcast_in_dim3A_8, %parallel_loop3A_2029 = %broadcast_in_dim3A_8, %parallel_loop3A_2030 = %broadcast_in_dim3A_8, %parallel_loop3A_2031 = %broadcast_in_dim3A_8, %parallel_loop3A_2032 = %broadcast_in_dim3A_8) -> (vector<16xf32>, vector<16xf32>, vector<16xf32>, vector<16xf32>, vector<16xf32>, vector<16xf32>, vector<16xf32>, vector<16xf32>)  : i32 {
        %parallel_loop3A_2033 = arith.index_cast %parallel_loop3A_2024 : i32 to index
        %parallel_loop3A_2034 = arith.constant 0 : index
        %parallel_loop3A_2035 = tpu.vector_load %arg6[%parallel_loop3A_2033, %parallel_loop3A_2034] {strides = array<i32>} : memref<128x128xf32, #tpu.memory_space<vmem>>, vector<16xf32>,
        %parallel_loop3A_2036 = arith.addf %parallel_loop3A_2025, %parallel_loop3A_2035 : vector<16xf32>
        %parallel_loop3A_2037 = arith.index_cast %parallel_loop3A_2024 : i32 to index
        %parallel_loop3A_2038 = arith.constant 16 : index
        %parallel_loop3A_2039 = tpu.vector_load %arg6[%parallel_loop3A_2037, %parallel_loop3A_2038] {strides = array<i32>} : memref<128x128xf32, #tpu.memory_space<vmem>>, vector<16xf32>,
        %parallel_loop3A_2040 = arith.addf %parallel_loop3A_2026, %parallel_loop3A_2039 : vector<16xf32>
        %parallel_loop3A_2041 = arith.index_cast %parallel_loop3A_2024 : i32 to index
        %parallel_loop3A_2042 = arith.constant 32 : index
        %parallel_loop3A_2043 = tpu.vector_load %arg6[%parallel_loop3A_2041, %parallel_loop3A_2042] {strides = array<i32>} : memref<128x128xf32, #tpu.memory_space<vmem>>, vector<16xf32>,
        %parallel_loop3A_2044 = arith.addf %parallel_loop3A_2027, %parallel_loop3A_2043 : vector<16xf32>
        %parallel_loop3A_2045 = arith.index_cast %parallel_loop3A_2024 : i32 to index
        %parallel_loop3A_2046 = arith.constant 48 : index
        %parallel_loop3A_2047 = tpu.vector_load %arg6[%parallel_loop3A_2045, %parallel_loop3A_2046] {strides = array<i32>} : memref<128x128xf32, #tpu.memory_space<vmem>>, vector<16xf32>,
        %parallel_loop3A_2048 = arith.addf %parallel_loop3A_2028, %parallel_loop3A_2047 : vector<16xf32>
        %parallel_loop3A_2049 = arith.index_cast %parallel_loop3A_2024 : i32 to index
        %parallel_loop3A_2050 = arith.constant 64 : index
        %parallel_loop3A_2051 = tpu.vector_load %arg6[%parallel_loop3A_2049, %parallel_loop3A_2050] {strides = array<i32>} : memref<128x128xf32, #tpu.memory_space<vmem>>, vector<16xf32>,
        %parallel_loop3A_2052 = arith.addf %parallel_loop3A_2029, %parallel_loop3A_2051 : vector<16xf32>
        %parallel_loop3A_2053 = arith.index_cast %parallel_loop3A_2024 : i32 to index
        %parallel_loop3A_2054 = arith.constant 80 : index
        %parallel_loop3A_2055 = tpu.vector_load %arg6[%parallel_loop3A_2053, %parallel_loop3A_2054] {strides = array<i32>} : memref<128x128xf32, #tpu.memory_space<vmem>>, vector<16xf32>,
        %parallel_loop3A_2056 = arith.addf %parallel_loop3A_2030, %parallel_loop3A_2055 : vector<16xf32>
        %parallel_loop3A_2057 = arith.index_cast %parallel_loop3A_2024 : i32 to index
        %parallel_loop3A_2058 = arith.constant 96 : index
        %parallel_loop3A_2059 = tpu.vector_load %arg6[%parallel_loop3A_2057, %parallel_loop3A_2058] {strides = array<i32>} : memref<128x128xf32, #tpu.memory_space<vmem>>, vector<16xf32>,
        %parallel_loop3A_2060 = arith.addf %parallel_loop3A_2031, %parallel_loop3A_2059 : vector<16xf32>
        %parallel_loop3A_2061 = arith.index_cast %parallel_loop3A_2024 : i32 to index
        %parallel_loop3A_2062 = arith.constant 112 : index
        %parallel_loop3A_2063 = tpu.vector_load %arg6[%parallel_loop3A_2061, %parallel_loop3A_2062] {strides = array<i32>} : memref<128x128xf32, #tpu.memory_space<vmem>>, vector<16xf32>,
        %parallel_loop3A_2064 = arith.addf %parallel_loop3A_2032, %parallel_loop3A_2063 : vector<16xf32>
        scf.yield %parallel_loop3A_2036, %parallel_loop3A_2040, %parallel_loop3A_2044, %parallel_loop3A_2048, %parallel_loop3A_2052, %parallel_loop3A_2056, %parallel_loop3A_2060, %parallel_loop3A_2064 : vector<16xf32>, vector<16xf32>, vector<16xf32>, vector<16xf32>, vector<16xf32>, vector<16xf32>, vector<16xf32>, vector<16xf32>
      } {sc.loop_unroll_factor = 1 : i64, sc.parallel_access}
      %get3A_1952 = arith.constant 4 : i32
      %get3A_1953 = arith.index_cast %get3A_1952 : i32 to index
      %get3A_1954 = arith.constant 0 : index
      %get3A_1955 = tpu.vector_load %arg8[%get3A_1953, %get3A_1954] {strides = array<i32>} : memref<16x144xf32, #tpu.memory_space<vmem>>, vector<16xf32>,
      %add3A_1956 = arith.addf %get3A_1955, %parallel_loop3A_1951#0 : vector<16xf32>
      %swap3A_1957 = arith.constant 4 : i32
      %swap3A_1958 = arith.index_cast %swap3A_1957 : i32 to index
      %swap3A_1959 = arith.constant 0 : index
      %swap3A_1960 = tpu.vector_load %arg8[%swap3A_1958, %swap3A_1959] {strides = array<i32>} : memref<16x144xf32, #tpu.memory_space<vmem>>, vector<16xf32>,
      tpu.vector_store %arg8[%swap3A_1958, %swap3A_1959], %add3A_1956 {strides = array<i32>} : memref<16x144xf32, #tpu.memory_space<vmem>>, vector<16xf32>,
      %get3A_1961 = arith.constant 4 : i32
      %get3A_1962 = arith.index_cast %get3A_1961 : i32 to index
      %get3A_1963 = arith.constant 16 : index
      %get3A_1964 = tpu.vector_load %arg8[%get3A_1962, %get3A_1963] {strides = array<i32>} : memref<16x144xf32, #tpu.memory_space<vmem>>, vector<16xf32>,
      %add3A_1965 = arith.addf %get3A_1964, %parallel_loop3A_1951#1 : vector<16xf32>
      %swap3A_1966 = arith.constant 4 : i32
      %swap3A_1967 = arith.index_cast %swap3A_1966 : i32 to index
      %swap3A_1968 = arith.constant 16 : index
      %swap3A_1969 = tpu.vector_load %arg8[%swap3A_1967, %swap3A_1968] {strides = array<i32>} : memref<16x144xf32, #tpu.memory_space<vmem>>, vector<16xf32>,
      tpu.vector_store %arg8[%swap3A_1967, %swap3A_1968], %add3A_1965 {strides = array<i32>} : memref<16x144xf32, #tpu.memory_space<vmem>>, vector<16xf32>,
      %get3A_1970 = arith.constant 4 : i32
      %get3A_1971 = arith.index_cast %get3A_1970 : i32 to index
      %get3A_1972 = arith.constant 32 : index
      %get3A_1973 = tpu.vector_load %arg8[%get3A_1971, %get3A_1972] {strides = array<i32>} : memref<16x144xf32, #tpu.memory_space<vmem>>, vector<16xf32>,
      %add3A_1974 = arith.addf %get3A_1973, %parallel_loop3A_1951#2 : vector<16xf32>
      %swap3A_1975 = arith.constant 4 : i32
      %swap3A_1976 = arith.index_cast %swap3A_1975 : i32 to index
      %swap3A_1977 = arith.constant 32 : index
      %swap3A_1978 = tpu.vector_load %arg8[%swap3A_1976, %swap3A_1977] {strides = array<i32>} : memref<16x144xf32, #tpu.memory_space<vmem>>, vector<16xf32>,
      tpu.vector_store %arg8[%swap3A_1976, %swap3A_1977], %add3A_1974 {strides = array<i32>} : memref<16x144xf32, #tpu.memory_space<vmem>>, vector<16xf32>,
      %get3A_1979 = arith.constant 4 : i32
      %get3A_1980 = arith.index_cast %get3A_1979 : i32 to index
      %get3A_1981 = arith.constant 48 : index
      %get3A_1982 = tpu.vector_load %arg8[%get3A_1980, %get3A_1981] {strides = array<i32>} : memref<16x144xf32, #tpu.memory_space<vmem>>, vector<16xf32>,
      %add3A_1983 = arith.addf %get3A_1982, %parallel_loop3A_1951#3 : vector<16xf32>
      %swap3A_1984 = arith.constant 4 : i32
      %swap3A_1985 = arith.index_cast %swap3A_1984 : i32 to index
      %swap3A_1986 = arith.constant 48 : index
      %swap3A_1987 = tpu.vector_load %arg8[%swap3A_1985, %swap3A_1986] {strides = array<i32>} : memref<16x144xf32, #tpu.memory_space<vmem>>, vector<16xf32>,
      tpu.vector_store %arg8[%swap3A_1985, %swap3A_1986], %add3A_1983 {strides = array<i32>} : memref<16x144xf32, #tpu.memory_space<vmem>>, vector<16xf32>,
      %get3A_1988 = arith.constant 4 : i32
      %get3A_1989 = arith.index_cast %get3A_1988 : i32 to index
      %get3A_1990 = arith.constant 64 : index
      %get3A_1991 = tpu.vector_load %arg8[%get3A_1989, %get3A_1990] {strides = array<i32>} : memref<16x144xf32, #tpu.memory_space<vmem>>, vector<16xf32>,
      %add3A_1992 = arith.addf %get3A_1991, %parallel_loop3A_1951#4 : vector<16xf32>
      %swap3A_1993 = arith.constant 4 : i32
      %swap3A_1994 = arith.index_cast %swap3A_1993 : i32 to index
      %swap3A_1995 = arith.constant 64 : index
      %swap3A_1996 = tpu.vector_load %arg8[%swap3A_1994, %swap3A_1995] {strides = array<i32>} : memref<16x144xf32, #tpu.memory_space<vmem>>, vector<16xf32>,
      tpu.vector_store %arg8[%swap3A_1994, %swap3A_1995], %add3A_1992 {strides = array<i32>} : memref<16x144xf32, #tpu.memory_space<vmem>>, vector<16xf32>,
      %get3A_1997 = arith.constant 4 : i32
      %get3A_1998 = arith.index_cast %get3A_1997 : i32 to index
      %get3A_1999 = arith.constant 80 : index
      %get3A_2000 = tpu.vector_load %arg8[%get3A_1998, %get3A_1999] {strides = array<i32>} : memref<16x144xf32, #tpu.memory_space<vmem>>, vector<16xf32>,
      %add3A_2001 = arith.addf %get3A_2000, %parallel_loop3A_1951#5 : vector<16xf32>
      %swap3A_2002 = arith.constant 4 : i32
      %swap3A_2003 = arith.index_cast %swap3A_2002 : i32 to index
      %swap3A_2004 = arith.constant 80 : index
      %swap3A_2005 = tpu.vector_load %arg8[%swap3A_2003, %swap3A_2004] {strides = array<i32>} : memref<16x144xf32, #tpu.memory_space<vmem>>, vector<16xf32>,
      tpu.vector_store %arg8[%swap3A_2003, %swap3A_2004], %add3A_2001 {strides = array<i32>} : memref<16x144xf32, #tpu.memory_space<vmem>>, vector<16xf32>,
      %get3A_2006 = arith.constant 4 : i32
      %get3A_2007 = arith.index_cast %get3A_2006 : i32 to index
      %get3A_2008 = arith.constant 96 : index
      %get3A_2009 = tpu.vector_load %arg8[%get3A_2007, %get3A_2008] {strides = array<i32>} : memref<16x144xf32, #tpu.memory_space<vmem>>, vector<16xf32>,
      %add3A_2010 = arith.addf %get3A_2009, %parallel_loop3A_1951#6 : vector<16xf32>
      %swap3A_2011 = arith.constant 4 : i32
      %swap3A_2012 = arith.index_cast %swap3A_2011 : i32 to index
      %swap3A_2013 = arith.constant 96 : index
      %swap3A_2014 = tpu.vector_load %arg8[%swap3A_2012, %swap3A_2013] {strides = array<i32>} : memref<16x144xf32, #tpu.memory_space<vmem>>, vector<16xf32>,
      tpu.vector_store %arg8[%swap3A_2012, %swap3A_2013], %add3A_2010 {strides = array<i32>} : memref<16x144xf32, #tpu.memory_space<vmem>>, vector<16xf32>,
      %get3A_2015 = arith.constant 4 : i32
      %get3A_2016 = arith.index_cast %get3A_2015 : i32 to index
      %get3A_2017 = arith.constant 112 : index
      %get3A_2018 = tpu.vector_load %arg8[%get3A_2016, %get3A_2017] {strides = array<i32>} : memref<16x144xf32, #tpu.memory_space<vmem>>, vector<16xf32>,
      %add3A_2019 = arith.addf %get3A_2018, %parallel_loop3A_1951#7 : vector<16xf32>
      %swap3A_2020 = arith.constant 4 : i32
      %swap3A_2021 = arith.index_cast %swap3A_2020 : i32 to index
      %swap3A_2022 = arith.constant 112 : index
      %swap3A_2023 = tpu.vector_load %arg8[%swap3A_2021, %swap3A_2022] {strides = array<i32>} : memref<16x144xf32, #tpu.memory_space<vmem>>, vector<16xf32>,
      tpu.vector_store %arg8[%swap3A_2021, %swap3A_2022], %add3A_2019 {strides = array<i32>} : memref<16x144xf32, #tpu.memory_space<vmem>>, vector<16xf32>,
    } else {
    }
    %sub3A_1774 = arith.constant 0 : i32
    %sub3A_1775 = arith.subi %add3A_849, %sub3A_1774 : i32
    %jit3A_1776 = arith.constant 0 : i32
    %jit3A_1777 = arith.constant 128 : i32
    %max3A_1778 = arith.maxsi %jit3A_1776, %sub3A_1775 : i32
    %min3A_1779 = arith.minsi %jit3A_1777, %max3A_1778 : i32
    %sub3A_1780 = arith.constant 0 : i32
    %sub3A_1781 = arith.subi %add3A_917, %sub3A_1780 : i32
    %jit3A_1782 = arith.constant 0 : i32
    %jit3A_1783 = arith.constant 128 : i32
    %max3A_1784 = arith.maxsi %jit3A_1782, %sub3A_1781 : i32
    %min3A_1785 = arith.minsi %jit3A_1783, %max3A_1784 : i32
    %gt3A_1786 = arith.cmpi sgt, %min3A_1785, %min3A_1779 : i32
    %convert_element_type3A_1787 = arith.extui %gt3A_1786 : i1 to i32
    %cond3A_1788 = arith.constant 0 : i32
    %cond3A_1789 = arith.cmpi ne, %convert_element_type3A_1787, %cond3A_1788 : i32
    scf.if %cond3A_1789 {
      %parallel_loop3A = arith.constant 1 : i32
      %parallel_loop3A_1951:8 = scf.for %parallel_loop3A_2024 = %min3A_1779 to %min3A_1785 step %parallel_loop3A iter_args(%parallel_loop3A_2025 = %broadcast_in_dim3A_8, %parallel_loop3A_2026 = %broadcast_in_dim3A_8, %parallel_loop3A_2027 = %broadcast_in_dim3A_8, %parallel_loop3A_2028 = %broadcast_in_dim3A_8, %parallel_loop3A_2029 = %broadcast_in_dim3A_8, %parallel_loop3A_2030 = %broadcast_in_dim3A_8, %parallel_loop3A_2031 = %broadcast_in_dim3A_8, %parallel_loop3A_2032 = %broadcast_in_dim3A_8) -> (vector<16xf32>, vector<16xf32>, vector<16xf32>, vector<16xf32>, vector<16xf32>, vector<16xf32>, vector<16xf32>, vector<16xf32>)  : i32 {
        %parallel_loop3A_2033 = arith.index_cast %parallel_loop3A_2024 : i32 to index
        %parallel_loop3A_2034 = arith.constant 0 : index
        %parallel_loop3A_2035 = tpu.vector_load %arg6[%parallel_loop3A_2033, %parallel_loop3A_2034] {strides = array<i32>} : memref<128x128xf32, #tpu.memory_space<vmem>>, vector<16xf32>,
        %parallel_loop3A_2036 = arith.addf %parallel_loop3A_2025, %parallel_loop3A_2035 : vector<16xf32>
        %parallel_loop3A_2037 = arith.index_cast %parallel_loop3A_2024 : i32 to index
        %parallel_loop3A_2038 = arith.constant 16 : index
        %parallel_loop3A_2039 = tpu.vector_load %arg6[%parallel_loop3A_2037, %parallel_loop3A_2038] {strides = array<i32>} : memref<128x128xf32, #tpu.memory_space<vmem>>, vector<16xf32>,
        %parallel_loop3A_2040 = arith.addf %parallel_loop3A_2026, %parallel_loop3A_2039 : vector<16xf32>
        %parallel_loop3A_2041 = arith.index_cast %parallel_loop3A_2024 : i32 to index
        %parallel_loop3A_2042 = arith.constant 32 : index
        %parallel_loop3A_2043 = tpu.vector_load %arg6[%parallel_loop3A_2041, %parallel_loop3A_2042] {strides = array<i32>} : memref<128x128xf32, #tpu.memory_space<vmem>>, vector<16xf32>,
        %parallel_loop3A_2044 = arith.addf %parallel_loop3A_2027, %parallel_loop3A_2043 : vector<16xf32>
        %parallel_loop3A_2045 = arith.index_cast %parallel_loop3A_2024 : i32 to index
        %parallel_loop3A_2046 = arith.constant 48 : index
        %parallel_loop3A_2047 = tpu.vector_load %arg6[%parallel_loop3A_2045, %parallel_loop3A_2046] {strides = array<i32>} : memref<128x128xf32, #tpu.memory_space<vmem>>, vector<16xf32>,
        %parallel_loop3A_2048 = arith.addf %parallel_loop3A_2028, %parallel_loop3A_2047 : vector<16xf32>
        %parallel_loop3A_2049 = arith.index_cast %parallel_loop3A_2024 : i32 to index
        %parallel_loop3A_2050 = arith.constant 64 : index
        %parallel_loop3A_2051 = tpu.vector_load %arg6[%parallel_loop3A_2049, %parallel_loop3A_2050] {strides = array<i32>} : memref<128x128xf32, #tpu.memory_space<vmem>>, vector<16xf32>,
        %parallel_loop3A_2052 = arith.addf %parallel_loop3A_2029, %parallel_loop3A_2051 : vector<16xf32>
        %parallel_loop3A_2053 = arith.index_cast %parallel_loop3A_2024 : i32 to index
        %parallel_loop3A_2054 = arith.constant 80 : index
        %parallel_loop3A_2055 = tpu.vector_load %arg6[%parallel_loop3A_2053, %parallel_loop3A_2054] {strides = array<i32>} : memref<128x128xf32, #tpu.memory_space<vmem>>, vector<16xf32>,
        %parallel_loop3A_2056 = arith.addf %parallel_loop3A_2030, %parallel_loop3A_2055 : vector<16xf32>
        %parallel_loop3A_2057 = arith.index_cast %parallel_loop3A_2024 : i32 to index
        %parallel_loop3A_2058 = arith.constant 96 : index
        %parallel_loop3A_2059 = tpu.vector_load %arg6[%parallel_loop3A_2057, %parallel_loop3A_2058] {strides = array<i32>} : memref<128x128xf32, #tpu.memory_space<vmem>>, vector<16xf32>,
        %parallel_loop3A_2060 = arith.addf %parallel_loop3A_2031, %parallel_loop3A_2059 : vector<16xf32>
        %parallel_loop3A_2061 = arith.index_cast %parallel_loop3A_2024 : i32 to index
        %parallel_loop3A_2062 = arith.constant 112 : index
        %parallel_loop3A_2063 = tpu.vector_load %arg6[%parallel_loop3A_2061, %parallel_loop3A_2062] {strides = array<i32>} : memref<128x128xf32, #tpu.memory_space<vmem>>, vector<16xf32>,
        %parallel_loop3A_2064 = arith.addf %parallel_loop3A_2032, %parallel_loop3A_2063 : vector<16xf32>
        scf.yield %parallel_loop3A_2036, %parallel_loop3A_2040, %parallel_loop3A_2044, %parallel_loop3A_2048, %parallel_loop3A_2052, %parallel_loop3A_2056, %parallel_loop3A_2060, %parallel_loop3A_2064 : vector<16xf32>, vector<16xf32>, vector<16xf32>, vector<16xf32>, vector<16xf32>, vector<16xf32>, vector<16xf32>, vector<16xf32>
      } {sc.loop_unroll_factor = 1 : i64, sc.parallel_access}
      %get3A_1952 = arith.constant 5 : i32
      %get3A_1953 = arith.index_cast %get3A_1952 : i32 to index
      %get3A_1954 = arith.constant 0 : index
      %get3A_1955 = tpu.vector_load %arg8[%get3A_1953, %get3A_1954] {strides = array<i32>} : memref<16x144xf32, #tpu.memory_space<vmem>>, vector<16xf32>,
      %add3A_1956 = arith.addf %get3A_1955, %parallel_loop3A_1951#0 : vector<16xf32>
      %swap3A_1957 = arith.constant 5 : i32
      %swap3A_1958 = arith.index_cast %swap3A_1957 : i32 to index
      %swap3A_1959 = arith.constant 0 : index
      %swap3A_1960 = tpu.vector_load %arg8[%swap3A_1958, %swap3A_1959] {strides = array<i32>} : memref<16x144xf32, #tpu.memory_space<vmem>>, vector<16xf32>,
      tpu.vector_store %arg8[%swap3A_1958, %swap3A_1959], %add3A_1956 {strides = array<i32>} : memref<16x144xf32, #tpu.memory_space<vmem>>, vector<16xf32>,
      %get3A_1961 = arith.constant 5 : i32
      %get3A_1962 = arith.index_cast %get3A_1961 : i32 to index
      %get3A_1963 = arith.constant 16 : index
      %get3A_1964 = tpu.vector_load %arg8[%get3A_1962, %get3A_1963] {strides = array<i32>} : memref<16x144xf32, #tpu.memory_space<vmem>>, vector<16xf32>,
      %add3A_1965 = arith.addf %get3A_1964, %parallel_loop3A_1951#1 : vector<16xf32>
      %swap3A_1966 = arith.constant 5 : i32
      %swap3A_1967 = arith.index_cast %swap3A_1966 : i32 to index
      %swap3A_1968 = arith.constant 16 : index
      %swap3A_1969 = tpu.vector_load %arg8[%swap3A_1967, %swap3A_1968] {strides = array<i32>} : memref<16x144xf32, #tpu.memory_space<vmem>>, vector<16xf32>,
      tpu.vector_store %arg8[%swap3A_1967, %swap3A_1968], %add3A_1965 {strides = array<i32>} : memref<16x144xf32, #tpu.memory_space<vmem>>, vector<16xf32>,
      %get3A_1970 = arith.constant 5 : i32
      %get3A_1971 = arith.index_cast %get3A_1970 : i32 to index
      %get3A_1972 = arith.constant 32 : index
      %get3A_1973 = tpu.vector_load %arg8[%get3A_1971, %get3A_1972] {strides = array<i32>} : memref<16x144xf32, #tpu.memory_space<vmem>>, vector<16xf32>,
      %add3A_1974 = arith.addf %get3A_1973, %parallel_loop3A_1951#2 : vector<16xf32>
      %swap3A_1975 = arith.constant 5 : i32
      %swap3A_1976 = arith.index_cast %swap3A_1975 : i32 to index
      %swap3A_1977 = arith.constant 32 : index
      %swap3A_1978 = tpu.vector_load %arg8[%swap3A_1976, %swap3A_1977] {strides = array<i32>} : memref<16x144xf32, #tpu.memory_space<vmem>>, vector<16xf32>,
      tpu.vector_store %arg8[%swap3A_1976, %swap3A_1977], %add3A_1974 {strides = array<i32>} : memref<16x144xf32, #tpu.memory_space<vmem>>, vector<16xf32>,
      %get3A_1979 = arith.constant 5 : i32
      %get3A_1980 = arith.index_cast %get3A_1979 : i32 to index
      %get3A_1981 = arith.constant 48 : index
      %get3A_1982 = tpu.vector_load %arg8[%get3A_1980, %get3A_1981] {strides = array<i32>} : memref<16x144xf32, #tpu.memory_space<vmem>>, vector<16xf32>,
      %add3A_1983 = arith.addf %get3A_1982, %parallel_loop3A_1951#3 : vector<16xf32>
      %swap3A_1984 = arith.constant 5 : i32
      %swap3A_1985 = arith.index_cast %swap3A_1984 : i32 to index
      %swap3A_1986 = arith.constant 48 : index
      %swap3A_1987 = tpu.vector_load %arg8[%swap3A_1985, %swap3A_1986] {strides = array<i32>} : memref<16x144xf32, #tpu.memory_space<vmem>>, vector<16xf32>,
      tpu.vector_store %arg8[%swap3A_1985, %swap3A_1986], %add3A_1983 {strides = array<i32>} : memref<16x144xf32, #tpu.memory_space<vmem>>, vector<16xf32>,
      %get3A_1988 = arith.constant 5 : i32
      %get3A_1989 = arith.index_cast %get3A_1988 : i32 to index
      %get3A_1990 = arith.constant 64 : index
      %get3A_1991 = tpu.vector_load %arg8[%get3A_1989, %get3A_1990] {strides = array<i32>} : memref<16x144xf32, #tpu.memory_space<vmem>>, vector<16xf32>,
      %add3A_1992 = arith.addf %get3A_1991, %parallel_loop3A_1951#4 : vector<16xf32>
      %swap3A_1993 = arith.constant 5 : i32
      %swap3A_1994 = arith.index_cast %swap3A_1993 : i32 to index
      %swap3A_1995 = arith.constant 64 : index
      %swap3A_1996 = tpu.vector_load %arg8[%swap3A_1994, %swap3A_1995] {strides = array<i32>} : memref<16x144xf32, #tpu.memory_space<vmem>>, vector<16xf32>,
      tpu.vector_store %arg8[%swap3A_1994, %swap3A_1995], %add3A_1992 {strides = array<i32>} : memref<16x144xf32, #tpu.memory_space<vmem>>, vector<16xf32>,
      %get3A_1997 = arith.constant 5 : i32
      %get3A_1998 = arith.index_cast %get3A_1997 : i32 to index
      %get3A_1999 = arith.constant 80 : index
      %get3A_2000 = tpu.vector_load %arg8[%get3A_1998, %get3A_1999] {strides = array<i32>} : memref<16x144xf32, #tpu.memory_space<vmem>>, vector<16xf32>,
      %add3A_2001 = arith.addf %get3A_2000, %parallel_loop3A_1951#5 : vector<16xf32>
      %swap3A_2002 = arith.constant 5 : i32
      %swap3A_2003 = arith.index_cast %swap3A_2002 : i32 to index
      %swap3A_2004 = arith.constant 80 : index
      %swap3A_2005 = tpu.vector_load %arg8[%swap3A_2003, %swap3A_2004] {strides = array<i32>} : memref<16x144xf32, #tpu.memory_space<vmem>>, vector<16xf32>,
      tpu.vector_store %arg8[%swap3A_2003, %swap3A_2004], %add3A_2001 {strides = array<i32>} : memref<16x144xf32, #tpu.memory_space<vmem>>, vector<16xf32>,
      %get3A_2006 = arith.constant 5 : i32
      %get3A_2007 = arith.index_cast %get3A_2006 : i32 to index
      %get3A_2008 = arith.constant 96 : index
      %get3A_2009 = tpu.vector_load %arg8[%get3A_2007, %get3A_2008] {strides = array<i32>} : memref<16x144xf32, #tpu.memory_space<vmem>>, vector<16xf32>,
      %add3A_2010 = arith.addf %get3A_2009, %parallel_loop3A_1951#6 : vector<16xf32>
      %swap3A_2011 = arith.constant 5 : i32
      %swap3A_2012 = arith.index_cast %swap3A_2011 : i32 to index
      %swap3A_2013 = arith.constant 96 : index
      %swap3A_2014 = tpu.vector_load %arg8[%swap3A_2012, %swap3A_2013] {strides = array<i32>} : memref<16x144xf32, #tpu.memory_space<vmem>>, vector<16xf32>,
      tpu.vector_store %arg8[%swap3A_2012, %swap3A_2013], %add3A_2010 {strides = array<i32>} : memref<16x144xf32, #tpu.memory_space<vmem>>, vector<16xf32>,
      %get3A_2015 = arith.constant 5 : i32
      %get3A_2016 = arith.index_cast %get3A_2015 : i32 to index
      %get3A_2017 = arith.constant 112 : index
      %get3A_2018 = tpu.vector_load %arg8[%get3A_2016, %get3A_2017] {strides = array<i32>} : memref<16x144xf32, #tpu.memory_space<vmem>>, vector<16xf32>,
      %add3A_2019 = arith.addf %get3A_2018, %parallel_loop3A_1951#7 : vector<16xf32>
      %swap3A_2020 = arith.constant 5 : i32
      %swap3A_2021 = arith.index_cast %swap3A_2020 : i32 to index
      %swap3A_2022 = arith.constant 112 : index
      %swap3A_2023 = tpu.vector_load %arg8[%swap3A_2021, %swap3A_2022] {strides = array<i32>} : memref<16x144xf32, #tpu.memory_space<vmem>>, vector<16xf32>,
      tpu.vector_store %arg8[%swap3A_2021, %swap3A_2022], %add3A_2019 {strides = array<i32>} : memref<16x144xf32, #tpu.memory_space<vmem>>, vector<16xf32>,
    } else {
    }
    %sub3A_1790 = arith.constant 0 : i32
    %sub3A_1791 = arith.subi %add3A_917, %sub3A_1790 : i32
    %jit3A_1792 = arith.constant 0 : i32
    %jit3A_1793 = arith.constant 128 : i32
    %max3A_1794 = arith.maxsi %jit3A_1792, %sub3A_1791 : i32
    %min3A_1795 = arith.minsi %jit3A_1793, %max3A_1794 : i32
    %sub3A_1796 = arith.constant 0 : i32
    %sub3A_1797 = arith.subi %add3A_985, %sub3A_1796 : i32
    %jit3A_1798 = arith.constant 0 : i32
    %jit3A_1799 = arith.constant 128 : i32
    %max3A_1800 = arith.maxsi %jit3A_1798, %sub3A_1797 : i32
    %min3A_1801 = arith.minsi %jit3A_1799, %max3A_1800 : i32
    %gt3A_1802 = arith.cmpi sgt, %min3A_1801, %min3A_1795 : i32
    %convert_element_type3A_1803 = arith.extui %gt3A_1802 : i1 to i32
    %cond3A_1804 = arith.constant 0 : i32
    %cond3A_1805 = arith.cmpi ne, %convert_element_type3A_1803, %cond3A_1804 : i32
    scf.if %cond3A_1805 {
      %parallel_loop3A = arith.constant 1 : i32
      %parallel_loop3A_1951:8 = scf.for %parallel_loop3A_2024 = %min3A_1795 to %min3A_1801 step %parallel_loop3A iter_args(%parallel_loop3A_2025 = %broadcast_in_dim3A_8, %parallel_loop3A_2026 = %broadcast_in_dim3A_8, %parallel_loop3A_2027 = %broadcast_in_dim3A_8, %parallel_loop3A_2028 = %broadcast_in_dim3A_8, %parallel_loop3A_2029 = %broadcast_in_dim3A_8, %parallel_loop3A_2030 = %broadcast_in_dim3A_8, %parallel_loop3A_2031 = %broadcast_in_dim3A_8, %parallel_loop3A_2032 = %broadcast_in_dim3A_8) -> (vector<16xf32>, vector<16xf32>, vector<16xf32>, vector<16xf32>, vector<16xf32>, vector<16xf32>, vector<16xf32>, vector<16xf32>)  : i32 {
        %parallel_loop3A_2033 = arith.index_cast %parallel_loop3A_2024 : i32 to index
        %parallel_loop3A_2034 = arith.constant 0 : index
        %parallel_loop3A_2035 = tpu.vector_load %arg6[%parallel_loop3A_2033, %parallel_loop3A_2034] {strides = array<i32>} : memref<128x128xf32, #tpu.memory_space<vmem>>, vector<16xf32>,
        %parallel_loop3A_2036 = arith.addf %parallel_loop3A_2025, %parallel_loop3A_2035 : vector<16xf32>
        %parallel_loop3A_2037 = arith.index_cast %parallel_loop3A_2024 : i32 to index
        %parallel_loop3A_2038 = arith.constant 16 : index
        %parallel_loop3A_2039 = tpu.vector_load %arg6[%parallel_loop3A_2037, %parallel_loop3A_2038] {strides = array<i32>} : memref<128x128xf32, #tpu.memory_space<vmem>>, vector<16xf32>,
        %parallel_loop3A_2040 = arith.addf %parallel_loop3A_2026, %parallel_loop3A_2039 : vector<16xf32>
        %parallel_loop3A_2041 = arith.index_cast %parallel_loop3A_2024 : i32 to index
        %parallel_loop3A_2042 = arith.constant 32 : index
        %parallel_loop3A_2043 = tpu.vector_load %arg6[%parallel_loop3A_2041, %parallel_loop3A_2042] {strides = array<i32>} : memref<128x128xf32, #tpu.memory_space<vmem>>, vector<16xf32>,
        %parallel_loop3A_2044 = arith.addf %parallel_loop3A_2027, %parallel_loop3A_2043 : vector<16xf32>
        %parallel_loop3A_2045 = arith.index_cast %parallel_loop3A_2024 : i32 to index
        %parallel_loop3A_2046 = arith.constant 48 : index
        %parallel_loop3A_2047 = tpu.vector_load %arg6[%parallel_loop3A_2045, %parallel_loop3A_2046] {strides = array<i32>} : memref<128x128xf32, #tpu.memory_space<vmem>>, vector<16xf32>,
        %parallel_loop3A_2048 = arith.addf %parallel_loop3A_2028, %parallel_loop3A_2047 : vector<16xf32>
        %parallel_loop3A_2049 = arith.index_cast %parallel_loop3A_2024 : i32 to index
        %parallel_loop3A_2050 = arith.constant 64 : index
        %parallel_loop3A_2051 = tpu.vector_load %arg6[%parallel_loop3A_2049, %parallel_loop3A_2050] {strides = array<i32>} : memref<128x128xf32, #tpu.memory_space<vmem>>, vector<16xf32>,
        %parallel_loop3A_2052 = arith.addf %parallel_loop3A_2029, %parallel_loop3A_2051 : vector<16xf32>
        %parallel_loop3A_2053 = arith.index_cast %parallel_loop3A_2024 : i32 to index
        %parallel_loop3A_2054 = arith.constant 80 : index
        %parallel_loop3A_2055 = tpu.vector_load %arg6[%parallel_loop3A_2053, %parallel_loop3A_2054] {strides = array<i32>} : memref<128x128xf32, #tpu.memory_space<vmem>>, vector<16xf32>,
        %parallel_loop3A_2056 = arith.addf %parallel_loop3A_2030, %parallel_loop3A_2055 : vector<16xf32>
        %parallel_loop3A_2057 = arith.index_cast %parallel_loop3A_2024 : i32 to index
        %parallel_loop3A_2058 = arith.constant 96 : index
        %parallel_loop3A_2059 = tpu.vector_load %arg6[%parallel_loop3A_2057, %parallel_loop3A_2058] {strides = array<i32>} : memref<128x128xf32, #tpu.memory_space<vmem>>, vector<16xf32>,
        %parallel_loop3A_2060 = arith.addf %parallel_loop3A_2031, %parallel_loop3A_2059 : vector<16xf32>
        %parallel_loop3A_2061 = arith.index_cast %parallel_loop3A_2024 : i32 to index
        %parallel_loop3A_2062 = arith.constant 112 : index
        %parallel_loop3A_2063 = tpu.vector_load %arg6[%parallel_loop3A_2061, %parallel_loop3A_2062] {strides = array<i32>} : memref<128x128xf32, #tpu.memory_space<vmem>>, vector<16xf32>,
        %parallel_loop3A_2064 = arith.addf %parallel_loop3A_2032, %parallel_loop3A_2063 : vector<16xf32>
        scf.yield %parallel_loop3A_2036, %parallel_loop3A_2040, %parallel_loop3A_2044, %parallel_loop3A_2048, %parallel_loop3A_2052, %parallel_loop3A_2056, %parallel_loop3A_2060, %parallel_loop3A_2064 : vector<16xf32>, vector<16xf32>, vector<16xf32>, vector<16xf32>, vector<16xf32>, vector<16xf32>, vector<16xf32>, vector<16xf32>
      } {sc.loop_unroll_factor = 1 : i64, sc.parallel_access}
      %get3A_1952 = arith.constant 6 : i32
      %get3A_1953 = arith.index_cast %get3A_1952 : i32 to index
      %get3A_1954 = arith.constant 0 : index
      %get3A_1955 = tpu.vector_load %arg8[%get3A_1953, %get3A_1954] {strides = array<i32>} : memref<16x144xf32, #tpu.memory_space<vmem>>, vector<16xf32>,
      %add3A_1956 = arith.addf %get3A_1955, %parallel_loop3A_1951#0 : vector<16xf32>
      %swap3A_1957 = arith.constant 6 : i32
      %swap3A_1958 = arith.index_cast %swap3A_1957 : i32 to index
      %swap3A_1959 = arith.constant 0 : index
      %swap3A_1960 = tpu.vector_load %arg8[%swap3A_1958, %swap3A_1959] {strides = array<i32>} : memref<16x144xf32, #tpu.memory_space<vmem>>, vector<16xf32>,
      tpu.vector_store %arg8[%swap3A_1958, %swap3A_1959], %add3A_1956 {strides = array<i32>} : memref<16x144xf32, #tpu.memory_space<vmem>>, vector<16xf32>,
      %get3A_1961 = arith.constant 6 : i32
      %get3A_1962 = arith.index_cast %get3A_1961 : i32 to index
      %get3A_1963 = arith.constant 16 : index
      %get3A_1964 = tpu.vector_load %arg8[%get3A_1962, %get3A_1963] {strides = array<i32>} : memref<16x144xf32, #tpu.memory_space<vmem>>, vector<16xf32>,
      %add3A_1965 = arith.addf %get3A_1964, %parallel_loop3A_1951#1 : vector<16xf32>
      %swap3A_1966 = arith.constant 6 : i32
      %swap3A_1967 = arith.index_cast %swap3A_1966 : i32 to index
      %swap3A_1968 = arith.constant 16 : index
      %swap3A_1969 = tpu.vector_load %arg8[%swap3A_1967, %swap3A_1968] {strides = array<i32>} : memref<16x144xf32, #tpu.memory_space<vmem>>, vector<16xf32>,
      tpu.vector_store %arg8[%swap3A_1967, %swap3A_1968], %add3A_1965 {strides = array<i32>} : memref<16x144xf32, #tpu.memory_space<vmem>>, vector<16xf32>,
      %get3A_1970 = arith.constant 6 : i32
      %get3A_1971 = arith.index_cast %get3A_1970 : i32 to index
      %get3A_1972 = arith.constant 32 : index
      %get3A_1973 = tpu.vector_load %arg8[%get3A_1971, %get3A_1972] {strides = array<i32>} : memref<16x144xf32, #tpu.memory_space<vmem>>, vector<16xf32>,
      %add3A_1974 = arith.addf %get3A_1973, %parallel_loop3A_1951#2 : vector<16xf32>
      %swap3A_1975 = arith.constant 6 : i32
      %swap3A_1976 = arith.index_cast %swap3A_1975 : i32 to index
      %swap3A_1977 = arith.constant 32 : index
      %swap3A_1978 = tpu.vector_load %arg8[%swap3A_1976, %swap3A_1977] {strides = array<i32>} : memref<16x144xf32, #tpu.memory_space<vmem>>, vector<16xf32>,
      tpu.vector_store %arg8[%swap3A_1976, %swap3A_1977], %add3A_1974 {strides = array<i32>} : memref<16x144xf32, #tpu.memory_space<vmem>>, vector<16xf32>,
      %get3A_1979 = arith.constant 6 : i32
      %get3A_1980 = arith.index_cast %get3A_1979 : i32 to index
      %get3A_1981 = arith.constant 48 : index
      %get3A_1982 = tpu.vector_load %arg8[%get3A_1980, %get3A_1981] {strides = array<i32>} : memref<16x144xf32, #tpu.memory_space<vmem>>, vector<16xf32>,
      %add3A_1983 = arith.addf %get3A_1982, %parallel_loop3A_1951#3 : vector<16xf32>
      %swap3A_1984 = arith.constant 6 : i32
      %swap3A_1985 = arith.index_cast %swap3A_1984 : i32 to index
      %swap3A_1986 = arith.constant 48 : index
      %swap3A_1987 = tpu.vector_load %arg8[%swap3A_1985, %swap3A_1986] {strides = array<i32>} : memref<16x144xf32, #tpu.memory_space<vmem>>, vector<16xf32>,
      tpu.vector_store %arg8[%swap3A_1985, %swap3A_1986], %add3A_1983 {strides = array<i32>} : memref<16x144xf32, #tpu.memory_space<vmem>>, vector<16xf32>,
      %get3A_1988 = arith.constant 6 : i32
      %get3A_1989 = arith.index_cast %get3A_1988 : i32 to index
      %get3A_1990 = arith.constant 64 : index
      %get3A_1991 = tpu.vector_load %arg8[%get3A_1989, %get3A_1990] {strides = array<i32>} : memref<16x144xf32, #tpu.memory_space<vmem>>, vector<16xf32>,
      %add3A_1992 = arith.addf %get3A_1991, %parallel_loop3A_1951#4 : vector<16xf32>
      %swap3A_1993 = arith.constant 6 : i32
      %swap3A_1994 = arith.index_cast %swap3A_1993 : i32 to index
      %swap3A_1995 = arith.constant 64 : index
      %swap3A_1996 = tpu.vector_load %arg8[%swap3A_1994, %swap3A_1995] {strides = array<i32>} : memref<16x144xf32, #tpu.memory_space<vmem>>, vector<16xf32>,
      tpu.vector_store %arg8[%swap3A_1994, %swap3A_1995], %add3A_1992 {strides = array<i32>} : memref<16x144xf32, #tpu.memory_space<vmem>>, vector<16xf32>,
      %get3A_1997 = arith.constant 6 : i32
      %get3A_1998 = arith.index_cast %get3A_1997 : i32 to index
      %get3A_1999 = arith.constant 80 : index
      %get3A_2000 = tpu.vector_load %arg8[%get3A_1998, %get3A_1999] {strides = array<i32>} : memref<16x144xf32, #tpu.memory_space<vmem>>, vector<16xf32>,
      %add3A_2001 = arith.addf %get3A_2000, %parallel_loop3A_1951#5 : vector<16xf32>
      %swap3A_2002 = arith.constant 6 : i32
      %swap3A_2003 = arith.index_cast %swap3A_2002 : i32 to index
      %swap3A_2004 = arith.constant 80 : index
      %swap3A_2005 = tpu.vector_load %arg8[%swap3A_2003, %swap3A_2004] {strides = array<i32>} : memref<16x144xf32, #tpu.memory_space<vmem>>, vector<16xf32>,
      tpu.vector_store %arg8[%swap3A_2003, %swap3A_2004], %add3A_2001 {strides = array<i32>} : memref<16x144xf32, #tpu.memory_space<vmem>>, vector<16xf32>,
      %get3A_2006 = arith.constant 6 : i32
      %get3A_2007 = arith.index_cast %get3A_2006 : i32 to index
      %get3A_2008 = arith.constant 96 : index
      %get3A_2009 = tpu.vector_load %arg8[%get3A_2007, %get3A_2008] {strides = array<i32>} : memref<16x144xf32, #tpu.memory_space<vmem>>, vector<16xf32>,
      %add3A_2010 = arith.addf %get3A_2009, %parallel_loop3A_1951#6 : vector<16xf32>
      %swap3A_2011 = arith.constant 6 : i32
      %swap3A_2012 = arith.index_cast %swap3A_2011 : i32 to index
      %swap3A_2013 = arith.constant 96 : index
      %swap3A_2014 = tpu.vector_load %arg8[%swap3A_2012, %swap3A_2013] {strides = array<i32>} : memref<16x144xf32, #tpu.memory_space<vmem>>, vector<16xf32>,
      tpu.vector_store %arg8[%swap3A_2012, %swap3A_2013], %add3A_2010 {strides = array<i32>} : memref<16x144xf32, #tpu.memory_space<vmem>>, vector<16xf32>,
      %get3A_2015 = arith.constant 6 : i32
      %get3A_2016 = arith.index_cast %get3A_2015 : i32 to index
      %get3A_2017 = arith.constant 112 : index
      %get3A_2018 = tpu.vector_load %arg8[%get3A_2016, %get3A_2017] {strides = array<i32>} : memref<16x144xf32, #tpu.memory_space<vmem>>, vector<16xf32>,
      %add3A_2019 = arith.addf %get3A_2018, %parallel_loop3A_1951#7 : vector<16xf32>
      %swap3A_2020 = arith.constant 6 : i32
      %swap3A_2021 = arith.index_cast %swap3A_2020 : i32 to index
      %swap3A_2022 = arith.constant 112 : index
      %swap3A_2023 = tpu.vector_load %arg8[%swap3A_2021, %swap3A_2022] {strides = array<i32>} : memref<16x144xf32, #tpu.memory_space<vmem>>, vector<16xf32>,
      tpu.vector_store %arg8[%swap3A_2021, %swap3A_2022], %add3A_2019 {strides = array<i32>} : memref<16x144xf32, #tpu.memory_space<vmem>>, vector<16xf32>,
    } else {
    }
    %sub3A_1806 = arith.constant 0 : i32
    %sub3A_1807 = arith.subi %add3A_985, %sub3A_1806 : i32
    %jit3A_1808 = arith.constant 0 : i32
    %jit3A_1809 = arith.constant 128 : i32
    %max3A_1810 = arith.maxsi %jit3A_1808, %sub3A_1807 : i32
    %min3A_1811 = arith.minsi %jit3A_1809, %max3A_1810 : i32
    %sub3A_1812 = arith.constant 0 : i32
    %sub3A_1813 = arith.subi %add3A_1053, %sub3A_1812 : i32
    %jit3A_1814 = arith.constant 0 : i32
    %jit3A_1815 = arith.constant 128 : i32
    %max3A_1816 = arith.maxsi %jit3A_1814, %sub3A_1813 : i32
    %min3A_1817 = arith.minsi %jit3A_1815, %max3A_1816 : i32
    %gt3A_1818 = arith.cmpi sgt, %min3A_1817, %min3A_1811 : i32
    %convert_element_type3A_1819 = arith.extui %gt3A_1818 : i1 to i32
    %cond3A_1820 = arith.constant 0 : i32
    %cond3A_1821 = arith.cmpi ne, %convert_element_type3A_1819, %cond3A_1820 : i32
    scf.if %cond3A_1821 {
      %parallel_loop3A = arith.constant 1 : i32
      %parallel_loop3A_1951:8 = scf.for %parallel_loop3A_2024 = %min3A_1811 to %min3A_1817 step %parallel_loop3A iter_args(%parallel_loop3A_2025 = %broadcast_in_dim3A_8, %parallel_loop3A_2026 = %broadcast_in_dim3A_8, %parallel_loop3A_2027 = %broadcast_in_dim3A_8, %parallel_loop3A_2028 = %broadcast_in_dim3A_8, %parallel_loop3A_2029 = %broadcast_in_dim3A_8, %parallel_loop3A_2030 = %broadcast_in_dim3A_8, %parallel_loop3A_2031 = %broadcast_in_dim3A_8, %parallel_loop3A_2032 = %broadcast_in_dim3A_8) -> (vector<16xf32>, vector<16xf32>, vector<16xf32>, vector<16xf32>, vector<16xf32>, vector<16xf32>, vector<16xf32>, vector<16xf32>)  : i32 {
        %parallel_loop3A_2033 = arith.index_cast %parallel_loop3A_2024 : i32 to index
        %parallel_loop3A_2034 = arith.constant 0 : index
        %parallel_loop3A_2035 = tpu.vector_load %arg6[%parallel_loop3A_2033, %parallel_loop3A_2034] {strides = array<i32>} : memref<128x128xf32, #tpu.memory_space<vmem>>, vector<16xf32>,
        %parallel_loop3A_2036 = arith.addf %parallel_loop3A_2025, %parallel_loop3A_2035 : vector<16xf32>
        %parallel_loop3A_2037 = arith.index_cast %parallel_loop3A_2024 : i32 to index
        %parallel_loop3A_2038 = arith.constant 16 : index
        %parallel_loop3A_2039 = tpu.vector_load %arg6[%parallel_loop3A_2037, %parallel_loop3A_2038] {strides = array<i32>} : memref<128x128xf32, #tpu.memory_space<vmem>>, vector<16xf32>,
        %parallel_loop3A_2040 = arith.addf %parallel_loop3A_2026, %parallel_loop3A_2039 : vector<16xf32>
        %parallel_loop3A_2041 = arith.index_cast %parallel_loop3A_2024 : i32 to index
        %parallel_loop3A_2042 = arith.constant 32 : index
        %parallel_loop3A_2043 = tpu.vector_load %arg6[%parallel_loop3A_2041, %parallel_loop3A_2042] {strides = array<i32>} : memref<128x128xf32, #tpu.memory_space<vmem>>, vector<16xf32>,
        %parallel_loop3A_2044 = arith.addf %parallel_loop3A_2027, %parallel_loop3A_2043 : vector<16xf32>
        %parallel_loop3A_2045 = arith.index_cast %parallel_loop3A_2024 : i32 to index
        %parallel_loop3A_2046 = arith.constant 48 : index
        %parallel_loop3A_2047 = tpu.vector_load %arg6[%parallel_loop3A_2045, %parallel_loop3A_2046] {strides = array<i32>} : memref<128x128xf32, #tpu.memory_space<vmem>>, vector<16xf32>,
        %parallel_loop3A_2048 = arith.addf %parallel_loop3A_2028, %parallel_loop3A_2047 : vector<16xf32>
        %parallel_loop3A_2049 = arith.index_cast %parallel_loop3A_2024 : i32 to index
        %parallel_loop3A_2050 = arith.constant 64 : index
        %parallel_loop3A_2051 = tpu.vector_load %arg6[%parallel_loop3A_2049, %parallel_loop3A_2050] {strides = array<i32>} : memref<128x128xf32, #tpu.memory_space<vmem>>, vector<16xf32>,
        %parallel_loop3A_2052 = arith.addf %parallel_loop3A_2029, %parallel_loop3A_2051 : vector<16xf32>
        %parallel_loop3A_2053 = arith.index_cast %parallel_loop3A_2024 : i32 to index
        %parallel_loop3A_2054 = arith.constant 80 : index
        %parallel_loop3A_2055 = tpu.vector_load %arg6[%parallel_loop3A_2053, %parallel_loop3A_2054] {strides = array<i32>} : memref<128x128xf32, #tpu.memory_space<vmem>>, vector<16xf32>,
        %parallel_loop3A_2056 = arith.addf %parallel_loop3A_2030, %parallel_loop3A_2055 : vector<16xf32>
        %parallel_loop3A_2057 = arith.index_cast %parallel_loop3A_2024 : i32 to index
        %parallel_loop3A_2058 = arith.constant 96 : index
        %parallel_loop3A_2059 = tpu.vector_load %arg6[%parallel_loop3A_2057, %parallel_loop3A_2058] {strides = array<i32>} : memref<128x128xf32, #tpu.memory_space<vmem>>, vector<16xf32>,
        %parallel_loop3A_2060 = arith.addf %parallel_loop3A_2031, %parallel_loop3A_2059 : vector<16xf32>
        %parallel_loop3A_2061 = arith.index_cast %parallel_loop3A_2024 : i32 to index
        %parallel_loop3A_2062 = arith.constant 112 : index
        %parallel_loop3A_2063 = tpu.vector_load %arg6[%parallel_loop3A_2061, %parallel_loop3A_2062] {strides = array<i32>} : memref<128x128xf32, #tpu.memory_space<vmem>>, vector<16xf32>,
        %parallel_loop3A_2064 = arith.addf %parallel_loop3A_2032, %parallel_loop3A_2063 : vector<16xf32>
        scf.yield %parallel_loop3A_2036, %parallel_loop3A_2040, %parallel_loop3A_2044, %parallel_loop3A_2048, %parallel_loop3A_2052, %parallel_loop3A_2056, %parallel_loop3A_2060, %parallel_loop3A_2064 : vector<16xf32>, vector<16xf32>, vector<16xf32>, vector<16xf32>, vector<16xf32>, vector<16xf32>, vector<16xf32>, vector<16xf32>
      } {sc.loop_unroll_factor = 1 : i64, sc.parallel_access}
      %get3A_1952 = arith.constant 7 : i32
      %get3A_1953 = arith.index_cast %get3A_1952 : i32 to index
      %get3A_1954 = arith.constant 0 : index
      %get3A_1955 = tpu.vector_load %arg8[%get3A_1953, %get3A_1954] {strides = array<i32>} : memref<16x144xf32, #tpu.memory_space<vmem>>, vector<16xf32>,
      %add3A_1956 = arith.addf %get3A_1955, %parallel_loop3A_1951#0 : vector<16xf32>
      %swap3A_1957 = arith.constant 7 : i32
      %swap3A_1958 = arith.index_cast %swap3A_1957 : i32 to index
      %swap3A_1959 = arith.constant 0 : index
      %swap3A_1960 = tpu.vector_load %arg8[%swap3A_1958, %swap3A_1959] {strides = array<i32>} : memref<16x144xf32, #tpu.memory_space<vmem>>, vector<16xf32>,
      tpu.vector_store %arg8[%swap3A_1958, %swap3A_1959], %add3A_1956 {strides = array<i32>} : memref<16x144xf32, #tpu.memory_space<vmem>>, vector<16xf32>,
      %get3A_1961 = arith.constant 7 : i32
      %get3A_1962 = arith.index_cast %get3A_1961 : i32 to index
      %get3A_1963 = arith.constant 16 : index
      %get3A_1964 = tpu.vector_load %arg8[%get3A_1962, %get3A_1963] {strides = array<i32>} : memref<16x144xf32, #tpu.memory_space<vmem>>, vector<16xf32>,
      %add3A_1965 = arith.addf %get3A_1964, %parallel_loop3A_1951#1 : vector<16xf32>
      %swap3A_1966 = arith.constant 7 : i32
      %swap3A_1967 = arith.index_cast %swap3A_1966 : i32 to index
      %swap3A_1968 = arith.constant 16 : index
      %swap3A_1969 = tpu.vector_load %arg8[%swap3A_1967, %swap3A_1968] {strides = array<i32>} : memref<16x144xf32, #tpu.memory_space<vmem>>, vector<16xf32>,
      tpu.vector_store %arg8[%swap3A_1967, %swap3A_1968], %add3A_1965 {strides = array<i32>} : memref<16x144xf32, #tpu.memory_space<vmem>>, vector<16xf32>,
      %get3A_1970 = arith.constant 7 : i32
      %get3A_1971 = arith.index_cast %get3A_1970 : i32 to index
      %get3A_1972 = arith.constant 32 : index
      %get3A_1973 = tpu.vector_load %arg8[%get3A_1971, %get3A_1972] {strides = array<i32>} : memref<16x144xf32, #tpu.memory_space<vmem>>, vector<16xf32>,
      %add3A_1974 = arith.addf %get3A_1973, %parallel_loop3A_1951#2 : vector<16xf32>
      %swap3A_1975 = arith.constant 7 : i32
      %swap3A_1976 = arith.index_cast %swap3A_1975 : i32 to index
      %swap3A_1977 = arith.constant 32 : index
      %swap3A_1978 = tpu.vector_load %arg8[%swap3A_1976, %swap3A_1977] {strides = array<i32>} : memref<16x144xf32, #tpu.memory_space<vmem>>, vector<16xf32>,
      tpu.vector_store %arg8[%swap3A_1976, %swap3A_1977], %add3A_1974 {strides = array<i32>} : memref<16x144xf32, #tpu.memory_space<vmem>>, vector<16xf32>,
      %get3A_1979 = arith.constant 7 : i32
      %get3A_1980 = arith.index_cast %get3A_1979 : i32 to index
      %get3A_1981 = arith.constant 48 : index
      %get3A_1982 = tpu.vector_load %arg8[%get3A_1980, %get3A_1981] {strides = array<i32>} : memref<16x144xf32, #tpu.memory_space<vmem>>, vector<16xf32>,
      %add3A_1983 = arith.addf %get3A_1982, %parallel_loop3A_1951#3 : vector<16xf32>
      %swap3A_1984 = arith.constant 7 : i32
      %swap3A_1985 = arith.index_cast %swap3A_1984 : i32 to index
      %swap3A_1986 = arith.constant 48 : index
      %swap3A_1987 = tpu.vector_load %arg8[%swap3A_1985, %swap3A_1986] {strides = array<i32>} : memref<16x144xf32, #tpu.memory_space<vmem>>, vector<16xf32>,
      tpu.vector_store %arg8[%swap3A_1985, %swap3A_1986], %add3A_1983 {strides = array<i32>} : memref<16x144xf32, #tpu.memory_space<vmem>>, vector<16xf32>,
      %get3A_1988 = arith.constant 7 : i32
      %get3A_1989 = arith.index_cast %get3A_1988 : i32 to index
      %get3A_1990 = arith.constant 64 : index
      %get3A_1991 = tpu.vector_load %arg8[%get3A_1989, %get3A_1990] {strides = array<i32>} : memref<16x144xf32, #tpu.memory_space<vmem>>, vector<16xf32>,
      %add3A_1992 = arith.addf %get3A_1991, %parallel_loop3A_1951#4 : vector<16xf32>
      %swap3A_1993 = arith.constant 7 : i32
      %swap3A_1994 = arith.index_cast %swap3A_1993 : i32 to index
      %swap3A_1995 = arith.constant 64 : index
      %swap3A_1996 = tpu.vector_load %arg8[%swap3A_1994, %swap3A_1995] {strides = array<i32>} : memref<16x144xf32, #tpu.memory_space<vmem>>, vector<16xf32>,
      tpu.vector_store %arg8[%swap3A_1994, %swap3A_1995], %add3A_1992 {strides = array<i32>} : memref<16x144xf32, #tpu.memory_space<vmem>>, vector<16xf32>,
      %get3A_1997 = arith.constant 7 : i32
      %get3A_1998 = arith.index_cast %get3A_1997 : i32 to index
      %get3A_1999 = arith.constant 80 : index
      %get3A_2000 = tpu.vector_load %arg8[%get3A_1998, %get3A_1999] {strides = array<i32>} : memref<16x144xf32, #tpu.memory_space<vmem>>, vector<16xf32>,
      %add3A_2001 = arith.addf %get3A_2000, %parallel_loop3A_1951#5 : vector<16xf32>
      %swap3A_2002 = arith.constant 7 : i32
      %swap3A_2003 = arith.index_cast %swap3A_2002 : i32 to index
      %swap3A_2004 = arith.constant 80 : index
      %swap3A_2005 = tpu.vector_load %arg8[%swap3A_2003, %swap3A_2004] {strides = array<i32>} : memref<16x144xf32, #tpu.memory_space<vmem>>, vector<16xf32>,
      tpu.vector_store %arg8[%swap3A_2003, %swap3A_2004], %add3A_2001 {strides = array<i32>} : memref<16x144xf32, #tpu.memory_space<vmem>>, vector<16xf32>,
      %get3A_2006 = arith.constant 7 : i32
      %get3A_2007 = arith.index_cast %get3A_2006 : i32 to index
      %get3A_2008 = arith.constant 96 : index
      %get3A_2009 = tpu.vector_load %arg8[%get3A_2007, %get3A_2008] {strides = array<i32>} : memref<16x144xf32, #tpu.memory_space<vmem>>, vector<16xf32>,
      %add3A_2010 = arith.addf %get3A_2009, %parallel_loop3A_1951#6 : vector<16xf32>
      %swap3A_2011 = arith.constant 7 : i32
      %swap3A_2012 = arith.index_cast %swap3A_2011 : i32 to index
      %swap3A_2013 = arith.constant 96 : index
      %swap3A_2014 = tpu.vector_load %arg8[%swap3A_2012, %swap3A_2013] {strides = array<i32>} : memref<16x144xf32, #tpu.memory_space<vmem>>, vector<16xf32>,
      tpu.vector_store %arg8[%swap3A_2012, %swap3A_2013], %add3A_2010 {strides = array<i32>} : memref<16x144xf32, #tpu.memory_space<vmem>>, vector<16xf32>,
      %get3A_2015 = arith.constant 7 : i32
      %get3A_2016 = arith.index_cast %get3A_2015 : i32 to index
      %get3A_2017 = arith.constant 112 : index
      %get3A_2018 = tpu.vector_load %arg8[%get3A_2016, %get3A_2017] {strides = array<i32>} : memref<16x144xf32, #tpu.memory_space<vmem>>, vector<16xf32>,
      %add3A_2019 = arith.addf %get3A_2018, %parallel_loop3A_1951#7 : vector<16xf32>
      %swap3A_2020 = arith.constant 7 : i32
      %swap3A_2021 = arith.index_cast %swap3A_2020 : i32 to index
      %swap3A_2022 = arith.constant 112 : index
      %swap3A_2023 = tpu.vector_load %arg8[%swap3A_2021, %swap3A_2022] {strides = array<i32>} : memref<16x144xf32, #tpu.memory_space<vmem>>, vector<16xf32>,
      tpu.vector_store %arg8[%swap3A_2021, %swap3A_2022], %add3A_2019 {strides = array<i32>} : memref<16x144xf32, #tpu.memory_space<vmem>>, vector<16xf32>,
    } else {
    }
    %sub3A_1822 = arith.constant 0 : i32
    %sub3A_1823 = arith.subi %add3A_1053, %sub3A_1822 : i32
    %jit3A_1824 = arith.constant 0 : i32
    %jit3A_1825 = arith.constant 128 : i32
    %max3A_1826 = arith.maxsi %jit3A_1824, %sub3A_1823 : i32
    %min3A_1827 = arith.minsi %jit3A_1825, %max3A_1826 : i32
    %sub3A_1828 = arith.constant 0 : i32
    %sub3A_1829 = arith.subi %add3A_1121, %sub3A_1828 : i32
    %jit3A_1830 = arith.constant 0 : i32
    %jit3A_1831 = arith.constant 128 : i32
    %max3A_1832 = arith.maxsi %jit3A_1830, %sub3A_1829 : i32
    %min3A_1833 = arith.minsi %jit3A_1831, %max3A_1832 : i32
    %gt3A_1834 = arith.cmpi sgt, %min3A_1833, %min3A_1827 : i32
    %convert_element_type3A_1835 = arith.extui %gt3A_1834 : i1 to i32
    %cond3A_1836 = arith.constant 0 : i32
    %cond3A_1837 = arith.cmpi ne, %convert_element_type3A_1835, %cond3A_1836 : i32
    scf.if %cond3A_1837 {
      %parallel_loop3A = arith.constant 1 : i32
      %parallel_loop3A_1951:8 = scf.for %parallel_loop3A_2024 = %min3A_1827 to %min3A_1833 step %parallel_loop3A iter_args(%parallel_loop3A_2025 = %broadcast_in_dim3A_8, %parallel_loop3A_2026 = %broadcast_in_dim3A_8, %parallel_loop3A_2027 = %broadcast_in_dim3A_8, %parallel_loop3A_2028 = %broadcast_in_dim3A_8, %parallel_loop3A_2029 = %broadcast_in_dim3A_8, %parallel_loop3A_2030 = %broadcast_in_dim3A_8, %parallel_loop3A_2031 = %broadcast_in_dim3A_8, %parallel_loop3A_2032 = %broadcast_in_dim3A_8) -> (vector<16xf32>, vector<16xf32>, vector<16xf32>, vector<16xf32>, vector<16xf32>, vector<16xf32>, vector<16xf32>, vector<16xf32>)  : i32 {
        %parallel_loop3A_2033 = arith.index_cast %parallel_loop3A_2024 : i32 to index
        %parallel_loop3A_2034 = arith.constant 0 : index
        %parallel_loop3A_2035 = tpu.vector_load %arg6[%parallel_loop3A_2033, %parallel_loop3A_2034] {strides = array<i32>} : memref<128x128xf32, #tpu.memory_space<vmem>>, vector<16xf32>,
        %parallel_loop3A_2036 = arith.addf %parallel_loop3A_2025, %parallel_loop3A_2035 : vector<16xf32>
        %parallel_loop3A_2037 = arith.index_cast %parallel_loop3A_2024 : i32 to index
        %parallel_loop3A_2038 = arith.constant 16 : index
        %parallel_loop3A_2039 = tpu.vector_load %arg6[%parallel_loop3A_2037, %parallel_loop3A_2038] {strides = array<i32>} : memref<128x128xf32, #tpu.memory_space<vmem>>, vector<16xf32>,
        %parallel_loop3A_2040 = arith.addf %parallel_loop3A_2026, %parallel_loop3A_2039 : vector<16xf32>
        %parallel_loop3A_2041 = arith.index_cast %parallel_loop3A_2024 : i32 to index
        %parallel_loop3A_2042 = arith.constant 32 : index
        %parallel_loop3A_2043 = tpu.vector_load %arg6[%parallel_loop3A_2041, %parallel_loop3A_2042] {strides = array<i32>} : memref<128x128xf32, #tpu.memory_space<vmem>>, vector<16xf32>,
        %parallel_loop3A_2044 = arith.addf %parallel_loop3A_2027, %parallel_loop3A_2043 : vector<16xf32>
        %parallel_loop3A_2045 = arith.index_cast %parallel_loop3A_2024 : i32 to index
        %parallel_loop3A_2046 = arith.constant 48 : index
        %parallel_loop3A_2047 = tpu.vector_load %arg6[%parallel_loop3A_2045, %parallel_loop3A_2046] {strides = array<i32>} : memref<128x128xf32, #tpu.memory_space<vmem>>, vector<16xf32>,
        %parallel_loop3A_2048 = arith.addf %parallel_loop3A_2028, %parallel_loop3A_2047 : vector<16xf32>
        %parallel_loop3A_2049 = arith.index_cast %parallel_loop3A_2024 : i32 to index
        %parallel_loop3A_2050 = arith.constant 64 : index
        %parallel_loop3A_2051 = tpu.vector_load %arg6[%parallel_loop3A_2049, %parallel_loop3A_2050] {strides = array<i32>} : memref<128x128xf32, #tpu.memory_space<vmem>>, vector<16xf32>,
        %parallel_loop3A_2052 = arith.addf %parallel_loop3A_2029, %parallel_loop3A_2051 : vector<16xf32>
        %parallel_loop3A_2053 = arith.index_cast %parallel_loop3A_2024 : i32 to index
        %parallel_loop3A_2054 = arith.constant 80 : index
        %parallel_loop3A_2055 = tpu.vector_load %arg6[%parallel_loop3A_2053, %parallel_loop3A_2054] {strides = array<i32>} : memref<128x128xf32, #tpu.memory_space<vmem>>, vector<16xf32>,
        %parallel_loop3A_2056 = arith.addf %parallel_loop3A_2030, %parallel_loop3A_2055 : vector<16xf32>
        %parallel_loop3A_2057 = arith.index_cast %parallel_loop3A_2024 : i32 to index
        %parallel_loop3A_2058 = arith.constant 96 : index
        %parallel_loop3A_2059 = tpu.vector_load %arg6[%parallel_loop3A_2057, %parallel_loop3A_2058] {strides = array<i32>} : memref<128x128xf32, #tpu.memory_space<vmem>>, vector<16xf32>,
        %parallel_loop3A_2060 = arith.addf %parallel_loop3A_2031, %parallel_loop3A_2059 : vector<16xf32>
        %parallel_loop3A_2061 = arith.index_cast %parallel_loop3A_2024 : i32 to index
        %parallel_loop3A_2062 = arith.constant 112 : index
        %parallel_loop3A_2063 = tpu.vector_load %arg6[%parallel_loop3A_2061, %parallel_loop3A_2062] {strides = array<i32>} : memref<128x128xf32, #tpu.memory_space<vmem>>, vector<16xf32>,
        %parallel_loop3A_2064 = arith.addf %parallel_loop3A_2032, %parallel_loop3A_2063 : vector<16xf32>
        scf.yield %parallel_loop3A_2036, %parallel_loop3A_2040, %parallel_loop3A_2044, %parallel_loop3A_2048, %parallel_loop3A_2052, %parallel_loop3A_2056, %parallel_loop3A_2060, %parallel_loop3A_2064 : vector<16xf32>, vector<16xf32>, vector<16xf32>, vector<16xf32>, vector<16xf32>, vector<16xf32>, vector<16xf32>, vector<16xf32>
      } {sc.loop_unroll_factor = 1 : i64, sc.parallel_access}
      %get3A_1952 = arith.constant 8 : i32
      %get3A_1953 = arith.index_cast %get3A_1952 : i32 to index
      %get3A_1954 = arith.constant 0 : index
      %get3A_1955 = tpu.vector_load %arg8[%get3A_1953, %get3A_1954] {strides = array<i32>} : memref<16x144xf32, #tpu.memory_space<vmem>>, vector<16xf32>,
      %add3A_1956 = arith.addf %get3A_1955, %parallel_loop3A_1951#0 : vector<16xf32>
      %swap3A_1957 = arith.constant 8 : i32
      %swap3A_1958 = arith.index_cast %swap3A_1957 : i32 to index
      %swap3A_1959 = arith.constant 0 : index
      %swap3A_1960 = tpu.vector_load %arg8[%swap3A_1958, %swap3A_1959] {strides = array<i32>} : memref<16x144xf32, #tpu.memory_space<vmem>>, vector<16xf32>,
      tpu.vector_store %arg8[%swap3A_1958, %swap3A_1959], %add3A_1956 {strides = array<i32>} : memref<16x144xf32, #tpu.memory_space<vmem>>, vector<16xf32>,
      %get3A_1961 = arith.constant 8 : i32
      %get3A_1962 = arith.index_cast %get3A_1961 : i32 to index
      %get3A_1963 = arith.constant 16 : index
      %get3A_1964 = tpu.vector_load %arg8[%get3A_1962, %get3A_1963] {strides = array<i32>} : memref<16x144xf32, #tpu.memory_space<vmem>>, vector<16xf32>,
      %add3A_1965 = arith.addf %get3A_1964, %parallel_loop3A_1951#1 : vector<16xf32>
      %swap3A_1966 = arith.constant 8 : i32
      %swap3A_1967 = arith.index_cast %swap3A_1966 : i32 to index
      %swap3A_1968 = arith.constant 16 : index
      %swap3A_1969 = tpu.vector_load %arg8[%swap3A_1967, %swap3A_1968] {strides = array<i32>} : memref<16x144xf32, #tpu.memory_space<vmem>>, vector<16xf32>,
      tpu.vector_store %arg8[%swap3A_1967, %swap3A_1968], %add3A_1965 {strides = array<i32>} : memref<16x144xf32, #tpu.memory_space<vmem>>, vector<16xf32>,
      %get3A_1970 = arith.constant 8 : i32
      %get3A_1971 = arith.index_cast %get3A_1970 : i32 to index
      %get3A_1972 = arith.constant 32 : index
      %get3A_1973 = tpu.vector_load %arg8[%get3A_1971, %get3A_1972] {strides = array<i32>} : memref<16x144xf32, #tpu.memory_space<vmem>>, vector<16xf32>,
      %add3A_1974 = arith.addf %get3A_1973, %parallel_loop3A_1951#2 : vector<16xf32>
      %swap3A_1975 = arith.constant 8 : i32
      %swap3A_1976 = arith.index_cast %swap3A_1975 : i32 to index
      %swap3A_1977 = arith.constant 32 : index
      %swap3A_1978 = tpu.vector_load %arg8[%swap3A_1976, %swap3A_1977] {strides = array<i32>} : memref<16x144xf32, #tpu.memory_space<vmem>>, vector<16xf32>,
      tpu.vector_store %arg8[%swap3A_1976, %swap3A_1977], %add3A_1974 {strides = array<i32>} : memref<16x144xf32, #tpu.memory_space<vmem>>, vector<16xf32>,
      %get3A_1979 = arith.constant 8 : i32
      %get3A_1980 = arith.index_cast %get3A_1979 : i32 to index
      %get3A_1981 = arith.constant 48 : index
      %get3A_1982 = tpu.vector_load %arg8[%get3A_1980, %get3A_1981] {strides = array<i32>} : memref<16x144xf32, #tpu.memory_space<vmem>>, vector<16xf32>,
      %add3A_1983 = arith.addf %get3A_1982, %parallel_loop3A_1951#3 : vector<16xf32>
      %swap3A_1984 = arith.constant 8 : i32
      %swap3A_1985 = arith.index_cast %swap3A_1984 : i32 to index
      %swap3A_1986 = arith.constant 48 : index
      %swap3A_1987 = tpu.vector_load %arg8[%swap3A_1985, %swap3A_1986] {strides = array<i32>} : memref<16x144xf32, #tpu.memory_space<vmem>>, vector<16xf32>,
      tpu.vector_store %arg8[%swap3A_1985, %swap3A_1986], %add3A_1983 {strides = array<i32>} : memref<16x144xf32, #tpu.memory_space<vmem>>, vector<16xf32>,
      %get3A_1988 = arith.constant 8 : i32
      %get3A_1989 = arith.index_cast %get3A_1988 : i32 to index
      %get3A_1990 = arith.constant 64 : index
      %get3A_1991 = tpu.vector_load %arg8[%get3A_1989, %get3A_1990] {strides = array<i32>} : memref<16x144xf32, #tpu.memory_space<vmem>>, vector<16xf32>,
      %add3A_1992 = arith.addf %get3A_1991, %parallel_loop3A_1951#4 : vector<16xf32>
      %swap3A_1993 = arith.constant 8 : i32
      %swap3A_1994 = arith.index_cast %swap3A_1993 : i32 to index
      %swap3A_1995 = arith.constant 64 : index
      %swap3A_1996 = tpu.vector_load %arg8[%swap3A_1994, %swap3A_1995] {strides = array<i32>} : memref<16x144xf32, #tpu.memory_space<vmem>>, vector<16xf32>,
      tpu.vector_store %arg8[%swap3A_1994, %swap3A_1995], %add3A_1992 {strides = array<i32>} : memref<16x144xf32, #tpu.memory_space<vmem>>, vector<16xf32>,
      %get3A_1997 = arith.constant 8 : i32
      %get3A_1998 = arith.index_cast %get3A_1997 : i32 to index
      %get3A_1999 = arith.constant 80 : index
      %get3A_2000 = tpu.vector_load %arg8[%get3A_1998, %get3A_1999] {strides = array<i32>} : memref<16x144xf32, #tpu.memory_space<vmem>>, vector<16xf32>,
      %add3A_2001 = arith.addf %get3A_2000, %parallel_loop3A_1951#5 : vector<16xf32>
      %swap3A_2002 = arith.constant 8 : i32
      %swap3A_2003 = arith.index_cast %swap3A_2002 : i32 to index
      %swap3A_2004 = arith.constant 80 : index
      %swap3A_2005 = tpu.vector_load %arg8[%swap3A_2003, %swap3A_2004] {strides = array<i32>} : memref<16x144xf32, #tpu.memory_space<vmem>>, vector<16xf32>,
      tpu.vector_store %arg8[%swap3A_2003, %swap3A_2004], %add3A_2001 {strides = array<i32>} : memref<16x144xf32, #tpu.memory_space<vmem>>, vector<16xf32>,
      %get3A_2006 = arith.constant 8 : i32
      %get3A_2007 = arith.index_cast %get3A_2006 : i32 to index
      %get3A_2008 = arith.constant 96 : index
      %get3A_2009 = tpu.vector_load %arg8[%get3A_2007, %get3A_2008] {strides = array<i32>} : memref<16x144xf32, #tpu.memory_space<vmem>>, vector<16xf32>,
      %add3A_2010 = arith.addf %get3A_2009, %parallel_loop3A_1951#6 : vector<16xf32>
      %swap3A_2011 = arith.constant 8 : i32
      %swap3A_2012 = arith.index_cast %swap3A_2011 : i32 to index
      %swap3A_2013 = arith.constant 96 : index
      %swap3A_2014 = tpu.vector_load %arg8[%swap3A_2012, %swap3A_2013] {strides = array<i32>} : memref<16x144xf32, #tpu.memory_space<vmem>>, vector<16xf32>,
      tpu.vector_store %arg8[%swap3A_2012, %swap3A_2013], %add3A_2010 {strides = array<i32>} : memref<16x144xf32, #tpu.memory_space<vmem>>, vector<16xf32>,
      %get3A_2015 = arith.constant 8 : i32
      %get3A_2016 = arith.index_cast %get3A_2015 : i32 to index
      %get3A_2017 = arith.constant 112 : index
      %get3A_2018 = tpu.vector_load %arg8[%get3A_2016, %get3A_2017] {strides = array<i32>} : memref<16x144xf32, #tpu.memory_space<vmem>>, vector<16xf32>,
      %add3A_2019 = arith.addf %get3A_2018, %parallel_loop3A_1951#7 : vector<16xf32>
      %swap3A_2020 = arith.constant 8 : i32
      %swap3A_2021 = arith.index_cast %swap3A_2020 : i32 to index
      %swap3A_2022 = arith.constant 112 : index
      %swap3A_2023 = tpu.vector_load %arg8[%swap3A_2021, %swap3A_2022] {strides = array<i32>} : memref<16x144xf32, #tpu.memory_space<vmem>>, vector<16xf32>,
      tpu.vector_store %arg8[%swap3A_2021, %swap3A_2022], %add3A_2019 {strides = array<i32>} : memref<16x144xf32, #tpu.memory_space<vmem>>, vector<16xf32>,
    } else {
    }
    %sub3A_1838 = arith.constant 0 : i32
    %sub3A_1839 = arith.subi %add3A_1121, %sub3A_1838 : i32
    %jit3A_1840 = arith.constant 0 : i32
    %jit3A_1841 = arith.constant 128 : i32
    %max3A_1842 = arith.maxsi %jit3A_1840, %sub3A_1839 : i32
    %min3A_1843 = arith.minsi %jit3A_1841, %max3A_1842 : i32
    %sub3A_1844 = arith.constant 0 : i32
    %sub3A_1845 = arith.subi %add3A_1189, %sub3A_1844 : i32
    %jit3A_1846 = arith.constant 0 : i32
    %jit3A_1847 = arith.constant 128 : i32
    %max3A_1848 = arith.maxsi %jit3A_1846, %sub3A_1845 : i32
    %min3A_1849 = arith.minsi %jit3A_1847, %max3A_1848 : i32
    %gt3A_1850 = arith.cmpi sgt, %min3A_1849, %min3A_1843 : i32
    %convert_element_type3A_1851 = arith.extui %gt3A_1850 : i1 to i32
    %cond3A_1852 = arith.constant 0 : i32
    %cond3A_1853 = arith.cmpi ne, %convert_element_type3A_1851, %cond3A_1852 : i32
    scf.if %cond3A_1853 {
      %parallel_loop3A = arith.constant 1 : i32
      %parallel_loop3A_1951:8 = scf.for %parallel_loop3A_2024 = %min3A_1843 to %min3A_1849 step %parallel_loop3A iter_args(%parallel_loop3A_2025 = %broadcast_in_dim3A_8, %parallel_loop3A_2026 = %broadcast_in_dim3A_8, %parallel_loop3A_2027 = %broadcast_in_dim3A_8, %parallel_loop3A_2028 = %broadcast_in_dim3A_8, %parallel_loop3A_2029 = %broadcast_in_dim3A_8, %parallel_loop3A_2030 = %broadcast_in_dim3A_8, %parallel_loop3A_2031 = %broadcast_in_dim3A_8, %parallel_loop3A_2032 = %broadcast_in_dim3A_8) -> (vector<16xf32>, vector<16xf32>, vector<16xf32>, vector<16xf32>, vector<16xf32>, vector<16xf32>, vector<16xf32>, vector<16xf32>)  : i32 {
        %parallel_loop3A_2033 = arith.index_cast %parallel_loop3A_2024 : i32 to index
        %parallel_loop3A_2034 = arith.constant 0 : index
        %parallel_loop3A_2035 = tpu.vector_load %arg6[%parallel_loop3A_2033, %parallel_loop3A_2034] {strides = array<i32>} : memref<128x128xf32, #tpu.memory_space<vmem>>, vector<16xf32>,
        %parallel_loop3A_2036 = arith.addf %parallel_loop3A_2025, %parallel_loop3A_2035 : vector<16xf32>
        %parallel_loop3A_2037 = arith.index_cast %parallel_loop3A_2024 : i32 to index
        %parallel_loop3A_2038 = arith.constant 16 : index
        %parallel_loop3A_2039 = tpu.vector_load %arg6[%parallel_loop3A_2037, %parallel_loop3A_2038] {strides = array<i32>} : memref<128x128xf32, #tpu.memory_space<vmem>>, vector<16xf32>,
        %parallel_loop3A_2040 = arith.addf %parallel_loop3A_2026, %parallel_loop3A_2039 : vector<16xf32>
        %parallel_loop3A_2041 = arith.index_cast %parallel_loop3A_2024 : i32 to index
        %parallel_loop3A_2042 = arith.constant 32 : index
        %parallel_loop3A_2043 = tpu.vector_load %arg6[%parallel_loop3A_2041, %parallel_loop3A_2042] {strides = array<i32>} : memref<128x128xf32, #tpu.memory_space<vmem>>, vector<16xf32>,
        %parallel_loop3A_2044 = arith.addf %parallel_loop3A_2027, %parallel_loop3A_2043 : vector<16xf32>
        %parallel_loop3A_2045 = arith.index_cast %parallel_loop3A_2024 : i32 to index
        %parallel_loop3A_2046 = arith.constant 48 : index
        %parallel_loop3A_2047 = tpu.vector_load %arg6[%parallel_loop3A_2045, %parallel_loop3A_2046] {strides = array<i32>} : memref<128x128xf32, #tpu.memory_space<vmem>>, vector<16xf32>,
        %parallel_loop3A_2048 = arith.addf %parallel_loop3A_2028, %parallel_loop3A_2047 : vector<16xf32>
        %parallel_loop3A_2049 = arith.index_cast %parallel_loop3A_2024 : i32 to index
        %parallel_loop3A_2050 = arith.constant 64 : index
        %parallel_loop3A_2051 = tpu.vector_load %arg6[%parallel_loop3A_2049, %parallel_loop3A_2050] {strides = array<i32>} : memref<128x128xf32, #tpu.memory_space<vmem>>, vector<16xf32>,
        %parallel_loop3A_2052 = arith.addf %parallel_loop3A_2029, %parallel_loop3A_2051 : vector<16xf32>
        %parallel_loop3A_2053 = arith.index_cast %parallel_loop3A_2024 : i32 to index
        %parallel_loop3A_2054 = arith.constant 80 : index
        %parallel_loop3A_2055 = tpu.vector_load %arg6[%parallel_loop3A_2053, %parallel_loop3A_2054] {strides = array<i32>} : memref<128x128xf32, #tpu.memory_space<vmem>>, vector<16xf32>,
        %parallel_loop3A_2056 = arith.addf %parallel_loop3A_2030, %parallel_loop3A_2055 : vector<16xf32>
        %parallel_loop3A_2057 = arith.index_cast %parallel_loop3A_2024 : i32 to index
        %parallel_loop3A_2058 = arith.constant 96 : index
        %parallel_loop3A_2059 = tpu.vector_load %arg6[%parallel_loop3A_2057, %parallel_loop3A_2058] {strides = array<i32>} : memref<128x128xf32, #tpu.memory_space<vmem>>, vector<16xf32>,
        %parallel_loop3A_2060 = arith.addf %parallel_loop3A_2031, %parallel_loop3A_2059 : vector<16xf32>
        %parallel_loop3A_2061 = arith.index_cast %parallel_loop3A_2024 : i32 to index
        %parallel_loop3A_2062 = arith.constant 112 : index
        %parallel_loop3A_2063 = tpu.vector_load %arg6[%parallel_loop3A_2061, %parallel_loop3A_2062] {strides = array<i32>} : memref<128x128xf32, #tpu.memory_space<vmem>>, vector<16xf32>,
        %parallel_loop3A_2064 = arith.addf %parallel_loop3A_2032, %parallel_loop3A_2063 : vector<16xf32>
        scf.yield %parallel_loop3A_2036, %parallel_loop3A_2040, %parallel_loop3A_2044, %parallel_loop3A_2048, %parallel_loop3A_2052, %parallel_loop3A_2056, %parallel_loop3A_2060, %parallel_loop3A_2064 : vector<16xf32>, vector<16xf32>, vector<16xf32>, vector<16xf32>, vector<16xf32>, vector<16xf32>, vector<16xf32>, vector<16xf32>
      } {sc.loop_unroll_factor = 1 : i64, sc.parallel_access}
      %get3A_1952 = arith.constant 9 : i32
      %get3A_1953 = arith.index_cast %get3A_1952 : i32 to index
      %get3A_1954 = arith.constant 0 : index
      %get3A_1955 = tpu.vector_load %arg8[%get3A_1953, %get3A_1954] {strides = array<i32>} : memref<16x144xf32, #tpu.memory_space<vmem>>, vector<16xf32>,
      %add3A_1956 = arith.addf %get3A_1955, %parallel_loop3A_1951#0 : vector<16xf32>
      %swap3A_1957 = arith.constant 9 : i32
      %swap3A_1958 = arith.index_cast %swap3A_1957 : i32 to index
      %swap3A_1959 = arith.constant 0 : index
      %swap3A_1960 = tpu.vector_load %arg8[%swap3A_1958, %swap3A_1959] {strides = array<i32>} : memref<16x144xf32, #tpu.memory_space<vmem>>, vector<16xf32>,
      tpu.vector_store %arg8[%swap3A_1958, %swap3A_1959], %add3A_1956 {strides = array<i32>} : memref<16x144xf32, #tpu.memory_space<vmem>>, vector<16xf32>,
      %get3A_1961 = arith.constant 9 : i32
      %get3A_1962 = arith.index_cast %get3A_1961 : i32 to index
      %get3A_1963 = arith.constant 16 : index
      %get3A_1964 = tpu.vector_load %arg8[%get3A_1962, %get3A_1963] {strides = array<i32>} : memref<16x144xf32, #tpu.memory_space<vmem>>, vector<16xf32>,
      %add3A_1965 = arith.addf %get3A_1964, %parallel_loop3A_1951#1 : vector<16xf32>
      %swap3A_1966 = arith.constant 9 : i32
      %swap3A_1967 = arith.index_cast %swap3A_1966 : i32 to index
      %swap3A_1968 = arith.constant 16 : index
      %swap3A_1969 = tpu.vector_load %arg8[%swap3A_1967, %swap3A_1968] {strides = array<i32>} : memref<16x144xf32, #tpu.memory_space<vmem>>, vector<16xf32>,
      tpu.vector_store %arg8[%swap3A_1967, %swap3A_1968], %add3A_1965 {strides = array<i32>} : memref<16x144xf32, #tpu.memory_space<vmem>>, vector<16xf32>,
      %get3A_1970 = arith.constant 9 : i32
      %get3A_1971 = arith.index_cast %get3A_1970 : i32 to index
      %get3A_1972 = arith.constant 32 : index
      %get3A_1973 = tpu.vector_load %arg8[%get3A_1971, %get3A_1972] {strides = array<i32>} : memref<16x144xf32, #tpu.memory_space<vmem>>, vector<16xf32>,
      %add3A_1974 = arith.addf %get3A_1973, %parallel_loop3A_1951#2 : vector<16xf32>
      %swap3A_1975 = arith.constant 9 : i32
      %swap3A_1976 = arith.index_cast %swap3A_1975 : i32 to index
      %swap3A_1977 = arith.constant 32 : index
      %swap3A_1978 = tpu.vector_load %arg8[%swap3A_1976, %swap3A_1977] {strides = array<i32>} : memref<16x144xf32, #tpu.memory_space<vmem>>, vector<16xf32>,
      tpu.vector_store %arg8[%swap3A_1976, %swap3A_1977], %add3A_1974 {strides = array<i32>} : memref<16x144xf32, #tpu.memory_space<vmem>>, vector<16xf32>,
      %get3A_1979 = arith.constant 9 : i32
      %get3A_1980 = arith.index_cast %get3A_1979 : i32 to index
      %get3A_1981 = arith.constant 48 : index
      %get3A_1982 = tpu.vector_load %arg8[%get3A_1980, %get3A_1981] {strides = array<i32>} : memref<16x144xf32, #tpu.memory_space<vmem>>, vector<16xf32>,
      %add3A_1983 = arith.addf %get3A_1982, %parallel_loop3A_1951#3 : vector<16xf32>
      %swap3A_1984 = arith.constant 9 : i32
      %swap3A_1985 = arith.index_cast %swap3A_1984 : i32 to index
      %swap3A_1986 = arith.constant 48 : index
      %swap3A_1987 = tpu.vector_load %arg8[%swap3A_1985, %swap3A_1986] {strides = array<i32>} : memref<16x144xf32, #tpu.memory_space<vmem>>, vector<16xf32>,
      tpu.vector_store %arg8[%swap3A_1985, %swap3A_1986], %add3A_1983 {strides = array<i32>} : memref<16x144xf32, #tpu.memory_space<vmem>>, vector<16xf32>,
      %get3A_1988 = arith.constant 9 : i32
      %get3A_1989 = arith.index_cast %get3A_1988 : i32 to index
      %get3A_1990 = arith.constant 64 : index
      %get3A_1991 = tpu.vector_load %arg8[%get3A_1989, %get3A_1990] {strides = array<i32>} : memref<16x144xf32, #tpu.memory_space<vmem>>, vector<16xf32>,
      %add3A_1992 = arith.addf %get3A_1991, %parallel_loop3A_1951#4 : vector<16xf32>
      %swap3A_1993 = arith.constant 9 : i32
      %swap3A_1994 = arith.index_cast %swap3A_1993 : i32 to index
      %swap3A_1995 = arith.constant 64 : index
      %swap3A_1996 = tpu.vector_load %arg8[%swap3A_1994, %swap3A_1995] {strides = array<i32>} : memref<16x144xf32, #tpu.memory_space<vmem>>, vector<16xf32>,
      tpu.vector_store %arg8[%swap3A_1994, %swap3A_1995], %add3A_1992 {strides = array<i32>} : memref<16x144xf32, #tpu.memory_space<vmem>>, vector<16xf32>,
      %get3A_1997 = arith.constant 9 : i32
      %get3A_1998 = arith.index_cast %get3A_1997 : i32 to index
      %get3A_1999 = arith.constant 80 : index
      %get3A_2000 = tpu.vector_load %arg8[%get3A_1998, %get3A_1999] {strides = array<i32>} : memref<16x144xf32, #tpu.memory_space<vmem>>, vector<16xf32>,
      %add3A_2001 = arith.addf %get3A_2000, %parallel_loop3A_1951#5 : vector<16xf32>
      %swap3A_2002 = arith.constant 9 : i32
      %swap3A_2003 = arith.index_cast %swap3A_2002 : i32 to index
      %swap3A_2004 = arith.constant 80 : index
      %swap3A_2005 = tpu.vector_load %arg8[%swap3A_2003, %swap3A_2004] {strides = array<i32>} : memref<16x144xf32, #tpu.memory_space<vmem>>, vector<16xf32>,
      tpu.vector_store %arg8[%swap3A_2003, %swap3A_2004], %add3A_2001 {strides = array<i32>} : memref<16x144xf32, #tpu.memory_space<vmem>>, vector<16xf32>,
      %get3A_2006 = arith.constant 9 : i32
      %get3A_2007 = arith.index_cast %get3A_2006 : i32 to index
      %get3A_2008 = arith.constant 96 : index
      %get3A_2009 = tpu.vector_load %arg8[%get3A_2007, %get3A_2008] {strides = array<i32>} : memref<16x144xf32, #tpu.memory_space<vmem>>, vector<16xf32>,
      %add3A_2010 = arith.addf %get3A_2009, %parallel_loop3A_1951#6 : vector<16xf32>
      %swap3A_2011 = arith.constant 9 : i32
      %swap3A_2012 = arith.index_cast %swap3A_2011 : i32 to index
      %swap3A_2013 = arith.constant 96 : index
      %swap3A_2014 = tpu.vector_load %arg8[%swap3A_2012, %swap3A_2013] {strides = array<i32>} : memref<16x144xf32, #tpu.memory_space<vmem>>, vector<16xf32>,
      tpu.vector_store %arg8[%swap3A_2012, %swap3A_2013], %add3A_2010 {strides = array<i32>} : memref<16x144xf32, #tpu.memory_space<vmem>>, vector<16xf32>,
      %get3A_2015 = arith.constant 9 : i32
      %get3A_2016 = arith.index_cast %get3A_2015 : i32 to index
      %get3A_2017 = arith.constant 112 : index
      %get3A_2018 = tpu.vector_load %arg8[%get3A_2016, %get3A_2017] {strides = array<i32>} : memref<16x144xf32, #tpu.memory_space<vmem>>, vector<16xf32>,
      %add3A_2019 = arith.addf %get3A_2018, %parallel_loop3A_1951#7 : vector<16xf32>
      %swap3A_2020 = arith.constant 9 : i32
      %swap3A_2021 = arith.index_cast %swap3A_2020 : i32 to index
      %swap3A_2022 = arith.constant 112 : index
      %swap3A_2023 = tpu.vector_load %arg8[%swap3A_2021, %swap3A_2022] {strides = array<i32>} : memref<16x144xf32, #tpu.memory_space<vmem>>, vector<16xf32>,
      tpu.vector_store %arg8[%swap3A_2021, %swap3A_2022], %add3A_2019 {strides = array<i32>} : memref<16x144xf32, #tpu.memory_space<vmem>>, vector<16xf32>,
    } else {
    }
    %sub3A_1854 = arith.constant 0 : i32
    %sub3A_1855 = arith.subi %add3A_1189, %sub3A_1854 : i32
    %jit3A_1856 = arith.constant 0 : i32
    %jit3A_1857 = arith.constant 128 : i32
    %max3A_1858 = arith.maxsi %jit3A_1856, %sub3A_1855 : i32
    %min3A_1859 = arith.minsi %jit3A_1857, %max3A_1858 : i32
    %sub3A_1860 = arith.constant 0 : i32
    %sub3A_1861 = arith.subi %add3A_1257, %sub3A_1860 : i32
    %jit3A_1862 = arith.constant 0 : i32
    %jit3A_1863 = arith.constant 128 : i32
    %max3A_1864 = arith.maxsi %jit3A_1862, %sub3A_1861 : i32
    %min3A_1865 = arith.minsi %jit3A_1863, %max3A_1864 : i32
    %gt3A_1866 = arith.cmpi sgt, %min3A_1865, %min3A_1859 : i32
    %convert_element_type3A_1867 = arith.extui %gt3A_1866 : i1 to i32
    %cond3A_1868 = arith.constant 0 : i32
    %cond3A_1869 = arith.cmpi ne, %convert_element_type3A_1867, %cond3A_1868 : i32
    scf.if %cond3A_1869 {
      %parallel_loop3A = arith.constant 1 : i32
      %parallel_loop3A_1951:8 = scf.for %parallel_loop3A_2024 = %min3A_1859 to %min3A_1865 step %parallel_loop3A iter_args(%parallel_loop3A_2025 = %broadcast_in_dim3A_8, %parallel_loop3A_2026 = %broadcast_in_dim3A_8, %parallel_loop3A_2027 = %broadcast_in_dim3A_8, %parallel_loop3A_2028 = %broadcast_in_dim3A_8, %parallel_loop3A_2029 = %broadcast_in_dim3A_8, %parallel_loop3A_2030 = %broadcast_in_dim3A_8, %parallel_loop3A_2031 = %broadcast_in_dim3A_8, %parallel_loop3A_2032 = %broadcast_in_dim3A_8) -> (vector<16xf32>, vector<16xf32>, vector<16xf32>, vector<16xf32>, vector<16xf32>, vector<16xf32>, vector<16xf32>, vector<16xf32>)  : i32 {
        %parallel_loop3A_2033 = arith.index_cast %parallel_loop3A_2024 : i32 to index
        %parallel_loop3A_2034 = arith.constant 0 : index
        %parallel_loop3A_2035 = tpu.vector_load %arg6[%parallel_loop3A_2033, %parallel_loop3A_2034] {strides = array<i32>} : memref<128x128xf32, #tpu.memory_space<vmem>>, vector<16xf32>,
        %parallel_loop3A_2036 = arith.addf %parallel_loop3A_2025, %parallel_loop3A_2035 : vector<16xf32>
        %parallel_loop3A_2037 = arith.index_cast %parallel_loop3A_2024 : i32 to index
        %parallel_loop3A_2038 = arith.constant 16 : index
        %parallel_loop3A_2039 = tpu.vector_load %arg6[%parallel_loop3A_2037, %parallel_loop3A_2038] {strides = array<i32>} : memref<128x128xf32, #tpu.memory_space<vmem>>, vector<16xf32>,
        %parallel_loop3A_2040 = arith.addf %parallel_loop3A_2026, %parallel_loop3A_2039 : vector<16xf32>
        %parallel_loop3A_2041 = arith.index_cast %parallel_loop3A_2024 : i32 to index
        %parallel_loop3A_2042 = arith.constant 32 : index
        %parallel_loop3A_2043 = tpu.vector_load %arg6[%parallel_loop3A_2041, %parallel_loop3A_2042] {strides = array<i32>} : memref<128x128xf32, #tpu.memory_space<vmem>>, vector<16xf32>,
        %parallel_loop3A_2044 = arith.addf %parallel_loop3A_2027, %parallel_loop3A_2043 : vector<16xf32>
        %parallel_loop3A_2045 = arith.index_cast %parallel_loop3A_2024 : i32 to index
        %parallel_loop3A_2046 = arith.constant 48 : index
        %parallel_loop3A_2047 = tpu.vector_load %arg6[%parallel_loop3A_2045, %parallel_loop3A_2046] {strides = array<i32>} : memref<128x128xf32, #tpu.memory_space<vmem>>, vector<16xf32>,
        %parallel_loop3A_2048 = arith.addf %parallel_loop3A_2028, %parallel_loop3A_2047 : vector<16xf32>
        %parallel_loop3A_2049 = arith.index_cast %parallel_loop3A_2024 : i32 to index
        %parallel_loop3A_2050 = arith.constant 64 : index
        %parallel_loop3A_2051 = tpu.vector_load %arg6[%parallel_loop3A_2049, %parallel_loop3A_2050] {strides = array<i32>} : memref<128x128xf32, #tpu.memory_space<vmem>>, vector<16xf32>,
        %parallel_loop3A_2052 = arith.addf %parallel_loop3A_2029, %parallel_loop3A_2051 : vector<16xf32>
        %parallel_loop3A_2053 = arith.index_cast %parallel_loop3A_2024 : i32 to index
        %parallel_loop3A_2054 = arith.constant 80 : index
        %parallel_loop3A_2055 = tpu.vector_load %arg6[%parallel_loop3A_2053, %parallel_loop3A_2054] {strides = array<i32>} : memref<128x128xf32, #tpu.memory_space<vmem>>, vector<16xf32>,
        %parallel_loop3A_2056 = arith.addf %parallel_loop3A_2030, %parallel_loop3A_2055 : vector<16xf32>
        %parallel_loop3A_2057 = arith.index_cast %parallel_loop3A_2024 : i32 to index
        %parallel_loop3A_2058 = arith.constant 96 : index
        %parallel_loop3A_2059 = tpu.vector_load %arg6[%parallel_loop3A_2057, %parallel_loop3A_2058] {strides = array<i32>} : memref<128x128xf32, #tpu.memory_space<vmem>>, vector<16xf32>,
        %parallel_loop3A_2060 = arith.addf %parallel_loop3A_2031, %parallel_loop3A_2059 : vector<16xf32>
        %parallel_loop3A_2061 = arith.index_cast %parallel_loop3A_2024 : i32 to index
        %parallel_loop3A_2062 = arith.constant 112 : index
        %parallel_loop3A_2063 = tpu.vector_load %arg6[%parallel_loop3A_2061, %parallel_loop3A_2062] {strides = array<i32>} : memref<128x128xf32, #tpu.memory_space<vmem>>, vector<16xf32>,
        %parallel_loop3A_2064 = arith.addf %parallel_loop3A_2032, %parallel_loop3A_2063 : vector<16xf32>
        scf.yield %parallel_loop3A_2036, %parallel_loop3A_2040, %parallel_loop3A_2044, %parallel_loop3A_2048, %parallel_loop3A_2052, %parallel_loop3A_2056, %parallel_loop3A_2060, %parallel_loop3A_2064 : vector<16xf32>, vector<16xf32>, vector<16xf32>, vector<16xf32>, vector<16xf32>, vector<16xf32>, vector<16xf32>, vector<16xf32>
      } {sc.loop_unroll_factor = 1 : i64, sc.parallel_access}
      %get3A_1952 = arith.constant 10 : i32
      %get3A_1953 = arith.index_cast %get3A_1952 : i32 to index
      %get3A_1954 = arith.constant 0 : index
      %get3A_1955 = tpu.vector_load %arg8[%get3A_1953, %get3A_1954] {strides = array<i32>} : memref<16x144xf32, #tpu.memory_space<vmem>>, vector<16xf32>,
      %add3A_1956 = arith.addf %get3A_1955, %parallel_loop3A_1951#0 : vector<16xf32>
      %swap3A_1957 = arith.constant 10 : i32
      %swap3A_1958 = arith.index_cast %swap3A_1957 : i32 to index
      %swap3A_1959 = arith.constant 0 : index
      %swap3A_1960 = tpu.vector_load %arg8[%swap3A_1958, %swap3A_1959] {strides = array<i32>} : memref<16x144xf32, #tpu.memory_space<vmem>>, vector<16xf32>,
      tpu.vector_store %arg8[%swap3A_1958, %swap3A_1959], %add3A_1956 {strides = array<i32>} : memref<16x144xf32, #tpu.memory_space<vmem>>, vector<16xf32>,
      %get3A_1961 = arith.constant 10 : i32
      %get3A_1962 = arith.index_cast %get3A_1961 : i32 to index
      %get3A_1963 = arith.constant 16 : index
      %get3A_1964 = tpu.vector_load %arg8[%get3A_1962, %get3A_1963] {strides = array<i32>} : memref<16x144xf32, #tpu.memory_space<vmem>>, vector<16xf32>,
      %add3A_1965 = arith.addf %get3A_1964, %parallel_loop3A_1951#1 : vector<16xf32>
      %swap3A_1966 = arith.constant 10 : i32
      %swap3A_1967 = arith.index_cast %swap3A_1966 : i32 to index
      %swap3A_1968 = arith.constant 16 : index
      %swap3A_1969 = tpu.vector_load %arg8[%swap3A_1967, %swap3A_1968] {strides = array<i32>} : memref<16x144xf32, #tpu.memory_space<vmem>>, vector<16xf32>,
      tpu.vector_store %arg8[%swap3A_1967, %swap3A_1968], %add3A_1965 {strides = array<i32>} : memref<16x144xf32, #tpu.memory_space<vmem>>, vector<16xf32>,
      %get3A_1970 = arith.constant 10 : i32
      %get3A_1971 = arith.index_cast %get3A_1970 : i32 to index
      %get3A_1972 = arith.constant 32 : index
      %get3A_1973 = tpu.vector_load %arg8[%get3A_1971, %get3A_1972] {strides = array<i32>} : memref<16x144xf32, #tpu.memory_space<vmem>>, vector<16xf32>,
      %add3A_1974 = arith.addf %get3A_1973, %parallel_loop3A_1951#2 : vector<16xf32>
      %swap3A_1975 = arith.constant 10 : i32
      %swap3A_1976 = arith.index_cast %swap3A_1975 : i32 to index
      %swap3A_1977 = arith.constant 32 : index
      %swap3A_1978 = tpu.vector_load %arg8[%swap3A_1976, %swap3A_1977] {strides = array<i32>} : memref<16x144xf32, #tpu.memory_space<vmem>>, vector<16xf32>,
      tpu.vector_store %arg8[%swap3A_1976, %swap3A_1977], %add3A_1974 {strides = array<i32>} : memref<16x144xf32, #tpu.memory_space<vmem>>, vector<16xf32>,
      %get3A_1979 = arith.constant 10 : i32
      %get3A_1980 = arith.index_cast %get3A_1979 : i32 to index
      %get3A_1981 = arith.constant 48 : index
      %get3A_1982 = tpu.vector_load %arg8[%get3A_1980, %get3A_1981] {strides = array<i32>} : memref<16x144xf32, #tpu.memory_space<vmem>>, vector<16xf32>,
      %add3A_1983 = arith.addf %get3A_1982, %parallel_loop3A_1951#3 : vector<16xf32>
      %swap3A_1984 = arith.constant 10 : i32
      %swap3A_1985 = arith.index_cast %swap3A_1984 : i32 to index
      %swap3A_1986 = arith.constant 48 : index
      %swap3A_1987 = tpu.vector_load %arg8[%swap3A_1985, %swap3A_1986] {strides = array<i32>} : memref<16x144xf32, #tpu.memory_space<vmem>>, vector<16xf32>,
      tpu.vector_store %arg8[%swap3A_1985, %swap3A_1986], %add3A_1983 {strides = array<i32>} : memref<16x144xf32, #tpu.memory_space<vmem>>, vector<16xf32>,
      %get3A_1988 = arith.constant 10 : i32
      %get3A_1989 = arith.index_cast %get3A_1988 : i32 to index
      %get3A_1990 = arith.constant 64 : index
      %get3A_1991 = tpu.vector_load %arg8[%get3A_1989, %get3A_1990] {strides = array<i32>} : memref<16x144xf32, #tpu.memory_space<vmem>>, vector<16xf32>,
      %add3A_1992 = arith.addf %get3A_1991, %parallel_loop3A_1951#4 : vector<16xf32>
      %swap3A_1993 = arith.constant 10 : i32
      %swap3A_1994 = arith.index_cast %swap3A_1993 : i32 to index
      %swap3A_1995 = arith.constant 64 : index
      %swap3A_1996 = tpu.vector_load %arg8[%swap3A_1994, %swap3A_1995] {strides = array<i32>} : memref<16x144xf32, #tpu.memory_space<vmem>>, vector<16xf32>,
      tpu.vector_store %arg8[%swap3A_1994, %swap3A_1995], %add3A_1992 {strides = array<i32>} : memref<16x144xf32, #tpu.memory_space<vmem>>, vector<16xf32>,
      %get3A_1997 = arith.constant 10 : i32
      %get3A_1998 = arith.index_cast %get3A_1997 : i32 to index
      %get3A_1999 = arith.constant 80 : index
      %get3A_2000 = tpu.vector_load %arg8[%get3A_1998, %get3A_1999] {strides = array<i32>} : memref<16x144xf32, #tpu.memory_space<vmem>>, vector<16xf32>,
      %add3A_2001 = arith.addf %get3A_2000, %parallel_loop3A_1951#5 : vector<16xf32>
      %swap3A_2002 = arith.constant 10 : i32
      %swap3A_2003 = arith.index_cast %swap3A_2002 : i32 to index
      %swap3A_2004 = arith.constant 80 : index
      %swap3A_2005 = tpu.vector_load %arg8[%swap3A_2003, %swap3A_2004] {strides = array<i32>} : memref<16x144xf32, #tpu.memory_space<vmem>>, vector<16xf32>,
      tpu.vector_store %arg8[%swap3A_2003, %swap3A_2004], %add3A_2001 {strides = array<i32>} : memref<16x144xf32, #tpu.memory_space<vmem>>, vector<16xf32>,
      %get3A_2006 = arith.constant 10 : i32
      %get3A_2007 = arith.index_cast %get3A_2006 : i32 to index
      %get3A_2008 = arith.constant 96 : index
      %get3A_2009 = tpu.vector_load %arg8[%get3A_2007, %get3A_2008] {strides = array<i32>} : memref<16x144xf32, #tpu.memory_space<vmem>>, vector<16xf32>,
      %add3A_2010 = arith.addf %get3A_2009, %parallel_loop3A_1951#6 : vector<16xf32>
      %swap3A_2011 = arith.constant 10 : i32
      %swap3A_2012 = arith.index_cast %swap3A_2011 : i32 to index
      %swap3A_2013 = arith.constant 96 : index
      %swap3A_2014 = tpu.vector_load %arg8[%swap3A_2012, %swap3A_2013] {strides = array<i32>} : memref<16x144xf32, #tpu.memory_space<vmem>>, vector<16xf32>,
      tpu.vector_store %arg8[%swap3A_2012, %swap3A_2013], %add3A_2010 {strides = array<i32>} : memref<16x144xf32, #tpu.memory_space<vmem>>, vector<16xf32>,
      %get3A_2015 = arith.constant 10 : i32
      %get3A_2016 = arith.index_cast %get3A_2015 : i32 to index
      %get3A_2017 = arith.constant 112 : index
      %get3A_2018 = tpu.vector_load %arg8[%get3A_2016, %get3A_2017] {strides = array<i32>} : memref<16x144xf32, #tpu.memory_space<vmem>>, vector<16xf32>,
      %add3A_2019 = arith.addf %get3A_2018, %parallel_loop3A_1951#7 : vector<16xf32>
      %swap3A_2020 = arith.constant 10 : i32
      %swap3A_2021 = arith.index_cast %swap3A_2020 : i32 to index
      %swap3A_2022 = arith.constant 112 : index
      %swap3A_2023 = tpu.vector_load %arg8[%swap3A_2021, %swap3A_2022] {strides = array<i32>} : memref<16x144xf32, #tpu.memory_space<vmem>>, vector<16xf32>,
      tpu.vector_store %arg8[%swap3A_2021, %swap3A_2022], %add3A_2019 {strides = array<i32>} : memref<16x144xf32, #tpu.memory_space<vmem>>, vector<16xf32>,
    } else {
    }
    %sub3A_1870 = arith.constant 0 : i32
    %sub3A_1871 = arith.subi %add3A_1257, %sub3A_1870 : i32
    %jit3A_1872 = arith.constant 0 : i32
    %jit3A_1873 = arith.constant 128 : i32
    %max3A_1874 = arith.maxsi %jit3A_1872, %sub3A_1871 : i32
    %min3A_1875 = arith.minsi %jit3A_1873, %max3A_1874 : i32
    %sub3A_1876 = arith.constant 0 : i32
    %sub3A_1877 = arith.subi %add3A_1325, %sub3A_1876 : i32
    %jit3A_1878 = arith.constant 0 : i32
    %jit3A_1879 = arith.constant 128 : i32
    %max3A_1880 = arith.maxsi %jit3A_1878, %sub3A_1877 : i32
    %min3A_1881 = arith.minsi %jit3A_1879, %max3A_1880 : i32
    %gt3A_1882 = arith.cmpi sgt, %min3A_1881, %min3A_1875 : i32
    %convert_element_type3A_1883 = arith.extui %gt3A_1882 : i1 to i32
    %cond3A_1884 = arith.constant 0 : i32
    %cond3A_1885 = arith.cmpi ne, %convert_element_type3A_1883, %cond3A_1884 : i32
    scf.if %cond3A_1885 {
      %parallel_loop3A = arith.constant 1 : i32
      %parallel_loop3A_1951:8 = scf.for %parallel_loop3A_2024 = %min3A_1875 to %min3A_1881 step %parallel_loop3A iter_args(%parallel_loop3A_2025 = %broadcast_in_dim3A_8, %parallel_loop3A_2026 = %broadcast_in_dim3A_8, %parallel_loop3A_2027 = %broadcast_in_dim3A_8, %parallel_loop3A_2028 = %broadcast_in_dim3A_8, %parallel_loop3A_2029 = %broadcast_in_dim3A_8, %parallel_loop3A_2030 = %broadcast_in_dim3A_8, %parallel_loop3A_2031 = %broadcast_in_dim3A_8, %parallel_loop3A_2032 = %broadcast_in_dim3A_8) -> (vector<16xf32>, vector<16xf32>, vector<16xf32>, vector<16xf32>, vector<16xf32>, vector<16xf32>, vector<16xf32>, vector<16xf32>)  : i32 {
        %parallel_loop3A_2033 = arith.index_cast %parallel_loop3A_2024 : i32 to index
        %parallel_loop3A_2034 = arith.constant 0 : index
        %parallel_loop3A_2035 = tpu.vector_load %arg6[%parallel_loop3A_2033, %parallel_loop3A_2034] {strides = array<i32>} : memref<128x128xf32, #tpu.memory_space<vmem>>, vector<16xf32>,
        %parallel_loop3A_2036 = arith.addf %parallel_loop3A_2025, %parallel_loop3A_2035 : vector<16xf32>
        %parallel_loop3A_2037 = arith.index_cast %parallel_loop3A_2024 : i32 to index
        %parallel_loop3A_2038 = arith.constant 16 : index
        %parallel_loop3A_2039 = tpu.vector_load %arg6[%parallel_loop3A_2037, %parallel_loop3A_2038] {strides = array<i32>} : memref<128x128xf32, #tpu.memory_space<vmem>>, vector<16xf32>,
        %parallel_loop3A_2040 = arith.addf %parallel_loop3A_2026, %parallel_loop3A_2039 : vector<16xf32>
        %parallel_loop3A_2041 = arith.index_cast %parallel_loop3A_2024 : i32 to index
        %parallel_loop3A_2042 = arith.constant 32 : index
        %parallel_loop3A_2043 = tpu.vector_load %arg6[%parallel_loop3A_2041, %parallel_loop3A_2042] {strides = array<i32>} : memref<128x128xf32, #tpu.memory_space<vmem>>, vector<16xf32>,
        %parallel_loop3A_2044 = arith.addf %parallel_loop3A_2027, %parallel_loop3A_2043 : vector<16xf32>
        %parallel_loop3A_2045 = arith.index_cast %parallel_loop3A_2024 : i32 to index
        %parallel_loop3A_2046 = arith.constant 48 : index
        %parallel_loop3A_2047 = tpu.vector_load %arg6[%parallel_loop3A_2045, %parallel_loop3A_2046] {strides = array<i32>} : memref<128x128xf32, #tpu.memory_space<vmem>>, vector<16xf32>,
        %parallel_loop3A_2048 = arith.addf %parallel_loop3A_2028, %parallel_loop3A_2047 : vector<16xf32>
        %parallel_loop3A_2049 = arith.index_cast %parallel_loop3A_2024 : i32 to index
        %parallel_loop3A_2050 = arith.constant 64 : index
        %parallel_loop3A_2051 = tpu.vector_load %arg6[%parallel_loop3A_2049, %parallel_loop3A_2050] {strides = array<i32>} : memref<128x128xf32, #tpu.memory_space<vmem>>, vector<16xf32>,
        %parallel_loop3A_2052 = arith.addf %parallel_loop3A_2029, %parallel_loop3A_2051 : vector<16xf32>
        %parallel_loop3A_2053 = arith.index_cast %parallel_loop3A_2024 : i32 to index
        %parallel_loop3A_2054 = arith.constant 80 : index
        %parallel_loop3A_2055 = tpu.vector_load %arg6[%parallel_loop3A_2053, %parallel_loop3A_2054] {strides = array<i32>} : memref<128x128xf32, #tpu.memory_space<vmem>>, vector<16xf32>,
        %parallel_loop3A_2056 = arith.addf %parallel_loop3A_2030, %parallel_loop3A_2055 : vector<16xf32>
        %parallel_loop3A_2057 = arith.index_cast %parallel_loop3A_2024 : i32 to index
        %parallel_loop3A_2058 = arith.constant 96 : index
        %parallel_loop3A_2059 = tpu.vector_load %arg6[%parallel_loop3A_2057, %parallel_loop3A_2058] {strides = array<i32>} : memref<128x128xf32, #tpu.memory_space<vmem>>, vector<16xf32>,
        %parallel_loop3A_2060 = arith.addf %parallel_loop3A_2031, %parallel_loop3A_2059 : vector<16xf32>
        %parallel_loop3A_2061 = arith.index_cast %parallel_loop3A_2024 : i32 to index
        %parallel_loop3A_2062 = arith.constant 112 : index
        %parallel_loop3A_2063 = tpu.vector_load %arg6[%parallel_loop3A_2061, %parallel_loop3A_2062] {strides = array<i32>} : memref<128x128xf32, #tpu.memory_space<vmem>>, vector<16xf32>,
        %parallel_loop3A_2064 = arith.addf %parallel_loop3A_2032, %parallel_loop3A_2063 : vector<16xf32>
        scf.yield %parallel_loop3A_2036, %parallel_loop3A_2040, %parallel_loop3A_2044, %parallel_loop3A_2048, %parallel_loop3A_2052, %parallel_loop3A_2056, %parallel_loop3A_2060, %parallel_loop3A_2064 : vector<16xf32>, vector<16xf32>, vector<16xf32>, vector<16xf32>, vector<16xf32>, vector<16xf32>, vector<16xf32>, vector<16xf32>
      } {sc.loop_unroll_factor = 1 : i64, sc.parallel_access}
      %get3A_1952 = arith.constant 11 : i32
      %get3A_1953 = arith.index_cast %get3A_1952 : i32 to index
      %get3A_1954 = arith.constant 0 : index
      %get3A_1955 = tpu.vector_load %arg8[%get3A_1953, %get3A_1954] {strides = array<i32>} : memref<16x144xf32, #tpu.memory_space<vmem>>, vector<16xf32>,
      %add3A_1956 = arith.addf %get3A_1955, %parallel_loop3A_1951#0 : vector<16xf32>
      %swap3A_1957 = arith.constant 11 : i32
      %swap3A_1958 = arith.index_cast %swap3A_1957 : i32 to index
      %swap3A_1959 = arith.constant 0 : index
      %swap3A_1960 = tpu.vector_load %arg8[%swap3A_1958, %swap3A_1959] {strides = array<i32>} : memref<16x144xf32, #tpu.memory_space<vmem>>, vector<16xf32>,
      tpu.vector_store %arg8[%swap3A_1958, %swap3A_1959], %add3A_1956 {strides = array<i32>} : memref<16x144xf32, #tpu.memory_space<vmem>>, vector<16xf32>,
      %get3A_1961 = arith.constant 11 : i32
      %get3A_1962 = arith.index_cast %get3A_1961 : i32 to index
      %get3A_1963 = arith.constant 16 : index
      %get3A_1964 = tpu.vector_load %arg8[%get3A_1962, %get3A_1963] {strides = array<i32>} : memref<16x144xf32, #tpu.memory_space<vmem>>, vector<16xf32>,
      %add3A_1965 = arith.addf %get3A_1964, %parallel_loop3A_1951#1 : vector<16xf32>
      %swap3A_1966 = arith.constant 11 : i32
      %swap3A_1967 = arith.index_cast %swap3A_1966 : i32 to index
      %swap3A_1968 = arith.constant 16 : index
      %swap3A_1969 = tpu.vector_load %arg8[%swap3A_1967, %swap3A_1968] {strides = array<i32>} : memref<16x144xf32, #tpu.memory_space<vmem>>, vector<16xf32>,
      tpu.vector_store %arg8[%swap3A_1967, %swap3A_1968], %add3A_1965 {strides = array<i32>} : memref<16x144xf32, #tpu.memory_space<vmem>>, vector<16xf32>,
      %get3A_1970 = arith.constant 11 : i32
      %get3A_1971 = arith.index_cast %get3A_1970 : i32 to index
      %get3A_1972 = arith.constant 32 : index
      %get3A_1973 = tpu.vector_load %arg8[%get3A_1971, %get3A_1972] {strides = array<i32>} : memref<16x144xf32, #tpu.memory_space<vmem>>, vector<16xf32>,
      %add3A_1974 = arith.addf %get3A_1973, %parallel_loop3A_1951#2 : vector<16xf32>
      %swap3A_1975 = arith.constant 11 : i32
      %swap3A_1976 = arith.index_cast %swap3A_1975 : i32 to index
      %swap3A_1977 = arith.constant 32 : index
      %swap3A_1978 = tpu.vector_load %arg8[%swap3A_1976, %swap3A_1977] {strides = array<i32>} : memref<16x144xf32, #tpu.memory_space<vmem>>, vector<16xf32>,
      tpu.vector_store %arg8[%swap3A_1976, %swap3A_1977], %add3A_1974 {strides = array<i32>} : memref<16x144xf32, #tpu.memory_space<vmem>>, vector<16xf32>,
      %get3A_1979 = arith.constant 11 : i32
      %get3A_1980 = arith.index_cast %get3A_1979 : i32 to index
      %get3A_1981 = arith.constant 48 : index
      %get3A_1982 = tpu.vector_load %arg8[%get3A_1980, %get3A_1981] {strides = array<i32>} : memref<16x144xf32, #tpu.memory_space<vmem>>, vector<16xf32>,
      %add3A_1983 = arith.addf %get3A_1982, %parallel_loop3A_1951#3 : vector<16xf32>
      %swap3A_1984 = arith.constant 11 : i32
      %swap3A_1985 = arith.index_cast %swap3A_1984 : i32 to index
      %swap3A_1986 = arith.constant 48 : index
      %swap3A_1987 = tpu.vector_load %arg8[%swap3A_1985, %swap3A_1986] {strides = array<i32>} : memref<16x144xf32, #tpu.memory_space<vmem>>, vector<16xf32>,
      tpu.vector_store %arg8[%swap3A_1985, %swap3A_1986], %add3A_1983 {strides = array<i32>} : memref<16x144xf32, #tpu.memory_space<vmem>>, vector<16xf32>,
      %get3A_1988 = arith.constant 11 : i32
      %get3A_1989 = arith.index_cast %get3A_1988 : i32 to index
      %get3A_1990 = arith.constant 64 : index
      %get3A_1991 = tpu.vector_load %arg8[%get3A_1989, %get3A_1990] {strides = array<i32>} : memref<16x144xf32, #tpu.memory_space<vmem>>, vector<16xf32>,
      %add3A_1992 = arith.addf %get3A_1991, %parallel_loop3A_1951#4 : vector<16xf32>
      %swap3A_1993 = arith.constant 11 : i32
      %swap3A_1994 = arith.index_cast %swap3A_1993 : i32 to index
      %swap3A_1995 = arith.constant 64 : index
      %swap3A_1996 = tpu.vector_load %arg8[%swap3A_1994, %swap3A_1995] {strides = array<i32>} : memref<16x144xf32, #tpu.memory_space<vmem>>, vector<16xf32>,
      tpu.vector_store %arg8[%swap3A_1994, %swap3A_1995], %add3A_1992 {strides = array<i32>} : memref<16x144xf32, #tpu.memory_space<vmem>>, vector<16xf32>,
      %get3A_1997 = arith.constant 11 : i32
      %get3A_1998 = arith.index_cast %get3A_1997 : i32 to index
      %get3A_1999 = arith.constant 80 : index
      %get3A_2000 = tpu.vector_load %arg8[%get3A_1998, %get3A_1999] {strides = array<i32>} : memref<16x144xf32, #tpu.memory_space<vmem>>, vector<16xf32>,
      %add3A_2001 = arith.addf %get3A_2000, %parallel_loop3A_1951#5 : vector<16xf32>
      %swap3A_2002 = arith.constant 11 : i32
      %swap3A_2003 = arith.index_cast %swap3A_2002 : i32 to index
      %swap3A_2004 = arith.constant 80 : index
      %swap3A_2005 = tpu.vector_load %arg8[%swap3A_2003, %swap3A_2004] {strides = array<i32>} : memref<16x144xf32, #tpu.memory_space<vmem>>, vector<16xf32>,
      tpu.vector_store %arg8[%swap3A_2003, %swap3A_2004], %add3A_2001 {strides = array<i32>} : memref<16x144xf32, #tpu.memory_space<vmem>>, vector<16xf32>,
      %get3A_2006 = arith.constant 11 : i32
      %get3A_2007 = arith.index_cast %get3A_2006 : i32 to index
      %get3A_2008 = arith.constant 96 : index
      %get3A_2009 = tpu.vector_load %arg8[%get3A_2007, %get3A_2008] {strides = array<i32>} : memref<16x144xf32, #tpu.memory_space<vmem>>, vector<16xf32>,
      %add3A_2010 = arith.addf %get3A_2009, %parallel_loop3A_1951#6 : vector<16xf32>
      %swap3A_2011 = arith.constant 11 : i32
      %swap3A_2012 = arith.index_cast %swap3A_2011 : i32 to index
      %swap3A_2013 = arith.constant 96 : index
      %swap3A_2014 = tpu.vector_load %arg8[%swap3A_2012, %swap3A_2013] {strides = array<i32>} : memref<16x144xf32, #tpu.memory_space<vmem>>, vector<16xf32>,
      tpu.vector_store %arg8[%swap3A_2012, %swap3A_2013], %add3A_2010 {strides = array<i32>} : memref<16x144xf32, #tpu.memory_space<vmem>>, vector<16xf32>,
      %get3A_2015 = arith.constant 11 : i32
      %get3A_2016 = arith.index_cast %get3A_2015 : i32 to index
      %get3A_2017 = arith.constant 112 : index
      %get3A_2018 = tpu.vector_load %arg8[%get3A_2016, %get3A_2017] {strides = array<i32>} : memref<16x144xf32, #tpu.memory_space<vmem>>, vector<16xf32>,
      %add3A_2019 = arith.addf %get3A_2018, %parallel_loop3A_1951#7 : vector<16xf32>
      %swap3A_2020 = arith.constant 11 : i32
      %swap3A_2021 = arith.index_cast %swap3A_2020 : i32 to index
      %swap3A_2022 = arith.constant 112 : index
      %swap3A_2023 = tpu.vector_load %arg8[%swap3A_2021, %swap3A_2022] {strides = array<i32>} : memref<16x144xf32, #tpu.memory_space<vmem>>, vector<16xf32>,
      tpu.vector_store %arg8[%swap3A_2021, %swap3A_2022], %add3A_2019 {strides = array<i32>} : memref<16x144xf32, #tpu.memory_space<vmem>>, vector<16xf32>,
    } else {
    }
    %sub3A_1886 = arith.constant 0 : i32
    %sub3A_1887 = arith.subi %add3A_1325, %sub3A_1886 : i32
    %jit3A_1888 = arith.constant 0 : i32
    %jit3A_1889 = arith.constant 128 : i32
    %max3A_1890 = arith.maxsi %jit3A_1888, %sub3A_1887 : i32
    %min3A_1891 = arith.minsi %jit3A_1889, %max3A_1890 : i32
    %sub3A_1892 = arith.constant 0 : i32
    %sub3A_1893 = arith.subi %add3A_1393, %sub3A_1892 : i32
    %jit3A_1894 = arith.constant 0 : i32
    %jit3A_1895 = arith.constant 128 : i32
    %max3A_1896 = arith.maxsi %jit3A_1894, %sub3A_1893 : i32
    %min3A_1897 = arith.minsi %jit3A_1895, %max3A_1896 : i32
    %gt3A_1898 = arith.cmpi sgt, %min3A_1897, %min3A_1891 : i32
    %convert_element_type3A_1899 = arith.extui %gt3A_1898 : i1 to i32
    %cond3A_1900 = arith.constant 0 : i32
    %cond3A_1901 = arith.cmpi ne, %convert_element_type3A_1899, %cond3A_1900 : i32
    scf.if %cond3A_1901 {
      %parallel_loop3A = arith.constant 1 : i32
      %parallel_loop3A_1951:8 = scf.for %parallel_loop3A_2024 = %min3A_1891 to %min3A_1897 step %parallel_loop3A iter_args(%parallel_loop3A_2025 = %broadcast_in_dim3A_8, %parallel_loop3A_2026 = %broadcast_in_dim3A_8, %parallel_loop3A_2027 = %broadcast_in_dim3A_8, %parallel_loop3A_2028 = %broadcast_in_dim3A_8, %parallel_loop3A_2029 = %broadcast_in_dim3A_8, %parallel_loop3A_2030 = %broadcast_in_dim3A_8, %parallel_loop3A_2031 = %broadcast_in_dim3A_8, %parallel_loop3A_2032 = %broadcast_in_dim3A_8) -> (vector<16xf32>, vector<16xf32>, vector<16xf32>, vector<16xf32>, vector<16xf32>, vector<16xf32>, vector<16xf32>, vector<16xf32>)  : i32 {
        %parallel_loop3A_2033 = arith.index_cast %parallel_loop3A_2024 : i32 to index
        %parallel_loop3A_2034 = arith.constant 0 : index
        %parallel_loop3A_2035 = tpu.vector_load %arg6[%parallel_loop3A_2033, %parallel_loop3A_2034] {strides = array<i32>} : memref<128x128xf32, #tpu.memory_space<vmem>>, vector<16xf32>,
        %parallel_loop3A_2036 = arith.addf %parallel_loop3A_2025, %parallel_loop3A_2035 : vector<16xf32>
        %parallel_loop3A_2037 = arith.index_cast %parallel_loop3A_2024 : i32 to index
        %parallel_loop3A_2038 = arith.constant 16 : index
        %parallel_loop3A_2039 = tpu.vector_load %arg6[%parallel_loop3A_2037, %parallel_loop3A_2038] {strides = array<i32>} : memref<128x128xf32, #tpu.memory_space<vmem>>, vector<16xf32>,
        %parallel_loop3A_2040 = arith.addf %parallel_loop3A_2026, %parallel_loop3A_2039 : vector<16xf32>
        %parallel_loop3A_2041 = arith.index_cast %parallel_loop3A_2024 : i32 to index
        %parallel_loop3A_2042 = arith.constant 32 : index
        %parallel_loop3A_2043 = tpu.vector_load %arg6[%parallel_loop3A_2041, %parallel_loop3A_2042] {strides = array<i32>} : memref<128x128xf32, #tpu.memory_space<vmem>>, vector<16xf32>,
        %parallel_loop3A_2044 = arith.addf %parallel_loop3A_2027, %parallel_loop3A_2043 : vector<16xf32>
        %parallel_loop3A_2045 = arith.index_cast %parallel_loop3A_2024 : i32 to index
        %parallel_loop3A_2046 = arith.constant 48 : index
        %parallel_loop3A_2047 = tpu.vector_load %arg6[%parallel_loop3A_2045, %parallel_loop3A_2046] {strides = array<i32>} : memref<128x128xf32, #tpu.memory_space<vmem>>, vector<16xf32>,
        %parallel_loop3A_2048 = arith.addf %parallel_loop3A_2028, %parallel_loop3A_2047 : vector<16xf32>
        %parallel_loop3A_2049 = arith.index_cast %parallel_loop3A_2024 : i32 to index
        %parallel_loop3A_2050 = arith.constant 64 : index
        %parallel_loop3A_2051 = tpu.vector_load %arg6[%parallel_loop3A_2049, %parallel_loop3A_2050] {strides = array<i32>} : memref<128x128xf32, #tpu.memory_space<vmem>>, vector<16xf32>,
        %parallel_loop3A_2052 = arith.addf %parallel_loop3A_2029, %parallel_loop3A_2051 : vector<16xf32>
        %parallel_loop3A_2053 = arith.index_cast %parallel_loop3A_2024 : i32 to index
        %parallel_loop3A_2054 = arith.constant 80 : index
        %parallel_loop3A_2055 = tpu.vector_load %arg6[%parallel_loop3A_2053, %parallel_loop3A_2054] {strides = array<i32>} : memref<128x128xf32, #tpu.memory_space<vmem>>, vector<16xf32>,
        %parallel_loop3A_2056 = arith.addf %parallel_loop3A_2030, %parallel_loop3A_2055 : vector<16xf32>
        %parallel_loop3A_2057 = arith.index_cast %parallel_loop3A_2024 : i32 to index
        %parallel_loop3A_2058 = arith.constant 96 : index
        %parallel_loop3A_2059 = tpu.vector_load %arg6[%parallel_loop3A_2057, %parallel_loop3A_2058] {strides = array<i32>} : memref<128x128xf32, #tpu.memory_space<vmem>>, vector<16xf32>,
        %parallel_loop3A_2060 = arith.addf %parallel_loop3A_2031, %parallel_loop3A_2059 : vector<16xf32>
        %parallel_loop3A_2061 = arith.index_cast %parallel_loop3A_2024 : i32 to index
        %parallel_loop3A_2062 = arith.constant 112 : index
        %parallel_loop3A_2063 = tpu.vector_load %arg6[%parallel_loop3A_2061, %parallel_loop3A_2062] {strides = array<i32>} : memref<128x128xf32, #tpu.memory_space<vmem>>, vector<16xf32>,
        %parallel_loop3A_2064 = arith.addf %parallel_loop3A_2032, %parallel_loop3A_2063 : vector<16xf32>
        scf.yield %parallel_loop3A_2036, %parallel_loop3A_2040, %parallel_loop3A_2044, %parallel_loop3A_2048, %parallel_loop3A_2052, %parallel_loop3A_2056, %parallel_loop3A_2060, %parallel_loop3A_2064 : vector<16xf32>, vector<16xf32>, vector<16xf32>, vector<16xf32>, vector<16xf32>, vector<16xf32>, vector<16xf32>, vector<16xf32>
      } {sc.loop_unroll_factor = 1 : i64, sc.parallel_access}
      %get3A_1952 = arith.constant 12 : i32
      %get3A_1953 = arith.index_cast %get3A_1952 : i32 to index
      %get3A_1954 = arith.constant 0 : index
      %get3A_1955 = tpu.vector_load %arg8[%get3A_1953, %get3A_1954] {strides = array<i32>} : memref<16x144xf32, #tpu.memory_space<vmem>>, vector<16xf32>,
      %add3A_1956 = arith.addf %get3A_1955, %parallel_loop3A_1951#0 : vector<16xf32>
      %swap3A_1957 = arith.constant 12 : i32
      %swap3A_1958 = arith.index_cast %swap3A_1957 : i32 to index
      %swap3A_1959 = arith.constant 0 : index
      %swap3A_1960 = tpu.vector_load %arg8[%swap3A_1958, %swap3A_1959] {strides = array<i32>} : memref<16x144xf32, #tpu.memory_space<vmem>>, vector<16xf32>,
      tpu.vector_store %arg8[%swap3A_1958, %swap3A_1959], %add3A_1956 {strides = array<i32>} : memref<16x144xf32, #tpu.memory_space<vmem>>, vector<16xf32>,
      %get3A_1961 = arith.constant 12 : i32
      %get3A_1962 = arith.index_cast %get3A_1961 : i32 to index
      %get3A_1963 = arith.constant 16 : index
      %get3A_1964 = tpu.vector_load %arg8[%get3A_1962, %get3A_1963] {strides = array<i32>} : memref<16x144xf32, #tpu.memory_space<vmem>>, vector<16xf32>,
      %add3A_1965 = arith.addf %get3A_1964, %parallel_loop3A_1951#1 : vector<16xf32>
      %swap3A_1966 = arith.constant 12 : i32
      %swap3A_1967 = arith.index_cast %swap3A_1966 : i32 to index
      %swap3A_1968 = arith.constant 16 : index
      %swap3A_1969 = tpu.vector_load %arg8[%swap3A_1967, %swap3A_1968] {strides = array<i32>} : memref<16x144xf32, #tpu.memory_space<vmem>>, vector<16xf32>,
      tpu.vector_store %arg8[%swap3A_1967, %swap3A_1968], %add3A_1965 {strides = array<i32>} : memref<16x144xf32, #tpu.memory_space<vmem>>, vector<16xf32>,
      %get3A_1970 = arith.constant 12 : i32
      %get3A_1971 = arith.index_cast %get3A_1970 : i32 to index
      %get3A_1972 = arith.constant 32 : index
      %get3A_1973 = tpu.vector_load %arg8[%get3A_1971, %get3A_1972] {strides = array<i32>} : memref<16x144xf32, #tpu.memory_space<vmem>>, vector<16xf32>,
      %add3A_1974 = arith.addf %get3A_1973, %parallel_loop3A_1951#2 : vector<16xf32>
      %swap3A_1975 = arith.constant 12 : i32
      %swap3A_1976 = arith.index_cast %swap3A_1975 : i32 to index
      %swap3A_1977 = arith.constant 32 : index
      %swap3A_1978 = tpu.vector_load %arg8[%swap3A_1976, %swap3A_1977] {strides = array<i32>} : memref<16x144xf32, #tpu.memory_space<vmem>>, vector<16xf32>,
      tpu.vector_store %arg8[%swap3A_1976, %swap3A_1977], %add3A_1974 {strides = array<i32>} : memref<16x144xf32, #tpu.memory_space<vmem>>, vector<16xf32>,
      %get3A_1979 = arith.constant 12 : i32
      %get3A_1980 = arith.index_cast %get3A_1979 : i32 to index
      %get3A_1981 = arith.constant 48 : index
      %get3A_1982 = tpu.vector_load %arg8[%get3A_1980, %get3A_1981] {strides = array<i32>} : memref<16x144xf32, #tpu.memory_space<vmem>>, vector<16xf32>,
      %add3A_1983 = arith.addf %get3A_1982, %parallel_loop3A_1951#3 : vector<16xf32>
      %swap3A_1984 = arith.constant 12 : i32
      %swap3A_1985 = arith.index_cast %swap3A_1984 : i32 to index
      %swap3A_1986 = arith.constant 48 : index
      %swap3A_1987 = tpu.vector_load %arg8[%swap3A_1985, %swap3A_1986] {strides = array<i32>} : memref<16x144xf32, #tpu.memory_space<vmem>>, vector<16xf32>,
      tpu.vector_store %arg8[%swap3A_1985, %swap3A_1986], %add3A_1983 {strides = array<i32>} : memref<16x144xf32, #tpu.memory_space<vmem>>, vector<16xf32>,
      %get3A_1988 = arith.constant 12 : i32
      %get3A_1989 = arith.index_cast %get3A_1988 : i32 to index
      %get3A_1990 = arith.constant 64 : index
      %get3A_1991 = tpu.vector_load %arg8[%get3A_1989, %get3A_1990] {strides = array<i32>} : memref<16x144xf32, #tpu.memory_space<vmem>>, vector<16xf32>,
      %add3A_1992 = arith.addf %get3A_1991, %parallel_loop3A_1951#4 : vector<16xf32>
      %swap3A_1993 = arith.constant 12 : i32
      %swap3A_1994 = arith.index_cast %swap3A_1993 : i32 to index
      %swap3A_1995 = arith.constant 64 : index
      %swap3A_1996 = tpu.vector_load %arg8[%swap3A_1994, %swap3A_1995] {strides = array<i32>} : memref<16x144xf32, #tpu.memory_space<vmem>>, vector<16xf32>,
      tpu.vector_store %arg8[%swap3A_1994, %swap3A_1995], %add3A_1992 {strides = array<i32>} : memref<16x144xf32, #tpu.memory_space<vmem>>, vector<16xf32>,
      %get3A_1997 = arith.constant 12 : i32
      %get3A_1998 = arith.index_cast %get3A_1997 : i32 to index
      %get3A_1999 = arith.constant 80 : index
      %get3A_2000 = tpu.vector_load %arg8[%get3A_1998, %get3A_1999] {strides = array<i32>} : memref<16x144xf32, #tpu.memory_space<vmem>>, vector<16xf32>,
      %add3A_2001 = arith.addf %get3A_2000, %parallel_loop3A_1951#5 : vector<16xf32>
      %swap3A_2002 = arith.constant 12 : i32
      %swap3A_2003 = arith.index_cast %swap3A_2002 : i32 to index
      %swap3A_2004 = arith.constant 80 : index
      %swap3A_2005 = tpu.vector_load %arg8[%swap3A_2003, %swap3A_2004] {strides = array<i32>} : memref<16x144xf32, #tpu.memory_space<vmem>>, vector<16xf32>,
      tpu.vector_store %arg8[%swap3A_2003, %swap3A_2004], %add3A_2001 {strides = array<i32>} : memref<16x144xf32, #tpu.memory_space<vmem>>, vector<16xf32>,
      %get3A_2006 = arith.constant 12 : i32
      %get3A_2007 = arith.index_cast %get3A_2006 : i32 to index
      %get3A_2008 = arith.constant 96 : index
      %get3A_2009 = tpu.vector_load %arg8[%get3A_2007, %get3A_2008] {strides = array<i32>} : memref<16x144xf32, #tpu.memory_space<vmem>>, vector<16xf32>,
      %add3A_2010 = arith.addf %get3A_2009, %parallel_loop3A_1951#6 : vector<16xf32>
      %swap3A_2011 = arith.constant 12 : i32
      %swap3A_2012 = arith.index_cast %swap3A_2011 : i32 to index
      %swap3A_2013 = arith.constant 96 : index
      %swap3A_2014 = tpu.vector_load %arg8[%swap3A_2012, %swap3A_2013] {strides = array<i32>} : memref<16x144xf32, #tpu.memory_space<vmem>>, vector<16xf32>,
      tpu.vector_store %arg8[%swap3A_2012, %swap3A_2013], %add3A_2010 {strides = array<i32>} : memref<16x144xf32, #tpu.memory_space<vmem>>, vector<16xf32>,
      %get3A_2015 = arith.constant 12 : i32
      %get3A_2016 = arith.index_cast %get3A_2015 : i32 to index
      %get3A_2017 = arith.constant 112 : index
      %get3A_2018 = tpu.vector_load %arg8[%get3A_2016, %get3A_2017] {strides = array<i32>} : memref<16x144xf32, #tpu.memory_space<vmem>>, vector<16xf32>,
      %add3A_2019 = arith.addf %get3A_2018, %parallel_loop3A_1951#7 : vector<16xf32>
      %swap3A_2020 = arith.constant 12 : i32
      %swap3A_2021 = arith.index_cast %swap3A_2020 : i32 to index
      %swap3A_2022 = arith.constant 112 : index
      %swap3A_2023 = tpu.vector_load %arg8[%swap3A_2021, %swap3A_2022] {strides = array<i32>} : memref<16x144xf32, #tpu.memory_space<vmem>>, vector<16xf32>,
      tpu.vector_store %arg8[%swap3A_2021, %swap3A_2022], %add3A_2019 {strides = array<i32>} : memref<16x144xf32, #tpu.memory_space<vmem>>, vector<16xf32>,
    } else {
    }
    %sub3A_1902 = arith.constant 0 : i32
    %sub3A_1903 = arith.subi %add3A_1393, %sub3A_1902 : i32
    %jit3A_1904 = arith.constant 0 : i32
    %jit3A_1905 = arith.constant 128 : i32
    %max3A_1906 = arith.maxsi %jit3A_1904, %sub3A_1903 : i32
    %min3A_1907 = arith.minsi %jit3A_1905, %max3A_1906 : i32
    %sub3A_1908 = arith.constant 0 : i32
    %sub3A_1909 = arith.subi %add3A_1461, %sub3A_1908 : i32
    %jit3A_1910 = arith.constant 0 : i32
    %jit3A_1911 = arith.constant 128 : i32
    %max3A_1912 = arith.maxsi %jit3A_1910, %sub3A_1909 : i32
    %min3A_1913 = arith.minsi %jit3A_1911, %max3A_1912 : i32
    %gt3A_1914 = arith.cmpi sgt, %min3A_1913, %min3A_1907 : i32
    %convert_element_type3A_1915 = arith.extui %gt3A_1914 : i1 to i32
    %cond3A_1916 = arith.constant 0 : i32
    %cond3A_1917 = arith.cmpi ne, %convert_element_type3A_1915, %cond3A_1916 : i32
    scf.if %cond3A_1917 {
      %parallel_loop3A = arith.constant 1 : i32
      %parallel_loop3A_1951:8 = scf.for %parallel_loop3A_2024 = %min3A_1907 to %min3A_1913 step %parallel_loop3A iter_args(%parallel_loop3A_2025 = %broadcast_in_dim3A_8, %parallel_loop3A_2026 = %broadcast_in_dim3A_8, %parallel_loop3A_2027 = %broadcast_in_dim3A_8, %parallel_loop3A_2028 = %broadcast_in_dim3A_8, %parallel_loop3A_2029 = %broadcast_in_dim3A_8, %parallel_loop3A_2030 = %broadcast_in_dim3A_8, %parallel_loop3A_2031 = %broadcast_in_dim3A_8, %parallel_loop3A_2032 = %broadcast_in_dim3A_8) -> (vector<16xf32>, vector<16xf32>, vector<16xf32>, vector<16xf32>, vector<16xf32>, vector<16xf32>, vector<16xf32>, vector<16xf32>)  : i32 {
        %parallel_loop3A_2033 = arith.index_cast %parallel_loop3A_2024 : i32 to index
        %parallel_loop3A_2034 = arith.constant 0 : index
        %parallel_loop3A_2035 = tpu.vector_load %arg6[%parallel_loop3A_2033, %parallel_loop3A_2034] {strides = array<i32>} : memref<128x128xf32, #tpu.memory_space<vmem>>, vector<16xf32>,
        %parallel_loop3A_2036 = arith.addf %parallel_loop3A_2025, %parallel_loop3A_2035 : vector<16xf32>
        %parallel_loop3A_2037 = arith.index_cast %parallel_loop3A_2024 : i32 to index
        %parallel_loop3A_2038 = arith.constant 16 : index
        %parallel_loop3A_2039 = tpu.vector_load %arg6[%parallel_loop3A_2037, %parallel_loop3A_2038] {strides = array<i32>} : memref<128x128xf32, #tpu.memory_space<vmem>>, vector<16xf32>,
        %parallel_loop3A_2040 = arith.addf %parallel_loop3A_2026, %parallel_loop3A_2039 : vector<16xf32>
        %parallel_loop3A_2041 = arith.index_cast %parallel_loop3A_2024 : i32 to index
        %parallel_loop3A_2042 = arith.constant 32 : index
        %parallel_loop3A_2043 = tpu.vector_load %arg6[%parallel_loop3A_2041, %parallel_loop3A_2042] {strides = array<i32>} : memref<128x128xf32, #tpu.memory_space<vmem>>, vector<16xf32>,
        %parallel_loop3A_2044 = arith.addf %parallel_loop3A_2027, %parallel_loop3A_2043 : vector<16xf32>
        %parallel_loop3A_2045 = arith.index_cast %parallel_loop3A_2024 : i32 to index
        %parallel_loop3A_2046 = arith.constant 48 : index
        %parallel_loop3A_2047 = tpu.vector_load %arg6[%parallel_loop3A_2045, %parallel_loop3A_2046] {strides = array<i32>} : memref<128x128xf32, #tpu.memory_space<vmem>>, vector<16xf32>,
        %parallel_loop3A_2048 = arith.addf %parallel_loop3A_2028, %parallel_loop3A_2047 : vector<16xf32>
        %parallel_loop3A_2049 = arith.index_cast %parallel_loop3A_2024 : i32 to index
        %parallel_loop3A_2050 = arith.constant 64 : index
        %parallel_loop3A_2051 = tpu.vector_load %arg6[%parallel_loop3A_2049, %parallel_loop3A_2050] {strides = array<i32>} : memref<128x128xf32, #tpu.memory_space<vmem>>, vector<16xf32>,
        %parallel_loop3A_2052 = arith.addf %parallel_loop3A_2029, %parallel_loop3A_2051 : vector<16xf32>
        %parallel_loop3A_2053 = arith.index_cast %parallel_loop3A_2024 : i32 to index
        %parallel_loop3A_2054 = arith.constant 80 : index
        %parallel_loop3A_2055 = tpu.vector_load %arg6[%parallel_loop3A_2053, %parallel_loop3A_2054] {strides = array<i32>} : memref<128x128xf32, #tpu.memory_space<vmem>>, vector<16xf32>,
        %parallel_loop3A_2056 = arith.addf %parallel_loop3A_2030, %parallel_loop3A_2055 : vector<16xf32>
        %parallel_loop3A_2057 = arith.index_cast %parallel_loop3A_2024 : i32 to index
        %parallel_loop3A_2058 = arith.constant 96 : index
        %parallel_loop3A_2059 = tpu.vector_load %arg6[%parallel_loop3A_2057, %parallel_loop3A_2058] {strides = array<i32>} : memref<128x128xf32, #tpu.memory_space<vmem>>, vector<16xf32>,
        %parallel_loop3A_2060 = arith.addf %parallel_loop3A_2031, %parallel_loop3A_2059 : vector<16xf32>
        %parallel_loop3A_2061 = arith.index_cast %parallel_loop3A_2024 : i32 to index
        %parallel_loop3A_2062 = arith.constant 112 : index
        %parallel_loop3A_2063 = tpu.vector_load %arg6[%parallel_loop3A_2061, %parallel_loop3A_2062] {strides = array<i32>} : memref<128x128xf32, #tpu.memory_space<vmem>>, vector<16xf32>,
        %parallel_loop3A_2064 = arith.addf %parallel_loop3A_2032, %parallel_loop3A_2063 : vector<16xf32>
        scf.yield %parallel_loop3A_2036, %parallel_loop3A_2040, %parallel_loop3A_2044, %parallel_loop3A_2048, %parallel_loop3A_2052, %parallel_loop3A_2056, %parallel_loop3A_2060, %parallel_loop3A_2064 : vector<16xf32>, vector<16xf32>, vector<16xf32>, vector<16xf32>, vector<16xf32>, vector<16xf32>, vector<16xf32>, vector<16xf32>
      } {sc.loop_unroll_factor = 1 : i64, sc.parallel_access}
      %get3A_1952 = arith.constant 13 : i32
      %get3A_1953 = arith.index_cast %get3A_1952 : i32 to index
      %get3A_1954 = arith.constant 0 : index
      %get3A_1955 = tpu.vector_load %arg8[%get3A_1953, %get3A_1954] {strides = array<i32>} : memref<16x144xf32, #tpu.memory_space<vmem>>, vector<16xf32>,
      %add3A_1956 = arith.addf %get3A_1955, %parallel_loop3A_1951#0 : vector<16xf32>
      %swap3A_1957 = arith.constant 13 : i32
      %swap3A_1958 = arith.index_cast %swap3A_1957 : i32 to index
      %swap3A_1959 = arith.constant 0 : index
      %swap3A_1960 = tpu.vector_load %arg8[%swap3A_1958, %swap3A_1959] {strides = array<i32>} : memref<16x144xf32, #tpu.memory_space<vmem>>, vector<16xf32>,
      tpu.vector_store %arg8[%swap3A_1958, %swap3A_1959], %add3A_1956 {strides = array<i32>} : memref<16x144xf32, #tpu.memory_space<vmem>>, vector<16xf32>,
      %get3A_1961 = arith.constant 13 : i32
      %get3A_1962 = arith.index_cast %get3A_1961 : i32 to index
      %get3A_1963 = arith.constant 16 : index
      %get3A_1964 = tpu.vector_load %arg8[%get3A_1962, %get3A_1963] {strides = array<i32>} : memref<16x144xf32, #tpu.memory_space<vmem>>, vector<16xf32>,
      %add3A_1965 = arith.addf %get3A_1964, %parallel_loop3A_1951#1 : vector<16xf32>
      %swap3A_1966 = arith.constant 13 : i32
      %swap3A_1967 = arith.index_cast %swap3A_1966 : i32 to index
      %swap3A_1968 = arith.constant 16 : index
      %swap3A_1969 = tpu.vector_load %arg8[%swap3A_1967, %swap3A_1968] {strides = array<i32>} : memref<16x144xf32, #tpu.memory_space<vmem>>, vector<16xf32>,
      tpu.vector_store %arg8[%swap3A_1967, %swap3A_1968], %add3A_1965 {strides = array<i32>} : memref<16x144xf32, #tpu.memory_space<vmem>>, vector<16xf32>,
      %get3A_1970 = arith.constant 13 : i32
      %get3A_1971 = arith.index_cast %get3A_1970 : i32 to index
      %get3A_1972 = arith.constant 32 : index
      %get3A_1973 = tpu.vector_load %arg8[%get3A_1971, %get3A_1972] {strides = array<i32>} : memref<16x144xf32, #tpu.memory_space<vmem>>, vector<16xf32>,
      %add3A_1974 = arith.addf %get3A_1973, %parallel_loop3A_1951#2 : vector<16xf32>
      %swap3A_1975 = arith.constant 13 : i32
      %swap3A_1976 = arith.index_cast %swap3A_1975 : i32 to index
      %swap3A_1977 = arith.constant 32 : index
      %swap3A_1978 = tpu.vector_load %arg8[%swap3A_1976, %swap3A_1977] {strides = array<i32>} : memref<16x144xf32, #tpu.memory_space<vmem>>, vector<16xf32>,
      tpu.vector_store %arg8[%swap3A_1976, %swap3A_1977], %add3A_1974 {strides = array<i32>} : memref<16x144xf32, #tpu.memory_space<vmem>>, vector<16xf32>,
      %get3A_1979 = arith.constant 13 : i32
      %get3A_1980 = arith.index_cast %get3A_1979 : i32 to index
      %get3A_1981 = arith.constant 48 : index
      %get3A_1982 = tpu.vector_load %arg8[%get3A_1980, %get3A_1981] {strides = array<i32>} : memref<16x144xf32, #tpu.memory_space<vmem>>, vector<16xf32>,
      %add3A_1983 = arith.addf %get3A_1982, %parallel_loop3A_1951#3 : vector<16xf32>
      %swap3A_1984 = arith.constant 13 : i32
      %swap3A_1985 = arith.index_cast %swap3A_1984 : i32 to index
      %swap3A_1986 = arith.constant 48 : index
      %swap3A_1987 = tpu.vector_load %arg8[%swap3A_1985, %swap3A_1986] {strides = array<i32>} : memref<16x144xf32, #tpu.memory_space<vmem>>, vector<16xf32>,
      tpu.vector_store %arg8[%swap3A_1985, %swap3A_1986], %add3A_1983 {strides = array<i32>} : memref<16x144xf32, #tpu.memory_space<vmem>>, vector<16xf32>,
      %get3A_1988 = arith.constant 13 : i32
      %get3A_1989 = arith.index_cast %get3A_1988 : i32 to index
      %get3A_1990 = arith.constant 64 : index
      %get3A_1991 = tpu.vector_load %arg8[%get3A_1989, %get3A_1990] {strides = array<i32>} : memref<16x144xf32, #tpu.memory_space<vmem>>, vector<16xf32>,
      %add3A_1992 = arith.addf %get3A_1991, %parallel_loop3A_1951#4 : vector<16xf32>
      %swap3A_1993 = arith.constant 13 : i32
      %swap3A_1994 = arith.index_cast %swap3A_1993 : i32 to index
      %swap3A_1995 = arith.constant 64 : index
      %swap3A_1996 = tpu.vector_load %arg8[%swap3A_1994, %swap3A_1995] {strides = array<i32>} : memref<16x144xf32, #tpu.memory_space<vmem>>, vector<16xf32>,
      tpu.vector_store %arg8[%swap3A_1994, %swap3A_1995], %add3A_1992 {strides = array<i32>} : memref<16x144xf32, #tpu.memory_space<vmem>>, vector<16xf32>,
      %get3A_1997 = arith.constant 13 : i32
      %get3A_1998 = arith.index_cast %get3A_1997 : i32 to index
      %get3A_1999 = arith.constant 80 : index
      %get3A_2000 = tpu.vector_load %arg8[%get3A_1998, %get3A_1999] {strides = array<i32>} : memref<16x144xf32, #tpu.memory_space<vmem>>, vector<16xf32>,
      %add3A_2001 = arith.addf %get3A_2000, %parallel_loop3A_1951#5 : vector<16xf32>
      %swap3A_2002 = arith.constant 13 : i32
      %swap3A_2003 = arith.index_cast %swap3A_2002 : i32 to index
      %swap3A_2004 = arith.constant 80 : index
      %swap3A_2005 = tpu.vector_load %arg8[%swap3A_2003, %swap3A_2004] {strides = array<i32>} : memref<16x144xf32, #tpu.memory_space<vmem>>, vector<16xf32>,
      tpu.vector_store %arg8[%swap3A_2003, %swap3A_2004], %add3A_2001 {strides = array<i32>} : memref<16x144xf32, #tpu.memory_space<vmem>>, vector<16xf32>,
      %get3A_2006 = arith.constant 13 : i32
      %get3A_2007 = arith.index_cast %get3A_2006 : i32 to index
      %get3A_2008 = arith.constant 96 : index
      %get3A_2009 = tpu.vector_load %arg8[%get3A_2007, %get3A_2008] {strides = array<i32>} : memref<16x144xf32, #tpu.memory_space<vmem>>, vector<16xf32>,
      %add3A_2010 = arith.addf %get3A_2009, %parallel_loop3A_1951#6 : vector<16xf32>
      %swap3A_2011 = arith.constant 13 : i32
      %swap3A_2012 = arith.index_cast %swap3A_2011 : i32 to index
      %swap3A_2013 = arith.constant 96 : index
      %swap3A_2014 = tpu.vector_load %arg8[%swap3A_2012, %swap3A_2013] {strides = array<i32>} : memref<16x144xf32, #tpu.memory_space<vmem>>, vector<16xf32>,
      tpu.vector_store %arg8[%swap3A_2012, %swap3A_2013], %add3A_2010 {strides = array<i32>} : memref<16x144xf32, #tpu.memory_space<vmem>>, vector<16xf32>,
      %get3A_2015 = arith.constant 13 : i32
      %get3A_2016 = arith.index_cast %get3A_2015 : i32 to index
      %get3A_2017 = arith.constant 112 : index
      %get3A_2018 = tpu.vector_load %arg8[%get3A_2016, %get3A_2017] {strides = array<i32>} : memref<16x144xf32, #tpu.memory_space<vmem>>, vector<16xf32>,
      %add3A_2019 = arith.addf %get3A_2018, %parallel_loop3A_1951#7 : vector<16xf32>
      %swap3A_2020 = arith.constant 13 : i32
      %swap3A_2021 = arith.index_cast %swap3A_2020 : i32 to index
      %swap3A_2022 = arith.constant 112 : index
      %swap3A_2023 = tpu.vector_load %arg8[%swap3A_2021, %swap3A_2022] {strides = array<i32>} : memref<16x144xf32, #tpu.memory_space<vmem>>, vector<16xf32>,
      tpu.vector_store %arg8[%swap3A_2021, %swap3A_2022], %add3A_2019 {strides = array<i32>} : memref<16x144xf32, #tpu.memory_space<vmem>>, vector<16xf32>,
    } else {
    }
    %sub3A_1918 = arith.constant 0 : i32
    %sub3A_1919 = arith.subi %add3A_1461, %sub3A_1918 : i32
    %jit3A_1920 = arith.constant 0 : i32
    %jit3A_1921 = arith.constant 128 : i32
    %max3A_1922 = arith.maxsi %jit3A_1920, %sub3A_1919 : i32
    %min3A_1923 = arith.minsi %jit3A_1921, %max3A_1922 : i32
    %sub3A_1924 = arith.constant 0 : i32
    %sub3A_1925 = arith.subi %add3A_1529, %sub3A_1924 : i32
    %jit3A_1926 = arith.constant 0 : i32
    %jit3A_1927 = arith.constant 128 : i32
    %max3A_1928 = arith.maxsi %jit3A_1926, %sub3A_1925 : i32
    %min3A_1929 = arith.minsi %jit3A_1927, %max3A_1928 : i32
    %gt3A_1930 = arith.cmpi sgt, %min3A_1929, %min3A_1923 : i32
    %convert_element_type3A_1931 = arith.extui %gt3A_1930 : i1 to i32
    %cond3A_1932 = arith.constant 0 : i32
    %cond3A_1933 = arith.cmpi ne, %convert_element_type3A_1931, %cond3A_1932 : i32
    scf.if %cond3A_1933 {
      %parallel_loop3A = arith.constant 1 : i32
      %parallel_loop3A_1951:8 = scf.for %parallel_loop3A_2024 = %min3A_1923 to %min3A_1929 step %parallel_loop3A iter_args(%parallel_loop3A_2025 = %broadcast_in_dim3A_8, %parallel_loop3A_2026 = %broadcast_in_dim3A_8, %parallel_loop3A_2027 = %broadcast_in_dim3A_8, %parallel_loop3A_2028 = %broadcast_in_dim3A_8, %parallel_loop3A_2029 = %broadcast_in_dim3A_8, %parallel_loop3A_2030 = %broadcast_in_dim3A_8, %parallel_loop3A_2031 = %broadcast_in_dim3A_8, %parallel_loop3A_2032 = %broadcast_in_dim3A_8) -> (vector<16xf32>, vector<16xf32>, vector<16xf32>, vector<16xf32>, vector<16xf32>, vector<16xf32>, vector<16xf32>, vector<16xf32>)  : i32 {
        %parallel_loop3A_2033 = arith.index_cast %parallel_loop3A_2024 : i32 to index
        %parallel_loop3A_2034 = arith.constant 0 : index
        %parallel_loop3A_2035 = tpu.vector_load %arg6[%parallel_loop3A_2033, %parallel_loop3A_2034] {strides = array<i32>} : memref<128x128xf32, #tpu.memory_space<vmem>>, vector<16xf32>,
        %parallel_loop3A_2036 = arith.addf %parallel_loop3A_2025, %parallel_loop3A_2035 : vector<16xf32>
        %parallel_loop3A_2037 = arith.index_cast %parallel_loop3A_2024 : i32 to index
        %parallel_loop3A_2038 = arith.constant 16 : index
        %parallel_loop3A_2039 = tpu.vector_load %arg6[%parallel_loop3A_2037, %parallel_loop3A_2038] {strides = array<i32>} : memref<128x128xf32, #tpu.memory_space<vmem>>, vector<16xf32>,
        %parallel_loop3A_2040 = arith.addf %parallel_loop3A_2026, %parallel_loop3A_2039 : vector<16xf32>
        %parallel_loop3A_2041 = arith.index_cast %parallel_loop3A_2024 : i32 to index
        %parallel_loop3A_2042 = arith.constant 32 : index
        %parallel_loop3A_2043 = tpu.vector_load %arg6[%parallel_loop3A_2041, %parallel_loop3A_2042] {strides = array<i32>} : memref<128x128xf32, #tpu.memory_space<vmem>>, vector<16xf32>,
        %parallel_loop3A_2044 = arith.addf %parallel_loop3A_2027, %parallel_loop3A_2043 : vector<16xf32>
        %parallel_loop3A_2045 = arith.index_cast %parallel_loop3A_2024 : i32 to index
        %parallel_loop3A_2046 = arith.constant 48 : index
        %parallel_loop3A_2047 = tpu.vector_load %arg6[%parallel_loop3A_2045, %parallel_loop3A_2046] {strides = array<i32>} : memref<128x128xf32, #tpu.memory_space<vmem>>, vector<16xf32>,
        %parallel_loop3A_2048 = arith.addf %parallel_loop3A_2028, %parallel_loop3A_2047 : vector<16xf32>
        %parallel_loop3A_2049 = arith.index_cast %parallel_loop3A_2024 : i32 to index
        %parallel_loop3A_2050 = arith.constant 64 : index
        %parallel_loop3A_2051 = tpu.vector_load %arg6[%parallel_loop3A_2049, %parallel_loop3A_2050] {strides = array<i32>} : memref<128x128xf32, #tpu.memory_space<vmem>>, vector<16xf32>,
        %parallel_loop3A_2052 = arith.addf %parallel_loop3A_2029, %parallel_loop3A_2051 : vector<16xf32>
        %parallel_loop3A_2053 = arith.index_cast %parallel_loop3A_2024 : i32 to index
        %parallel_loop3A_2054 = arith.constant 80 : index
        %parallel_loop3A_2055 = tpu.vector_load %arg6[%parallel_loop3A_2053, %parallel_loop3A_2054] {strides = array<i32>} : memref<128x128xf32, #tpu.memory_space<vmem>>, vector<16xf32>,
        %parallel_loop3A_2056 = arith.addf %parallel_loop3A_2030, %parallel_loop3A_2055 : vector<16xf32>
        %parallel_loop3A_2057 = arith.index_cast %parallel_loop3A_2024 : i32 to index
        %parallel_loop3A_2058 = arith.constant 96 : index
        %parallel_loop3A_2059 = tpu.vector_load %arg6[%parallel_loop3A_2057, %parallel_loop3A_2058] {strides = array<i32>} : memref<128x128xf32, #tpu.memory_space<vmem>>, vector<16xf32>,
        %parallel_loop3A_2060 = arith.addf %parallel_loop3A_2031, %parallel_loop3A_2059 : vector<16xf32>
        %parallel_loop3A_2061 = arith.index_cast %parallel_loop3A_2024 : i32 to index
        %parallel_loop3A_2062 = arith.constant 112 : index
        %parallel_loop3A_2063 = tpu.vector_load %arg6[%parallel_loop3A_2061, %parallel_loop3A_2062] {strides = array<i32>} : memref<128x128xf32, #tpu.memory_space<vmem>>, vector<16xf32>,
        %parallel_loop3A_2064 = arith.addf %parallel_loop3A_2032, %parallel_loop3A_2063 : vector<16xf32>
        scf.yield %parallel_loop3A_2036, %parallel_loop3A_2040, %parallel_loop3A_2044, %parallel_loop3A_2048, %parallel_loop3A_2052, %parallel_loop3A_2056, %parallel_loop3A_2060, %parallel_loop3A_2064 : vector<16xf32>, vector<16xf32>, vector<16xf32>, vector<16xf32>, vector<16xf32>, vector<16xf32>, vector<16xf32>, vector<16xf32>
      } {sc.loop_unroll_factor = 1 : i64, sc.parallel_access}
      %get3A_1952 = arith.constant 14 : i32
      %get3A_1953 = arith.index_cast %get3A_1952 : i32 to index
      %get3A_1954 = arith.constant 0 : index
      %get3A_1955 = tpu.vector_load %arg8[%get3A_1953, %get3A_1954] {strides = array<i32>} : memref<16x144xf32, #tpu.memory_space<vmem>>, vector<16xf32>,
      %add3A_1956 = arith.addf %get3A_1955, %parallel_loop3A_1951#0 : vector<16xf32>
      %swap3A_1957 = arith.constant 14 : i32
      %swap3A_1958 = arith.index_cast %swap3A_1957 : i32 to index
      %swap3A_1959 = arith.constant 0 : index
      %swap3A_1960 = tpu.vector_load %arg8[%swap3A_1958, %swap3A_1959] {strides = array<i32>} : memref<16x144xf32, #tpu.memory_space<vmem>>, vector<16xf32>,
      tpu.vector_store %arg8[%swap3A_1958, %swap3A_1959], %add3A_1956 {strides = array<i32>} : memref<16x144xf32, #tpu.memory_space<vmem>>, vector<16xf32>,
      %get3A_1961 = arith.constant 14 : i32
      %get3A_1962 = arith.index_cast %get3A_1961 : i32 to index
      %get3A_1963 = arith.constant 16 : index
      %get3A_1964 = tpu.vector_load %arg8[%get3A_1962, %get3A_1963] {strides = array<i32>} : memref<16x144xf32, #tpu.memory_space<vmem>>, vector<16xf32>,
      %add3A_1965 = arith.addf %get3A_1964, %parallel_loop3A_1951#1 : vector<16xf32>
      %swap3A_1966 = arith.constant 14 : i32
      %swap3A_1967 = arith.index_cast %swap3A_1966 : i32 to index
      %swap3A_1968 = arith.constant 16 : index
      %swap3A_1969 = tpu.vector_load %arg8[%swap3A_1967, %swap3A_1968] {strides = array<i32>} : memref<16x144xf32, #tpu.memory_space<vmem>>, vector<16xf32>,
      tpu.vector_store %arg8[%swap3A_1967, %swap3A_1968], %add3A_1965 {strides = array<i32>} : memref<16x144xf32, #tpu.memory_space<vmem>>, vector<16xf32>,
      %get3A_1970 = arith.constant 14 : i32
      %get3A_1971 = arith.index_cast %get3A_1970 : i32 to index
      %get3A_1972 = arith.constant 32 : index
      %get3A_1973 = tpu.vector_load %arg8[%get3A_1971, %get3A_1972] {strides = array<i32>} : memref<16x144xf32, #tpu.memory_space<vmem>>, vector<16xf32>,
      %add3A_1974 = arith.addf %get3A_1973, %parallel_loop3A_1951#2 : vector<16xf32>
      %swap3A_1975 = arith.constant 14 : i32
      %swap3A_1976 = arith.index_cast %swap3A_1975 : i32 to index
      %swap3A_1977 = arith.constant 32 : index
      %swap3A_1978 = tpu.vector_load %arg8[%swap3A_1976, %swap3A_1977] {strides = array<i32>} : memref<16x144xf32, #tpu.memory_space<vmem>>, vector<16xf32>,
      tpu.vector_store %arg8[%swap3A_1976, %swap3A_1977], %add3A_1974 {strides = array<i32>} : memref<16x144xf32, #tpu.memory_space<vmem>>, vector<16xf32>,
      %get3A_1979 = arith.constant 14 : i32
      %get3A_1980 = arith.index_cast %get3A_1979 : i32 to index
      %get3A_1981 = arith.constant 48 : index
      %get3A_1982 = tpu.vector_load %arg8[%get3A_1980, %get3A_1981] {strides = array<i32>} : memref<16x144xf32, #tpu.memory_space<vmem>>, vector<16xf32>,
      %add3A_1983 = arith.addf %get3A_1982, %parallel_loop3A_1951#3 : vector<16xf32>
      %swap3A_1984 = arith.constant 14 : i32
      %swap3A_1985 = arith.index_cast %swap3A_1984 : i32 to index
      %swap3A_1986 = arith.constant 48 : index
      %swap3A_1987 = tpu.vector_load %arg8[%swap3A_1985, %swap3A_1986] {strides = array<i32>} : memref<16x144xf32, #tpu.memory_space<vmem>>, vector<16xf32>,
      tpu.vector_store %arg8[%swap3A_1985, %swap3A_1986], %add3A_1983 {strides = array<i32>} : memref<16x144xf32, #tpu.memory_space<vmem>>, vector<16xf32>,
      %get3A_1988 = arith.constant 14 : i32
      %get3A_1989 = arith.index_cast %get3A_1988 : i32 to index
      %get3A_1990 = arith.constant 64 : index
      %get3A_1991 = tpu.vector_load %arg8[%get3A_1989, %get3A_1990] {strides = array<i32>} : memref<16x144xf32, #tpu.memory_space<vmem>>, vector<16xf32>,
      %add3A_1992 = arith.addf %get3A_1991, %parallel_loop3A_1951#4 : vector<16xf32>
      %swap3A_1993 = arith.constant 14 : i32
      %swap3A_1994 = arith.index_cast %swap3A_1993 : i32 to index
      %swap3A_1995 = arith.constant 64 : index
      %swap3A_1996 = tpu.vector_load %arg8[%swap3A_1994, %swap3A_1995] {strides = array<i32>} : memref<16x144xf32, #tpu.memory_space<vmem>>, vector<16xf32>,
      tpu.vector_store %arg8[%swap3A_1994, %swap3A_1995], %add3A_1992 {strides = array<i32>} : memref<16x144xf32, #tpu.memory_space<vmem>>, vector<16xf32>,
      %get3A_1997 = arith.constant 14 : i32
      %get3A_1998 = arith.index_cast %get3A_1997 : i32 to index
      %get3A_1999 = arith.constant 80 : index
      %get3A_2000 = tpu.vector_load %arg8[%get3A_1998, %get3A_1999] {strides = array<i32>} : memref<16x144xf32, #tpu.memory_space<vmem>>, vector<16xf32>,
      %add3A_2001 = arith.addf %get3A_2000, %parallel_loop3A_1951#5 : vector<16xf32>
      %swap3A_2002 = arith.constant 14 : i32
      %swap3A_2003 = arith.index_cast %swap3A_2002 : i32 to index
      %swap3A_2004 = arith.constant 80 : index
      %swap3A_2005 = tpu.vector_load %arg8[%swap3A_2003, %swap3A_2004] {strides = array<i32>} : memref<16x144xf32, #tpu.memory_space<vmem>>, vector<16xf32>,
      tpu.vector_store %arg8[%swap3A_2003, %swap3A_2004], %add3A_2001 {strides = array<i32>} : memref<16x144xf32, #tpu.memory_space<vmem>>, vector<16xf32>,
      %get3A_2006 = arith.constant 14 : i32
      %get3A_2007 = arith.index_cast %get3A_2006 : i32 to index
      %get3A_2008 = arith.constant 96 : index
      %get3A_2009 = tpu.vector_load %arg8[%get3A_2007, %get3A_2008] {strides = array<i32>} : memref<16x144xf32, #tpu.memory_space<vmem>>, vector<16xf32>,
      %add3A_2010 = arith.addf %get3A_2009, %parallel_loop3A_1951#6 : vector<16xf32>
      %swap3A_2011 = arith.constant 14 : i32
      %swap3A_2012 = arith.index_cast %swap3A_2011 : i32 to index
      %swap3A_2013 = arith.constant 96 : index
      %swap3A_2014 = tpu.vector_load %arg8[%swap3A_2012, %swap3A_2013] {strides = array<i32>} : memref<16x144xf32, #tpu.memory_space<vmem>>, vector<16xf32>,
      tpu.vector_store %arg8[%swap3A_2012, %swap3A_2013], %add3A_2010 {strides = array<i32>} : memref<16x144xf32, #tpu.memory_space<vmem>>, vector<16xf32>,
      %get3A_2015 = arith.constant 14 : i32
      %get3A_2016 = arith.index_cast %get3A_2015 : i32 to index
      %get3A_2017 = arith.constant 112 : index
      %get3A_2018 = tpu.vector_load %arg8[%get3A_2016, %get3A_2017] {strides = array<i32>} : memref<16x144xf32, #tpu.memory_space<vmem>>, vector<16xf32>,
      %add3A_2019 = arith.addf %get3A_2018, %parallel_loop3A_1951#7 : vector<16xf32>
      %swap3A_2020 = arith.constant 14 : i32
      %swap3A_2021 = arith.index_cast %swap3A_2020 : i32 to index
      %swap3A_2022 = arith.constant 112 : index
      %swap3A_2023 = tpu.vector_load %arg8[%swap3A_2021, %swap3A_2022] {strides = array<i32>} : memref<16x144xf32, #tpu.memory_space<vmem>>, vector<16xf32>,
      tpu.vector_store %arg8[%swap3A_2021, %swap3A_2022], %add3A_2019 {strides = array<i32>} : memref<16x144xf32, #tpu.memory_space<vmem>>, vector<16xf32>,
    } else {
    }
    %sub3A_1934 = arith.constant 0 : i32
    %sub3A_1935 = arith.subi %add3A_1529, %sub3A_1934 : i32
    %jit3A_1936 = arith.constant 0 : i32
    %jit3A_1937 = arith.constant 128 : i32
    %max3A_1938 = arith.maxsi %jit3A_1936, %sub3A_1935 : i32
    %min3A_1939 = arith.minsi %jit3A_1937, %max3A_1938 : i32
    %sub3A_1940 = arith.constant 128 : i32
    %sub3A_1941 = arith.constant 0 : i32
    %sub3A_1942 = arith.subi %sub3A_1940, %sub3A_1941 : i32
    %jit3A_1943 = arith.constant 0 : i32
    %jit3A_1944 = arith.constant 128 : i32
    %max3A_1945 = arith.maxsi %jit3A_1943, %sub3A_1942 : i32
    %min3A_1946 = arith.minsi %jit3A_1944, %max3A_1945 : i32
    %gt3A_1947 = arith.cmpi sgt, %min3A_1946, %min3A_1939 : i32
    %convert_element_type3A_1948 = arith.extui %gt3A_1947 : i1 to i32
    %cond3A_1949 = arith.constant 0 : i32
    %cond3A_1950 = arith.cmpi ne, %convert_element_type3A_1948, %cond3A_1949 : i32
    scf.if %cond3A_1950 {
      %parallel_loop3A = arith.constant 1 : i32
      %parallel_loop3A_1951:8 = scf.for %parallel_loop3A_2024 = %min3A_1939 to %min3A_1946 step %parallel_loop3A iter_args(%parallel_loop3A_2025 = %broadcast_in_dim3A_8, %parallel_loop3A_2026 = %broadcast_in_dim3A_8, %parallel_loop3A_2027 = %broadcast_in_dim3A_8, %parallel_loop3A_2028 = %broadcast_in_dim3A_8, %parallel_loop3A_2029 = %broadcast_in_dim3A_8, %parallel_loop3A_2030 = %broadcast_in_dim3A_8, %parallel_loop3A_2031 = %broadcast_in_dim3A_8, %parallel_loop3A_2032 = %broadcast_in_dim3A_8) -> (vector<16xf32>, vector<16xf32>, vector<16xf32>, vector<16xf32>, vector<16xf32>, vector<16xf32>, vector<16xf32>, vector<16xf32>)  : i32 {
        %parallel_loop3A_2033 = arith.index_cast %parallel_loop3A_2024 : i32 to index
        %parallel_loop3A_2034 = arith.constant 0 : index
        %parallel_loop3A_2035 = tpu.vector_load %arg6[%parallel_loop3A_2033, %parallel_loop3A_2034] {strides = array<i32>} : memref<128x128xf32, #tpu.memory_space<vmem>>, vector<16xf32>,
        %parallel_loop3A_2036 = arith.addf %parallel_loop3A_2025, %parallel_loop3A_2035 : vector<16xf32>
        %parallel_loop3A_2037 = arith.index_cast %parallel_loop3A_2024 : i32 to index
        %parallel_loop3A_2038 = arith.constant 16 : index
        %parallel_loop3A_2039 = tpu.vector_load %arg6[%parallel_loop3A_2037, %parallel_loop3A_2038] {strides = array<i32>} : memref<128x128xf32, #tpu.memory_space<vmem>>, vector<16xf32>,
        %parallel_loop3A_2040 = arith.addf %parallel_loop3A_2026, %parallel_loop3A_2039 : vector<16xf32>
        %parallel_loop3A_2041 = arith.index_cast %parallel_loop3A_2024 : i32 to index
        %parallel_loop3A_2042 = arith.constant 32 : index
        %parallel_loop3A_2043 = tpu.vector_load %arg6[%parallel_loop3A_2041, %parallel_loop3A_2042] {strides = array<i32>} : memref<128x128xf32, #tpu.memory_space<vmem>>, vector<16xf32>,
        %parallel_loop3A_2044 = arith.addf %parallel_loop3A_2027, %parallel_loop3A_2043 : vector<16xf32>
        %parallel_loop3A_2045 = arith.index_cast %parallel_loop3A_2024 : i32 to index
        %parallel_loop3A_2046 = arith.constant 48 : index
        %parallel_loop3A_2047 = tpu.vector_load %arg6[%parallel_loop3A_2045, %parallel_loop3A_2046] {strides = array<i32>} : memref<128x128xf32, #tpu.memory_space<vmem>>, vector<16xf32>,
        %parallel_loop3A_2048 = arith.addf %parallel_loop3A_2028, %parallel_loop3A_2047 : vector<16xf32>
        %parallel_loop3A_2049 = arith.index_cast %parallel_loop3A_2024 : i32 to index
        %parallel_loop3A_2050 = arith.constant 64 : index
        %parallel_loop3A_2051 = tpu.vector_load %arg6[%parallel_loop3A_2049, %parallel_loop3A_2050] {strides = array<i32>} : memref<128x128xf32, #tpu.memory_space<vmem>>, vector<16xf32>,
        %parallel_loop3A_2052 = arith.addf %parallel_loop3A_2029, %parallel_loop3A_2051 : vector<16xf32>
        %parallel_loop3A_2053 = arith.index_cast %parallel_loop3A_2024 : i32 to index
        %parallel_loop3A_2054 = arith.constant 80 : index
        %parallel_loop3A_2055 = tpu.vector_load %arg6[%parallel_loop3A_2053, %parallel_loop3A_2054] {strides = array<i32>} : memref<128x128xf32, #tpu.memory_space<vmem>>, vector<16xf32>,
        %parallel_loop3A_2056 = arith.addf %parallel_loop3A_2030, %parallel_loop3A_2055 : vector<16xf32>
        %parallel_loop3A_2057 = arith.index_cast %parallel_loop3A_2024 : i32 to index
        %parallel_loop3A_2058 = arith.constant 96 : index
        %parallel_loop3A_2059 = tpu.vector_load %arg6[%parallel_loop3A_2057, %parallel_loop3A_2058] {strides = array<i32>} : memref<128x128xf32, #tpu.memory_space<vmem>>, vector<16xf32>,
        %parallel_loop3A_2060 = arith.addf %parallel_loop3A_2031, %parallel_loop3A_2059 : vector<16xf32>
        %parallel_loop3A_2061 = arith.index_cast %parallel_loop3A_2024 : i32 to index
        %parallel_loop3A_2062 = arith.constant 112 : index
        %parallel_loop3A_2063 = tpu.vector_load %arg6[%parallel_loop3A_2061, %parallel_loop3A_2062] {strides = array<i32>} : memref<128x128xf32, #tpu.memory_space<vmem>>, vector<16xf32>,
        %parallel_loop3A_2064 = arith.addf %parallel_loop3A_2032, %parallel_loop3A_2063 : vector<16xf32>
        scf.yield %parallel_loop3A_2036, %parallel_loop3A_2040, %parallel_loop3A_2044, %parallel_loop3A_2048, %parallel_loop3A_2052, %parallel_loop3A_2056, %parallel_loop3A_2060, %parallel_loop3A_2064 : vector<16xf32>, vector<16xf32>, vector<16xf32>, vector<16xf32>, vector<16xf32>, vector<16xf32>, vector<16xf32>, vector<16xf32>
      } {sc.loop_unroll_factor = 1 : i64, sc.parallel_access}
      %get3A_1952 = arith.constant 15 : i32
      %get3A_1953 = arith.index_cast %get3A_1952 : i32 to index
      %get3A_1954 = arith.constant 0 : index
      %get3A_1955 = tpu.vector_load %arg8[%get3A_1953, %get3A_1954] {strides = array<i32>} : memref<16x144xf32, #tpu.memory_space<vmem>>, vector<16xf32>,
      %add3A_1956 = arith.addf %get3A_1955, %parallel_loop3A_1951#0 : vector<16xf32>
      %swap3A_1957 = arith.constant 15 : i32
      %swap3A_1958 = arith.index_cast %swap3A_1957 : i32 to index
      %swap3A_1959 = arith.constant 0 : index
      %swap3A_1960 = tpu.vector_load %arg8[%swap3A_1958, %swap3A_1959] {strides = array<i32>} : memref<16x144xf32, #tpu.memory_space<vmem>>, vector<16xf32>,
      tpu.vector_store %arg8[%swap3A_1958, %swap3A_1959], %add3A_1956 {strides = array<i32>} : memref<16x144xf32, #tpu.memory_space<vmem>>, vector<16xf32>,
      %get3A_1961 = arith.constant 15 : i32
      %get3A_1962 = arith.index_cast %get3A_1961 : i32 to index
      %get3A_1963 = arith.constant 16 : index
      %get3A_1964 = tpu.vector_load %arg8[%get3A_1962, %get3A_1963] {strides = array<i32>} : memref<16x144xf32, #tpu.memory_space<vmem>>, vector<16xf32>,
      %add3A_1965 = arith.addf %get3A_1964, %parallel_loop3A_1951#1 : vector<16xf32>
      %swap3A_1966 = arith.constant 15 : i32
      %swap3A_1967 = arith.index_cast %swap3A_1966 : i32 to index
      %swap3A_1968 = arith.constant 16 : index
      %swap3A_1969 = tpu.vector_load %arg8[%swap3A_1967, %swap3A_1968] {strides = array<i32>} : memref<16x144xf32, #tpu.memory_space<vmem>>, vector<16xf32>,
      tpu.vector_store %arg8[%swap3A_1967, %swap3A_1968], %add3A_1965 {strides = array<i32>} : memref<16x144xf32, #tpu.memory_space<vmem>>, vector<16xf32>,
      %get3A_1970 = arith.constant 15 : i32
      %get3A_1971 = arith.index_cast %get3A_1970 : i32 to index
      %get3A_1972 = arith.constant 32 : index
      %get3A_1973 = tpu.vector_load %arg8[%get3A_1971, %get3A_1972] {strides = array<i32>} : memref<16x144xf32, #tpu.memory_space<vmem>>, vector<16xf32>,
      %add3A_1974 = arith.addf %get3A_1973, %parallel_loop3A_1951#2 : vector<16xf32>
      %swap3A_1975 = arith.constant 15 : i32
      %swap3A_1976 = arith.index_cast %swap3A_1975 : i32 to index
      %swap3A_1977 = arith.constant 32 : index
      %swap3A_1978 = tpu.vector_load %arg8[%swap3A_1976, %swap3A_1977] {strides = array<i32>} : memref<16x144xf32, #tpu.memory_space<vmem>>, vector<16xf32>,
      tpu.vector_store %arg8[%swap3A_1976, %swap3A_1977], %add3A_1974 {strides = array<i32>} : memref<16x144xf32, #tpu.memory_space<vmem>>, vector<16xf32>,
      %get3A_1979 = arith.constant 15 : i32
      %get3A_1980 = arith.index_cast %get3A_1979 : i32 to index
      %get3A_1981 = arith.constant 48 : index
      %get3A_1982 = tpu.vector_load %arg8[%get3A_1980, %get3A_1981] {strides = array<i32>} : memref<16x144xf32, #tpu.memory_space<vmem>>, vector<16xf32>,
      %add3A_1983 = arith.addf %get3A_1982, %parallel_loop3A_1951#3 : vector<16xf32>
      %swap3A_1984 = arith.constant 15 : i32
      %swap3A_1985 = arith.index_cast %swap3A_1984 : i32 to index
      %swap3A_1986 = arith.constant 48 : index
      %swap3A_1987 = tpu.vector_load %arg8[%swap3A_1985, %swap3A_1986] {strides = array<i32>} : memref<16x144xf32, #tpu.memory_space<vmem>>, vector<16xf32>,
      tpu.vector_store %arg8[%swap3A_1985, %swap3A_1986], %add3A_1983 {strides = array<i32>} : memref<16x144xf32, #tpu.memory_space<vmem>>, vector<16xf32>,
      %get3A_1988 = arith.constant 15 : i32
      %get3A_1989 = arith.index_cast %get3A_1988 : i32 to index
      %get3A_1990 = arith.constant 64 : index
      %get3A_1991 = tpu.vector_load %arg8[%get3A_1989, %get3A_1990] {strides = array<i32>} : memref<16x144xf32, #tpu.memory_space<vmem>>, vector<16xf32>,
      %add3A_1992 = arith.addf %get3A_1991, %parallel_loop3A_1951#4 : vector<16xf32>
      %swap3A_1993 = arith.constant 15 : i32
      %swap3A_1994 = arith.index_cast %swap3A_1993 : i32 to index
      %swap3A_1995 = arith.constant 64 : index
      %swap3A_1996 = tpu.vector_load %arg8[%swap3A_1994, %swap3A_1995] {strides = array<i32>} : memref<16x144xf32, #tpu.memory_space<vmem>>, vector<16xf32>,
      tpu.vector_store %arg8[%swap3A_1994, %swap3A_1995], %add3A_1992 {strides = array<i32>} : memref<16x144xf32, #tpu.memory_space<vmem>>, vector<16xf32>,
      %get3A_1997 = arith.constant 15 : i32
      %get3A_1998 = arith.index_cast %get3A_1997 : i32 to index
      %get3A_1999 = arith.constant 80 : index
      %get3A_2000 = tpu.vector_load %arg8[%get3A_1998, %get3A_1999] {strides = array<i32>} : memref<16x144xf32, #tpu.memory_space<vmem>>, vector<16xf32>,
      %add3A_2001 = arith.addf %get3A_2000, %parallel_loop3A_1951#5 : vector<16xf32>
      %swap3A_2002 = arith.constant 15 : i32
      %swap3A_2003 = arith.index_cast %swap3A_2002 : i32 to index
      %swap3A_2004 = arith.constant 80 : index
      %swap3A_2005 = tpu.vector_load %arg8[%swap3A_2003, %swap3A_2004] {strides = array<i32>} : memref<16x144xf32, #tpu.memory_space<vmem>>, vector<16xf32>,
      tpu.vector_store %arg8[%swap3A_2003, %swap3A_2004], %add3A_2001 {strides = array<i32>} : memref<16x144xf32, #tpu.memory_space<vmem>>, vector<16xf32>,
      %get3A_2006 = arith.constant 15 : i32
      %get3A_2007 = arith.index_cast %get3A_2006 : i32 to index
      %get3A_2008 = arith.constant 96 : index
      %get3A_2009 = tpu.vector_load %arg8[%get3A_2007, %get3A_2008] {strides = array<i32>} : memref<16x144xf32, #tpu.memory_space<vmem>>, vector<16xf32>,
      %add3A_2010 = arith.addf %get3A_2009, %parallel_loop3A_1951#6 : vector<16xf32>
      %swap3A_2011 = arith.constant 15 : i32
      %swap3A_2012 = arith.index_cast %swap3A_2011 : i32 to index
      %swap3A_2013 = arith.constant 96 : index
      %swap3A_2014 = tpu.vector_load %arg8[%swap3A_2012, %swap3A_2013] {strides = array<i32>} : memref<16x144xf32, #tpu.memory_space<vmem>>, vector<16xf32>,
      tpu.vector_store %arg8[%swap3A_2012, %swap3A_2013], %add3A_2010 {strides = array<i32>} : memref<16x144xf32, #tpu.memory_space<vmem>>, vector<16xf32>,
      %get3A_2015 = arith.constant 15 : i32
      %get3A_2016 = arith.index_cast %get3A_2015 : i32 to index
      %get3A_2017 = arith.constant 112 : index
      %get3A_2018 = tpu.vector_load %arg8[%get3A_2016, %get3A_2017] {strides = array<i32>} : memref<16x144xf32, #tpu.memory_space<vmem>>, vector<16xf32>,
      %add3A_2019 = arith.addf %get3A_2018, %parallel_loop3A_1951#7 : vector<16xf32>
      %swap3A_2020 = arith.constant 15 : i32
      %swap3A_2021 = arith.index_cast %swap3A_2020 : i32 to index
      %swap3A_2022 = arith.constant 112 : index
      %swap3A_2023 = tpu.vector_load %arg8[%swap3A_2021, %swap3A_2022] {strides = array<i32>} : memref<16x144xf32, #tpu.memory_space<vmem>>, vector<16xf32>,
      tpu.vector_store %arg8[%swap3A_2021, %swap3A_2022], %add3A_2019 {strides = array<i32>} : memref<16x144xf32, #tpu.memory_space<vmem>>, vector<16xf32>,
    } else {
    }
    "tpu.region"() ({
      %run_scoped3A = tpu.sem_alloc : memref<!tpu.dma_semaphore, #tpu.memory_space<semaphore_mem>>
      %dma_start3A_1951 = arith.constant 0 : i32
      %dma_start3A_1952 = arith.constant 0 : i32
      %dma_start3A_1953 = tpu.memref_slice %arg4[%add3A, %dma_start3A_1951, %dma_start3A_1952] : memref<32x16x144xf32, #tpu.memory_space<hbm>> -> memref<1x16x144xf32, #tpu.memory_space<hbm>>
      %dma_start3A_1954 = tpu.memref_squeeze %dma_start3A_1953 : memref<1x16x144xf32, #tpu.memory_space<hbm>> -> memref<16x144xf32, #tpu.memory_space<hbm>>
      %dma_start3A_1955 = arith.constant 0 : i32
      %dma_start3A_1956 = arith.constant 0 : i32
      %dma_start3A_1957 = tpu.memref_slice %arg4[%add3A, %dma_start3A_1955, %dma_start3A_1956] : memref<32x16x144xf32, #tpu.memory_space<hbm>> -> memref<1x16x144xf32, #tpu.memory_space<hbm>>
      %dma_start3A_1958 = tpu.memref_squeeze %dma_start3A_1957 : memref<1x16x144xf32, #tpu.memory_space<hbm>> -> memref<16x144xf32, #tpu.memory_space<hbm>>
      tpu.enqueue_dma source(%arg8 : memref<16x144xf32, #tpu.memory_space<vmem>>) target(%dma_start3A_1958 : memref<16x144xf32, #tpu.memory_space<hbm>>) target_semaphore(%run_scoped3A : memref<!tpu.dma_semaphore, #tpu.memory_space<semaphore_mem>>)
      %dma_wait3A_1959 = arith.constant 0 : i32
      %dma_wait3A_1960 = arith.constant 0 : i32
      %dma_wait3A_1961 = tpu.memref_slice %arg4[%add3A, %dma_wait3A_1959, %dma_wait3A_1960] : memref<32x16x144xf32, #tpu.memory_space<hbm>> -> memref<1x16x144xf32, #tpu.memory_space<hbm>>
      %dma_wait3A_1962 = tpu.memref_squeeze %dma_wait3A_1961 : memref<1x16x144xf32, #tpu.memory_space<hbm>> -> memref<16x144xf32, #tpu.memory_space<hbm>>
      %dma_wait3A_1963 = arith.constant 0 : i32
      %dma_wait3A_1964 = arith.constant 0 : i32
      %dma_wait3A_1965 = tpu.memref_slice %arg4[%add3A, %dma_wait3A_1963, %dma_wait3A_1964] : memref<32x16x144xf32, #tpu.memory_space<hbm>> -> memref<1x16x144xf32, #tpu.memory_space<hbm>>
      %dma_wait3A_1966 = tpu.memref_squeeze %dma_wait3A_1965 : memref<1x16x144xf32, #tpu.memory_space<hbm>> -> memref<16x144xf32, #tpu.memory_space<hbm>>
      tpu.wait_dma2 semaphore(%run_scoped3A : memref<!tpu.dma_semaphore, #tpu.memory_space<semaphore_mem>>) src(%arg8 : memref<16x144xf32, #tpu.memory_space<vmem>>) dst(%dma_wait3A_1966 : memref<16x144xf32, #tpu.memory_space<hbm>>)
      tpu.yield
    }) : () -> ()
    return
  }
}

module attributes {stable_mosaic.version = 14 : i64} {
  func.func @_tc_body(%arg0: i32, %arg1: memref<4096x128xf32, #tpu.memory_space<vmem>>, %arg2: memref<1x1x4096xi32, #tpu.memory_space<vmem>>, %arg3: memref<16x128xf32, #tpu.memory_space<vmem>>, %arg4: memref<16x128xf32, #tpu.memory_space<vmem>>, %arg5: memref<16x128xf32, #tpu.memory_space<vmem>>, %arg6: memref<16x128xf32, #tpu.memory_space<vmem>>) attributes {dimension_semantics = [#tpu.dimension_semantics<arbitrary>], iteration_bounds = array<i64: 7>, scalar_prefetch = 0 : i64, scratch_operands = 2 : i64, tpu.core_type = #tpu.core_type<tc>, window_params = [{transform_indices = @transform_0, window_bounds = array<i64: 4096, 128>}, {transform_indices = @transform_1, window_bounds = array<i64: 1, 1, 4096>}, {pipeline_mode = #tpu.pipeline_mode<synchronous>, transform_indices = @transform_2, window_bounds = array<i64: 16, 128>}, {pipeline_mode = #tpu.pipeline_mode<synchronous>, transform_indices = @transform_3, window_bounds = array<i64: 16, 128>}]} {
    %eq3A = arith.constant 0 : i32
    %eq3A_0 = arith.cmpi eq, %arg0, %eq3A : i32
    %convert_element_type3A = arith.extui %eq3A_0 : i1 to i32
    %cond3A = arith.constant 0 : i32
    %cond3A_1 = arith.cmpi ne, %convert_element_type3A, %cond3A : i32
    scf.if %cond3A_1 {
      %broadcast_in_dim3A_35 = arith.constant 0.000000e+00 : f32
      %broadcast_in_dim3A_36 = vector.broadcast %broadcast_in_dim3A_35 : f32 to vector<16x128xf32>
      %swap3A_37 = arith.constant 0 : index
      %swap3A_38 = arith.constant 0 : index
      %swap3A_39 = vector.load %arg5[%swap3A_37, %swap3A_38] : memref<16x128xf32, #tpu.memory_space<vmem>>, vector<16x128xf32>
      tpu.vector_store %arg5[%swap3A_37, %swap3A_38], %broadcast_in_dim3A_36 {strides = array<i32>} : memref<16x128xf32, #tpu.memory_space<vmem>>, vector<16x128xf32>,
      %broadcast_in_dim3A_40 = arith.constant 0.000000e+00 : f32
      %broadcast_in_dim3A_41 = vector.broadcast %broadcast_in_dim3A_40 : f32 to vector<16x128xf32>
      %swap3A_42 = arith.constant 0 : index
      %swap3A_43 = arith.constant 0 : index
      %swap3A_44 = vector.load %arg6[%swap3A_42, %swap3A_43] : memref<16x128xf32, #tpu.memory_space<vmem>>, vector<16x128xf32>
      tpu.vector_store %arg6[%swap3A_42, %swap3A_43], %broadcast_in_dim3A_41 {strides = array<i32>} : memref<16x128xf32, #tpu.memory_space<vmem>>, vector<16x128xf32>,
    } else {
    }
    %get3A = arith.constant 0 : index
    %get3A_2 = arith.constant 0 : index
    %get3A_3 = arith.constant 0 : index
    %get3A_4 = vector.load %arg2[%get3A, %get3A_2, %get3A_3] : memref<1x1x4096xi32, #tpu.memory_space<vmem>>, vector<1x1x4096xi32>
    %get3A_5 = vector.shape_cast %get3A_4 : vector<1x1x4096xi32> to vector<4096xi32>
    %iota3A = tpu.iota {dimensions = array<i32: 0>} : vector<16x4096xi32>
    %broadcast_in_dim3A = vector.shape_cast %get3A_5 : vector<4096xi32> to vector<1x4096xi32>
    %eq3A_6 = vector.broadcast %broadcast_in_dim3A : vector<1x4096xi32> to vector<16x4096xi32>
    %eq3A_7 = arith.cmpi eq, %iota3A, %eq3A_6 : vector<16x4096xi32>
    %convert_element_type3A_8 = arith.extui %eq3A_7 : vector<16x4096xi1> to vector<16x4096xi32>
    %convert_element_type3A_9 = arith.sitofp %convert_element_type3A_8 : vector<16x4096xi32> to vector<16x4096xf32>
    %get3A_10 = arith.constant 0 : index
    %get3A_11 = arith.constant 0 : index
    %get3A_12 = vector.load %arg5[%get3A_10, %get3A_11] : memref<16x128xf32, #tpu.memory_space<vmem>>, vector<16x128xf32>
    %get3A_13 = arith.constant 0 : index
    %get3A_14 = arith.constant 0 : index
    %get3A_15 = vector.load %arg1[%get3A_13, %get3A_14] : memref<4096x128xf32, #tpu.memory_space<vmem>>, vector<4096x128xf32>
    %dot_general3A = arith.constant dense<0.000000e+00> : vector<16x128xf32>
    %dot_general3A_16 = tpu.matmul %convert_element_type3A_9, %get3A_15, %dot_general3A {dimension_numbers = #tpu.dot_dimension_numbers<[1], [0], [0], [1], [0, 0, 1, 1], [], []>, transpose_lhs_hint = false} : vector<16x4096xf32>, vector<4096x128xf32>, vector<16x128xf32> -> vector<16x128xf32>
    %add3A = arith.addf %get3A_12, %dot_general3A_16 : vector<16x128xf32>
    %swap3A = arith.constant 0 : index
    %swap3A_17 = arith.constant 0 : index
    %swap3A_18 = vector.load %arg5[%swap3A, %swap3A_17] : memref<16x128xf32, #tpu.memory_space<vmem>>, vector<16x128xf32>
    tpu.vector_store %arg5[%swap3A, %swap3A_17], %add3A {strides = array<i32>} : memref<16x128xf32, #tpu.memory_space<vmem>>, vector<16x128xf32>,
    %get3A_19 = arith.constant 0 : index
    %get3A_20 = arith.constant 0 : index
    %get3A_21 = vector.load %arg6[%get3A_19, %get3A_20] : memref<16x128xf32, #tpu.memory_space<vmem>>, vector<16x128xf32>
    %reduce_sum3A = arith.constant dense<0.000000e+00> : vector<16xf32>
    %reduce_sum3A_22 = vector.multi_reduction <add>, %convert_element_type3A_9, %reduce_sum3A [1] : vector<16x4096xf32> to vector<16xf32>
    %broadcast_in_dim3A_23 = vector.shape_cast %reduce_sum3A_22 : vector<16xf32> to vector<16x1xf32>
    %broadcast_in_dim3A_24 = vector.shape_cast %broadcast_in_dim3A_23 : vector<16x1xf32> to vector<16x1xf32>
    %broadcast_in_dim3A_25 = vector.broadcast %broadcast_in_dim3A_24 : vector<16x1xf32> to vector<16x128xf32>
    %add3A_26 = arith.addf %get3A_21, %broadcast_in_dim3A_25 : vector<16x128xf32>
    %swap3A_27 = arith.constant 0 : index
    %swap3A_28 = arith.constant 0 : index
    %swap3A_29 = vector.load %arg6[%swap3A_27, %swap3A_28] : memref<16x128xf32, #tpu.memory_space<vmem>>, vector<16x128xf32>
    tpu.vector_store %arg6[%swap3A_27, %swap3A_28], %add3A_26 {strides = array<i32>} : memref<16x128xf32, #tpu.memory_space<vmem>>, vector<16x128xf32>,
    %eq3A_30 = arith.constant 6 : i32
    %eq3A_31 = arith.cmpi eq, %arg0, %eq3A_30 : i32
    %convert_element_type3A_32 = arith.extui %eq3A_31 : i1 to i32
    %cond3A_33 = arith.constant 0 : i32
    %cond3A_34 = arith.cmpi ne, %convert_element_type3A_32, %cond3A_33 : i32
    scf.if %cond3A_34 {
      %get3A_35 = arith.constant 0 : index
      %get3A_36 = arith.constant 0 : index
      %get3A_37 = vector.load %arg5[%get3A_35, %get3A_36] : memref<16x128xf32, #tpu.memory_space<vmem>>, vector<16x128xf32>
      %swap3A_38 = arith.constant 0 : index
      %swap3A_39 = arith.constant 0 : index
      %swap3A_40 = vector.load %arg3[%swap3A_38, %swap3A_39] : memref<16x128xf32, #tpu.memory_space<vmem>>, vector<16x128xf32>
      tpu.vector_store %arg3[%swap3A_38, %swap3A_39], %get3A_37 {strides = array<i32>} : memref<16x128xf32, #tpu.memory_space<vmem>>, vector<16x128xf32>,
      %get3A_41 = arith.constant 0 : index
      %get3A_42 = arith.constant 0 : index
      %get3A_43 = vector.load %arg6[%get3A_41, %get3A_42] : memref<16x128xf32, #tpu.memory_space<vmem>>, vector<16x128xf32>
      %swap3A_44 = arith.constant 0 : index
      %swap3A_45 = arith.constant 0 : index
      %swap3A_46 = vector.load %arg4[%swap3A_44, %swap3A_45] : memref<16x128xf32, #tpu.memory_space<vmem>>, vector<16x128xf32>
      tpu.vector_store %arg4[%swap3A_44, %swap3A_45], %get3A_43 {strides = array<i32>} : memref<16x128xf32, #tpu.memory_space<vmem>>, vector<16x128xf32>,
    } else {
    }
    return
  }
  func.func @transform_0(%arg0: i32) -> (i32, i32) {
    %add3A = arith.constant 1 : i32
    %add3A_0 = arith.addi %add3A, %arg0 : i32
    %c0_i32 = arith.constant 0 : i32
    %c0_i32_1 = arith.constant 0 : i32
    return %add3A_0, %c0_i32 : i32, i32
  }
  func.func @transform_1(%arg0: i32) -> (i32, i32, i32) {
    %add3A = arith.constant 1 : i32
    %add3A_0 = arith.addi %add3A, %arg0 : i32
    %c0_i32 = arith.constant 0 : i32
    %c0_i32_1 = arith.constant 0 : i32
    %c0_i32_2 = arith.constant 0 : i32
    return %add3A_0, %c0_i32, %c0_i32_1 : i32, i32, i32
  }
  func.func @transform_2(%arg0: i32) -> (i32, i32) {
    %c0_i32 = arith.constant 0 : i32
    %c0_i32_0 = arith.constant 0 : i32
    %c0_i32_1 = arith.constant 0 : i32
    return %c0_i32, %c0_i32_0 : i32, i32
  }
  func.func @transform_3(%arg0: i32) -> (i32, i32) {
    %c0_i32 = arith.constant 0 : i32
    %c0_i32_0 = arith.constant 0 : i32
    %c0_i32_1 = arith.constant 0 : i32
    return %c0_i32, %c0_i32_0 : i32, i32
  }
}

module attributes {stable_mosaic.version = 14 : i64} {
  func.func @_combine_body(%arg0: memref<32x16x144xf32, #tpu.memory_space<vmem>>, %arg1: memref<16x128xf32, #tpu.memory_space<vmem>>, %arg2: memref<16x128xf32, #tpu.memory_space<vmem>>, %arg3: memref<16x128xf32, #tpu.memory_space<vmem>>) attributes {dimension_semantics = [], scalar_prefetch = 0 : i64, scratch_operands = 0 : i64, tpu.core_type = #tpu.core_type<tc>} {
    %get3A = arith.constant 0 : index
    %get3A_0 = arith.constant 0 : index
    %get3A_1 = arith.constant 0 : index
    %get3A_2 = vector.load %arg0[%get3A, %get3A_0, %get3A_1] : memref<32x16x144xf32, #tpu.memory_space<vmem>>, vector<32x16x144xf32>
    %get3A_3 = arith.constant 0 : index
    %get3A_4 = arith.constant 0 : index
    %get3A_5 = vector.load %arg1[%get3A_3, %get3A_4] : memref<16x128xf32, #tpu.memory_space<vmem>>, vector<16x128xf32>
    %slice3A = vector.extract_strided_slice %get3A_2 {offsets = [0, 0, 0], sizes = [32, 16, 128], strides = [1, 1, 1]} : vector<32x16x144xf32> to vector<32x16x128xf32>
    %reduce_sum3A = arith.constant dense<0.000000e+00> : vector<16x128xf32>
    %reduce_sum3A_6 = vector.multi_reduction <add>, %slice3A, %reduce_sum3A [0] : vector<32x16x128xf32> to vector<16x128xf32>
    %add3A = arith.addf %get3A_5, %reduce_sum3A_6 : vector<16x128xf32>
    %get3A_7 = arith.constant 0 : index
    %get3A_8 = arith.constant 0 : index
    %get3A_9 = vector.load %arg2[%get3A_7, %get3A_8] : memref<16x128xf32, #tpu.memory_space<vmem>>, vector<16x128xf32>
    %slice3A_10 = vector.extract_strided_slice %get3A_9 {offsets = [0, 0], sizes = [16, 1], strides = [1, 1]} : vector<16x128xf32> to vector<16x1xf32>
    %slice3A_11 = vector.extract_strided_slice %get3A_2 {offsets = [0, 0, 128], sizes = [32, 16, 1], strides = [1, 1, 1]} : vector<32x16x144xf32> to vector<32x16x1xf32>
    %squeeze3A = vector.shape_cast %slice3A_11 : vector<32x16x1xf32> to vector<32x16xf32>
    %reduce_sum3A_12 = arith.constant dense<0.000000e+00> : vector<16xf32>
    %reduce_sum3A_13 = vector.multi_reduction <add>, %squeeze3A, %reduce_sum3A_12 [0] : vector<32x16xf32> to vector<16xf32>
    %broadcast_in_dim3A = vector.shape_cast %reduce_sum3A_13 : vector<16xf32> to vector<16x1xf32>
    %add3A_14 = arith.addf %slice3A_10, %broadcast_in_dim3A : vector<16x1xf32>
    %max3A = arith.constant 1.000000e+00 : f32
    %max3A_15 = vector.broadcast %max3A : f32 to vector<16x1xf32>
    %max3A_16 = arith.maximumf %add3A_14, %max3A_15 : vector<16x1xf32>
    %div3A = vector.broadcast %max3A_16 : vector<16x1xf32> to vector<16x128xf32>
    %div3A_17 = arith.divf %add3A, %div3A : vector<16x128xf32>
    %swap3A = arith.constant 0 : index
    %swap3A_18 = arith.constant 0 : index
    %swap3A_19 = vector.load %arg3[%swap3A, %swap3A_18] : memref<16x128xf32, #tpu.memory_space<vmem>>, vector<16x128xf32>
    tpu.vector_store %arg3[%swap3A, %swap3A_18], %div3A_17 {strides = array<i32>} : memref<16x128xf32, #tpu.memory_space<vmem>>, vector<16x128xf32>,
    return
  }
}

</mosaic_0001>

<sc_bundles>
// kernel: kernel.5.cloned.1.call-start
scs
__scs_entry_jumppad:
0x0: {  	(pc) =	sbr.rel $0x88, $3  }
0x1: {  	(tag) =	ssettag $0x0;
	lr =	simm.s32 $0x1  }
0x2: {  	[smem:$0x3F9F] =	sst lr;
	_ =	strace $0xD0000000  }
0x3: {  	_ = 	snop  }
0x4: {  	_ = 	snop  }
0x5: {  	_ = 	snop  }
0x6: {  	_ = 	snop  }
0x7: {  	_ = 	snop  }
__scs_overlays_trampoline_lowered:
0x8: {  	[smem:$0x3FAE] =	sst s0  }
0x9: {  	[smem:$0x3FAF] =	sst s1  }
0xa: {  	[smem:$0x3FB0] =	sst s2  }
0xb: {  	[smem:$0x3FB1] =	sst s3  }
0xc: {  	[smem:$0x3FB2] =	sst s4  }
0xd: {  	[smem:$0x3FB3] =	sst s5  }
0xe: {  	[smem:$0x3FB4] =	sst s6  }
0xf: {  	[smem:$0x3FB5] =	sst s7  }
0x10: {  	[smem:$0x3FB6] =	sst s8  }
0x11: {  	[smem:$0x3FB7] =	sst s9;
	s0 =	simm.s32 @!p0 $0x0  }
0x12: {  	s1 =	sld [smem:$0x3F9D];
	s0 =	simm.s32 @p0 $0x1  }
0x13: {  	[smem:$0x3FB8] =	sst s0;
	s0 =	simm.s32 @!p1 $0x0  }
0x14: {  	s2 =	sld [smem:$0x3F9C];
	s0 =	simm.s32 @p1 $0x1  }
0x15: {  	[smem:$0x3FB9] =	sst s0;
	s0 =	simm.s32 @!p2 $0x0  }
0x16: {  	s3 =	sld [smem:$0x3FDB];
	s0 =	simm.s32 @p2 $0x1  }
0x17: {  	s4 =	simm.s32 $0x1BF5;
	[smem:$0x3FBB] =	sst s0  }
0x18: {  	s0 =	sld [smem:$0x3F9E];
	_ =	swait.ge [sflag:s4], $0x0  }
0x19: {  	s7 =	sld [smem:$0x3F9F]  }
0x1a: {  	s8 =	sadd.s32 $0xFFFFE003, lr  }
0x1b: {  	s9 =	sadd.s32 $0xFFFFFEF7, lr;
	s5 =	simm.s32 $0xFFFFFFFF;
	p2 =	slt.u32 s8, $0xFFFFF086  }
0x1c: {  	p1 =	slt.u32 s9, $0xF7A;
	s5 =	simm.s32 @!p2 $0x0  }
0x1d: {  	s5 =	simm.s32 @p1 $0x1;
	p0 =	seq.s32 s7, s2  }
0x1e: {  	s7 =	smul.u32 @!p0 $0xF7A, s2;
	p2 =	seq.s32 @!p0 s5, $0x0  }
0x1f: {  	s9 =	smul.u32 $0xF7A, s1;
	s8 =	simm.s32 @!p0 $0x1BF5;
	p2 =	por !p2, p0  }
0x20: {  	[sflag:s8] =	ssyncset.s32 @!p0 $0xFFFFF086;
	s6 =	sadd.s32 @!p0 s3, s7;
	s7 =	simm.s32 @!p0 $0x108  }
0x21: {  	s3 =	sadd.s32 s3, s9;
	s6 =	sadd.s32 @!p0 $0x88, s6;
	s7 =	simm.s32 @p2 $0x1082  }
0x22: {  	[simem:s7], [sflag:s8] =	dma.local @!p0 [hbm:s6], $0xF7A  }
0x23: {  	s9 =	sor.u32 $0xD0000000, s2;
	s6 =	simm.s32 $0x108;
	_ =	swait.ge @!p0 [sflag:s8], $0x0  }
0x24: {  	s3 =	sadd.s32 $0x88, s3;
	s6 =	simm.s32 @!p1 $0x1082;
	[sflag:s4] =	ssyncset.s32 $0xFFFFF086  }
0x25: {  	[simem:s6], [sflag:s4] =	dma.local [hbm:s3], $0xF7A  }
0x26: {  	[smem:$0x3F9F] =	sst s1;
	(tag) =	ssettag s2;
	_ =	strace s9  }
0x27: {  	s1 =	sld [smem:$0x3FAF]  }
0x28: {  	s2 =	sld [smem:$0x3FB0]  }
0x29: {  	s4 =	sld [smem:$0x3FB2]  }
0x2a: {  	p0 =	seq.s32 s5, $0x0;
	s5 =	sld [smem:$0x3FB3]  }
0x2b: {  	s6 =	sld [smem:$0x3FB4]  }
0x2c: {  	s7 =	sld [smem:$0x3FB5]  }
0x2d: {  	s3 =	simm.s32 $0x108;
	s8 =	sld [smem:$0x3FB6]  }
0x2e: {  	s3 =	simm.s32 @!p0 $0x1082;
	s9 =	sld [smem:$0x3FB7]  }
0x2f: {  	lr =	sadd.s32 s0, s3;
	s0 =	sld [smem:$0x3FAE]  }
0x30: {  	s3 =	sld [smem:$0x3FB1]  }
0x31: {  	[smem:$0x3FBA] =	sst s10  }
0x32: {  	s10 =	sld [smem:$0x3FB8];
	_ =	sdelay $0x3  }
0x33: {  	p0 =	seq.s32 s10, $0x1;
	s10 =	sld [smem:$0x3FBA];
	_ =	sdelay $0x3  }
0x34: {  	[smem:$0x3FBA] =	sst s10  }
0x35: {  	s10 =	sld [smem:$0x3FB9];
	_ =	sdelay $0x3  }
0x36: {  	p1 =	seq.s32 s10, $0x1;
	s10 =	sld [smem:$0x3FBA];
	_ =	sdelay $0x3  }
0x37: {  	[smem:$0x3FBA] =	sst s10  }
0x38: {  	s10 =	sld [smem:$0x3FBB]  }
0x39: {  	_ = 	snop;
	(pc) =	sbr.ind lr, $3  }
0x3a: {  	_ = 	snop  }
0x3b: {  	_ = 	snop  }
0x3c: {  	p2 =	seq.s32 s10, $0x1;
	s10 =	sld [smem:$0x3FBA]  }
0x3d: {  	_ =	shalt  }
0x3e: {  	_ =	shalt  }
0x3f: {  	_ =	shalt  }
0x40: {  	_ =	shalt  }
0x41: {  	_ =	shalt  }
0x42: {  	_ =	shalt  }
0x43: {  	_ =	shalt  }
0x44: {  	_ =	shalt  }
0x45: {  	_ =	shalt  }
0x46: {  	_ =	shalt  }
0x47: {  	_ =	shalt  }
0x48: {  	_ =	shalt  }
0x49: {  	_ =	shalt  }
0x4a: {  	_ =	shalt  }
0x4b: {  	_ =	shalt  }
0x4c: {  	_ =	shalt  }
0x4d: {  	_ =	shalt  }
0x4e: {  	_ =	shalt  }
0x4f: {  	_ =	shalt  }
0x50: {  	_ =	shalt  }
0x51: {  	_ =	shalt  }
0x52: {  	_ =	shalt  }
0x53: {  	_ =	shalt  }
0x54: {  	_ =	shalt  }
0x55: {  	_ =	shalt  }
0x56: {  	_ =	shalt  }
0x57: {  	_ =	shalt  }
0x58: {  	_ =	shalt  }
0x59: {  	_ =	shalt  }
0x5a: {  	_ =	shalt  }
0x5b: {  	_ =	shalt  }
0x5c: {  	_ =	shalt  }
0x5d: {  	_ =	shalt  }
0x5e: {  	_ =	shalt  }
0x5f: {  	_ =	shalt  }
0x60: {  	_ =	shalt  }
0x61: {  	_ =	shalt  }
0x62: {  	_ =	shalt  }
0x63: {  	_ =	shalt  }
0x64: {  	_ =	shalt  }
0x65: {  	_ =	shalt  }
0x66: {  	_ =	shalt  }
0x67: {  	_ =	shalt  }
0x68: {  	_ =	shalt  }
0x69: {  	_ =	shalt  }
0x6a: {  	_ =	shalt  }
0x6b: {  	_ =	shalt  }
0x6c: {  	_ =	shalt  }
0x6d: {  	_ =	shalt  }
0x6e: {  	_ =	shalt  }
0x6f: {  	_ =	shalt  }
0x70: {  	_ =	shalt  }
0x71: {  	_ =	shalt  }
0x72: {  	_ =	shalt  }
0x73: {  	_ =	shalt  }
0x74: {  	_ =	shalt  }
0x75: {  	_ =	shalt  }
0x76: {  	_ =	shalt  }
0x77: {  	_ =	shalt  }
0x78: {  	_ =	shalt  }
0x79: {  	_ =	shalt  }
0x7a: {  	_ =	shalt  }
0x7b: {  	_ =	shalt  }
0x7c: {  	_ =	shalt  }
0x7d: {  	_ =	shalt  }
0x7e: {  	_ =	shalt  }
0x7f: {  	_ =	shalt  }
0x80: {  	_ =	shalt  }
0x81: {  	_ =	shalt  }
0x82: {  	_ =	shalt  }
0x83: {  	_ =	shalt  }
0x84: {  	_ =	shalt  }
0x85: {  	_ =	shalt  }
0x86: {  	_ =	shalt  }
0x87: {  	_ =	shalt  }
.Lfunc_end0:
.L_simem_size_0:
called_computation_lowered:
.L_overlay_start_0:
0x88: {  	s2 =	sld [smem:$0x3FD9]  }
0x89: {  	s3 =	sld [smem:$0x3FFE];
	_ =	sdelay $0x1  }
0x8a: {  	s1 =	srdreg.scid  }
0x8b: {  	s0 =	sand.u32 $0x1, s1  }
0x8c: {  	s17 =	sshll.u32 s0, $0xA;
	s2 =	sadd.s32 s3, s2  }
0x8d: {  	s2 =	sadd.s32 s2, s17  }
0x8e: {  	[smem:$0x3FC6] =	sst s2  }
0x8f: {  	_ = 	snop  }
0x90: {  	s2 =	sld [smem:$0x3FC9]  }
0x91: {  	s18 =	sld [smem:$0x3FC8];
	(tm) =	ssettm $0x1  }
0x92: {  	s4 =	sld [smem:$0x3FFB];
	_ =	sdelay $0x3  }
0x93: {  	_ =	strace s4  }
0x94: {  	s4 =	sld [smem:$0x3FFC];
	_ =	sdelay $0x3  }
0x95: {  	_ =	strace s4  }
0x96: {  	s4 =	sld [smem:$0x3FFD];
	_ =	sdelay $0x3  }
0x97: {  	_ =	strace s4  }
0x98: {  	_ =	strace $0x8FFFFFFF  }
0x99: {  	s19 =	sld [smem:$0x3FDB];
	_ =	sdelay $0x1  }
0x9a: {  	s5 =	simm.s32 $_scs_section_size  }
0x9b: {  	s6 =	simm.s32 $_size__tile_overlayer_lowered;
	s7 =	simm.s32 $_tile_overlayer_lowered  }
0x9c: {  	s22 =	simm.s32 $0x1BFF;
	s21 =	sshll.u32 s7, $0x1;
	s4 =	sadd.s32 s5, s19  }
0x9d: {  	s8 =	simm.s32 $0x0;
	s20 =	sshll.u32 s6, $0x1;
	s6 =	sadd.s32 s21, s4  }
0x9e: {  	[timem:s8], [sflag:s22] =	dma.local [hbm:s6], s20  }
0x9f: {  	_ =	swait.ge [sflag:s22], s20  }
0xa0: {  	s5 =	ssub.s32 $0x0, s20;
	[sflag:s22] =	ssyncset.done $0x0  }
0xa1: {  	[sflag:s22] =	ssyncadd.s32 s5;
	_ =	sdelay $0x1  }
0xa2: {  	s23 =	simm.s32 $0x1B8B  }
0xa3: {  	_ =	swait.ge [sflag:s23], $0x1  }
0xa4: {  	[sflag:s23] =	ssyncset.done $0x0  }
0xa5: {  	s25 =	simm.s32 $0x1B8E;
	s24 =	sld [smem:$0x3FFE];
	[sflag:s23] =	ssyncadd.s32 $0xFFFFFFFF  }
0xa6: {  	s26 =	simm.s32 $execute0_lowered;
	[smem:$0x3FD2] =	sst s25  }
0xa7: {  	s6 =	sshll.u32 s26, $0x1;
	_ =	strace $0x80000046;
	[dreg:$0x1] =	wrdreg $0xFFFFFFFF  }
0xa8: {  	s28 =	simm.s32 $_size_execute0_lowered;
	s4 =	sadd.s32 s4, s6;
	[dreg:$0x0] =	wrdreg $0x0  }
0xa9: {  	s6 =	sshll.u32 s28, $0x1;
	[dreg:$0x2] =	wrdreg s4  }
0xaa: {  	[dreg:$0x3] =	wrdreg s6  }
0xab: {  	[dreg:$0x4] =	wrdreg $0xC0  }
0xac: {  	_ =	task [dreg:s8], $0x5FFFF  }
0xad: {  	[dreg:$0x1] =	wrdreg $0xFFFFFFFF  }
0xae: {  	[dreg:$0x0] =	wrdreg $0x60  }
0xaf: {  	[dreg:$0x2] =	wrdreg s2  }
0xb0: {  	[dreg:$0x3] =	wrdreg s18  }
0xb1: {  	[dreg:$0x4] =	wrdreg s24  }
0xb2: {  	[dreg:$0x5] =	wrdreg $0x9  }
0xb3: {  	_ =	task.clear_ibuf [dreg:s8], $0x6FFFF;
	_ =	strace $0x90000046  }
0xb4: {  	s29 =	simm.s32 $0x9;
	_ =	strace $0x80000048  }
0xb5: {  	_ =	swait.ge [sflag:s29], $0x1  }
0xb6: {  	[sflag:s29] =	ssyncadd.s32 $0xFFFFFFFF  }
0xb7: {  	_ =	strace $0x90000048  }
0xb8: {  	_ =	sfence  }
0xb9: {  	s30 =	sld [smem:$0x0];
	_ =	sdelay $0x2  }
0xba: {  	s31 =	sshll.u32 s1, $0xD;
	s1 =	sshrl.u32 s1, $0x2  }
0xbb: {  	s3 =	sand.u32 $0x4000, s31;
	s1 =	sadd.s32 s1, s30  }
0xbc: {  	s0 =	sor.u32 s3, s0;
	s1 =	sshll.u32 s1, $0x11  }
0xbd: {  	s0 =	sor.u32 s1, s0  }
0xbe: {  	s0 =	sadd.s32 $0x8F2B, s0  }
0xbf: {  	[sflag:s0] =	ssyncadd.remote.s32 $0x1  }
0xc0: {  	_ =	sfence.sel $0xFFFF  }
0xc1: {  	[dreg:$0x0] =	wrdreg $0xFFFFFFFF;
	(pc) =	sbr.abs _section_cstart, $3  }
0xc2: {  	[dreg:$0x1] =	wrdreg $0xFFFFFFFF  }
0xc3: {  	_ =	task.clear_ibuf [dreg:s8], $0x2FFFF;
	_ =	strace $0x9FFFFFFF  }
0xc4: {  	(tm) =	ssettm $0x7FFFFFFF  }
0xc5: {  	_ =	shalt  }
tec
execute0_lowered:
.L_overlay_start_1:
0x0: {  	(tag) =	ssettag $0x1  }
0x1: {  	s0 =	rddreg [dreg:$0x0]  }
0x2: {  	s1 =	rddreg [dreg:$0x1];
	s3 =	srdreg.scid  }
0x3: {  	s2 =	rddreg [dreg:$0x2];
	s7 =	simm.s32 $0x0;
	s3 =	sand.u32 $0x1, s3  }
0x4: {  	s5 =	stileid.u32;
	[smem:$0x7FF] =	sst s7;
	s4 =	sshll.u32 s3, $0x4  }
0x5: {  	_ =	strace $0x80000047;
	s3 =	ssub.s32 $0x2, s3;
	s4 =	sor.u32 s5, s4  }
0x6: {  	s28 =	sshrl.u32 s3, $0x1;
	s5 =	sshll.u32 s4, $0x9;
	s6 =	sshll.u32 s4, $0x4  }
.Ltmp0:
0x7: {  	s29 =	sshll.u32 s4, $0xB;
	s1 =	sadd.s32 s1, s6;
	(pc) =	sbr.rel .LBB2_1-.Ltmp0, $4  }
0x8: {  	s3 =	ssub.s32 s3, s28;
	s0 =	sadd.s32 s0, s29;
	[dreg:$0x4] =	wrdreg s1  }
0x9: {  	s2 =	sadd.s32 s5, s2;
	s31 =	smax.u32 s3, $0x1;
	[dreg:$0x5] =	wrdreg s0  }
0xa: {  	s30 =	sadd.s32 $0xC00, s2;
	[dreg:$0x7] =	wrdreg s31  }
0xb: {  	v0 =	vimm.s32 $0x0;
	s6 =	simm.s32 $0x0;
	[dreg:$0x6] =	wrdreg s30  }
.LBB2_109:
0xc: {  	v14 =	vld [tilespmem:$0x4C00]  }
0xd: {  	v15 =	vld [tilespmem:$0x4C10]  }
0xe: {  	v16 =	vld [tilespmem:$0x4C20]  }
0xf: {  	v12 =	vadd.f32 v13, v12;
	v59 =	vld [tilespmem:$0x4C30]  }
0x10: {  	v17 =	vld [tilespmem:$0x4C40]  }
0x11: {  	v61 =	vld [tilespmem:$0x4C60];
	v12 =	vadd.f32 v14, v12  }
0x12: {  	v2 =	vadd.f32 v11, v2;
	v62 =	vld [tilespmem:$0x4C70];
	v7 =	vadd.f32 v15, v7  }
0x13: {  	v60 =	vld [tilespmem:$0x4C50];
	v8 =	vadd.f32 v9, v8;
	v4 =	vadd.f32 v16, v4;
	[tilespmem:$0x4C00] =	vst v12  }
0x14: {  	v3 =	vadd.f32 v10, v3;
	v2 =	vadd.f32 v59, v2;
	[tilespmem:$0x4C10] =	vst v7  }
0x15: {  	v63 =	vadd.f32 v17, v8;
	[tilespmem:$0x4C20] =	vst v4  }
0x16: {  	v5 =	vadd.f32 v5, v6;
	v3 =	vadd.f32 v61, v3;
	[tilespmem:$0x4C30] =	vst v2  }
0x17: {  	v1 =	vadd.f32 v62, v1;
	[tilespmem:$0x4C40] =	vst v63  }
0x18: {  	v2 =	vadd.f32 v60, v5;
	[tilespmem:$0x4C60] =	vst v3  }
0x19: {  	[tilespmem:$0x4C70] =	vst v1  }
0x1a: {  	[tilespmem:$0x4C50] =	vst v2  }
.LBB2_110:
0x1b: {  	s0 =	rddreg [dreg:$0x6];
	s1 =	simm.s32 $0x4080;
	s30 =	simm.s32 $0x3  }
0x1c: {  	[hbm4b:s0+s7] =	stream.linear.scatter [tilespmem:s1], [sflag:$0x3], $0x1000, $0x38;
	[tilespmem:$0x5080] =	vst v63  }
0x1d: {  	_ =	swait.ge [sflag:s30], $0x1000  }
0x1e: {  	s6 =	sadd.s32 $0x1, s6;
	s31 =	rddreg [dreg:$0x7]  }
0x1f: {  	p0 =	sne.s32 s6, s31  }
.Ltmp1:
0x20: {  	_ = 	snop;
	(pc) =	sbr.rel @!p0 .LBB2_111-.Ltmp1, $3  }
0x21: {  	_ =	sdelay $0x1  }
0x22: {  	[sflag:s30] =	ssyncset.done $0x0  }
0x23: {  	[sflag:s30] =	ssyncadd.s32 $0xFFFFF000  }
.LBB2_1:
0x24: {  	s0 =	rddreg [dreg:$0x4]  }
0x25: {  	[tilespmem:s7], [sflag:$0x2] =	stream.linear.gather [hbm4b:s0+s7], $0x80, $0x38;
	[tilespmem:$0x5080] =	vst v63  }
0x26: {  	s10 =	rddreg [dreg:$0x5];
	s1 =	simm.s32 $0x80  }
0x27: {  	v1 =	vimm.f32 $0.0e+00;
	[tilespmem:s1], [sflag:$0x1] =	stream.linear.gather [hbm4b:s10+s7], $0x4000, $0x38;
	[tilespmem:$0x5080] =	vst v63  }
0x28: {  	[tilespmem:$0x4080] =	vst v1  }
0x29: {  	[tilespmem:$0x4090] =	vst v1  }
0x2a: {  	[tilespmem:$0x40A0] =	vst v1  }
0x2b: {  	[tilespmem:$0x40B0] =	vst v1  }
0x2c: {  	[tilespmem:$0x40C0] =	vst v1  }
0x2d: {  	[tilespmem:$0x40D0] =	vst v1  }
0x2e: {  	[tilespmem:$0x40E0] =	vst v1  }
0x2f: {  	[tilespmem:$0x40F0] =	vst v1  }
0x30: {  	[tilespmem:$0x4100] =	vst v1  }
0x31: {  	[tilespmem:$0x4110] =	vst v1  }
0x32: {  	[tilespmem:$0x4120] =	vst v1  }
0x33: {  	[tilespmem:$0x4130] =	vst v1  }
0x34: {  	[tilespmem:$0x4140] =	vst v1  }
0x35: {  	[tilespmem:$0x4150] =	vst v1  }
0x36: {  	[tilespmem:$0x4160] =	vst v1  }
0x37: {  	[tilespmem:$0x4170] =	vst v1  }
0x38: {  	[tilespmem:$0x4180] =	vst v1  }
0x39: {  	[tilespmem:$0x4190] =	vst v1  }
0x3a: {  	[tilespmem:$0x41A0] =	vst v1  }
0x3b: {  	[tilespmem:$0x41B0] =	vst v1  }
0x3c: {  	[tilespmem:$0x41C0] =	vst v1  }
0x3d: {  	[tilespmem:$0x41D0] =	vst v1  }
0x3e: {  	[tilespmem:$0x41E0] =	vst v1  }
0x3f: {  	[tilespmem:$0x41F0] =	vst v1  }
0x40: {  	[tilespmem:$0x4200] =	vst v1  }
0x41: {  	[tilespmem:$0x4210] =	vst v1  }
0x42: {  	[tilespmem:$0x4220] =	vst v1  }
0x43: {  	[tilespmem:$0x4230] =	vst v1  }
0x44: {  	[tilespmem:$0x4240] =	vst v1  }
0x45: {  	[tilespmem:$0x4250] =	vst v1  }
0x46: {  	[tilespmem:$0x4260] =	vst v1  }
0x47: {  	[tilespmem:$0x4270] =	vst v1  }
0x48: {  	[tilespmem:$0x4280] =	vst v1  }
0x49: {  	[tilespmem:$0x4290] =	vst v1  }
0x4a: {  	[tilespmem:$0x42A0] =	vst v1  }
0x4b: {  	[tilespmem:$0x42B0] =	vst v1  }
0x4c: {  	[tilespmem:$0x42C0] =	vst v1  }
0x4d: {  	[tilespmem:$0x42D0] =	vst v1  }
0x4e: {  	[tilespmem:$0x42E0] =	vst v1  }
0x4f: {  	[tilespmem:$0x42F0] =	vst v1  }
0x50: {  	[tilespmem:$0x4300] =	vst v1  }
0x51: {  	[tilespmem:$0x4310] =	vst v1  }
0x52: {  	[tilespmem:$0x4320] =	vst v1  }
0x53: {  	[tilespmem:$0x4330] =	vst v1  }
0x54: {  	[tilespmem:$0x4340] =	vst v1  }
0x55: {  	[tilespmem:$0x4350] =	vst v1  }
0x56: {  	[tilespmem:$0x4360] =	vst v1  }
0x57: {  	[tilespmem:$0x4370] =	vst v1  }
0x58: {  	[tilespmem:$0x4380] =	vst v1  }
0x59: {  	[tilespmem:$0x4390] =	vst v1  }
0x5a: {  	[tilespmem:$0x43A0] =	vst v1  }
0x5b: {  	[tilespmem:$0x43B0] =	vst v1  }
0x5c: {  	[tilespmem:$0x43C0] =	vst v1  }
0x5d: {  	[tilespmem:$0x43D0] =	vst v1  }
0x5e: {  	[tilespmem:$0x43E0] =	vst v1  }
0x5f: {  	[tilespmem:$0x43F0] =	vst v1  }
0x60: {  	[tilespmem:$0x4400] =	vst v1  }
0x61: {  	[tilespmem:$0x4410] =	vst v1  }
0x62: {  	[tilespmem:$0x4420] =	vst v1  }
0x63: {  	[tilespmem:$0x4430] =	vst v1  }
0x64: {  	[tilespmem:$0x4440] =	vst v1  }
0x65: {  	[tilespmem:$0x4450] =	vst v1  }
0x66: {  	[tilespmem:$0x4460] =	vst v1  }
0x67: {  	[tilespmem:$0x4470] =	vst v1  }
0x68: {  	[tilespmem:$0x4880] =	vst v1  }
0x69: {  	[tilespmem:$0x4890] =	vst v1  }
0x6a: {  	[tilespmem:$0x48A0] =	vst v1  }
0x6b: {  	[tilespmem:$0x48B0] =	vst v1  }
0x6c: {  	[tilespmem:$0x48C0] =	vst v1  }
0x6d: {  	[tilespmem:$0x48D0] =	vst v1  }
0x6e: {  	[tilespmem:$0x48E0] =	vst v1  }
0x6f: {  	[tilespmem:$0x48F0] =	vst v1  }
0x70: {  	[tilespmem:$0x4900] =	vst v1  }
0x71: {  	[tilespmem:$0x4910] =	vst v1  }
0x72: {  	[tilespmem:$0x4920] =	vst v1  }
0x73: {  	[tilespmem:$0x4930] =	vst v1  }
0x74: {  	[tilespmem:$0x4940] =	vst v1  }
0x75: {  	[tilespmem:$0x4950] =	vst v1  }
0x76: {  	[tilespmem:$0x4960] =	vst v1  }
0x77: {  	[tilespmem:$0x4970] =	vst v1  }
0x78: {  	[tilespmem:$0x4980] =	vst v1  }
0x79: {  	[tilespmem:$0x4990] =	vst v1  }
0x7a: {  	[tilespmem:$0x49A0] =	vst v1  }
0x7b: {  	[tilespmem:$0x49B0] =	vst v1  }
0x7c: {  	[tilespmem:$0x49C0] =	vst v1  }
0x7d: {  	[tilespmem:$0x49D0] =	vst v1  }
0x7e: {  	[tilespmem:$0x49E0] =	vst v1  }
0x7f: {  	[tilespmem:$0x49F0] =	vst v1  }
0x80: {  	[tilespmem:$0x4A00] =	vst v1  }
0x81: {  	[tilespmem:$0x4A10] =	vst v1  }
0x82: {  	[tilespmem:$0x4A20] =	vst v1  }
0x83: {  	[tilespmem:$0x4A30] =	vst v1  }
0x84: {  	[tilespmem:$0x4A40] =	vst v1  }
0x85: {  	[tilespmem:$0x4A50] =	vst v1  }
0x86: {  	[tilespmem:$0x4A60] =	vst v1  }
0x87: {  	[tilespmem:$0x4A70] =	vst v1  }
0x88: {  	[tilespmem:$0x4A80] =	vst v1  }
0x89: {  	[tilespmem:$0x4A90] =	vst v1  }
0x8a: {  	[tilespmem:$0x4AA0] =	vst v1  }
0x8b: {  	[tilespmem:$0x4AB0] =	vst v1  }
0x8c: {  	[tilespmem:$0x4AC0] =	vst v1  }
0x8d: {  	[tilespmem:$0x4AD0] =	vst v1  }
0x8e: {  	[tilespmem:$0x4AE0] =	vst v1  }
0x8f: {  	[tilespmem:$0x4AF0] =	vst v1  }
0x90: {  	[tilespmem:$0x4B00] =	vst v1  }
0x91: {  	[tilespmem:$0x4B10] =	vst v1  }
0x92: {  	[tilespmem:$0x4B20] =	vst v1  }
0x93: {  	[tilespmem:$0x4B30] =	vst v1  }
0x94: {  	[tilespmem:$0x4B40] =	vst v1  }
0x95: {  	[tilespmem:$0x4B50] =	vst v1  }
0x96: {  	[tilespmem:$0x4B60] =	vst v1  }
0x97: {  	[tilespmem:$0x4B70] =	vst v1  }
0x98: {  	[tilespmem:$0x4B80] =	vst v1  }
0x99: {  	[tilespmem:$0x4B90] =	vst v1  }
0x9a: {  	[tilespmem:$0x4BA0] =	vst v1  }
0x9b: {  	[tilespmem:$0x4BB0] =	vst v1  }
0x9c: {  	[tilespmem:$0x4BC0] =	vst v1  }
0x9d: {  	[tilespmem:$0x4BD0] =	vst v1  }
0x9e: {  	[tilespmem:$0x4BE0] =	vst v1  }
0x9f: {  	[tilespmem:$0x4BF0] =	vst v1  }
0xa0: {  	[tilespmem:$0x4C00] =	vst v1  }
0xa1: {  	[tilespmem:$0x4C10] =	vst v1  }
0xa2: {  	[tilespmem:$0x4C20] =	vst v1  }
0xa3: {  	[tilespmem:$0x4C30] =	vst v1  }
0xa4: {  	[tilespmem:$0x4C40] =	vst v1  }
0xa5: {  	[tilespmem:$0x4C50] =	vst v1  }
0xa6: {  	[tilespmem:$0x4C60] =	vst v1  }
0xa7: {  	[dreg:$0x8] =	wrdreg s6;
	s11 =	simm.s32 $0x2;
	[tilespmem:$0x4C70] =	vst v1  }
0xa8: {  	_ =	swait.ge [sflag:s11], $0x80  }
0xa9: {  	[sflag:s11] =	ssyncset.done $0x0  }
0xaa: {  	[sflag:s11] =	ssyncadd.s32 $0xFFFFFF80  }
0xab: {  	v2 =	vld [tilespmem:$0x40];
	_ =	sdelay $0x4  }
0xac: {  	(v2sf) =	vpush v2, $0x0;
	_ =	sdelay $0xe  }
0xad: {  	s14 =	spop (v2sf)  }
0xae: {  	s0 =	simm.s32 $0x6;
	p0 =	slt.s32 s14, $0x1  }
0xaf: {  	s0 =	simm.s32 @!p0 $0x2  }
0xb0: {  	s12 =	sshll.u32 s0, $0x4  }
0xb1: {  	v2 =	vld [tilespmem:s12+$0x0];
	_ =	sdelay $0x4  }
0xb2: {  	(v2sf) =	vpush v2, $0x0;
	_ =	sdelay $0xe  }
0xb3: {  	s2 =	simm.s32 $0x8;
	s3 =	spop (v2sf)  }
0xb4: {  	s1 =	simm.s32 $0x5;
	s2 =	simm.s32 @!p0 $0x4;
	p1 =	slt.s32 s3, $0x1  }
0xb5: {  	s1 =	simm.s32 @!p0 $0x0;
	s3 =	sor.u32 $0x1, s0;
	s0 =	smov.u32 @p1 s2  }
0xb6: {  	s1 =	smov.u32 @p1 s3;
	s0 =	sadd.s32 $0xFFFFFFFF, s0  }
0xb7: {  	s13 =	sxor.u32 s0, s1  }
0xb8: {  	s0 =	sor.u32 s0, s1;
	s2 =	sshrl.u32 s13, $0x1  }
0xb9: {  	s0 =	ssub.s32 s0, s2  }
0xba: {  	s2 =	sshll.u32 s0, $0x4  }
0xbb: {  	s2 =	sand.u32 $0x70, s2  }
0xbc: {  	v2 =	vld [tilespmem:s2+$0x0];
	_ =	sdelay $0x4  }
0xbd: {  	(v2sf) =	vpush v2, $0x0;
	_ =	sdelay $0xe  }
0xbe: {  	s1 =	smax.u32 s1, $0x1;
	s15 =	spop (v2sf)  }
0xbf: {  	s1 =	sadd.s32 $0xFFFFFFFF, s1;
	p0 =	slt.s32 s15, $0x1  }
0xc0: {  	s1 =	smov.u32 @p0 s0  }
0xc1: {  	s3 =	sshll.u32 s1, $0x4  }
0xc2: {  	v2 =	vld [tilespmem:s3+$0x0];
	_ =	sdelay $0x4  }
0xc3: {  	vm0 =	vlt.s32 v2, $0x1  }
0xc4: {  	v2 =	vsel vm0, $0x1, v0  }
0xc5: {  	p0 =	slt.s32 s14, $0x2;
	s0 =	simm.s32 $0x6;
	(xrf0) =	vadd.scan.msk.s32 $0xffff, v2  }
0xc6: {  	s0 =	simm.s32 @!p0 $0x2  }
0xc7: {  	s16 =	sshll.u32 s0, $0x4  }
0xc8: {  	v2 =	vld [tilespmem:s16+$0x0];
	_ =	sdelay $0x2  }
0xc9: {  	v3, _, _ =	vpop (xrf0)  }
0xca: {  	(v2sf) =	vpush v3, $0xF  }
0xcb: {  	(v2sf) =	vpush v2, $0x0;
	_ =	sdelay $0xd  }
0xcc: {  	s17 =	spop (v2sf)  }
0xcd: {  	s2 =	simm.s32 $0x8;
	s4 =	spop (v2sf)  }
0xce: {  	s1 =	simm.s32 $0x5;
	s2 =	simm.s32 @!p0 $0x4;
	p1 =	slt.s32 s4, $0x2  }
0xcf: {  	s1 =	simm.s32 @!p0 $0x0;
	s4 =	sor.u32 $0x1, s0;
	s0 =	smov.u32 @p1 s2  }
0xd0: {  	s1 =	smov.u32 @p1 s4;
	s0 =	sadd.s32 $0xFFFFFFFF, s0  }
0xd1: {  	s18 =	sxor.u32 s0, s1  }
0xd2: {  	s0 =	sor.u32 s0, s1;
	s2 =	sshrl.u32 s18, $0x1  }
0xd3: {  	s0 =	ssub.s32 s0, s2  }
0xd4: {  	s2 =	sshll.u32 s0, $0x4  }
0xd5: {  	s2 =	sand.u32 $0x70, s2  }
0xd6: {  	v2 =	vld [tilespmem:s2+$0x0];
	_ =	sdelay $0x4  }
0xd7: {  	(v2sf) =	vpush v2, $0x0;
	_ =	sdelay $0xe  }
0xd8: {  	s1 =	smax.u32 s1, $0x1;
	s19 =	spop (v2sf)  }
0xd9: {  	s1 =	sadd.s32 $0xFFFFFFFF, s1;
	p0 =	slt.s32 s19, $0x2  }
0xda: {  	s1 =	smov.u32 @p0 s0  }
0xdb: {  	s16 =	sshll.u32 s1, $0x4  }
0xdc: {  	v2 =	vld [tilespmem:s16+$0x0];
	_ =	sdelay $0x4  }
0xdd: {  	vm14 =	vlt.s32 v2, $0x2  }
0xde: {  	v2 =	vsel vm14, $0x1, v0  }
0xdf: {  	p0 =	slt.s32 s14, $0x3;
	s0 =	simm.s32 $0x6;
	(xrf0) =	vadd.scan.msk.s32 $0xffff, v2  }
0xe0: {  	s0 =	simm.s32 @!p0 $0x2  }
0xe1: {  	s20 =	sshll.u32 s0, $0x4  }
0xe2: {  	v2 =	vld [tilespmem:s20+$0x0];
	_ =	sdelay $0x2  }
0xe3: {  	v3, _, _ =	vpop (xrf0)  }
0xe4: {  	(v2sf) =	vpush v3, $0xF  }
0xe5: {  	(v2sf) =	vpush v2, $0x0;
	_ =	sdelay $0xd  }
0xe6: {  	s24 =	spop (v2sf)  }
0xe7: {  	s2 =	simm.s32 $0x8;
	s21 =	spop (v2sf)  }
0xe8: {  	s1 =	simm.s32 $0x5;
	s2 =	simm.s32 @!p0 $0x4;
	p1 =	slt.s32 s21, $0x3  }
0xe9: {  	s4 =	sor.u32 $0x1, s0;
	s1 =	simm.s32 @!p0 $0x0;
	s0 =	smov.u32 @p1 s2  }
0xea: {  	s1 =	smov.u32 @p1 s4;
	s0 =	sadd.s32 $0xFFFFFFFF, s0  }
0xeb: {  	s22 =	sxor.u32 s0, s1  }
0xec: {  	s0 =	sor.u32 s0, s1;
	s2 =	sshrl.u32 s22, $0x1  }
0xed: {  	s0 =	ssub.s32 s0, s2  }
0xee: {  	s2 =	sshll.u32 s0, $0x4  }
0xef: {  	s2 =	sand.u32 $0x70, s2  }
0xf0: {  	v2 =	vld [tilespmem:s2+$0x0];
	_ =	sdelay $0x4  }
0xf1: {  	(v2sf) =	vpush v2, $0x0;
	_ =	sdelay $0xe  }
0xf2: {  	s1 =	smax.u32 s1, $0x1;
	s23 =	spop (v2sf)  }
0xf3: {  	s1 =	sadd.s32 $0xFFFFFFFF, s1;
	p0 =	slt.s32 s23, $0x3  }
0xf4: {  	s1 =	smov.u32 @p0 s0  }
0xf5: {  	s18 =	sshll.u32 s1, $0x4  }
0xf6: {  	v2 =	vld [tilespmem:s18+$0x0];
	_ =	sdelay $0x4  }
0xf7: {  	vm15 =	vlt.s32 v2, $0x3  }
0xf8: {  	v2 =	vsel vm15, $0x1, v0  }
0xf9: {  	p0 =	slt.s32 s14, $0x4;
	s0 =	simm.s32 $0x6;
	(xrf0) =	vadd.scan.msk.s32 $0xffff, v2  }
0xfa: {  	s0 =	simm.s32 @!p0 $0x2  }
0xfb: {  	s25 =	sshll.u32 s0, $0x4  }
0xfc: {  	v2 =	vld [tilespmem:s25+$0x0];
	_ =	sdelay $0x2  }
0xfd: {  	v3, _, _ =	vpop (xrf0)  }
0xfe: {  	(v2sf) =	vpush v3, $0xF  }
0xff: {  	(v2sf) =	vpush v2, $0x0;
	_ =	sdelay $0xd  }
0x100: {  	s19 =	spop (v2sf)  }
0x101: {  	s2 =	simm.s32 $0x8;
	s26 =	spop (v2sf)  }
0x102: {  	s1 =	simm.s32 $0x5;
	s2 =	simm.s32 @!p0 $0x4;
	p1 =	slt.s32 s26, $0x4  }
0x103: {  	s4 =	sor.u32 $0x1, s0;
	s1 =	simm.s32 @!p0 $0x0;
	s0 =	smov.u32 @p1 s2  }
0x104: {  	s1 =	smov.u32 @p1 s4;
	s0 =	sadd.s32 $0xFFFFFFFF, s0  }
0x105: {  	s28 =	sxor.u32 s0, s1  }
0x106: {  	s0 =	sor.u32 s0, s1;
	s2 =	sshrl.u32 s28, $0x1  }
0x107: {  	s0 =	ssub.s32 s0, s2  }
0x108: {  	s2 =	sshll.u32 s0, $0x4  }
0x109: {  	s2 =	sand.u32 $0x70, s2  }
0x10a: {  	v2 =	vld [tilespmem:s2+$0x0];
	_ =	sdelay $0x4  }
0x10b: {  	(v2sf) =	vpush v2, $0x0;
	_ =	sdelay $0xe  }
0x10c: {  	s1 =	smax.u32 s1, $0x1;
	s29 =	spop (v2sf)  }
0x10d: {  	s1 =	sadd.s32 $0xFFFFFFFF, s1;
	p0 =	slt.s32 s29, $0x4  }
0x10e: {  	s1 =	smov.u32 @p0 s0  }
0x10f: {  	s20 =	sshll.u32 s1, $0x4  }
0x110: {  	v2 =	vld [tilespmem:s20+$0x0];
	_ =	sdelay $0x4  }
0x111: {  	vm4 =	vlt.s32 v2, $0x4  }
0x112: {  	v2 =	vsel vm4, $0x1, v0  }
0x113: {  	p0 =	slt.s32 s14, $0x5;
	s0 =	simm.s32 $0x6;
	(xrf0) =	vadd.scan.msk.s32 $0xffff, v2  }
0x114: {  	s0 =	simm.s32 @!p0 $0x2  }
0x115: {  	s30 =	sshll.u32 s0, $0x4  }
0x116: {  	v2 =	vld [tilespmem:s30+$0x0];
	_ =	sdelay $0x2  }
0x117: {  	v3, _, _ =	vpop (xrf0)  }
0x118: {  	(v2sf) =	vpush v3, $0xF  }
0x119: {  	(v2sf) =	vpush v2, $0x0;
	_ =	sdelay $0xd  }
0x11a: {  	s21 =	spop (v2sf)  }
0x11b: {  	s2 =	simm.s32 $0x8;
	s31 =	spop (v2sf)  }
0x11c: {  	s1 =	simm.s32 $0x5;
	s2 =	simm.s32 @!p0 $0x4;
	p1 =	slt.s32 s31, $0x5  }
0x11d: {  	s4 =	sor.u32 $0x1, s0;
	s1 =	simm.s32 @!p0 $0x0;
	s0 =	smov.u32 @p1 s2  }
0x11e: {  	s1 =	smov.u32 @p1 s4;
	s0 =	sadd.s32 $0xFFFFFFFF, s0  }
0x11f: {  	s4 =	sxor.u32 s0, s1  }
0x120: {  	s0 =	sor.u32 s0, s1;
	s2 =	sshrl.u32 s4, $0x1  }
0x121: {  	s0 =	ssub.s32 s0, s2  }
0x122: {  	s2 =	sshll.u32 s0, $0x4  }
0x123: {  	s2 =	sand.u32 $0x70, s2  }
0x124: {  	v2 =	vld [tilespmem:s2+$0x0];
	_ =	sdelay $0x4  }
0x125: {  	(v2sf) =	vpush v2, $0x0;
	_ =	sdelay $0xe  }
0x126: {  	s1 =	smax.u32 s1, $0x1;
	s5 =	spop (v2sf)  }
0x127: {  	s1 =	sadd.s32 $0xFFFFFFFF, s1;
	p0 =	slt.s32 s5, $0x5  }
0x128: {  	s1 =	smov.u32 @p0 s0  }
0x129: {  	s22 =	sshll.u32 s1, $0x4  }
0x12a: {  	v2 =	vld [tilespmem:s22+$0x0];
	_ =	sdelay $0x4  }
0x12b: {  	vm5 =	vlt.s32 v2, $0x5  }
0x12c: {  	v2 =	vsel vm5, $0x1, v0  }
0x12d: {  	p0 =	slt.s32 s14, $0x6;
	s0 =	simm.s32 $0x6;
	(xrf0) =	vadd.scan.msk.s32 $0xffff, v2  }
0x12e: {  	s0 =	simm.s32 @!p0 $0x2  }
0x12f: {  	s6 =	sshll.u32 s0, $0x4  }
0x130: {  	v2 =	vld [tilespmem:s6+$0x0];
	_ =	sdelay $0x2  }
0x131: {  	v3, _, _ =	vpop (xrf0)  }
0x132: {  	(v2sf) =	vpush v3, $0xF  }
0x133: {  	(v2sf) =	vpush v2, $0x0;
	_ =	sdelay $0xd  }
0x134: {  	s23 =	spop (v2sf)  }
0x135: {  	s2 =	simm.s32 $0x8;
	s7 =	spop (v2sf)  }
0x136: {  	s1 =	simm.s32 $0x5;
	s2 =	simm.s32 @!p0 $0x4;
	p1 =	slt.s32 s7, $0x6  }
0x137: {  	s4 =	sor.u32 $0x1, s0;
	s1 =	simm.s32 @!p0 $0x0;
	s0 =	smov.u32 @p1 s2  }
0x138: {  	s1 =	smov.u32 @p1 s4;
	s0 =	sadd.s32 $0xFFFFFFFF, s0  }
0x139: {  	s8 =	sxor.u32 s0, s1  }
0x13a: {  	s0 =	sor.u32 s0, s1;
	s2 =	sshrl.u32 s8, $0x1  }
0x13b: {  	s0 =	ssub.s32 s0, s2  }
0x13c: {  	s2 =	sshll.u32 s0, $0x4  }
0x13d: {  	s2 =	sand.u32 $0x70, s2  }
0x13e: {  	v2 =	vld [tilespmem:s2+$0x0];
	_ =	sdelay $0x4  }
0x13f: {  	(v2sf) =	vpush v2, $0x0;
	_ =	sdelay $0xe  }
0x140: {  	s1 =	smax.u32 s1, $0x1;
	s9 =	spop (v2sf)  }
0x141: {  	s1 =	sadd.s32 $0xFFFFFFFF, s1;
	p0 =	slt.s32 s9, $0x6  }
0x142: {  	s1 =	smov.u32 @p0 s0  }
0x143: {  	s28 =	sshll.u32 s1, $0x4  }
0x144: {  	v2 =	vld [tilespmem:s28+$0x0];
	_ =	sdelay $0x4  }
0x145: {  	vm6 =	vlt.s32 v2, $0x6  }
0x146: {  	v2 =	vsel vm6, $0x1, v0  }
0x147: {  	p0 =	slt.s32 s14, $0x7;
	s0 =	simm.s32 $0x6;
	(xrf0) =	vadd.scan.msk.s32 $0xffff, v2  }
0x148: {  	s0 =	simm.s32 @!p0 $0x2  }
0x149: {  	s10 =	sshll.u32 s0, $0x4  }
0x14a: {  	v2 =	vld [tilespmem:s10+$0x0];
	_ =	sdelay $0x2  }
0x14b: {  	v3, _, _ =	vpop (xrf0)  }
0x14c: {  	(v2sf) =	vpush v3, $0xF  }
0x14d: {  	(v2sf) =	vpush v2, $0x0;
	_ =	sdelay $0xd  }
0x14e: {  	s29 =	spop (v2sf)  }
0x14f: {  	s2 =	simm.s32 $0x8;
	s11 =	spop (v2sf)  }
0x150: {  	s1 =	simm.s32 $0x5;
	s2 =	simm.s32 @!p0 $0x4;
	p1 =	slt.s32 s11, $0x7  }
0x151: {  	s4 =	sor.u32 $0x1, s0;
	s1 =	simm.s32 @!p0 $0x0;
	s0 =	smov.u32 @p1 s2  }
0x152: {  	s1 =	smov.u32 @p1 s4;
	s0 =	sadd.s32 $0xFFFFFFFF, s0  }
0x153: {  	s12 =	sxor.u32 s0, s1  }
0x154: {  	s0 =	sor.u32 s0, s1;
	s2 =	sshrl.u32 s12, $0x1  }
0x155: {  	s0 =	ssub.s32 s0, s2  }
0x156: {  	s2 =	sshll.u32 s0, $0x4  }
0x157: {  	s2 =	sand.u32 $0x70, s2  }
0x158: {  	v2 =	vld [tilespmem:s2+$0x0];
	_ =	sdelay $0x4  }
0x159: {  	(v2sf) =	vpush v2, $0x0;
	_ =	sdelay $0xe  }
0x15a: {  	s1 =	smax.u32 s1, $0x1;
	s13 =	spop (v2sf)  }
0x15b: {  	s1 =	sadd.s32 $0xFFFFFFFF, s1;
	p0 =	slt.s32 s13, $0x7  }
0x15c: {  	s1 =	smov.u32 @p0 s0  }
0x15d: {  	s30 =	sshll.u32 s1, $0x4  }
0x15e: {  	v2 =	vld [tilespmem:s30+$0x0];
	_ =	sdelay $0x4  }
0x15f: {  	vm7 =	vlt.s32 v2, $0x7  }
0x160: {  	v2 =	vsel vm7, $0x1, v0  }
0x161: {  	p0 =	slt.s32 s14, $0x8;
	s0 =	simm.s32 $0x6;
	(xrf0) =	vadd.scan.msk.s32 $0xffff, v2  }
0x162: {  	s0 =	simm.s32 @!p0 $0x2  }
0x163: {  	s15 =	sshll.u32 s0, $0x4  }
0x164: {  	v2 =	vld [tilespmem:s15+$0x0];
	_ =	sdelay $0x2  }
0x165: {  	v3, _, _ =	vpop (xrf0)  }
0x166: {  	(v2sf) =	vpush v3, $0xF  }
0x167: {  	(v2sf) =	vpush v2, $0x0;
	_ =	sdelay $0xd  }
0x168: {  	s31 =	spop (v2sf)  }
0x169: {  	[dreg:$0x9] =	wrdreg s17;
	s2 =	simm.s32 $0x8;
	s17 =	spop (v2sf)  }
0x16a: {  	s1 =	simm.s32 $0x5;
	s2 =	simm.s32 @!p0 $0x4;
	p1 =	slt.s32 s17, $0x8  }
0x16b: {  	s4 =	sor.u32 $0x1, s0;
	s1 =	simm.s32 @!p0 $0x0;
	s0 =	smov.u32 @p1 s2  }
0x16c: {  	s1 =	smov.u32 @p1 s4;
	s0 =	sadd.s32 $0xFFFFFFFF, s0  }
0x16d: {  	s25 =	sxor.u32 s0, s1  }
0x16e: {  	s0 =	sor.u32 s0, s1;
	s2 =	sshrl.u32 s25, $0x1  }
0x16f: {  	s0 =	ssub.s32 s0, s2  }
0x170: {  	s2 =	sshll.u32 s0, $0x4  }
0x171: {  	s2 =	sand.u32 $0x70, s2  }
0x172: {  	v2 =	vld [tilespmem:s2+$0x0];
	_ =	sdelay $0x4  }
0x173: {  	(v2sf) =	vpush v2, $0x0;
	_ =	sdelay $0xe  }
0x174: {  	s1 =	smax.u32 s1, $0x1;
	s26 =	spop (v2sf)  }
0x175: {  	s1 =	sadd.s32 $0xFFFFFFFF, s1;
	p0 =	slt.s32 s26, $0x8  }
0x176: {  	s1 =	smov.u32 @p0 s0  }
0x177: {  	s10 =	sshll.u32 s1, $0x4  }
0x178: {  	v2 =	vld [tilespmem:s10+$0x0];
	_ =	sdelay $0x4  }
0x179: {  	vm8 =	vlt.s32 v2, $0x8  }
0x17a: {  	v2 =	vsel vm8, $0x1, v0  }
0x17b: {  	s2 =	simm.s32 $0x6;
	p0 =	slt.s32 s14, $0x9;
	(xrf0) =	vadd.scan.msk.s32 $0xffff, v2  }
0x17c: {  	s2 =	simm.s32 @!p0 $0x2  }
0x17d: {  	s0 =	sshll.u32 s2, $0x4  }
0x17e: {  	v2 =	vld [tilespmem:s0+$0x0];
	_ =	sdelay $0x2  }
0x17f: {  	v3, _, _ =	vpop (xrf0)  }
0x180: {  	(v2sf) =	vpush v3, $0xF  }
0x181: {  	(v2sf) =	vpush v2, $0x0;
	_ =	sdelay $0xd  }
0x182: {  	s13 =	spop (v2sf)  }
0x183: {  	s5 =	simm.s32 $0x8;
	s1 =	spop (v2sf)  }
0x184: {  	s4 =	simm.s32 $0x5;
	s5 =	simm.s32 @!p0 $0x4;
	p1 =	slt.s32 s1, $0x9  }
0x185: {  	s4 =	simm.s32 @!p0 $0x0;
	s6 =	sor.u32 $0x1, s2;
	s2 =	smov.u32 @p1 s5  }
0x186: {  	s4 =	smov.u32 @p1 s6;
	s2 =	sadd.s32 $0xFFFFFFFF, s2  }
0x187: {  	s6 =	sxor.u32 s2, s4  }
0x188: {  	s2 =	sor.u32 s2, s4;
	s5 =	sshrl.u32 s6, $0x1  }
0x189: {  	s2 =	ssub.s32 s2, s5  }
0x18a: {  	s5 =	sshll.u32 s2, $0x4  }
0x18b: {  	s5 =	sand.u32 $0x70, s5  }
0x18c: {  	v2 =	vld [tilespmem:s5+$0x0];
	_ =	sdelay $0x4  }
0x18d: {  	(v2sf) =	vpush v2, $0x0;
	_ =	sdelay $0xe  }
0x18e: {  	s4 =	smax.u32 s4, $0x1;
	s7 =	spop (v2sf)  }
0x18f: {  	s4 =	sadd.s32 $0xFFFFFFFF, s4;
	p0 =	slt.s32 s7, $0x9  }
0x190: {  	s4 =	smov.u32 @p0 s2  }
0x191: {  	s7 =	sshll.u32 s4, $0x4  }
0x192: {  	v2 =	vld [tilespmem:s7+$0x0];
	_ =	sdelay $0x4  }
0x193: {  	vm9 =	vlt.s32 v2, $0x9  }
0x194: {  	v2 =	vsel vm9, $0x1, v0  }
0x195: {  	p0 =	slt.s32 s14, $0xA;
	s2 =	simm.s32 $0x6;
	(xrf0) =	vadd.scan.msk.s32 $0xffff, v2  }
0x196: {  	s2 =	simm.s32 @!p0 $0x2  }
0x197: {  	s8 =	sshll.u32 s2, $0x4  }
0x198: {  	v2 =	vld [tilespmem:s8+$0x0];
	_ =	sdelay $0x2  }
0x199: {  	v3, _, _ =	vpop (xrf0)  }
0x19a: {  	(v2sf) =	vpush v3, $0xF  }
0x19b: {  	(v2sf) =	vpush v2, $0x0;
	_ =	sdelay $0xd  }
0x19c: {  	s1 =	spop (v2sf)  }
0x19d: {  	s5 =	simm.s32 $0x8;
	s9 =	spop (v2sf)  }
0x19e: {  	s4 =	simm.s32 $0x5;
	s5 =	simm.s32 @!p0 $0x4;
	p1 =	slt.s32 s9, $0xA  }
0x19f: {  	s6 =	sor.u32 $0x1, s2;
	s4 =	simm.s32 @!p0 $0x0;
	s2 =	smov.u32 @p1 s5  }
0x1a0: {  	s4 =	smov.u32 @p1 s6;
	s2 =	sadd.s32 $0xFFFFFFFF, s2  }
0x1a1: {  	s11 =	sxor.u32 s2, s4  }
0x1a2: {  	s2 =	sor.u32 s2, s4;
	s5 =	sshrl.u32 s11, $0x1  }
0x1a3: {  	s2 =	ssub.s32 s2, s5  }
0x1a4: {  	s5 =	sshll.u32 s2, $0x4  }
0x1a5: {  	s5 =	sand.u32 $0x70, s5  }
0x1a6: {  	v2 =	vld [tilespmem:s5+$0x0];
	_ =	sdelay $0x4  }
0x1a7: {  	(v2sf) =	vpush v2, $0x0;
	_ =	sdelay $0xe  }
0x1a8: {  	s4 =	smax.u32 s4, $0x1;
	s12 =	spop (v2sf)  }
0x1a9: {  	s4 =	sadd.s32 $0xFFFFFFFF, s4;
	p0 =	slt.s32 s12, $0xA  }
0x1aa: {  	s4 =	smov.u32 @p0 s2  }
0x1ab: {  	s4 =	sshll.u32 s4, $0x4  }
0x1ac: {  	v2 =	vld [tilespmem:s4+$0x0];
	_ =	sdelay $0x4  }
0x1ad: {  	vm10 =	vlt.s32 v2, $0xA  }
0x1ae: {  	v2 =	vsel vm10, $0x1, v0  }
0x1af: {  	p0 =	slt.s32 s14, $0xB;
	s2 =	simm.s32 $0x6;
	(xrf0) =	vadd.scan.msk.s32 $0xffff, v2  }
0x1b0: {  	s2 =	simm.s32 @!p0 $0x2  }
0x1b1: {  	s15 =	sshll.u32 s2, $0x4  }
0x1b2: {  	v2 =	vld [tilespmem:s15+$0x0];
	_ =	sdelay $0x2  }
0x1b3: {  	v3, _, _ =	vpop (xrf0)  }
0x1b4: {  	(v2sf) =	vpush v3, $0xF  }
0x1b5: {  	(v2sf) =	vpush v2, $0x0;
	_ =	sdelay $0xd  }
0x1b6: {  	s5 =	spop (v2sf)  }
0x1b7: {  	s8 =	simm.s32 $0x8;
	s9 =	spop (v2sf)  }
0x1b8: {  	s6 =	simm.s32 $0x5;
	s8 =	simm.s32 @!p0 $0x4;
	p1 =	slt.s32 s9, $0xB  }
0x1b9: {  	s6 =	simm.s32 @!p0 $0x0;
	s9 =	sor.u32 $0x1, s2;
	s2 =	smov.u32 @p1 s8  }
0x1ba: {  	s6 =	smov.u32 @p1 s9;
	s2 =	sadd.s32 $0xFFFFFFFF, s2  }
0x1bb: {  	s17 =	sxor.u32 s2, s6  }
0x1bc: {  	s2 =	sor.u32 s2, s6;
	s8 =	sshrl.u32 s17, $0x1  }
0x1bd: {  	s2 =	ssub.s32 s2, s8  }
0x1be: {  	s8 =	sshll.u32 s2, $0x4  }
0x1bf: {  	s8 =	sand.u32 $0x70, s8  }
0x1c0: {  	v2 =	vld [tilespmem:s8+$0x0];
	_ =	sdelay $0x4  }
0x1c1: {  	(v2sf) =	vpush v2, $0x0;
	_ =	sdelay $0xe  }
0x1c2: {  	s6 =	smax.u32 s6, $0x1;
	s25 =	spop (v2sf)  }
0x1c3: {  	s6 =	sadd.s32 $0xFFFFFFFF, s6;
	p0 =	slt.s32 s25, $0xB  }
0x1c4: {  	s6 =	smov.u32 @p0 s2  }
0x1c5: {  	s6 =	sshll.u32 s6, $0x4  }
0x1c6: {  	v2 =	vld [tilespmem:s6+$0x0];
	_ =	sdelay $0x4  }
0x1c7: {  	vm11 =	vlt.s32 v2, $0xB  }
0x1c8: {  	v2 =	vsel vm11, $0x1, v0  }
0x1c9: {  	p0 =	slt.s32 s14, $0xC;
	s2 =	simm.s32 $0x6;
	(xrf0) =	vadd.scan.msk.s32 $0xffff, v2  }
0x1ca: {  	s2 =	simm.s32 @!p0 $0x2  }
0x1cb: {  	s26 =	sshll.u32 s2, $0x4  }
0x1cc: {  	v2 =	vld [tilespmem:s26+$0x0];
	_ =	sdelay $0x2  }
0x1cd: {  	v3, _, _ =	vpop (xrf0)  }
0x1ce: {  	(v2sf) =	vpush v3, $0xF  }
0x1cf: {  	(v2sf) =	vpush v2, $0x0;
	_ =	sdelay $0xd  }
0x1d0: {  	s8 =	spop (v2sf)  }
0x1d1: {  	s11 =	simm.s32 $0x8;
	s0 =	spop (v2sf)  }
0x1d2: {  	s9 =	simm.s32 $0x5;
	s11 =	simm.s32 @!p0 $0x4;
	p1 =	slt.s32 s0, $0xC  }
0x1d3: {  	s9 =	simm.s32 @!p0 $0x0;
	s12 =	sor.u32 $0x1, s2;
	s2 =	smov.u32 @p1 s11  }
0x1d4: {  	s9 =	smov.u32 @p1 s12;
	s2 =	sadd.s32 $0xFFFFFFFF, s2  }
0x1d5: {  	s12 =	sxor.u32 s2, s9  }
0x1d6: {  	s2 =	sor.u32 s2, s9;
	s11 =	sshrl.u32 s12, $0x1  }
0x1d7: {  	s2 =	ssub.s32 s2, s11  }
0x1d8: {  	s11 =	sshll.u32 s2, $0x4  }
0x1d9: {  	s11 =	sand.u32 $0x70, s11  }
0x1da: {  	v2 =	vld [tilespmem:s11+$0x0];
	_ =	sdelay $0x4  }
0x1db: {  	(v2sf) =	vpush v2, $0x0;
	_ =	sdelay $0xe  }
0x1dc: {  	s9 =	smax.u32 s9, $0x1;
	s15 =	spop (v2sf)  }
0x1dd: {  	s9 =	sadd.s32 $0xFFFFFFFF, s9;
	p0 =	slt.s32 s15, $0xC  }
0x1de: {  	s9 =	smov.u32 @p0 s2  }
0x1df: {  	s9 =	sshll.u32 s9, $0x4  }
0x1e0: {  	v2 =	vld [tilespmem:s9+$0x0];
	_ =	sdelay $0x4  }
0x1e1: {  	vm12 =	vlt.s32 v2, $0xC  }
0x1e2: {  	v2 =	vsel vm12, $0x1, v0  }
0x1e3: {  	p0 =	slt.s32 s14, $0xD;
	s2 =	simm.s32 $0x6;
	(xrf0) =	vadd.scan.msk.s32 $0xffff, v2  }
0x1e4: {  	s2 =	simm.s32 @!p0 $0x2  }
0x1e5: {  	s17 =	sshll.u32 s2, $0x4  }
0x1e6: {  	v2 =	vld [tilespmem:s17+$0x0];
	_ =	sdelay $0x2  }
0x1e7: {  	v3, _, _ =	vpop (xrf0)  }
0x1e8: {  	(v2sf) =	vpush v3, $0xF  }
0x1e9: {  	(v2sf) =	vpush v2, $0x0;
	_ =	sdelay $0xd  }
0x1ea: {  	s11 =	spop (v2sf)  }
0x1eb: {  	s12 =	simm.s32 $0x8;
	s25 =	spop (v2sf)  }
0x1ec: {  	s15 =	simm.s32 $0x5;
	s12 =	simm.s32 @!p0 $0x4;
	p1 =	slt.s32 s25, $0xD  }
0x1ed: {  	s15 =	simm.s32 @!p0 $0x0;
	s17 =	sor.u32 $0x1, s2;
	s2 =	smov.u32 @p1 s12  }
0x1ee: {  	s15 =	smov.u32 @p1 s17;
	s2 =	sadd.s32 $0xFFFFFFFF, s2  }
0x1ef: {  	s26 =	sxor.u32 s2, s15  }
0x1f0: {  	s2 =	sor.u32 s2, s15;
	s12 =	sshrl.u32 s26, $0x1  }
0x1f1: {  	s2 =	ssub.s32 s2, s12  }
0x1f2: {  	s12 =	sshll.u32 s2, $0x4  }
0x1f3: {  	s12 =	sand.u32 $0x70, s12  }
0x1f4: {  	v2 =	vld [tilespmem:s12+$0x0];
	_ =	sdelay $0x4  }
0x1f5: {  	(v2sf) =	vpush v2, $0x0;
	_ =	sdelay $0xe  }
0x1f6: {  	s0 =	smax.u32 s15, $0x1;
	s17 =	spop (v2sf)  }
0x1f7: {  	s12 =	sadd.s32 $0xFFFFFFFF, s0;
	p0 =	slt.s32 s17, $0xD  }
0x1f8: {  	s12 =	smov.u32 @p0 s2  }
0x1f9: {  	s2 =	sshll.u32 s12, $0x4  }
0x1fa: {  	v2 =	vld [tilespmem:s2+$0x0];
	_ =	sdelay $0x4  }
0x1fb: {  	vm13 =	vlt.s32 v2, $0xD  }
0x1fc: {  	v2 =	vsel vm13, $0x1, v0  }
0x1fd: {  	s15 =	simm.s32 $0x6;
	p0 =	slt.s32 s14, $0xE;
	(xrf0) =	vadd.scan.msk.s32 $0xffff, v2  }
0x1fe: {  	s15 =	simm.s32 @!p0 $0x2  }
0x1ff: {  	s25 =	sshll.u32 s15, $0x4  }
0x200: {  	v2 =	vld [tilespmem:s25+$0x0];
	_ =	sdelay $0x2  }
0x201: {  	v3, _, _ =	vpop (xrf0)  }
0x202: {  	(v2sf) =	vpush v3, $0xF  }
0x203: {  	(v2sf) =	vpush v2, $0x0;
	_ =	sdelay $0xd  }
0x204: {  	s12 =	spop (v2sf)  }
0x205: {  	s17 =	simm.s32 $0x8;
	s26 =	spop (v2sf)  }
0x206: {  	s17 =	simm.s32 @!p0 $0x4;
	s25 =	simm.s32 $0x5;
	p1 =	slt.s32 s26, $0xE  }
0x207: {  	s25 =	simm.s32 @!p0 $0x0;
	s26 =	sor.u32 $0x1, s15;
	s15 =	smov.u32 @p1 s17  }
0x208: {  	s25 =	smov.u32 @p1 s26;
	s15 =	sadd.s32 $0xFFFFFFFF, s15  }
0x209: {  	s0 =	sxor.u32 s15, s25  }
0x20a: {  	s15 =	sor.u32 s15, s25;
	s17 =	sshrl.u32 s0, $0x1  }
0x20b: {  	s15 =	ssub.s32 s15, s17  }
0x20c: {  	s17 =	sshll.u32 s15, $0x4  }
0x20d: {  	s17 =	sand.u32 $0x70, s17  }
0x20e: {  	v2 =	vld [tilespmem:s17+$0x0];
	_ =	sdelay $0x4  }
0x20f: {  	(v2sf) =	vpush v2, $0x0;
	_ =	sdelay $0xe  }
0x210: {  	s26 =	smax.u32 s25, $0x1;
	s0 =	spop (v2sf)  }
0x211: {  	s17 =	sadd.s32 $0xFFFFFFFF, s26;
	p0 =	slt.s32 s0, $0xE  }
0x212: {  	s17 =	smov.u32 @p0 s15  }
0x213: {  	s15 =	sshll.u32 s17, $0x4  }
0x214: {  	v2 =	vld [tilespmem:s15+$0x0];
	_ =	sdelay $0x4  }
0x215: {  	vm14 =	vlt.s32 v2, $0xE  }
0x216: {  	v2 =	vsel vm14, $0x1, v0  }
0x217: {  	p0 =	slt.s32 s14, $0xF;
	s17 =	simm.s32 $0x6;
	(xrf0) =	vadd.scan.msk.s32 $0xffff, v2  }
0x218: {  	s17 =	simm.s32 @!p0 $0x2  }
0x219: {  	s26 =	sshll.u32 s17, $0x4  }
0x21a: {  	v2 =	vld [tilespmem:s26+$0x0];
	_ =	sdelay $0x2  }
0x21b: {  	v3, _, _ =	vpop (xrf0)  }
0x21c: {  	(v2sf) =	vpush v3, $0xF  }
0x21d: {  	(v2sf) =	vpush v2, $0x0;
	_ =	sdelay $0xd  }
0x21e: {  	s14 =	spop (v2sf)  }
0x21f: {  	s25 =	simm.s32 $0x8;
	s0 =	spop (v2sf)  }
0x220: {  	s25 =	simm.s32 @!p0 $0x4;
	s26 =	simm.s32 $0x5;
	p1 =	slt.s32 s0, $0xF  }
0x221: {  	s26 =	simm.s32 @!p0 $0x0;
	s0 =	sor.u32 $0x1, s17;
	s17 =	smov.u32 @p1 s25  }
0x222: {  	s26 =	smov.u32 @p1 s0;
	s25 =	sadd.s32 $0xFFFFFFFF, s17  }
0x223: {  	s17 =	sxor.u32 s25, s26  }
0x224: {  	s0 =	sor.u32 s25, s26;
	s17 =	sshrl.u32 s17, $0x1  }
0x225: {  	s0 =	ssub.s32 s0, s17  }
0x226: {  	s17 =	sshll.u32 s0, $0x4  }
0x227: {  	s17 =	sand.u32 $0x70, s17  }
0x228: {  	v2 =	vld [tilespmem:s17+$0x0];
	_ =	sdelay $0x4  }
0x229: {  	(v2sf) =	vpush v2, $0x0;
	_ =	sdelay $0xe  }
0x22a: {  	s17 =	smax.u32 s26, $0x1;
	s26 =	spop (v2sf)  }
0x22b: {  	s17 =	sadd.s32 $0xFFFFFFFF, s17;
	p0 =	slt.s32 s26, $0xF  }
0x22c: {  	s17 =	smov.u32 @p0 s0  }
0x22d: {  	s17 =	sshll.u32 s17, $0x4  }
0x22e: {  	v2 =	vld [tilespmem:s17+$0x0];
	_ =	sdelay $0x4  }
0x22f: {  	vm15 =	vlt.s32 v2, $0xF  }
0x230: {  	v2 =	vsel vm15, $0x1, v0  }
0x231: {  	(xrf0) =	vadd.scan.msk.s32 $0xffff, v2;
	_ =	sdelay $0x5  }
0x232: {  	v2, _, _ =	vpop (xrf0)  }
0x233: {  	(v2sf) =	vpush v2, $0xF;
	_ =	sdelay $0x1  }
0x234: {  	s26 =	rddreg [dreg:$0x9]  }
0x235: {  	s23 =	sadd.s32 s23, s22;
	s3 =	sadd.s32 s26, s3;
	s26 =	sadd.s32 s24, s16  }
0x236: {  	s25 =	sadd.s32 s19, s18;
	s0 =	scvt.s32.f32 s3;
	s16 =	ssub.s32 s26, s3  }
0x237: {  	s24 =	sadd.s32 s21, s20;
	s18 =	ssub.s32 s25, s26;
	s16 =	scvt.s32.f32 s16  }
0x238: {  	s22 =	sadd.s32 s29, s28;
	s29 =	ssub.s32 s24, s25;
	s28 =	scvt.s32.f32 s18;
	v2 =	vmov s0  }
0x239: {  	s21 =	sadd.s32 s31, s30;
	s31 =	ssub.s32 s23, s24;
	s30 =	scvt.s32.f32 s29;
	[tilespmem:$0x4480] =	vst v2;
	v2 =	vmov s16  }
0x23a: {  	s20 =	sadd.s32 s13, s10;
	s13 =	scvt.s32.f32 s31;
	[tilespmem:$0x4500] =	vst v2;
	v2 =	vmov s28;
	s28 =	ssub.s32 s22, s23  }
0x23b: {  	s19 =	sadd.s32 s1, s7;
	[tilespmem:$0x4580] =	vst v2;
	v2 =	vmov s30;
	s29 =	scvt.s32.f32 s28;
	s30 =	ssub.s32 s21, s22  }
0x23c: {  	s7 =	ssub.s32 s20, s21;
	s10 =	ssub.s32 s19, s20;
	[tilespmem:$0x4600] =	vst v2;
	v2 =	vmov s13;
	s31 =	scvt.s32.f32 s30  }
0x23d: {  	s18 =	sadd.s32 s5, s4;
	s4 =	sadd.s32 s8, s6;
	s8 =	scvt.s32.f32 s7;
	[tilespmem:$0x4680] =	vst v2;
	v2 =	vmov s29  }
0x23e: {  	s2 =	sadd.s32 s12, s2;
	s28 =	ssub.s32 s18, s19;
	s13 =	scvt.s32.f32 s10;
	[tilespmem:$0x4700] =	vst v2;
	v2 =	vmov s31  }
0x23f: {  	s16 =	sadd.s32 s11, s9;
	s30 =	ssub.s32 s4, s18;
	s29 =	scvt.s32.f32 s28;
	[tilespmem:$0x4780] =	vst v2;
	v2 =	vmov s8  }
0x240: {  	s14 =	sadd.s32 s14, s15;
	s7 =	ssub.s32 s16, s4;
	s31 =	scvt.s32.f32 s30;
	[tilespmem:$0x4800] =	vst v2;
	v2 =	vmov s13  }
0x241: {  	s9 =	scvt.s32.f32 s7;
	s10 =	ssub.s32 s2, s16;
	[tilespmem:$0x4C80] =	vst v2;
	v2 =	vmov s29;
	s8 =	spop (v2sf)  }
0x242: {  	s12 =	ssub.s32 s14, s2;
	s11 =	scvt.s32.f32 s10;
	[tilespmem:$0x4D00] =	vst v2;
	v2 =	vmov s31;
	s13 =	sadd.s32 s8, s17  }
0x243: {  	s15 =	scvt.s32.f32 s12;
	[tilespmem:$0x4D80] =	vst v2;
	v2 =	vmov s9;
	s17 =	ssub.s32 s13, s14  }
0x244: {  	[tilespmem:$0x4E00] =	vst v2;
	v2 =	vmov s11;
	s29 =	ssub.s32 $0x80, s13;
	s28 =	scvt.s32.f32 s17  }
0x245: {  	[tilespmem:$0x4E80] =	vst v2;
	v2 =	vmov s15;
	s30 =	scvt.s32.f32 s29  }
0x246: {  	p1 =	slt.s32 s3, $0x1;
	[tilespmem:$0x4F00] =	vst v2;
	v2 =	vmov s28  }
.Ltmp2:
0x247: {  	[tilespmem:$0x4F80] =	vst v2;
	v2 =	vmov s30;
	(pc) =	sbr.rel @p1 .LBB2_8-.Ltmp2, $4  }
0x248: {  	s31 =	simm.s32 $0x1;
	[tilespmem:$0x5000] =	vst v2  }
0x249: {  	p0 =	sgt.s32 s3, $0x0;
	_ =	swait.ge [sflag:s31], $0x4000  }
0x24a: {  	s3 =	simm.s32 @!p0 $0x0;
	[sflag:s31] =	ssyncset.done $0x0  }
0x24b: {  	s1 =	smin.u32 s3, $0x80;
	s0 =	simm.s32 $0xC0;
	[sflag:s31] =	ssyncadd.s32 $0xFFFFC000  }
0x24c: {  	p1 =	seq.s32 s1, $0x1  }
.Ltmp3:
0x24d: {  	_ = 	snop;
	(pc) =	sbr.rel @p1 .LBB2_3-.Ltmp3, $2  }
0x24e: {  	_ =	sdelay $0x2  }
0x24f: {  	v3 =	vld [tilespmem:s0+$0x30];
	s5 =	sadd.s32 $0xFFFFFFFF, s1;
	p0 =	por $0x0, $0x0  }
0x250: {  	v4 =	vld [tilespmem:s0+$0xFFFFFFD0]  }
0x251: {  	v5 =	vld [tilespmem:s0+$0xFFFFFFE0]  }
0x252: {  	v6 =	vld [tilespmem:s0+$0xFFFFFFF0];
	p1 =	seq.s32 s5, $0x1  }
.Ltmp4:
0x253: {  	v8 =	vld [tilespmem:s0+$0x0];
	(pc) =	sbr.rel @p1 .LBB2_5-.Ltmp4, $4  }
0x254: {  	v9 =	vld [tilespmem:s0+$0x10]  }
0x255: {  	v10 =	vld [tilespmem:s0+$0x20];
	v7 =	vimm.f32 $0.0e+00;
	v11 =	vimm.f32 $0.0e+00  }
0x256: {  	v12 =	vld [tilespmem:s0+$0xFFFFFFC0];
	s0 =	sadd.s32 $0x80, s0;
	v13 =	vimm.f32 $0.0e+00;
	v2 =	vadd.f32 v3, v1;
	v4 =	vadd.f32 v4, v1  }
0x257: {  	s5 =	sadd.s32 $0xFFFFFFFF, s5;
	p0 =	por $0x1, $0x1;
	v14 =	vimm.f32 $0.0e+00;
	v3 =	vld [tilespmem:s0+$0x30];
	v5 =	vadd.f32 v5, v1;
	v6 =	vadd.f32 v6, v1  }
.LBB2_6:
0x258: {  	p1 =	seq.s32 s5, $0x1;
	v15 =	vld [tilespmem:s0+$0xFFFFFFD0];
	v7 =	vadd.f32 v8, v7  }
0x259: {  	v16 =	vld [tilespmem:s0+$0xFFFFFFE0];
	v11 =	vadd.f32 v9, v11  }
0x25a: {  	v17 =	vld [tilespmem:s0+$0xFFFFFFF0];
	v13 =	vadd.f32 v10, v13  }
.Ltmp5:
0x25b: {  	v8 =	vld [tilespmem:s0+$0x0];
	v14 =	vadd.f32 v12, v14;
	(pc) =	sbr.rel @!p1 .LBB2_6-.Ltmp5, $4  }
0x25c: {  	v9 =	vld [tilespmem:s0+$0x10];
	v2 =	vadd.f32 v3, v2  }
0x25d: {  	v4 =	vadd.f32 v15, v4;
	v10 =	vld [tilespmem:s0+$0x20]  }
0x25e: {  	v12 =	vld [tilespmem:s0+$0xFFFFFFC0];
	v5 =	vadd.f32 v16, v5;
	s0 =	sadd.s32 $0x80, s0  }
0x25f: {  	s5 =	sadd.s32 $0xFFFFFFFF, s5;
	v3 =	vld [tilespmem:s0+$0x30];
	v6 =	vadd.f32 v17, v6  }
.LBB2_7:
0x260: {  	v15 =	vld [tilespmem:s0+$0xFFFFFFD0]  }
0x261: {  	v16 =	vld [tilespmem:s0+$0xFFFFFFE0]  }
0x262: {  	v17 =	vld [tilespmem:s0+$0xFFFFFFF0]  }
0x263: {  	v18 =	vld [tilespmem:s0+$0x0]  }
0x264: {  	v19 =	vld [tilespmem:s0+$0x10]  }
0x265: {  	v45 =	vld [tilespmem:s0+$0x20]  }
0x266: {  	v46 =	vld [tilespmem:s0+$0xFFFFFFC0]  }
0x267: {  	v62 =	vld [tilespmem:$0x40F0]  }
0x268: {  	v56 =	vld [tilespmem:$0x4090]  }
0x269: {  	v8 =	vadd.f32 @p0 v8, v7;
	v57 =	vld [tilespmem:$0x40A0];
	v9 =	vadd.f32 @p0 v9, v11  }
0x26a: {  	v58 =	vld [tilespmem:$0x40B0];
	v10 =	vadd.f32 @p0 v10, v13;
	v2 =	vadd.f32 v3, v2  }
0x26b: {  	v59 =	vld [tilespmem:$0x40C0];
	v12 =	vadd.f32 @p0 v12, v14;
	v47 =	vadd.f32 v15, v4  }
0x26c: {  	v61 =	vld [tilespmem:$0x40E0];
	v48 =	vpsel p0, v8, v1;
	v5 =	vadd.f32 v16, v5;
	v2 =	vadd.f32 v62, v2  }
0x26d: {  	v55 =	vld [tilespmem:$0x4080];
	v49 =	vpsel p0, v9, v1;
	v3 =	vadd.f32 v17, v6;
	v7 =	vadd.f32 v56, v47  }
0x26e: {  	v60 =	vld [tilespmem:$0x40D0];
	v50 =	vpsel p0, v10, v1;
	v52 =	vadd.f32 v18, v48;
	v5 =	vadd.f32 v57, v5;
	[tilespmem:$0x40F0] =	vst v2  }
0x26f: {  	v51 =	vpsel p0, v12, v1;
	v1 =	vadd.f32 v45, v50;
	v3 =	vadd.f32 v58, v3;
	[tilespmem:$0x4090] =	vst v7  }
0x270: {  	v54 =	vadd.f32 v46, v51;
	v63 =	vadd.f32 v59, v52;
	[tilespmem:$0x40A0] =	vst v5  }
0x271: {  	v53 =	vadd.f32 v19, v49;
	v1 =	vadd.f32 v61, v1;
	[tilespmem:$0x40B0] =	vst v3  }
0x272: {  	v8 =	vadd.f32 v55, v54;
	[tilespmem:$0x40C0] =	vst v63  }
0x273: {  	v3 =	vadd.f32 v60, v53;
	[tilespmem:$0x40E0] =	vst v1  }
0x274: {  	[tilespmem:$0x4080] =	vst v8  }
0x275: {  	[tilespmem:$0x40D0] =	vst v3  }
.LBB2_8:
0x276: {  	p0 =	sgt.s32 s26, $0x0  }
0x277: {  	s26 =	simm.s32 @!p0 $0x0  }
0x278: {  	s0 =	smin.u32 s26, $0x80  }
0x279: {  	p0 =	sge.u32 s3, s0  }
.Ltmp6:
0x27a: {  	_ = 	snop;
	(pc) =	sbr.rel @p0 .LBB2_15-.Ltmp6, $2  }
0x27b: {  	_ =	sdelay $0x2  }
0x27c: {  	s7 =	simm.s32 $0x0;
	s6 =	rddreg [dreg:$0x8]  }
0x27d: {  	s3 =	ssub.s32 s0, s1  }
0x27e: {  	p1 =	seq.s32 s3, $0x1  }
.Ltmp7:
0x27f: {  	_ = 	snop;
	(pc) =	sbr.rel @p1 .LBB2_10-.Ltmp7, $4  }
0x280: {  	_ = 	snop  }
0x281: {  	s5 =	sshll.u32 s1, $0x7  }
0x282: {  	s1 =	sadd.s32 $0xC0, s5  }
0x283: {  	v1 =	vimm.f32 $0.0e+00;
	p0 =	por $0x0, $0x0;
	s3 =	sadd.s32 $0xFFFFFFFF, s3;
	v3 =	vld [tilespmem:s1+$0x30]  }
0x284: {  	v4 =	vld [tilespmem:s1+$0xFFFFFFD0]  }
0x285: {  	v5 =	vld [tilespmem:s1+$0xFFFFFFE0]  }
0x286: {  	v6 =	vld [tilespmem:s1+$0xFFFFFFF0];
	p1 =	seq.s32 s3, $0x1  }
.Ltmp8:
0x287: {  	v8 =	vld [tilespmem:s1+$0x0];
	(pc) =	sbr.rel @p1 .LBB2_12-.Ltmp8, $4  }
0x288: {  	v9 =	vld [tilespmem:s1+$0x10]  }
0x289: {  	v10 =	vld [tilespmem:s1+$0x20];
	v7 =	vimm.f32 $0.0e+00;
	v11 =	vimm.f32 $0.0e+00  }
0x28a: {  	v12 =	vld [tilespmem:s1+$0xFFFFFFC0];
	s1 =	sadd.s32 $0x80, s1;
	v13 =	vimm.f32 $0.0e+00;
	v2 =	vadd.f32 v3, v1;
	v4 =	vadd.f32 v4, v1  }
0x28b: {  	s3 =	sadd.s32 $0xFFFFFFFF, s3;
	p0 =	por $0x1, $0x1;
	v14 =	vimm.f32 $0.0e+00;
	v3 =	vld [tilespmem:s1+$0x30];
	v5 =	vadd.f32 v5, v1;
	v6 =	vadd.f32 v6, v1  }
.LBB2_13:
0x28c: {  	p1 =	seq.s32 s3, $0x1;
	v15 =	vld [tilespmem:s1+$0xFFFFFFD0];
	v7 =	vadd.f32 v8, v7  }
0x28d: {  	v16 =	vld [tilespmem:s1+$0xFFFFFFE0];
	v11 =	vadd.f32 v9, v11  }
0x28e: {  	v17 =	vld [tilespmem:s1+$0xFFFFFFF0];
	v13 =	vadd.f32 v10, v13  }
.Ltmp9:
0x28f: {  	v8 =	vld [tilespmem:s1+$0x0];
	v14 =	vadd.f32 v12, v14;
	(pc) =	sbr.rel @!p1 .LBB2_13-.Ltmp9, $4  }
0x290: {  	v9 =	vld [tilespmem:s1+$0x10];
	v2 =	vadd.f32 v3, v2  }
0x291: {  	v4 =	vadd.f32 v15, v4;
	v10 =	vld [tilespmem:s1+$0x20]  }
0x292: {  	v12 =	vld [tilespmem:s1+$0xFFFFFFC0];
	v5 =	vadd.f32 v16, v5;
	s1 =	sadd.s32 $0x80, s1  }
0x293: {  	s3 =	sadd.s32 $0xFFFFFFFF, s3;
	v3 =	vld [tilespmem:s1+$0x30];
	v6 =	vadd.f32 v17, v6  }
.LBB2_14:
0x294: {  	v15 =	vld [tilespmem:s1+$0xFFFFFFD0]  }
0x295: {  	v16 =	vld [tilespmem:s1+$0xFFFFFFE0]  }
0x296: {  	v17 =	vld [tilespmem:s1+$0xFFFFFFF0]  }
0x297: {  	v18 =	vld [tilespmem:s1+$0x0]  }
0x298: {  	v19 =	vld [tilespmem:s1+$0x10]  }
0x299: {  	v45 =	vld [tilespmem:s1+$0x20]  }
0x29a: {  	v46 =	vld [tilespmem:s1+$0xFFFFFFC0]  }
0x29b: {  	v62 =	vld [tilespmem:$0x4170]  }
0x29c: {  	v56 =	vld [tilespmem:$0x4110]  }
0x29d: {  	v8 =	vadd.f32 @p0 v8, v7;
	v57 =	vld [tilespmem:$0x4120];
	v9 =	vadd.f32 @p0 v9, v11  }
0x29e: {  	v58 =	vld [tilespmem:$0x4130];
	v10 =	vadd.f32 @p0 v10, v13;
	v2 =	vadd.f32 v3, v2  }
0x29f: {  	v59 =	vld [tilespmem:$0x4140];
	v12 =	vadd.f32 @p0 v12, v14;
	v47 =	vadd.f32 v15, v4  }
0x2a0: {  	v61 =	vld [tilespmem:$0x4160];
	v48 =	vpsel p0, v8, v1;
	v5 =	vadd.f32 v16, v5;
	v2 =	vadd.f32 v62, v2  }
0x2a1: {  	v55 =	vld [tilespmem:$0x4100];
	v49 =	vpsel p0, v9, v1;
	v3 =	vadd.f32 v17, v6;
	v7 =	vadd.f32 v56, v47  }
0x2a2: {  	v60 =	vld [tilespmem:$0x4150];
	v50 =	vpsel p0, v10, v1;
	v52 =	vadd.f32 v18, v48;
	v5 =	vadd.f32 v57, v5;
	[tilespmem:$0x4170] =	vst v2  }
0x2a3: {  	v51 =	vpsel p0, v12, v1;
	v1 =	vadd.f32 v45, v50;
	v3 =	vadd.f32 v58, v3;
	[tilespmem:$0x4110] =	vst v7  }
0x2a4: {  	v54 =	vadd.f32 v46, v51;
	v63 =	vadd.f32 v59, v52;
	[tilespmem:$0x4120] =	vst v5  }
0x2a5: {  	v53 =	vadd.f32 v19, v49;
	v1 =	vadd.f32 v61, v1;
	[tilespmem:$0x4130] =	vst v3  }
0x2a6: {  	v8 =	vadd.f32 v55, v54;
	[tilespmem:$0x4140] =	vst v63  }
0x2a7: {  	v3 =	vadd.f32 v60, v53;
	[tilespmem:$0x4160] =	vst v1  }
0x2a8: {  	[tilespmem:$0x4100] =	vst v8  }
0x2a9: {  	[tilespmem:$0x4150] =	vst v3  }
.LBB2_15:
0x2aa: {  	p0 =	sgt.s32 s25, $0x0  }
0x2ab: {  	s25 =	simm.s32 @!p0 $0x0  }
0x2ac: {  	s1 =	smin.u32 s25, $0x80  }
0x2ad: {  	p0 =	sge.u32 s26, s1  }
.Ltmp10:
0x2ae: {  	_ = 	snop;
	(pc) =	sbr.rel @p0 .LBB2_22-.Ltmp10, $1  }
0x2af: {  	_ =	sdelay $0x3  }
0x2b0: {  	s3 =	ssub.s32 s1, s0  }
0x2b1: {  	p1 =	seq.s32 s3, $0x1  }
.Ltmp11:
0x2b2: {  	_ = 	snop;
	(pc) =	sbr.rel @p1 .LBB2_17-.Ltmp11, $4  }
0x2b3: {  	_ = 	snop  }
0x2b4: {  	s5 =	sshll.u32 s0, $0x7  }
0x2b5: {  	s0 =	sadd.s32 $0xC0, s5  }
0x2b6: {  	v1 =	vimm.f32 $0.0e+00;
	p0 =	por $0x0, $0x0;
	s3 =	sadd.s32 $0xFFFFFFFF, s3;
	v3 =	vld [tilespmem:s0+$0x30]  }
0x2b7: {  	v4 =	vld [tilespmem:s0+$0xFFFFFFD0]  }
0x2b8: {  	v5 =	vld [tilespmem:s0+$0xFFFFFFE0]  }
0x2b9: {  	v6 =	vld [tilespmem:s0+$0xFFFFFFF0];
	p1 =	seq.s32 s3, $0x1  }
.Ltmp12:
0x2ba: {  	v8 =	vld [tilespmem:s0+$0x0];
	(pc) =	sbr.rel @p1 .LBB2_19-.Ltmp12, $4  }
0x2bb: {  	v9 =	vld [tilespmem:s0+$0x10]  }
0x2bc: {  	v10 =	vld [tilespmem:s0+$0x20];
	v7 =	vimm.f32 $0.0e+00;
	v11 =	vimm.f32 $0.0e+00  }
0x2bd: {  	v12 =	vld [tilespmem:s0+$0xFFFFFFC0];
	s0 =	sadd.s32 $0x80, s0;
	v13 =	vimm.f32 $0.0e+00;
	v2 =	vadd.f32 v3, v1;
	v4 =	vadd.f32 v4, v1  }
0x2be: {  	s3 =	sadd.s32 $0xFFFFFFFF, s3;
	p0 =	por $0x1, $0x1;
	v14 =	vimm.f32 $0.0e+00;
	v3 =	vld [tilespmem:s0+$0x30];
	v5 =	vadd.f32 v5, v1;
	v6 =	vadd.f32 v6, v1  }
.LBB2_20:
0x2bf: {  	p1 =	seq.s32 s3, $0x1;
	v15 =	vld [tilespmem:s0+$0xFFFFFFD0];
	v7 =	vadd.f32 v8, v7  }
0x2c0: {  	v16 =	vld [tilespmem:s0+$0xFFFFFFE0];
	v11 =	vadd.f32 v9, v11  }
0x2c1: {  	v17 =	vld [tilespmem:s0+$0xFFFFFFF0];
	v13 =	vadd.f32 v10, v13  }
.Ltmp13:
0x2c2: {  	v8 =	vld [tilespmem:s0+$0x0];
	v14 =	vadd.f32 v12, v14;
	(pc) =	sbr.rel @!p1 .LBB2_20-.Ltmp13, $4  }
0x2c3: {  	v9 =	vld [tilespmem:s0+$0x10];
	v2 =	vadd.f32 v3, v2  }
0x2c4: {  	v4 =	vadd.f32 v15, v4;
	v10 =	vld [tilespmem:s0+$0x20]  }
0x2c5: {  	v12 =	vld [tilespmem:s0+$0xFFFFFFC0];
	v5 =	vadd.f32 v16, v5;
	s0 =	sadd.s32 $0x80, s0  }
0x2c6: {  	s3 =	sadd.s32 $0xFFFFFFFF, s3;
	v3 =	vld [tilespmem:s0+$0x30];
	v6 =	vadd.f32 v17, v6  }
.LBB2_21:
0x2c7: {  	v15 =	vld [tilespmem:s0+$0xFFFFFFD0]  }
0x2c8: {  	v16 =	vld [tilespmem:s0+$0xFFFFFFE0]  }
0x2c9: {  	v17 =	vld [tilespmem:s0+$0xFFFFFFF0]  }
0x2ca: {  	v18 =	vld [tilespmem:s0+$0x0]  }
0x2cb: {  	v19 =	vld [tilespmem:s0+$0x10]  }
0x2cc: {  	v45 =	vld [tilespmem:s0+$0x20]  }
0x2cd: {  	v46 =	vld [tilespmem:s0+$0xFFFFFFC0]  }
0x2ce: {  	v62 =	vld [tilespmem:$0x41F0]  }
0x2cf: {  	v56 =	vld [tilespmem:$0x4190]  }
0x2d0: {  	v8 =	vadd.f32 @p0 v8, v7;
	v57 =	vld [tilespmem:$0x41A0];
	v9 =	vadd.f32 @p0 v9, v11  }
0x2d1: {  	v58 =	vld [tilespmem:$0x41B0];
	v10 =	vadd.f32 @p0 v10, v13;
	v2 =	vadd.f32 v3, v2  }
0x2d2: {  	v59 =	vld [tilespmem:$0x41C0];
	v12 =	vadd.f32 @p0 v12, v14;
	v47 =	vadd.f32 v15, v4  }
0x2d3: {  	v61 =	vld [tilespmem:$0x41E0];
	v48 =	vpsel p0, v8, v1;
	v5 =	vadd.f32 v16, v5;
	v2 =	vadd.f32 v62, v2  }
0x2d4: {  	v55 =	vld [tilespmem:$0x4180];
	v49 =	vpsel p0, v9, v1;
	v3 =	vadd.f32 v17, v6;
	v7 =	vadd.f32 v56, v47  }
0x2d5: {  	v60 =	vld [tilespmem:$0x41D0];
	v50 =	vpsel p0, v10, v1;
	v52 =	vadd.f32 v18, v48;
	v5 =	vadd.f32 v57, v5;
	[tilespmem:$0x41F0] =	vst v2  }
0x2d6: {  	v51 =	vpsel p0, v12, v1;
	v1 =	vadd.f32 v45, v50;
	v3 =	vadd.f32 v58, v3;
	[tilespmem:$0x4190] =	vst v7  }
0x2d7: {  	v54 =	vadd.f32 v46, v51;
	v63 =	vadd.f32 v59, v52;
	[tilespmem:$0x41A0] =	vst v5  }
0x2d8: {  	v53 =	vadd.f32 v19, v49;
	v1 =	vadd.f32 v61, v1;
	[tilespmem:$0x41B0] =	vst v3  }
0x2d9: {  	v8 =	vadd.f32 v55, v54;
	[tilespmem:$0x41C0] =	vst v63  }
0x2da: {  	v3 =	vadd.f32 v60, v53;
	[tilespmem:$0x41E0] =	vst v1  }
0x2db: {  	[tilespmem:$0x4180] =	vst v8  }
0x2dc: {  	[tilespmem:$0x41D0] =	vst v3  }
.LBB2_22:
0x2dd: {  	p0 =	sgt.s32 s24, $0x0  }
0x2de: {  	s24 =	simm.s32 @!p0 $0x0  }
0x2df: {  	s0 =	smin.u32 s24, $0x80  }
0x2e0: {  	p0 =	sge.u32 s25, s0  }
.Ltmp14:
0x2e1: {  	_ = 	snop;
	(pc) =	sbr.rel @p0 .LBB2_29-.Ltmp14, $1  }
0x2e2: {  	_ =	sdelay $0x3  }
0x2e3: {  	s3 =	ssub.s32 s0, s1  }
0x2e4: {  	p1 =	seq.s32 s3, $0x1  }
.Ltmp15:
0x2e5: {  	_ = 	snop;
	(pc) =	sbr.rel @p1 .LBB2_24-.Ltmp15, $4  }
0x2e6: {  	_ = 	snop  }
0x2e7: {  	s5 =	sshll.u32 s1, $0x7  }
0x2e8: {  	s1 =	sadd.s32 $0xC0, s5  }
0x2e9: {  	v1 =	vimm.f32 $0.0e+00;
	p0 =	por $0x0, $0x0;
	s3 =	sadd.s32 $0xFFFFFFFF, s3;
	v3 =	vld [tilespmem:s1+$0x30]  }
0x2ea: {  	v4 =	vld [tilespmem:s1+$0xFFFFFFD0]  }
0x2eb: {  	v5 =	vld [tilespmem:s1+$0xFFFFFFE0]  }
0x2ec: {  	v6 =	vld [tilespmem:s1+$0xFFFFFFF0];
	p1 =	seq.s32 s3, $0x1  }
.Ltmp16:
0x2ed: {  	v8 =	vld [tilespmem:s1+$0x0];
	(pc) =	sbr.rel @p1 .LBB2_26-.Ltmp16, $4  }
0x2ee: {  	v9 =	vld [tilespmem:s1+$0x10]  }
0x2ef: {  	v10 =	vld [tilespmem:s1+$0x20];
	v7 =	vimm.f32 $0.0e+00;
	v11 =	vimm.f32 $0.0e+00  }
0x2f0: {  	v12 =	vld [tilespmem:s1+$0xFFFFFFC0];
	s1 =	sadd.s32 $0x80, s1;
	v13 =	vimm.f32 $0.0e+00;
	v2 =	vadd.f32 v3, v1;
	v4 =	vadd.f32 v4, v1  }
0x2f1: {  	s3 =	sadd.s32 $0xFFFFFFFF, s3;
	p0 =	por $0x1, $0x1;
	v14 =	vimm.f32 $0.0e+00;
	v3 =	vld [tilespmem:s1+$0x30];
	v5 =	vadd.f32 v5, v1;
	v6 =	vadd.f32 v6, v1  }
.LBB2_27:
0x2f2: {  	p1 =	seq.s32 s3, $0x1;
	v15 =	vld [tilespmem:s1+$0xFFFFFFD0];
	v7 =	vadd.f32 v8, v7  }
0x2f3: {  	v16 =	vld [tilespmem:s1+$0xFFFFFFE0];
	v11 =	vadd.f32 v9, v11  }
0x2f4: {  	v17 =	vld [tilespmem:s1+$0xFFFFFFF0];
	v13 =	vadd.f32 v10, v13  }
.Ltmp17:
0x2f5: {  	v8 =	vld [tilespmem:s1+$0x0];
	v14 =	vadd.f32 v12, v14;
	(pc) =	sbr.rel @!p1 .LBB2_27-.Ltmp17, $4  }
0x2f6: {  	v9 =	vld [tilespmem:s1+$0x10];
	v2 =	vadd.f32 v3, v2  }
0x2f7: {  	v4 =	vadd.f32 v15, v4;
	v10 =	vld [tilespmem:s1+$0x20]  }
0x2f8: {  	v12 =	vld [tilespmem:s1+$0xFFFFFFC0];
	v5 =	vadd.f32 v16, v5;
	s1 =	sadd.s32 $0x80, s1  }
0x2f9: {  	s3 =	sadd.s32 $0xFFFFFFFF, s3;
	v3 =	vld [tilespmem:s1+$0x30];
	v6 =	vadd.f32 v17, v6  }
.LBB2_28:
0x2fa: {  	v15 =	vld [tilespmem:s1+$0xFFFFFFD0]  }
0x2fb: {  	v16 =	vld [tilespmem:s1+$0xFFFFFFE0]  }
0x2fc: {  	v17 =	vld [tilespmem:s1+$0xFFFFFFF0]  }
0x2fd: {  	v18 =	vld [tilespmem:s1+$0x0]  }
0x2fe: {  	v19 =	vld [tilespmem:s1+$0x10]  }
0x2ff: {  	v45 =	vld [tilespmem:s1+$0x20]  }
0x300: {  	v46 =	vld [tilespmem:s1+$0xFFFFFFC0]  }
0x301: {  	v62 =	vld [tilespmem:$0x4270]  }
0x302: {  	v56 =	vld [tilespmem:$0x4210]  }
0x303: {  	v8 =	vadd.f32 @p0 v8, v7;
	v57 =	vld [tilespmem:$0x4220];
	v9 =	vadd.f32 @p0 v9, v11  }
0x304: {  	v58 =	vld [tilespmem:$0x4230];
	v10 =	vadd.f32 @p0 v10, v13;
	v2 =	vadd.f32 v3, v2  }
0x305: {  	v59 =	vld [tilespmem:$0x4240];
	v12 =	vadd.f32 @p0 v12, v14;
	v47 =	vadd.f32 v15, v4  }
0x306: {  	v61 =	vld [tilespmem:$0x4260];
	v48 =	vpsel p0, v8, v1;
	v5 =	vadd.f32 v16, v5;
	v2 =	vadd.f32 v62, v2  }
0x307: {  	v55 =	vld [tilespmem:$0x4200];
	v49 =	vpsel p0, v9, v1;
	v3 =	vadd.f32 v17, v6;
	v7 =	vadd.f32 v56, v47  }
0x308: {  	v60 =	vld [tilespmem:$0x4250];
	v50 =	vpsel p0, v10, v1;
	v52 =	vadd.f32 v18, v48;
	v5 =	vadd.f32 v57, v5;
	[tilespmem:$0x4270] =	vst v2  }
0x309: {  	v51 =	vpsel p0, v12, v1;
	v1 =	vadd.f32 v45, v50;
	v3 =	vadd.f32 v58, v3;
	[tilespmem:$0x4210] =	vst v7  }
0x30a: {  	v54 =	vadd.f32 v46, v51;
	v63 =	vadd.f32 v59, v52;
	[tilespmem:$0x4220] =	vst v5  }
0x30b: {  	v53 =	vadd.f32 v19, v49;
	v1 =	vadd.f32 v61, v1;
	[tilespmem:$0x4230] =	vst v3  }
0x30c: {  	v8 =	vadd.f32 v55, v54;
	[tilespmem:$0x4240] =	vst v63  }
0x30d: {  	v3 =	vadd.f32 v60, v53;
	[tilespmem:$0x4260] =	vst v1  }
0x30e: {  	[tilespmem:$0x4200] =	vst v8  }
0x30f: {  	[tilespmem:$0x4250] =	vst v3  }
.LBB2_29:
0x310: {  	p0 =	sgt.s32 s23, $0x0  }
0x311: {  	s23 =	simm.s32 @!p0 $0x0  }
0x312: {  	s1 =	smin.u32 s23, $0x80  }
0x313: {  	p0 =	sge.u32 s24, s1  }
.Ltmp18:
0x314: {  	_ = 	snop;
	(pc) =	sbr.rel @p0 .LBB2_36-.Ltmp18, $1  }
0x315: {  	_ =	sdelay $0x3  }
0x316: {  	s3 =	ssub.s32 s1, s0  }
0x317: {  	p1 =	seq.s32 s3, $0x1  }
.Ltmp19:
0x318: {  	_ = 	snop;
	(pc) =	sbr.rel @p1 .LBB2_31-.Ltmp19, $4  }
0x319: {  	_ = 	snop  }
0x31a: {  	s5 =	sshll.u32 s0, $0x7  }
0x31b: {  	s0 =	sadd.s32 $0xC0, s5  }
0x31c: {  	v1 =	vimm.f32 $0.0e+00;
	p0 =	por $0x0, $0x0;
	s3 =	sadd.s32 $0xFFFFFFFF, s3;
	v3 =	vld [tilespmem:s0+$0x30]  }
0x31d: {  	v4 =	vld [tilespmem:s0+$0xFFFFFFD0]  }
0x31e: {  	v5 =	vld [tilespmem:s0+$0xFFFFFFE0]  }
0x31f: {  	v6 =	vld [tilespmem:s0+$0xFFFFFFF0];
	p1 =	seq.s32 s3, $0x1  }
.Ltmp20:
0x320: {  	v8 =	vld [tilespmem:s0+$0x0];
	(pc) =	sbr.rel @p1 .LBB2_33-.Ltmp20, $4  }
0x321: {  	v9 =	vld [tilespmem:s0+$0x10]  }
0x322: {  	v10 =	vld [tilespmem:s0+$0x20];
	v7 =	vimm.f32 $0.0e+00;
	v11 =	vimm.f32 $0.0e+00  }
0x323: {  	v12 =	vld [tilespmem:s0+$0xFFFFFFC0];
	s0 =	sadd.s32 $0x80, s0;
	v13 =	vimm.f32 $0.0e+00;
	v2 =	vadd.f32 v3, v1;
	v4 =	vadd.f32 v4, v1  }
0x324: {  	s3 =	sadd.s32 $0xFFFFFFFF, s3;
	p0 =	por $0x1, $0x1;
	v14 =	vimm.f32 $0.0e+00;
	v3 =	vld [tilespmem:s0+$0x30];
	v5 =	vadd.f32 v5, v1;
	v6 =	vadd.f32 v6, v1  }
.LBB2_34:
0x325: {  	p1 =	seq.s32 s3, $0x1;
	v15 =	vld [tilespmem:s0+$0xFFFFFFD0];
	v7 =	vadd.f32 v8, v7  }
0x326: {  	v16 =	vld [tilespmem:s0+$0xFFFFFFE0];
	v11 =	vadd.f32 v9, v11  }
0x327: {  	v17 =	vld [tilespmem:s0+$0xFFFFFFF0];
	v13 =	vadd.f32 v10, v13  }
.Ltmp21:
0x328: {  	v8 =	vld [tilespmem:s0+$0x0];
	v14 =	vadd.f32 v12, v14;
	(pc) =	sbr.rel @!p1 .LBB2_34-.Ltmp21, $4  }
0x329: {  	v9 =	vld [tilespmem:s0+$0x10];
	v2 =	vadd.f32 v3, v2  }
0x32a: {  	v4 =	vadd.f32 v15, v4;
	v10 =	vld [tilespmem:s0+$0x20]  }
0x32b: {  	v12 =	vld [tilespmem:s0+$0xFFFFFFC0];
	v5 =	vadd.f32 v16, v5;
	s0 =	sadd.s32 $0x80, s0  }
0x32c: {  	s3 =	sadd.s32 $0xFFFFFFFF, s3;
	v3 =	vld [tilespmem:s0+$0x30];
	v6 =	vadd.f32 v17, v6  }
.LBB2_35:
0x32d: {  	v15 =	vld [tilespmem:s0+$0xFFFFFFD0]  }
0x32e: {  	v16 =	vld [tilespmem:s0+$0xFFFFFFE0]  }
0x32f: {  	v17 =	vld [tilespmem:s0+$0xFFFFFFF0]  }
0x330: {  	v18 =	vld [tilespmem:s0+$0x0]  }
0x331: {  	v19 =	vld [tilespmem:s0+$0x10]  }
0x332: {  	v45 =	vld [tilespmem:s0+$0x20]  }
0x333: {  	v46 =	vld [tilespmem:s0+$0xFFFFFFC0]  }
0x334: {  	v62 =	vld [tilespmem:$0x42F0]  }
0x335: {  	v56 =	vld [tilespmem:$0x4290]  }
0x336: {  	v8 =	vadd.f32 @p0 v8, v7;
	v57 =	vld [tilespmem:$0x42A0];
	v9 =	vadd.f32 @p0 v9, v11  }
0x337: {  	v58 =	vld [tilespmem:$0x42B0];
	v10 =	vadd.f32 @p0 v10, v13;
	v2 =	vadd.f32 v3, v2  }
0x338: {  	v59 =	vld [tilespmem:$0x42C0];
	v12 =	vadd.f32 @p0 v12, v14;
	v47 =	vadd.f32 v15, v4  }
0x339: {  	v61 =	vld [tilespmem:$0x42E0];
	v48 =	vpsel p0, v8, v1;
	v5 =	vadd.f32 v16, v5;
	v2 =	vadd.f32 v62, v2  }
0x33a: {  	v55 =	vld [tilespmem:$0x4280];
	v49 =	vpsel p0, v9, v1;
	v3 =	vadd.f32 v17, v6;
	v7 =	vadd.f32 v56, v47  }
0x33b: {  	v60 =	vld [tilespmem:$0x42D0];
	v50 =	vpsel p0, v10, v1;
	v52 =	vadd.f32 v18, v48;
	v5 =	vadd.f32 v57, v5;
	[tilespmem:$0x42F0] =	vst v2  }
0x33c: {  	v51 =	vpsel p0, v12, v1;
	v1 =	vadd.f32 v45, v50;
	v3 =	vadd.f32 v58, v3;
	[tilespmem:$0x4290] =	vst v7  }
0x33d: {  	v54 =	vadd.f32 v46, v51;
	v63 =	vadd.f32 v59, v52;
	[tilespmem:$0x42A0] =	vst v5  }
0x33e: {  	v53 =	vadd.f32 v19, v49;
	v1 =	vadd.f32 v61, v1;
	[tilespmem:$0x42B0] =	vst v3  }
0x33f: {  	v8 =	vadd.f32 v55, v54;
	[tilespmem:$0x42C0] =	vst v63  }
0x340: {  	v3 =	vadd.f32 v60, v53;
	[tilespmem:$0x42E0] =	vst v1  }
0x341: {  	[tilespmem:$0x4280] =	vst v8  }
0x342: {  	[tilespmem:$0x42D0] =	vst v3  }
.LBB2_36:
0x343: {  	p0 =	sgt.s32 s22, $0x0  }
0x344: {  	s22 =	simm.s32 @!p0 $0x0  }
0x345: {  	s0 =	smin.u32 s22, $0x80  }
0x346: {  	p0 =	sge.u32 s23, s0  }
.Ltmp22:
0x347: {  	_ = 	snop;
	(pc) =	sbr.rel @p0 .LBB2_43-.Ltmp22, $1  }
0x348: {  	_ =	sdelay $0x3  }
0x349: {  	s3 =	ssub.s32 s0, s1  }
0x34a: {  	p1 =	seq.s32 s3, $0x1  }
.Ltmp23:
0x34b: {  	_ = 	snop;
	(pc) =	sbr.rel @p1 .LBB2_38-.Ltmp23, $4  }
0x34c: {  	_ = 	snop  }
0x34d: {  	s5 =	sshll.u32 s1, $0x7  }
0x34e: {  	s1 =	sadd.s32 $0xC0, s5  }
0x34f: {  	v1 =	vimm.f32 $0.0e+00;
	p0 =	por $0x0, $0x0;
	s3 =	sadd.s32 $0xFFFFFFFF, s3;
	v3 =	vld [tilespmem:s1+$0x30]  }
0x350: {  	v4 =	vld [tilespmem:s1+$0xFFFFFFD0]  }
0x351: {  	v5 =	vld [tilespmem:s1+$0xFFFFFFE0]  }
0x352: {  	v6 =	vld [tilespmem:s1+$0xFFFFFFF0];
	p1 =	seq.s32 s3, $0x1  }
.Ltmp24:
0x353: {  	v8 =	vld [tilespmem:s1+$0x0];
	(pc) =	sbr.rel @p1 .LBB2_40-.Ltmp24, $4  }
0x354: {  	v9 =	vld [tilespmem:s1+$0x10]  }
0x355: {  	v10 =	vld [tilespmem:s1+$0x20];
	v7 =	vimm.f32 $0.0e+00;
	v11 =	vimm.f32 $0.0e+00  }
0x356: {  	v12 =	vld [tilespmem:s1+$0xFFFFFFC0];
	s1 =	sadd.s32 $0x80, s1;
	v13 =	vimm.f32 $0.0e+00;
	v2 =	vadd.f32 v3, v1;
	v4 =	vadd.f32 v4, v1  }
0x357: {  	s3 =	sadd.s32 $0xFFFFFFFF, s3;
	p0 =	por $0x1, $0x1;
	v14 =	vimm.f32 $0.0e+00;
	v3 =	vld [tilespmem:s1+$0x30];
	v5 =	vadd.f32 v5, v1;
	v6 =	vadd.f32 v6, v1  }
.LBB2_41:
0x358: {  	p1 =	seq.s32 s3, $0x1;
	v15 =	vld [tilespmem:s1+$0xFFFFFFD0];
	v7 =	vadd.f32 v8, v7  }
0x359: {  	v16 =	vld [tilespmem:s1+$0xFFFFFFE0];
	v11 =	vadd.f32 v9, v11  }
0x35a: {  	v17 =	vld [tilespmem:s1+$0xFFFFFFF0];
	v13 =	vadd.f32 v10, v13  }
.Ltmp25:
0x35b: {  	v8 =	vld [tilespmem:s1+$0x0];
	v14 =	vadd.f32 v12, v14;
	(pc) =	sbr.rel @!p1 .LBB2_41-.Ltmp25, $4  }
0x35c: {  	v9 =	vld [tilespmem:s1+$0x10];
	v2 =	vadd.f32 v3, v2  }
0x35d: {  	v4 =	vadd.f32 v15, v4;
	v10 =	vld [tilespmem:s1+$0x20]  }
0x35e: {  	v12 =	vld [tilespmem:s1+$0xFFFFFFC0];
	v5 =	vadd.f32 v16, v5;
	s1 =	sadd.s32 $0x80, s1  }
0x35f: {  	s3 =	sadd.s32 $0xFFFFFFFF, s3;
	v3 =	vld [tilespmem:s1+$0x30];
	v6 =	vadd.f32 v17, v6  }
.LBB2_42:
0x360: {  	v15 =	vld [tilespmem:s1+$0xFFFFFFD0]  }
0x361: {  	v16 =	vld [tilespmem:s1+$0xFFFFFFE0]  }
0x362: {  	v17 =	vld [tilespmem:s1+$0xFFFFFFF0]  }
0x363: {  	v18 =	vld [tilespmem:s1+$0x0]  }
0x364: {  	v19 =	vld [tilespmem:s1+$0x10]  }
0x365: {  	v45 =	vld [tilespmem:s1+$0x20]  }
0x366: {  	v46 =	vld [tilespmem:s1+$0xFFFFFFC0]  }
0x367: {  	v62 =	vld [tilespmem:$0x4370]  }
0x368: {  	v56 =	vld [tilespmem:$0x4310]  }
0x369: {  	v8 =	vadd.f32 @p0 v8, v7;
	v57 =	vld [tilespmem:$0x4320];
	v9 =	vadd.f32 @p0 v9, v11  }
0x36a: {  	v58 =	vld [tilespmem:$0x4330];
	v10 =	vadd.f32 @p0 v10, v13;
	v2 =	vadd.f32 v3, v2  }
0x36b: {  	v59 =	vld [tilespmem:$0x4340];
	v12 =	vadd.f32 @p0 v12, v14;
	v47 =	vadd.f32 v15, v4  }
0x36c: {  	v61 =	vld [tilespmem:$0x4360];
	v48 =	vpsel p0, v8, v1;
	v5 =	vadd.f32 v16, v5;
	v2 =	vadd.f32 v62, v2  }
0x36d: {  	v55 =	vld [tilespmem:$0x4300];
	v49 =	vpsel p0, v9, v1;
	v3 =	vadd.f32 v17, v6;
	v7 =	vadd.f32 v56, v47  }
0x36e: {  	v60 =	vld [tilespmem:$0x4350];
	v50 =	vpsel p0, v10, v1;
	v52 =	vadd.f32 v18, v48;
	v5 =	vadd.f32 v57, v5;
	[tilespmem:$0x4370] =	vst v2  }
0x36f: {  	v51 =	vpsel p0, v12, v1;
	v1 =	vadd.f32 v45, v50;
	v3 =	vadd.f32 v58, v3;
	[tilespmem:$0x4310] =	vst v7  }
0x370: {  	v54 =	vadd.f32 v46, v51;
	v63 =	vadd.f32 v59, v52;
	[tilespmem:$0x4320] =	vst v5  }
0x371: {  	v53 =	vadd.f32 v19, v49;
	v1 =	vadd.f32 v61, v1;
	[tilespmem:$0x4330] =	vst v3  }
0x372: {  	v8 =	vadd.f32 v55, v54;
	[tilespmem:$0x4340] =	vst v63  }
0x373: {  	v3 =	vadd.f32 v60, v53;
	[tilespmem:$0x4360] =	vst v1  }
0x374: {  	[tilespmem:$0x4300] =	vst v8  }
0x375: {  	[tilespmem:$0x4350] =	vst v3  }
.LBB2_43:
0x376: {  	p0 =	sgt.s32 s21, $0x0  }
0x377: {  	s21 =	simm.s32 @!p0 $0x0  }
0x378: {  	s1 =	smin.u32 s21, $0x80  }
0x379: {  	p0 =	sge.u32 s22, s1  }
.Ltmp26:
0x37a: {  	_ = 	snop;
	(pc) =	sbr.rel @p0 .LBB2_50-.Ltmp26, $1  }
0x37b: {  	_ =	sdelay $0x3  }
0x37c: {  	s3 =	ssub.s32 s1, s0  }
0x37d: {  	p1 =	seq.s32 s3, $0x1  }
.Ltmp27:
0x37e: {  	_ = 	snop;
	(pc) =	sbr.rel @p1 .LBB2_45-.Ltmp27, $4  }
0x37f: {  	_ = 	snop  }
0x380: {  	s5 =	sshll.u32 s0, $0x7  }
0x381: {  	s0 =	sadd.s32 $0xC0, s5  }
0x382: {  	v1 =	vimm.f32 $0.0e+00;
	p0 =	por $0x0, $0x0;
	s3 =	sadd.s32 $0xFFFFFFFF, s3;
	v3 =	vld [tilespmem:s0+$0x30]  }
0x383: {  	v4 =	vld [tilespmem:s0+$0xFFFFFFD0]  }
0x384: {  	v5 =	vld [tilespmem:s0+$0xFFFFFFE0]  }
0x385: {  	v6 =	vld [tilespmem:s0+$0xFFFFFFF0];
	p1 =	seq.s32 s3, $0x1  }
.Ltmp28:
0x386: {  	v8 =	vld [tilespmem:s0+$0x0];
	(pc) =	sbr.rel @p1 .LBB2_47-.Ltmp28, $4  }
0x387: {  	v9 =	vld [tilespmem:s0+$0x10]  }
0x388: {  	v10 =	vld [tilespmem:s0+$0x20];
	v7 =	vimm.f32 $0.0e+00;
	v11 =	vimm.f32 $0.0e+00  }
0x389: {  	v12 =	vld [tilespmem:s0+$0xFFFFFFC0];
	s0 =	sadd.s32 $0x80, s0;
	v13 =	vimm.f32 $0.0e+00;
	v2 =	vadd.f32 v3, v1;
	v4 =	vadd.f32 v4, v1  }
0x38a: {  	s3 =	sadd.s32 $0xFFFFFFFF, s3;
	p0 =	por $0x1, $0x1;
	v14 =	vimm.f32 $0.0e+00;
	v3 =	vld [tilespmem:s0+$0x30];
	v5 =	vadd.f32 v5, v1;
	v6 =	vadd.f32 v6, v1  }
.LBB2_48:
0x38b: {  	p1 =	seq.s32 s3, $0x1;
	v15 =	vld [tilespmem:s0+$0xFFFFFFD0];
	v7 =	vadd.f32 v8, v7  }
0x38c: {  	v16 =	vld [tilespmem:s0+$0xFFFFFFE0];
	v11 =	vadd.f32 v9, v11  }
0x38d: {  	v17 =	vld [tilespmem:s0+$0xFFFFFFF0];
	v13 =	vadd.f32 v10, v13  }
.Ltmp29:
0x38e: {  	v8 =	vld [tilespmem:s0+$0x0];
	v14 =	vadd.f32 v12, v14;
	(pc) =	sbr.rel @!p1 .LBB2_48-.Ltmp29, $4  }
0x38f: {  	v9 =	vld [tilespmem:s0+$0x10];
	v2 =	vadd.f32 v3, v2  }
0x390: {  	v4 =	vadd.f32 v15, v4;
	v10 =	vld [tilespmem:s0+$0x20]  }
0x391: {  	v12 =	vld [tilespmem:s0+$0xFFFFFFC0];
	v5 =	vadd.f32 v16, v5;
	s0 =	sadd.s32 $0x80, s0  }
0x392: {  	s3 =	sadd.s32 $0xFFFFFFFF, s3;
	v3 =	vld [tilespmem:s0+$0x30];
	v6 =	vadd.f32 v17, v6  }
.LBB2_49:
0x393: {  	v15 =	vld [tilespmem:s0+$0xFFFFFFD0]  }
0x394: {  	v16 =	vld [tilespmem:s0+$0xFFFFFFE0]  }
0x395: {  	v17 =	vld [tilespmem:s0+$0xFFFFFFF0]  }
0x396: {  	v18 =	vld [tilespmem:s0+$0x0]  }
0x397: {  	v19 =	vld [tilespmem:s0+$0x10]  }
0x398: {  	v45 =	vld [tilespmem:s0+$0x20]  }
0x399: {  	v46 =	vld [tilespmem:s0+$0xFFFFFFC0]  }
0x39a: {  	v62 =	vld [tilespmem:$0x43F0]  }
0x39b: {  	v56 =	vld [tilespmem:$0x4390]  }
0x39c: {  	v8 =	vadd.f32 @p0 v8, v7;
	v57 =	vld [tilespmem:$0x43A0];
	v9 =	vadd.f32 @p0 v9, v11  }
0x39d: {  	v58 =	vld [tilespmem:$0x43B0];
	v10 =	vadd.f32 @p0 v10, v13;
	v2 =	vadd.f32 v3, v2  }
0x39e: {  	v59 =	vld [tilespmem:$0x43C0];
	v12 =	vadd.f32 @p0 v12, v14;
	v47 =	vadd.f32 v15, v4  }
0x39f: {  	v61 =	vld [tilespmem:$0x43E0];
	v48 =	vpsel p0, v8, v1;
	v5 =	vadd.f32 v16, v5;
	v2 =	vadd.f32 v62, v2  }
0x3a0: {  	v55 =	vld [tilespmem:$0x4380];
	v49 =	vpsel p0, v9, v1;
	v3 =	vadd.f32 v17, v6;
	v7 =	vadd.f32 v56, v47  }
0x3a1: {  	v60 =	vld [tilespmem:$0x43D0];
	v50 =	vpsel p0, v10, v1;
	v52 =	vadd.f32 v18, v48;
	v5 =	vadd.f32 v57, v5;
	[tilespmem:$0x43F0] =	vst v2  }
0x3a2: {  	v51 =	vpsel p0, v12, v1;
	v1 =	vadd.f32 v45, v50;
	v3 =	vadd.f32 v58, v3;
	[tilespmem:$0x4390] =	vst v7  }
0x3a3: {  	v54 =	vadd.f32 v46, v51;
	v63 =	vadd.f32 v59, v52;
	[tilespmem:$0x43A0] =	vst v5  }
0x3a4: {  	v53 =	vadd.f32 v19, v49;
	v1 =	vadd.f32 v61, v1;
	[tilespmem:$0x43B0] =	vst v3  }
0x3a5: {  	v8 =	vadd.f32 v55, v54;
	[tilespmem:$0x43C0] =	vst v63  }
0x3a6: {  	v3 =	vadd.f32 v60, v53;
	[tilespmem:$0x43E0] =	vst v1  }
0x3a7: {  	[tilespmem:$0x4380] =	vst v8  }
0x3a8: {  	[tilespmem:$0x43D0] =	vst v3  }
.LBB2_50:
0x3a9: {  	p0 =	sgt.s32 s20, $0x0  }
0x3aa: {  	s20 =	simm.s32 @!p0 $0x0  }
0x3ab: {  	s0 =	smin.u32 s20, $0x80  }
0x3ac: {  	p0 =	sge.u32 s21, s0  }
.Ltmp30:
0x3ad: {  	_ = 	snop;
	(pc) =	sbr.rel @p0 .LBB2_57-.Ltmp30, $1  }
0x3ae: {  	_ =	sdelay $0x3  }
0x3af: {  	s3 =	ssub.s32 s0, s1  }
0x3b0: {  	p1 =	seq.s32 s3, $0x1  }
.Ltmp31:
0x3b1: {  	_ = 	snop;
	(pc) =	sbr.rel @p1 .LBB2_52-.Ltmp31, $4  }
0x3b2: {  	_ = 	snop  }
0x3b3: {  	s5 =	sshll.u32 s1, $0x7  }
0x3b4: {  	s1 =	sadd.s32 $0xC0, s5  }
0x3b5: {  	v1 =	vimm.f32 $0.0e+00;
	p0 =	por $0x0, $0x0;
	s3 =	sadd.s32 $0xFFFFFFFF, s3;
	v3 =	vld [tilespmem:s1+$0x30]  }
0x3b6: {  	v4 =	vld [tilespmem:s1+$0xFFFFFFD0]  }
0x3b7: {  	v5 =	vld [tilespmem:s1+$0xFFFFFFE0]  }
0x3b8: {  	v6 =	vld [tilespmem:s1+$0xFFFFFFF0];
	p1 =	seq.s32 s3, $0x1  }
.Ltmp32:
0x3b9: {  	v8 =	vld [tilespmem:s1+$0x0];
	(pc) =	sbr.rel @p1 .LBB2_54-.Ltmp32, $4  }
0x3ba: {  	v9 =	vld [tilespmem:s1+$0x10]  }
0x3bb: {  	v10 =	vld [tilespmem:s1+$0x20];
	v7 =	vimm.f32 $0.0e+00;
	v11 =	vimm.f32 $0.0e+00  }
0x3bc: {  	v12 =	vld [tilespmem:s1+$0xFFFFFFC0];
	s1 =	sadd.s32 $0x80, s1;
	v13 =	vimm.f32 $0.0e+00;
	v2 =	vadd.f32 v3, v1;
	v4 =	vadd.f32 v4, v1  }
0x3bd: {  	s3 =	sadd.s32 $0xFFFFFFFF, s3;
	p0 =	por $0x1, $0x1;
	v14 =	vimm.f32 $0.0e+00;
	v3 =	vld [tilespmem:s1+$0x30];
	v5 =	vadd.f32 v5, v1;
	v6 =	vadd.f32 v6, v1  }
.LBB2_55:
0x3be: {  	p1 =	seq.s32 s3, $0x1;
	v15 =	vld [tilespmem:s1+$0xFFFFFFD0];
	v7 =	vadd.f32 v8, v7  }
0x3bf: {  	v16 =	vld [tilespmem:s1+$0xFFFFFFE0];
	v11 =	vadd.f32 v9, v11  }
0x3c0: {  	v17 =	vld [tilespmem:s1+$0xFFFFFFF0];
	v13 =	vadd.f32 v10, v13  }
.Ltmp33:
0x3c1: {  	v8 =	vld [tilespmem:s1+$0x0];
	v14 =	vadd.f32 v12, v14;
	(pc) =	sbr.rel @!p1 .LBB2_55-.Ltmp33, $4  }
0x3c2: {  	v9 =	vld [tilespmem:s1+$0x10];
	v2 =	vadd.f32 v3, v2  }
0x3c3: {  	v4 =	vadd.f32 v15, v4;
	v10 =	vld [tilespmem:s1+$0x20]  }
0x3c4: {  	v12 =	vld [tilespmem:s1+$0xFFFFFFC0];
	v5 =	vadd.f32 v16, v5;
	s1 =	sadd.s32 $0x80, s1  }
0x3c5: {  	s3 =	sadd.s32 $0xFFFFFFFF, s3;
	v3 =	vld [tilespmem:s1+$0x30];
	v6 =	vadd.f32 v17, v6  }
.LBB2_56:
0x3c6: {  	v15 =	vld [tilespmem:s1+$0xFFFFFFD0]  }
0x3c7: {  	v16 =	vld [tilespmem:s1+$0xFFFFFFE0]  }
0x3c8: {  	v17 =	vld [tilespmem:s1+$0xFFFFFFF0]  }
0x3c9: {  	v18 =	vld [tilespmem:s1+$0x0]  }
0x3ca: {  	v19 =	vld [tilespmem:s1+$0x10]  }
0x3cb: {  	v45 =	vld [tilespmem:s1+$0x20]  }
0x3cc: {  	v46 =	vld [tilespmem:s1+$0xFFFFFFC0]  }
0x3cd: {  	v62 =	vld [tilespmem:$0x4470]  }
0x3ce: {  	v56 =	vld [tilespmem:$0x4410]  }
0x3cf: {  	v8 =	vadd.f32 @p0 v8, v7;
	v57 =	vld [tilespmem:$0x4420];
	v9 =	vadd.f32 @p0 v9, v11  }
0x3d0: {  	v58 =	vld [tilespmem:$0x4430];
	v10 =	vadd.f32 @p0 v10, v13;
	v2 =	vadd.f32 v3, v2  }
0x3d1: {  	v59 =	vld [tilespmem:$0x4440];
	v12 =	vadd.f32 @p0 v12, v14;
	v47 =	vadd.f32 v15, v4  }
0x3d2: {  	v61 =	vld [tilespmem:$0x4460];
	v48 =	vpsel p0, v8, v1;
	v5 =	vadd.f32 v16, v5;
	v2 =	vadd.f32 v62, v2  }
0x3d3: {  	v55 =	vld [tilespmem:$0x4400];
	v49 =	vpsel p0, v9, v1;
	v3 =	vadd.f32 v17, v6;
	v7 =	vadd.f32 v56, v47  }
0x3d4: {  	v60 =	vld [tilespmem:$0x4450];
	v50 =	vpsel p0, v10, v1;
	v52 =	vadd.f32 v18, v48;
	v5 =	vadd.f32 v57, v5;
	[tilespmem:$0x4470] =	vst v2  }
0x3d5: {  	v51 =	vpsel p0, v12, v1;
	v1 =	vadd.f32 v45, v50;
	v3 =	vadd.f32 v58, v3;
	[tilespmem:$0x4410] =	vst v7  }
0x3d6: {  	v54 =	vadd.f32 v46, v51;
	v63 =	vadd.f32 v59, v52;
	[tilespmem:$0x4420] =	vst v5  }
0x3d7: {  	v53 =	vadd.f32 v19, v49;
	v1 =	vadd.f32 v61, v1;
	[tilespmem:$0x4430] =	vst v3  }
0x3d8: {  	v8 =	vadd.f32 v55, v54;
	[tilespmem:$0x4440] =	vst v63  }
0x3d9: {  	v3 =	vadd.f32 v60, v53;
	[tilespmem:$0x4460] =	vst v1  }
0x3da: {  	[tilespmem:$0x4400] =	vst v8  }
0x3db: {  	[tilespmem:$0x4450] =	vst v3  }
.LBB2_57:
0x3dc: {  	p0 =	sgt.s32 s19, $0x0  }
0x3dd: {  	s19 =	simm.s32 @!p0 $0x0  }
0x3de: {  	s1 =	smin.u32 s19, $0x80  }
0x3df: {  	p0 =	sge.u32 s20, s1  }
.Ltmp34:
0x3e0: {  	_ = 	snop;
	(pc) =	sbr.rel @p0 .LBB2_64-.Ltmp34, $1  }
0x3e1: {  	_ =	sdelay $0x3  }
0x3e2: {  	s3 =	ssub.s32 s1, s0  }
0x3e3: {  	p1 =	seq.s32 s3, $0x1  }
.Ltmp35:
0x3e4: {  	_ = 	snop;
	(pc) =	sbr.rel @p1 .LBB2_59-.Ltmp35, $4  }
0x3e5: {  	_ = 	snop  }
0x3e6: {  	s5 =	sshll.u32 s0, $0x7  }
0x3e7: {  	s0 =	sadd.s32 $0xC0, s5  }
0x3e8: {  	v1 =	vimm.f32 $0.0e+00;
	p0 =	por $0x0, $0x0;
	s3 =	sadd.s32 $0xFFFFFFFF, s3;
	v3 =	vld [tilespmem:s0+$0x30]  }
0x3e9: {  	v4 =	vld [tilespmem:s0+$0xFFFFFFD0]  }
0x3ea: {  	v5 =	vld [tilespmem:s0+$0xFFFFFFE0]  }
0x3eb: {  	v6 =	vld [tilespmem:s0+$0xFFFFFFF0];
	p1 =	seq.s32 s3, $0x1  }
.Ltmp36:
0x3ec: {  	v8 =	vld [tilespmem:s0+$0x0];
	(pc) =	sbr.rel @p1 .LBB2_61-.Ltmp36, $4  }
0x3ed: {  	v9 =	vld [tilespmem:s0+$0x10]  }
0x3ee: {  	v10 =	vld [tilespmem:s0+$0x20];
	v7 =	vimm.f32 $0.0e+00;
	v11 =	vimm.f32 $0.0e+00  }
0x3ef: {  	v12 =	vld [tilespmem:s0+$0xFFFFFFC0];
	s0 =	sadd.s32 $0x80, s0;
	v13 =	vimm.f32 $0.0e+00;
	v2 =	vadd.f32 v3, v1;
	v4 =	vadd.f32 v4, v1  }
0x3f0: {  	s3 =	sadd.s32 $0xFFFFFFFF, s3;
	p0 =	por $0x1, $0x1;
	v14 =	vimm.f32 $0.0e+00;
	v3 =	vld [tilespmem:s0+$0x30];
	v5 =	vadd.f32 v5, v1;
	v6 =	vadd.f32 v6, v1  }
.LBB2_62:
0x3f1: {  	p1 =	seq.s32 s3, $0x1;
	v15 =	vld [tilespmem:s0+$0xFFFFFFD0];
	v7 =	vadd.f32 v8, v7  }
0x3f2: {  	v16 =	vld [tilespmem:s0+$0xFFFFFFE0];
	v11 =	vadd.f32 v9, v11  }
0x3f3: {  	v17 =	vld [tilespmem:s0+$0xFFFFFFF0];
	v13 =	vadd.f32 v10, v13  }
.Ltmp37:
0x3f4: {  	v8 =	vld [tilespmem:s0+$0x0];
	v14 =	vadd.f32 v12, v14;
	(pc) =	sbr.rel @!p1 .LBB2_62-.Ltmp37, $4  }
0x3f5: {  	v9 =	vld [tilespmem:s0+$0x10];
	v2 =	vadd.f32 v3, v2  }
0x3f6: {  	v4 =	vadd.f32 v15, v4;
	v10 =	vld [tilespmem:s0+$0x20]  }
0x3f7: {  	v12 =	vld [tilespmem:s0+$0xFFFFFFC0];
	v5 =	vadd.f32 v16, v5;
	s0 =	sadd.s32 $0x80, s0  }
0x3f8: {  	s3 =	sadd.s32 $0xFFFFFFFF, s3;
	v3 =	vld [tilespmem:s0+$0x30];
	v6 =	vadd.f32 v17, v6  }
.LBB2_63:
0x3f9: {  	v15 =	vld [tilespmem:s0+$0xFFFFFFD0]  }
0x3fa: {  	v16 =	vld [tilespmem:s0+$0xFFFFFFE0]  }
0x3fb: {  	v17 =	vld [tilespmem:s0+$0xFFFFFFF0]  }
0x3fc: {  	v18 =	vld [tilespmem:s0+$0x0]  }
0x3fd: {  	v19 =	vld [tilespmem:s0+$0x10]  }
0x3fe: {  	v45 =	vld [tilespmem:s0+$0x20]  }
0x3ff: {  	v46 =	vld [tilespmem:s0+$0xFFFFFFC0]  }
0x400: {  	v62 =	vld [tilespmem:$0x48F0]  }
0x401: {  	v56 =	vld [tilespmem:$0x4890]  }
0x402: {  	v8 =	vadd.f32 @p0 v8, v7;
	v57 =	vld [tilespmem:$0x48A0];
	v9 =	vadd.f32 @p0 v9, v11  }
0x403: {  	v58 =	vld [tilespmem:$0x48B0];
	v10 =	vadd.f32 @p0 v10, v13;
	v2 =	vadd.f32 v3, v2  }
0x404: {  	v59 =	vld [tilespmem:$0x48C0];
	v12 =	vadd.f32 @p0 v12, v14;
	v47 =	vadd.f32 v15, v4  }
0x405: {  	v61 =	vld [tilespmem:$0x48E0];
	v48 =	vpsel p0, v8, v1;
	v5 =	vadd.f32 v16, v5;
	v2 =	vadd.f32 v62, v2  }
0x406: {  	v55 =	vld [tilespmem:$0x4880];
	v49 =	vpsel p0, v9, v1;
	v3 =	vadd.f32 v17, v6;
	v7 =	vadd.f32 v56, v47  }
0x407: {  	v60 =	vld [tilespmem:$0x48D0];
	v50 =	vpsel p0, v10, v1;
	v52 =	vadd.f32 v18, v48;
	v5 =	vadd.f32 v57, v5;
	[tilespmem:$0x48F0] =	vst v2  }
0x408: {  	v51 =	vpsel p0, v12, v1;
	v1 =	vadd.f32 v45, v50;
	v3 =	vadd.f32 v58, v3;
	[tilespmem:$0x4890] =	vst v7  }
0x409: {  	v54 =	vadd.f32 v46, v51;
	v63 =	vadd.f32 v59, v52;
	[tilespmem:$0x48A0] =	vst v5  }
0x40a: {  	v53 =	vadd.f32 v19, v49;
	v1 =	vadd.f32 v61, v1;
	[tilespmem:$0x48B0] =	vst v3  }
0x40b: {  	v8 =	vadd.f32 v55, v54;
	[tilespmem:$0x48C0] =	vst v63  }
0x40c: {  	v3 =	vadd.f32 v60, v53;
	[tilespmem:$0x48E0] =	vst v1  }
0x40d: {  	[tilespmem:$0x4880] =	vst v8  }
0x40e: {  	[tilespmem:$0x48D0] =	vst v3  }
.LBB2_64:
0x40f: {  	p0 =	sgt.s32 s18, $0x0  }
0x410: {  	s18 =	simm.s32 @!p0 $0x0  }
0x411: {  	s0 =	smin.u32 s18, $0x80  }
0x412: {  	p0 =	sge.u32 s19, s0  }
.Ltmp38:
0x413: {  	_ = 	snop;
	(pc) =	sbr.rel @p0 .LBB2_71-.Ltmp38, $1  }
0x414: {  	_ =	sdelay $0x3  }
0x415: {  	s3 =	ssub.s32 s0, s1  }
0x416: {  	p1 =	seq.s32 s3, $0x1  }
.Ltmp39:
0x417: {  	_ = 	snop;
	(pc) =	sbr.rel @p1 .LBB2_66-.Ltmp39, $4  }
0x418: {  	_ = 	snop  }
0x419: {  	s5 =	sshll.u32 s1, $0x7  }
0x41a: {  	s1 =	sadd.s32 $0xC0, s5  }
0x41b: {  	v1 =	vimm.f32 $0.0e+00;
	p0 =	por $0x0, $0x0;
	s3 =	sadd.s32 $0xFFFFFFFF, s3;
	v3 =	vld [tilespmem:s1+$0x30]  }
0x41c: {  	v4 =	vld [tilespmem:s1+$0xFFFFFFD0]  }
0x41d: {  	v5 =	vld [tilespmem:s1+$0xFFFFFFE0]  }
0x41e: {  	v6 =	vld [tilespmem:s1+$0xFFFFFFF0];
	p1 =	seq.s32 s3, $0x1  }
.Ltmp40:
0x41f: {  	v8 =	vld [tilespmem:s1+$0x0];
	(pc) =	sbr.rel @p1 .LBB2_68-.Ltmp40, $4  }
0x420: {  	v9 =	vld [tilespmem:s1+$0x10]  }
0x421: {  	v10 =	vld [tilespmem:s1+$0x20];
	v7 =	vimm.f32 $0.0e+00;
	v11 =	vimm.f32 $0.0e+00  }
0x422: {  	v12 =	vld [tilespmem:s1+$0xFFFFFFC0];
	s1 =	sadd.s32 $0x80, s1;
	v13 =	vimm.f32 $0.0e+00;
	v2 =	vadd.f32 v3, v1;
	v4 =	vadd.f32 v4, v1  }
0x423: {  	s3 =	sadd.s32 $0xFFFFFFFF, s3;
	p0 =	por $0x1, $0x1;
	v14 =	vimm.f32 $0.0e+00;
	v3 =	vld [tilespmem:s1+$0x30];
	v5 =	vadd.f32 v5, v1;
	v6 =	vadd.f32 v6, v1  }
.LBB2_69:
0x424: {  	p1 =	seq.s32 s3, $0x1;
	v15 =	vld [tilespmem:s1+$0xFFFFFFD0];
	v7 =	vadd.f32 v8, v7  }
0x425: {  	v16 =	vld [tilespmem:s1+$0xFFFFFFE0];
	v11 =	vadd.f32 v9, v11  }
0x426: {  	v17 =	vld [tilespmem:s1+$0xFFFFFFF0];
	v13 =	vadd.f32 v10, v13  }
.Ltmp41:
0x427: {  	v8 =	vld [tilespmem:s1+$0x0];
	v14 =	vadd.f32 v12, v14;
	(pc) =	sbr.rel @!p1 .LBB2_69-.Ltmp41, $4  }
0x428: {  	v9 =	vld [tilespmem:s1+$0x10];
	v2 =	vadd.f32 v3, v2  }
0x429: {  	v4 =	vadd.f32 v15, v4;
	v10 =	vld [tilespmem:s1+$0x20]  }
0x42a: {  	v12 =	vld [tilespmem:s1+$0xFFFFFFC0];
	v5 =	vadd.f32 v16, v5;
	s1 =	sadd.s32 $0x80, s1  }
0x42b: {  	s3 =	sadd.s32 $0xFFFFFFFF, s3;
	v3 =	vld [tilespmem:s1+$0x30];
	v6 =	vadd.f32 v17, v6  }
.LBB2_70:
0x42c: {  	v15 =	vld [tilespmem:s1+$0xFFFFFFD0]  }
0x42d: {  	v16 =	vld [tilespmem:s1+$0xFFFFFFE0]  }
0x42e: {  	v17 =	vld [tilespmem:s1+$0xFFFFFFF0]  }
0x42f: {  	v18 =	vld [tilespmem:s1+$0x0]  }
0x430: {  	v19 =	vld [tilespmem:s1+$0x10]  }
0x431: {  	v45 =	vld [tilespmem:s1+$0x20]  }
0x432: {  	v46 =	vld [tilespmem:s1+$0xFFFFFFC0]  }
0x433: {  	v62 =	vld [tilespmem:$0x4970]  }
0x434: {  	v56 =	vld [tilespmem:$0x4910]  }
0x435: {  	v8 =	vadd.f32 @p0 v8, v7;
	v57 =	vld [tilespmem:$0x4920];
	v9 =	vadd.f32 @p0 v9, v11  }
0x436: {  	v58 =	vld [tilespmem:$0x4930];
	v10 =	vadd.f32 @p0 v10, v13;
	v2 =	vadd.f32 v3, v2  }
0x437: {  	v59 =	vld [tilespmem:$0x4940];
	v12 =	vadd.f32 @p0 v12, v14;
	v47 =	vadd.f32 v15, v4  }
0x438: {  	v61 =	vld [tilespmem:$0x4960];
	v48 =	vpsel p0, v8, v1;
	v5 =	vadd.f32 v16, v5;
	v2 =	vadd.f32 v62, v2  }
0x439: {  	v55 =	vld [tilespmem:$0x4900];
	v49 =	vpsel p0, v9, v1;
	v3 =	vadd.f32 v17, v6;
	v7 =	vadd.f32 v56, v47  }
0x43a: {  	v60 =	vld [tilespmem:$0x4950];
	v50 =	vpsel p0, v10, v1;
	v52 =	vadd.f32 v18, v48;
	v5 =	vadd.f32 v57, v5;
	[tilespmem:$0x4970] =	vst v2  }
0x43b: {  	v51 =	vpsel p0, v12, v1;
	v1 =	vadd.f32 v45, v50;
	v3 =	vadd.f32 v58, v3;
	[tilespmem:$0x4910] =	vst v7  }
0x43c: {  	v54 =	vadd.f32 v46, v51;
	v63 =	vadd.f32 v59, v52;
	[tilespmem:$0x4920] =	vst v5  }
0x43d: {  	v53 =	vadd.f32 v19, v49;
	v1 =	vadd.f32 v61, v1;
	[tilespmem:$0x4930] =	vst v3  }
0x43e: {  	v8 =	vadd.f32 v55, v54;
	[tilespmem:$0x4940] =	vst v63  }
0x43f: {  	v3 =	vadd.f32 v60, v53;
	[tilespmem:$0x4960] =	vst v1  }
0x440: {  	[tilespmem:$0x4900] =	vst v8  }
0x441: {  	[tilespmem:$0x4950] =	vst v3  }
.LBB2_71:
0x442: {  	p0 =	sgt.s32 s4, $0x0  }
0x443: {  	s4 =	simm.s32 @!p0 $0x0  }
0x444: {  	s1 =	smin.u32 s4, $0x80  }
0x445: {  	p0 =	sge.u32 s18, s1  }
.Ltmp42:
0x446: {  	_ = 	snop;
	(pc) =	sbr.rel @p0 .LBB2_78-.Ltmp42, $1  }
0x447: {  	_ =	sdelay $0x3  }
0x448: {  	s3 =	ssub.s32 s1, s0  }
0x449: {  	p1 =	seq.s32 s3, $0x1  }
.Ltmp43:
0x44a: {  	_ = 	snop;
	(pc) =	sbr.rel @p1 .LBB2_73-.Ltmp43, $4  }
0x44b: {  	_ = 	snop  }
0x44c: {  	s5 =	sshll.u32 s0, $0x7  }
0x44d: {  	s0 =	sadd.s32 $0xC0, s5  }
0x44e: {  	v1 =	vimm.f32 $0.0e+00;
	p0 =	por $0x0, $0x0;
	s3 =	sadd.s32 $0xFFFFFFFF, s3;
	v3 =	vld [tilespmem:s0+$0x30]  }
0x44f: {  	v4 =	vld [tilespmem:s0+$0xFFFFFFD0]  }
0x450: {  	v5 =	vld [tilespmem:s0+$0xFFFFFFE0]  }
0x451: {  	v6 =	vld [tilespmem:s0+$0xFFFFFFF0];
	p1 =	seq.s32 s3, $0x1  }
.Ltmp44:
0x452: {  	v8 =	vld [tilespmem:s0+$0x0];
	(pc) =	sbr.rel @p1 .LBB2_75-.Ltmp44, $4  }
0x453: {  	v9 =	vld [tilespmem:s0+$0x10]  }
0x454: {  	v10 =	vld [tilespmem:s0+$0x20];
	v7 =	vimm.f32 $0.0e+00;
	v11 =	vimm.f32 $0.0e+00  }
0x455: {  	v12 =	vld [tilespmem:s0+$0xFFFFFFC0];
	s0 =	sadd.s32 $0x80, s0;
	v13 =	vimm.f32 $0.0e+00;
	v2 =	vadd.f32 v3, v1;
	v4 =	vadd.f32 v4, v1  }
0x456: {  	s3 =	sadd.s32 $0xFFFFFFFF, s3;
	p0 =	por $0x1, $0x1;
	v14 =	vimm.f32 $0.0e+00;
	v3 =	vld [tilespmem:s0+$0x30];
	v5 =	vadd.f32 v5, v1;
	v6 =	vadd.f32 v6, v1  }
.LBB2_76:
0x457: {  	p1 =	seq.s32 s3, $0x1;
	v15 =	vld [tilespmem:s0+$0xFFFFFFD0];
	v7 =	vadd.f32 v8, v7  }
0x458: {  	v16 =	vld [tilespmem:s0+$0xFFFFFFE0];
	v11 =	vadd.f32 v9, v11  }
0x459: {  	v17 =	vld [tilespmem:s0+$0xFFFFFFF0];
	v13 =	vadd.f32 v10, v13  }
.Ltmp45:
0x45a: {  	v8 =	vld [tilespmem:s0+$0x0];
	v14 =	vadd.f32 v12, v14;
	(pc) =	sbr.rel @!p1 .LBB2_76-.Ltmp45, $4  }
0x45b: {  	v9 =	vld [tilespmem:s0+$0x10];
	v2 =	vadd.f32 v3, v2  }
0x45c: {  	v4 =	vadd.f32 v15, v4;
	v10 =	vld [tilespmem:s0+$0x20]  }
0x45d: {  	v12 =	vld [tilespmem:s0+$0xFFFFFFC0];
	v5 =	vadd.f32 v16, v5;
	s0 =	sadd.s32 $0x80, s0  }
0x45e: {  	s3 =	sadd.s32 $0xFFFFFFFF, s3;
	v3 =	vld [tilespmem:s0+$0x30];
	v6 =	vadd.f32 v17, v6  }
.LBB2_77:
0x45f: {  	v15 =	vld [tilespmem:s0+$0xFFFFFFD0]  }
0x460: {  	v16 =	vld [tilespmem:s0+$0xFFFFFFE0]  }
0x461: {  	v17 =	vld [tilespmem:s0+$0xFFFFFFF0]  }
0x462: {  	v18 =	vld [tilespmem:s0+$0x0]  }
0x463: {  	v19 =	vld [tilespmem:s0+$0x10]  }
0x464: {  	v45 =	vld [tilespmem:s0+$0x20]  }
0x465: {  	v46 =	vld [tilespmem:s0+$0xFFFFFFC0]  }
0x466: {  	v62 =	vld [tilespmem:$0x49F0]  }
0x467: {  	v56 =	vld [tilespmem:$0x4990]  }
0x468: {  	v8 =	vadd.f32 @p0 v8, v7;
	v57 =	vld [tilespmem:$0x49A0];
	v9 =	vadd.f32 @p0 v9, v11  }
0x469: {  	v58 =	vld [tilespmem:$0x49B0];
	v10 =	vadd.f32 @p0 v10, v13;
	v2 =	vadd.f32 v3, v2  }
0x46a: {  	v59 =	vld [tilespmem:$0x49C0];
	v12 =	vadd.f32 @p0 v12, v14;
	v47 =	vadd.f32 v15, v4  }
0x46b: {  	v61 =	vld [tilespmem:$0x49E0];
	v48 =	vpsel p0, v8, v1;
	v5 =	vadd.f32 v16, v5;
	v2 =	vadd.f32 v62, v2  }
0x46c: {  	v55 =	vld [tilespmem:$0x4980];
	v49 =	vpsel p0, v9, v1;
	v3 =	vadd.f32 v17, v6;
	v7 =	vadd.f32 v56, v47  }
0x46d: {  	v60 =	vld [tilespmem:$0x49D0];
	v50 =	vpsel p0, v10, v1;
	v52 =	vadd.f32 v18, v48;
	v5 =	vadd.f32 v57, v5;
	[tilespmem:$0x49F0] =	vst v2  }
0x46e: {  	v51 =	vpsel p0, v12, v1;
	v1 =	vadd.f32 v45, v50;
	v3 =	vadd.f32 v58, v3;
	[tilespmem:$0x4990] =	vst v7  }
0x46f: {  	v54 =	vadd.f32 v46, v51;
	v63 =	vadd.f32 v59, v52;
	[tilespmem:$0x49A0] =	vst v5  }
0x470: {  	v53 =	vadd.f32 v19, v49;
	v1 =	vadd.f32 v61, v1;
	[tilespmem:$0x49B0] =	vst v3  }
0x471: {  	v8 =	vadd.f32 v55, v54;
	[tilespmem:$0x49C0] =	vst v63  }
0x472: {  	v3 =	vadd.f32 v60, v53;
	[tilespmem:$0x49E0] =	vst v1  }
0x473: {  	[tilespmem:$0x4980] =	vst v8  }
0x474: {  	[tilespmem:$0x49D0] =	vst v3  }
.LBB2_78:
0x475: {  	p0 =	sgt.s32 s16, $0x0  }
0x476: {  	s16 =	simm.s32 @!p0 $0x0  }
0x477: {  	s0 =	smin.u32 s16, $0x80  }
0x478: {  	p0 =	sge.u32 s4, s0  }
.Ltmp46:
0x479: {  	_ = 	snop;
	(pc) =	sbr.rel @p0 .LBB2_85-.Ltmp46, $1  }
0x47a: {  	_ =	sdelay $0x3  }
0x47b: {  	s3 =	ssub.s32 s0, s1  }
0x47c: {  	p1 =	seq.s32 s3, $0x1  }
.Ltmp47:
0x47d: {  	_ = 	snop;
	(pc) =	sbr.rel @p1 .LBB2_80-.Ltmp47, $4  }
0x47e: {  	_ = 	snop  }
0x47f: {  	s4 =	sshll.u32 s1, $0x7  }
0x480: {  	s1 =	sadd.s32 $0xC0, s4  }
0x481: {  	v1 =	vimm.f32 $0.0e+00;
	p0 =	por $0x0, $0x0;
	s3 =	sadd.s32 $0xFFFFFFFF, s3;
	v3 =	vld [tilespmem:s1+$0x30]  }
0x482: {  	v4 =	vld [tilespmem:s1+$0xFFFFFFD0]  }
0x483: {  	v5 =	vld [tilespmem:s1+$0xFFFFFFE0]  }
0x484: {  	v6 =	vld [tilespmem:s1+$0xFFFFFFF0];
	p1 =	seq.s32 s3, $0x1  }
.Ltmp48:
0x485: {  	v8 =	vld [tilespmem:s1+$0x0];
	(pc) =	sbr.rel @p1 .LBB2_82-.Ltmp48, $4  }
0x486: {  	v9 =	vld [tilespmem:s1+$0x10]  }
0x487: {  	v10 =	vld [tilespmem:s1+$0x20];
	v7 =	vimm.f32 $0.0e+00;
	v11 =	vimm.f32 $0.0e+00  }
0x488: {  	v12 =	vld [tilespmem:s1+$0xFFFFFFC0];
	s1 =	sadd.s32 $0x80, s1;
	v13 =	vimm.f32 $0.0e+00;
	v2 =	vadd.f32 v3, v1;
	v4 =	vadd.f32 v4, v1  }
0x489: {  	s3 =	sadd.s32 $0xFFFFFFFF, s3;
	p0 =	por $0x1, $0x1;
	v14 =	vimm.f32 $0.0e+00;
	v3 =	vld [tilespmem:s1+$0x30];
	v5 =	vadd.f32 v5, v1;
	v6 =	vadd.f32 v6, v1  }
.LBB2_83:
0x48a: {  	p1 =	seq.s32 s3, $0x1;
	v15 =	vld [tilespmem:s1+$0xFFFFFFD0];
	v7 =	vadd.f32 v8, v7  }
0x48b: {  	v16 =	vld [tilespmem:s1+$0xFFFFFFE0];
	v11 =	vadd.f32 v9, v11  }
0x48c: {  	v17 =	vld [tilespmem:s1+$0xFFFFFFF0];
	v13 =	vadd.f32 v10, v13  }
.Ltmp49:
0x48d: {  	v8 =	vld [tilespmem:s1+$0x0];
	v14 =	vadd.f32 v12, v14;
	(pc) =	sbr.rel @!p1 .LBB2_83-.Ltmp49, $4  }
0x48e: {  	v9 =	vld [tilespmem:s1+$0x10];
	v2 =	vadd.f32 v3, v2  }
0x48f: {  	v4 =	vadd.f32 v15, v4;
	v10 =	vld [tilespmem:s1+$0x20]  }
0x490: {  	v12 =	vld [tilespmem:s1+$0xFFFFFFC0];
	v5 =	vadd.f32 v16, v5;
	s1 =	sadd.s32 $0x80, s1  }
0x491: {  	s3 =	sadd.s32 $0xFFFFFFFF, s3;
	v3 =	vld [tilespmem:s1+$0x30];
	v6 =	vadd.f32 v17, v6  }
.LBB2_84:
0x492: {  	v15 =	vld [tilespmem:s1+$0xFFFFFFD0]  }
0x493: {  	v16 =	vld [tilespmem:s1+$0xFFFFFFE0]  }
0x494: {  	v17 =	vld [tilespmem:s1+$0xFFFFFFF0]  }
0x495: {  	v18 =	vld [tilespmem:s1+$0x0]  }
0x496: {  	v19 =	vld [tilespmem:s1+$0x10]  }
0x497: {  	v45 =	vld [tilespmem:s1+$0x20]  }
0x498: {  	v46 =	vld [tilespmem:s1+$0xFFFFFFC0]  }
0x499: {  	v62 =	vld [tilespmem:$0x4A70]  }
0x49a: {  	v56 =	vld [tilespmem:$0x4A10]  }
0x49b: {  	v8 =	vadd.f32 @p0 v8, v7;
	v57 =	vld [tilespmem:$0x4A20];
	v9 =	vadd.f32 @p0 v9, v11  }
0x49c: {  	v58 =	vld [tilespmem:$0x4A30];
	v10 =	vadd.f32 @p0 v10, v13;
	v2 =	vadd.f32 v3, v2  }
0x49d: {  	v59 =	vld [tilespmem:$0x4A40];
	v12 =	vadd.f32 @p0 v12, v14;
	v47 =	vadd.f32 v15, v4  }
0x49e: {  	v61 =	vld [tilespmem:$0x4A60];
	v48 =	vpsel p0, v8, v1;
	v5 =	vadd.f32 v16, v5;
	v2 =	vadd.f32 v62, v2  }
0x49f: {  	v55 =	vld [tilespmem:$0x4A00];
	v49 =	vpsel p0, v9, v1;
	v3 =	vadd.f32 v17, v6;
	v7 =	vadd.f32 v56, v47  }
0x4a0: {  	v60 =	vld [tilespmem:$0x4A50];
	v50 =	vpsel p0, v10, v1;
	v52 =	vadd.f32 v18, v48;
	v5 =	vadd.f32 v57, v5;
	[tilespmem:$0x4A70] =	vst v2  }
0x4a1: {  	v51 =	vpsel p0, v12, v1;
	v1 =	vadd.f32 v45, v50;
	v3 =	vadd.f32 v58, v3;
	[tilespmem:$0x4A10] =	vst v7  }
0x4a2: {  	v54 =	vadd.f32 v46, v51;
	v63 =	vadd.f32 v59, v52;
	[tilespmem:$0x4A20] =	vst v5  }
0x4a3: {  	v53 =	vadd.f32 v19, v49;
	v1 =	vadd.f32 v61, v1;
	[tilespmem:$0x4A30] =	vst v3  }
0x4a4: {  	v8 =	vadd.f32 v55, v54;
	[tilespmem:$0x4A40] =	vst v63  }
0x4a5: {  	v3 =	vadd.f32 v60, v53;
	[tilespmem:$0x4A60] =	vst v1  }
0x4a6: {  	[tilespmem:$0x4A00] =	vst v8  }
0x4a7: {  	[tilespmem:$0x4A50] =	vst v3  }
.LBB2_85:
0x4a8: {  	p0 =	sgt.s32 s2, $0x0  }
0x4a9: {  	s2 =	simm.s32 @!p0 $0x0  }
0x4aa: {  	s3 =	smin.u32 s2, $0x80  }
0x4ab: {  	p0 =	sge.u32 s16, s3  }
.Ltmp50:
0x4ac: {  	_ = 	snop;
	(pc) =	sbr.rel @p0 .LBB2_92-.Ltmp50, $1  }
0x4ad: {  	_ =	sdelay $0x3  }
0x4ae: {  	s1 =	ssub.s32 s3, s0  }
0x4af: {  	p1 =	seq.s32 s1, $0x1  }
.Ltmp51:
0x4b0: {  	_ = 	snop;
	(pc) =	sbr.rel @p1 .LBB2_87-.Ltmp51, $4  }
0x4b1: {  	_ = 	snop  }
0x4b2: {  	s4 =	sshll.u32 s0, $0x7  }
0x4b3: {  	s0 =	sadd.s32 $0xC0, s4  }
0x4b4: {  	v1 =	vimm.f32 $0.0e+00;
	p0 =	por $0x0, $0x0;
	s1 =	sadd.s32 $0xFFFFFFFF, s1;
	v3 =	vld [tilespmem:s0+$0x30]  }
0x4b5: {  	v4 =	vld [tilespmem:s0+$0xFFFFFFD0]  }
0x4b6: {  	v5 =	vld [tilespmem:s0+$0xFFFFFFE0]  }
0x4b7: {  	v6 =	vld [tilespmem:s0+$0xFFFFFFF0];
	p1 =	seq.s32 s1, $0x1  }
.Ltmp52:
0x4b8: {  	v8 =	vld [tilespmem:s0+$0x0];
	(pc) =	sbr.rel @p1 .LBB2_89-.Ltmp52, $4  }
0x4b9: {  	v9 =	vld [tilespmem:s0+$0x10]  }
0x4ba: {  	v10 =	vld [tilespmem:s0+$0x20];
	v7 =	vimm.f32 $0.0e+00;
	v11 =	vimm.f32 $0.0e+00  }
0x4bb: {  	v12 =	vld [tilespmem:s0+$0xFFFFFFC0];
	s0 =	sadd.s32 $0x80, s0;
	v13 =	vimm.f32 $0.0e+00;
	v2 =	vadd.f32 v3, v1;
	v4 =	vadd.f32 v4, v1  }
0x4bc: {  	s1 =	sadd.s32 $0xFFFFFFFF, s1;
	p0 =	por $0x1, $0x1;
	v14 =	vimm.f32 $0.0e+00;
	v3 =	vld [tilespmem:s0+$0x30];
	v5 =	vadd.f32 v5, v1;
	v6 =	vadd.f32 v6, v1  }
.LBB2_90:
0x4bd: {  	p1 =	seq.s32 s1, $0x1;
	v15 =	vld [tilespmem:s0+$0xFFFFFFD0];
	v7 =	vadd.f32 v8, v7  }
0x4be: {  	v16 =	vld [tilespmem:s0+$0xFFFFFFE0];
	v11 =	vadd.f32 v9, v11  }
0x4bf: {  	v17 =	vld [tilespmem:s0+$0xFFFFFFF0];
	v13 =	vadd.f32 v10, v13  }
.Ltmp53:
0x4c0: {  	v8 =	vld [tilespmem:s0+$0x0];
	v14 =	vadd.f32 v12, v14;
	(pc) =	sbr.rel @!p1 .LBB2_90-.Ltmp53, $4  }
0x4c1: {  	v9 =	vld [tilespmem:s0+$0x10];
	v2 =	vadd.f32 v3, v2  }
0x4c2: {  	v4 =	vadd.f32 v15, v4;
	v10 =	vld [tilespmem:s0+$0x20]  }
0x4c3: {  	v12 =	vld [tilespmem:s0+$0xFFFFFFC0];
	v5 =	vadd.f32 v16, v5;
	s0 =	sadd.s32 $0x80, s0  }
0x4c4: {  	s1 =	sadd.s32 $0xFFFFFFFF, s1;
	v3 =	vld [tilespmem:s0+$0x30];
	v6 =	vadd.f32 v17, v6  }
.LBB2_91:
0x4c5: {  	v15 =	vld [tilespmem:s0+$0xFFFFFFD0]  }
0x4c6: {  	v16 =	vld [tilespmem:s0+$0xFFFFFFE0]  }
0x4c7: {  	v17 =	vld [tilespmem:s0+$0xFFFFFFF0]  }
0x4c8: {  	v18 =	vld [tilespmem:s0+$0x0]  }
0x4c9: {  	v19 =	vld [tilespmem:s0+$0x10]  }
0x4ca: {  	v45 =	vld [tilespmem:s0+$0x20]  }
0x4cb: {  	v46 =	vld [tilespmem:s0+$0xFFFFFFC0]  }
0x4cc: {  	v62 =	vld [tilespmem:$0x4AF0]  }
0x4cd: {  	v56 =	vld [tilespmem:$0x4A90]  }
0x4ce: {  	v8 =	vadd.f32 @p0 v8, v7;
	v57 =	vld [tilespmem:$0x4AA0];
	v9 =	vadd.f32 @p0 v9, v11  }
0x4cf: {  	v58 =	vld [tilespmem:$0x4AB0];
	v10 =	vadd.f32 @p0 v10, v13;
	v2 =	vadd.f32 v3, v2  }
0x4d0: {  	v59 =	vld [tilespmem:$0x4AC0];
	v12 =	vadd.f32 @p0 v12, v14;
	v47 =	vadd.f32 v15, v4  }
0x4d1: {  	v61 =	vld [tilespmem:$0x4AE0];
	v48 =	vpsel p0, v8, v1;
	v5 =	vadd.f32 v16, v5;
	v2 =	vadd.f32 v62, v2  }
0x4d2: {  	v55 =	vld [tilespmem:$0x4A80];
	v49 =	vpsel p0, v9, v1;
	v3 =	vadd.f32 v17, v6;
	v7 =	vadd.f32 v56, v47  }
0x4d3: {  	v60 =	vld [tilespmem:$0x4AD0];
	v50 =	vpsel p0, v10, v1;
	v52 =	vadd.f32 v18, v48;
	v5 =	vadd.f32 v57, v5;
	[tilespmem:$0x4AF0] =	vst v2  }
0x4d4: {  	v51 =	vpsel p0, v12, v1;
	v1 =	vadd.f32 v45, v50;
	v3 =	vadd.f32 v58, v3;
	[tilespmem:$0x4A90] =	vst v7  }
0x4d5: {  	v54 =	vadd.f32 v46, v51;
	v63 =	vadd.f32 v59, v52;
	[tilespmem:$0x4AA0] =	vst v5  }
0x4d6: {  	v53 =	vadd.f32 v19, v49;
	v1 =	vadd.f32 v61, v1;
	[tilespmem:$0x4AB0] =	vst v3  }
0x4d7: {  	v8 =	vadd.f32 v55, v54;
	[tilespmem:$0x4AC0] =	vst v63  }
0x4d8: {  	v3 =	vadd.f32 v60, v53;
	[tilespmem:$0x4AE0] =	vst v1  }
0x4d9: {  	[tilespmem:$0x4A80] =	vst v8  }
0x4da: {  	[tilespmem:$0x4AD0] =	vst v3  }
.LBB2_92:
0x4db: {  	p0 =	sgt.s32 s14, $0x0  }
0x4dc: {  	s14 =	simm.s32 @!p0 $0x0  }
0x4dd: {  	s1 =	smin.u32 s14, $0x80  }
0x4de: {  	p0 =	sge.u32 s2, s1  }
.Ltmp54:
0x4df: {  	_ = 	snop;
	(pc) =	sbr.rel @p0 .LBB2_99-.Ltmp54, $1  }
0x4e0: {  	_ =	sdelay $0x3  }
0x4e1: {  	s2 =	ssub.s32 s1, s3  }
0x4e2: {  	p1 =	seq.s32 s2, $0x1  }
.Ltmp55:
0x4e3: {  	_ = 	snop;
	(pc) =	sbr.rel @p1 .LBB2_94-.Ltmp55, $4  }
0x4e4: {  	_ = 	snop  }
0x4e5: {  	s0 =	sshll.u32 s3, $0x7  }
0x4e6: {  	s0 =	sadd.s32 $0xC0, s0  }
0x4e7: {  	v1 =	vimm.f32 $0.0e+00;
	p0 =	por $0x0, $0x0;
	s2 =	sadd.s32 $0xFFFFFFFF, s2;
	v3 =	vld [tilespmem:s0+$0x30]  }
0x4e8: {  	v4 =	vld [tilespmem:s0+$0xFFFFFFD0]  }
0x4e9: {  	v5 =	vld [tilespmem:s0+$0xFFFFFFE0]  }
0x4ea: {  	v6 =	vld [tilespmem:s0+$0xFFFFFFF0];
	p1 =	seq.s32 s2, $0x1  }
.Ltmp56:
0x4eb: {  	v8 =	vld [tilespmem:s0+$0x0];
	(pc) =	sbr.rel @p1 .LBB2_96-.Ltmp56, $4  }
0x4ec: {  	v9 =	vld [tilespmem:s0+$0x10]  }
0x4ed: {  	v10 =	vld [tilespmem:s0+$0x20];
	v7 =	vimm.f32 $0.0e+00;
	v11 =	vimm.f32 $0.0e+00  }
0x4ee: {  	v12 =	vld [tilespmem:s0+$0xFFFFFFC0];
	s0 =	sadd.s32 $0x80, s0;
	v13 =	vimm.f32 $0.0e+00;
	v2 =	vadd.f32 v3, v1;
	v4 =	vadd.f32 v4, v1  }
0x4ef: {  	s2 =	sadd.s32 $0xFFFFFFFF, s2;
	p0 =	por $0x1, $0x1;
	v14 =	vimm.f32 $0.0e+00;
	v3 =	vld [tilespmem:s0+$0x30];
	v5 =	vadd.f32 v5, v1;
	v6 =	vadd.f32 v6, v1  }
.LBB2_97:
0x4f0: {  	p1 =	seq.s32 s2, $0x1;
	v15 =	vld [tilespmem:s0+$0xFFFFFFD0];
	v7 =	vadd.f32 v8, v7  }
0x4f1: {  	v16 =	vld [tilespmem:s0+$0xFFFFFFE0];
	v11 =	vadd.f32 v9, v11  }
0x4f2: {  	v17 =	vld [tilespmem:s0+$0xFFFFFFF0];
	v13 =	vadd.f32 v10, v13  }
.Ltmp57:
0x4f3: {  	v8 =	vld [tilespmem:s0+$0x0];
	v14 =	vadd.f32 v12, v14;
	(pc) =	sbr.rel @!p1 .LBB2_97-.Ltmp57, $4  }
0x4f4: {  	v9 =	vld [tilespmem:s0+$0x10];
	v2 =	vadd.f32 v3, v2  }
0x4f5: {  	v4 =	vadd.f32 v15, v4;
	v10 =	vld [tilespmem:s0+$0x20]  }
0x4f6: {  	v12 =	vld [tilespmem:s0+$0xFFFFFFC0];
	v5 =	vadd.f32 v16, v5;
	s0 =	sadd.s32 $0x80, s0  }
0x4f7: {  	s2 =	sadd.s32 $0xFFFFFFFF, s2;
	v3 =	vld [tilespmem:s0+$0x30];
	v6 =	vadd.f32 v17, v6  }
.LBB2_98:
0x4f8: {  	v15 =	vld [tilespmem:s0+$0xFFFFFFD0]  }
0x4f9: {  	v16 =	vld [tilespmem:s0+$0xFFFFFFE0]  }
0x4fa: {  	v17 =	vld [tilespmem:s0+$0xFFFFFFF0]  }
0x4fb: {  	v18 =	vld [tilespmem:s0+$0x0]  }
0x4fc: {  	v19 =	vld [tilespmem:s0+$0x10]  }
0x4fd: {  	v45 =	vld [tilespmem:s0+$0x20]  }
0x4fe: {  	v46 =	vld [tilespmem:s0+$0xFFFFFFC0]  }
0x4ff: {  	v62 =	vld [tilespmem:$0x4B70]  }
0x500: {  	v56 =	vld [tilespmem:$0x4B10]  }
0x501: {  	v8 =	vadd.f32 @p0 v8, v7;
	v57 =	vld [tilespmem:$0x4B20];
	v9 =	vadd.f32 @p0 v9, v11  }
0x502: {  	v58 =	vld [tilespmem:$0x4B30];
	v10 =	vadd.f32 @p0 v10, v13;
	v2 =	vadd.f32 v3, v2  }
0x503: {  	v59 =	vld [tilespmem:$0x4B40];
	v12 =	vadd.f32 @p0 v12, v14;
	v47 =	vadd.f32 v15, v4  }
0x504: {  	v61 =	vld [tilespmem:$0x4B60];
	v48 =	vpsel p0, v8, v1;
	v5 =	vadd.f32 v16, v5;
	v2 =	vadd.f32 v62, v2  }
0x505: {  	v55 =	vld [tilespmem:$0x4B00];
	v49 =	vpsel p0, v9, v1;
	v3 =	vadd.f32 v17, v6;
	v7 =	vadd.f32 v56, v47  }
0x506: {  	v60 =	vld [tilespmem:$0x4B50];
	v50 =	vpsel p0, v10, v1;
	v52 =	vadd.f32 v18, v48;
	v5 =	vadd.f32 v57, v5;
	[tilespmem:$0x4B70] =	vst v2  }
0x507: {  	v51 =	vpsel p0, v12, v1;
	v1 =	vadd.f32 v45, v50;
	v3 =	vadd.f32 v58, v3;
	[tilespmem:$0x4B10] =	vst v7  }
0x508: {  	v54 =	vadd.f32 v46, v51;
	v63 =	vadd.f32 v59, v52;
	[tilespmem:$0x4B20] =	vst v5  }
0x509: {  	v53 =	vadd.f32 v19, v49;
	v1 =	vadd.f32 v61, v1;
	[tilespmem:$0x4B30] =	vst v3  }
0x50a: {  	v8 =	vadd.f32 v55, v54;
	[tilespmem:$0x4B40] =	vst v63  }
0x50b: {  	v3 =	vadd.f32 v60, v53;
	[tilespmem:$0x4B60] =	vst v1  }
0x50c: {  	[tilespmem:$0x4B00] =	vst v8  }
0x50d: {  	[tilespmem:$0x4B50] =	vst v3  }
.LBB2_99:
0x50e: {  	p0 =	sgt.s32 s13, $0x0;
	s0 =	smov.u32 s13  }
0x50f: {  	s0 =	simm.s32 @!p0 $0x0  }
0x510: {  	s0 =	smin.u32 s0, $0x80  }
0x511: {  	p0 =	sge.u32 s14, s0  }
.Ltmp58:
0x512: {  	_ = 	snop;
	(pc) =	sbr.rel @p0 .LBB2_106-.Ltmp58, $1  }
0x513: {  	_ =	sdelay $0x3  }
0x514: {  	s2 =	ssub.s32 s0, s1  }
0x515: {  	p1 =	seq.s32 s2, $0x1  }
.Ltmp59:
0x516: {  	_ = 	snop;
	(pc) =	sbr.rel @p1 .LBB2_101-.Ltmp59, $4  }
0x517: {  	_ = 	snop  }
0x518: {  	s3 =	sshll.u32 s1, $0x7  }
0x519: {  	s1 =	sadd.s32 $0xC0, s3  }
0x51a: {  	v1 =	vimm.f32 $0.0e+00;
	p0 =	por $0x0, $0x0;
	s2 =	sadd.s32 $0xFFFFFFFF, s2;
	v3 =	vld [tilespmem:s1+$0x30]  }
0x51b: {  	v4 =	vld [tilespmem:s1+$0xFFFFFFD0]  }
0x51c: {  	v5 =	vld [tilespmem:s1+$0xFFFFFFE0]  }
0x51d: {  	v6 =	vld [tilespmem:s1+$0xFFFFFFF0];
	p1 =	seq.s32 s2, $0x1  }
.Ltmp60:
0x51e: {  	v8 =	vld [tilespmem:s1+$0x0];
	(pc) =	sbr.rel @p1 .LBB2_103-.Ltmp60, $4  }
0x51f: {  	v9 =	vld [tilespmem:s1+$0x10]  }
0x520: {  	v10 =	vld [tilespmem:s1+$0x20];
	v7 =	vimm.f32 $0.0e+00;
	v11 =	vimm.f32 $0.0e+00  }
0x521: {  	v12 =	vld [tilespmem:s1+$0xFFFFFFC0];
	s1 =	sadd.s32 $0x80, s1;
	v13 =	vimm.f32 $0.0e+00;
	v2 =	vadd.f32 v3, v1;
	v4 =	vadd.f32 v4, v1  }
0x522: {  	s2 =	sadd.s32 $0xFFFFFFFF, s2;
	p0 =	por $0x1, $0x1;
	v14 =	vimm.f32 $0.0e+00;
	v3 =	vld [tilespmem:s1+$0x30];
	v5 =	vadd.f32 v5, v1;
	v6 =	vadd.f32 v6, v1  }
.LBB2_104:
0x523: {  	p1 =	seq.s32 s2, $0x1;
	v15 =	vld [tilespmem:s1+$0xFFFFFFD0];
	v7 =	vadd.f32 v8, v7  }
0x524: {  	v16 =	vld [tilespmem:s1+$0xFFFFFFE0];
	v11 =	vadd.f32 v9, v11  }
0x525: {  	v17 =	vld [tilespmem:s1+$0xFFFFFFF0];
	v13 =	vadd.f32 v10, v13  }
.Ltmp61:
0x526: {  	v8 =	vld [tilespmem:s1+$0x0];
	v14 =	vadd.f32 v12, v14;
	(pc) =	sbr.rel @!p1 .LBB2_104-.Ltmp61, $4  }
0x527: {  	v9 =	vld [tilespmem:s1+$0x10];
	v2 =	vadd.f32 v3, v2  }
0x528: {  	v4 =	vadd.f32 v15, v4;
	v10 =	vld [tilespmem:s1+$0x20]  }
0x529: {  	v12 =	vld [tilespmem:s1+$0xFFFFFFC0];
	v5 =	vadd.f32 v16, v5;
	s1 =	sadd.s32 $0x80, s1  }
0x52a: {  	s2 =	sadd.s32 $0xFFFFFFFF, s2;
	v3 =	vld [tilespmem:s1+$0x30];
	v6 =	vadd.f32 v17, v6  }
.LBB2_105:
0x52b: {  	v15 =	vld [tilespmem:s1+$0xFFFFFFD0]  }
0x52c: {  	v16 =	vld [tilespmem:s1+$0xFFFFFFE0]  }
0x52d: {  	v17 =	vld [tilespmem:s1+$0xFFFFFFF0]  }
0x52e: {  	v18 =	vld [tilespmem:s1+$0x0]  }
0x52f: {  	v19 =	vld [tilespmem:s1+$0x10]  }
0x530: {  	v45 =	vld [tilespmem:s1+$0x20]  }
0x531: {  	v46 =	vld [tilespmem:s1+$0xFFFFFFC0]  }
0x532: {  	v62 =	vld [tilespmem:$0x4BF0]  }
0x533: {  	v56 =	vld [tilespmem:$0x4B90]  }
0x534: {  	v8 =	vadd.f32 @p0 v8, v7;
	v57 =	vld [tilespmem:$0x4BA0];
	v9 =	vadd.f32 @p0 v9, v11  }
0x535: {  	v58 =	vld [tilespmem:$0x4BB0];
	v10 =	vadd.f32 @p0 v10, v13;
	v2 =	vadd.f32 v3, v2  }
0x536: {  	v59 =	vld [tilespmem:$0x4BC0];
	v12 =	vadd.f32 @p0 v12, v14;
	v47 =	vadd.f32 v15, v4  }
0x537: {  	v61 =	vld [tilespmem:$0x4BE0];
	v48 =	vpsel p0, v8, v1;
	v5 =	vadd.f32 v16, v5;
	v2 =	vadd.f32 v62, v2  }
0x538: {  	v55 =	vld [tilespmem:$0x4B80];
	v49 =	vpsel p0, v9, v1;
	v3 =	vadd.f32 v17, v6;
	v7 =	vadd.f32 v56, v47  }
0x539: {  	v60 =	vld [tilespmem:$0x4BD0];
	v50 =	vpsel p0, v10, v1;
	v52 =	vadd.f32 v18, v48;
	v5 =	vadd.f32 v57, v5;
	[tilespmem:$0x4BF0] =	vst v2  }
0x53a: {  	v51 =	vpsel p0, v12, v1;
	v1 =	vadd.f32 v45, v50;
	v3 =	vadd.f32 v58, v3;
	[tilespmem:$0x4B90] =	vst v7  }
0x53b: {  	v54 =	vadd.f32 v46, v51;
	v63 =	vadd.f32 v59, v52;
	[tilespmem:$0x4BA0] =	vst v5  }
0x53c: {  	v53 =	vadd.f32 v19, v49;
	v1 =	vadd.f32 v61, v1;
	[tilespmem:$0x4BB0] =	vst v3  }
0x53d: {  	v8 =	vadd.f32 v55, v54;
	[tilespmem:$0x4BC0] =	vst v63  }
0x53e: {  	v3 =	vadd.f32 v60, v53;
	[tilespmem:$0x4BE0] =	vst v1  }
0x53f: {  	[tilespmem:$0x4B80] =	vst v8  }
0x540: {  	[tilespmem:$0x4BD0] =	vst v3  }
.LBB2_106:
0x541: {  	p0 =	sgt.s32 s13, $0x7F  }
.Ltmp62:
0x542: {  	_ = 	snop;
	(pc) =	sbr.rel @p0 .LBB2_110-.Ltmp62, $1  }
0x543: {  	_ =	sdelay $0x3  }
0x544: {  	s1 =	sshll.u32 s0, $0x7  }
0x545: {  	s2 =	smax.u32 s0, $0x7F;
	s1 =	sadd.s32 $0xC0, s1  }
0x546: {  	s2 =	sxor.u32 $0xFFFFFFFF, s2;
	v1 =	vld [tilespmem:s1+$0x30]  }
0x547: {  	v3 =	vld [tilespmem:s1+$0xFFFFFFD0];
	s31 =	sadd.s32 s0, s2  }
0x548: {  	v4 =	vld [tilespmem:s1+$0xFFFFFFE0];
	s0 =	sadd.s32 $0x1, s31  }
0x549: {  	v11 =	vld [tilespmem:s1+$0xFFFFFFF0];
	p0 =	seq.s32 s0, $0x0  }
.Ltmp63:
0x54a: {  	v9 =	vld [tilespmem:s1+$0x0];
	(pc) =	sbr.rel @p0 .LBB2_109-.Ltmp63, $4  }
0x54b: {  	v5 =	vld [tilespmem:s1+$0x10]  }
0x54c: {  	v2 =	vimm.f32 $0.0e+00;
	v8 =	vimm.f32 $0.0e+00;
	v10 =	vld [tilespmem:s1+$0x20]  }
0x54d: {  	v6 =	vimm.f32 $0.0e+00;
	v12 =	vimm.f32 $0.0e+00;
	v13 =	vld [tilespmem:s1+$0xFFFFFFC0];
	v1 =	vadd.f32 v1, v2  }
0x54e: {  	s1 =	sadd.s32 $0x80, s1;
	v7 =	vadd.f32 v3, v2;
	v4 =	vadd.f32 v4, v2;
	v3 =	vimm.f32 $0.0e+00  }
.LBB2_108:
0x54f: {  	v14 =	vld [tilespmem:s1+$0x30];
	s0 =	sadd.s32 $0x1, s0;
	v2 =	vadd.f32 v11, v2  }
0x550: {  	v8 =	vadd.f32 v9, v8;
	v15 =	vld [tilespmem:s1+$0xFFFFFFD0];
	p0 =	seq.s32 s0, $0x0  }
0x551: {  	v6 =	vadd.f32 v5, v6;
	v16 =	vld [tilespmem:s1+$0xFFFFFFE0]  }
.Ltmp64:
0x552: {  	v3 =	vadd.f32 v10, v3;
	v11 =	vld [tilespmem:s1+$0xFFFFFFF0];
	(pc) =	sbr.rel @!p0 .LBB2_108-.Ltmp64, $4  }
0x553: {  	v12 =	vadd.f32 v13, v12;
	v9 =	vld [tilespmem:s1+$0x0]  }
0x554: {  	v5 =	vld [tilespmem:s1+$0x10];
	v1 =	vadd.f32 v14, v1  }
0x555: {  	v7 =	vadd.f32 v15, v7;
	v10 =	vld [tilespmem:s1+$0x20]  }
0x556: {  	v13 =	vld [tilespmem:s1+$0xFFFFFFC0];
	v4 =	vadd.f32 v16, v4;
	s1 =	sadd.s32 $0x80, s1  }
.Ltmp65:
0x557: {  	_ = 	snop;
	(pc) =	sbr.rel .LBB2_109-.Ltmp65, $1  }
0x558: {  	_ =	sdelay $0x3  }
.LBB2_3:
.Ltmp66:
0x559: {  	(pc) =	sbr.rel .LBB2_7-.Ltmp66, $4  }
0x55a: {  	_ = 	snop  }
0x55b: {  	v7 =	vimm.f32 $0.0e+00;
	v11 =	vimm.f32 $0.0e+00  }
0x55c: {  	v13 =	vimm.f32 $0.0e+00;
	v14 =	vimm.f32 $0.0e+00;
	v2 =	vimm.f32 $0.0e+00  }
0x55d: {  	v4 =	vimm.f32 $0.0e+00;
	v5 =	vimm.f32 $0.0e+00;
	v6 =	vimm.f32 $0.0e+00  }
.LBB2_5:
.Ltmp67:
0x55e: {  	(pc) =	sbr.rel .LBB2_7-.Ltmp67, $3  }
0x55f: {  	_ =	sdelay $0x1  }
0x560: {  	v7 =	vimm.f32 $0.0e+00  }
0x561: {  	v11 =	vimm.f32 $0.0e+00;
	v13 =	vimm.f32 $0.0e+00;
	v14 =	vimm.f32 $0.0e+00  }
.LBB2_10:
.Ltmp68:
0x562: {  	(pc) =	sbr.rel .LBB2_14-.Ltmp68, $4  }
0x563: {  	_ = 	snop  }
0x564: {  	v7 =	vimm.f32 $0.0e+00;
	v11 =	vimm.f32 $0.0e+00  }
0x565: {  	v13 =	vimm.f32 $0.0e+00;
	v14 =	vimm.f32 $0.0e+00;
	v2 =	vimm.f32 $0.0e+00  }
0x566: {  	v4 =	vimm.f32 $0.0e+00;
	v5 =	vimm.f32 $0.0e+00;
	v6 =	vimm.f32 $0.0e+00  }
.LBB2_17:
.Ltmp69:
0x567: {  	(pc) =	sbr.rel .LBB2_21-.Ltmp69, $4  }
0x568: {  	_ = 	snop  }
0x569: {  	v7 =	vimm.f32 $0.0e+00;
	v11 =	vimm.f32 $0.0e+00  }
0x56a: {  	v13 =	vimm.f32 $0.0e+00;
	v14 =	vimm.f32 $0.0e+00;
	v2 =	vimm.f32 $0.0e+00  }
0x56b: {  	v4 =	vimm.f32 $0.0e+00;
	v5 =	vimm.f32 $0.0e+00;
	v6 =	vimm.f32 $0.0e+00  }
.LBB2_24:
.Ltmp70:
0x56c: {  	(pc) =	sbr.rel .LBB2_28-.Ltmp70, $4  }
0x56d: {  	_ = 	snop  }
0x56e: {  	v7 =	vimm.f32 $0.0e+00;
	v11 =	vimm.f32 $0.0e+00  }
0x56f: {  	v13 =	vimm.f32 $0.0e+00;
	v14 =	vimm.f32 $0.0e+00;
	v2 =	vimm.f32 $0.0e+00  }
0x570: {  	v4 =	vimm.f32 $0.0e+00;
	v5 =	vimm.f32 $0.0e+00;
	v6 =	vimm.f32 $0.0e+00  }
.LBB2_31:
.Ltmp71:
0x571: {  	(pc) =	sbr.rel .LBB2_35-.Ltmp71, $4  }
0x572: {  	_ = 	snop  }
0x573: {  	v7 =	vimm.f32 $0.0e+00;
	v11 =	vimm.f32 $0.0e+00  }
0x574: {  	v13 =	vimm.f32 $0.0e+00;
	v14 =	vimm.f32 $0.0e+00;
	v2 =	vimm.f32 $0.0e+00  }
0x575: {  	v4 =	vimm.f32 $0.0e+00;
	v5 =	vimm.f32 $0.0e+00;
	v6 =	vimm.f32 $0.0e+00  }
.LBB2_38:
.Ltmp72:
0x576: {  	(pc) =	sbr.rel .LBB2_42-.Ltmp72, $4  }
0x577: {  	_ = 	snop  }
0x578: {  	v7 =	vimm.f32 $0.0e+00;
	v11 =	vimm.f32 $0.0e+00  }
0x579: {  	v13 =	vimm.f32 $0.0e+00;
	v14 =	vimm.f32 $0.0e+00;
	v2 =	vimm.f32 $0.0e+00  }
0x57a: {  	v4 =	vimm.f32 $0.0e+00;
	v5 =	vimm.f32 $0.0e+00;
	v6 =	vimm.f32 $0.0e+00  }
.LBB2_45:
.Ltmp73:
0x57b: {  	(pc) =	sbr.rel .LBB2_49-.Ltmp73, $4  }
0x57c: {  	_ = 	snop  }
0x57d: {  	v7 =	vimm.f32 $0.0e+00;
	v11 =	vimm.f32 $0.0e+00  }
0x57e: {  	v13 =	vimm.f32 $0.0e+00;
	v14 =	vimm.f32 $0.0e+00;
	v2 =	vimm.f32 $0.0e+00  }
0x57f: {  	v4 =	vimm.f32 $0.0e+00;
	v5 =	vimm.f32 $0.0e+00;
	v6 =	vimm.f32 $0.0e+00  }
.LBB2_52:
.Ltmp74:
0x580: {  	(pc) =	sbr.rel .LBB2_56-.Ltmp74, $4  }
0x581: {  	_ = 	snop  }
0x582: {  	v7 =	vimm.f32 $0.0e+00;
	v11 =	vimm.f32 $0.0e+00  }
0x583: {  	v13 =	vimm.f32 $0.0e+00;
	v14 =	vimm.f32 $0.0e+00;
	v2 =	vimm.f32 $0.0e+00  }
0x584: {  	v4 =	vimm.f32 $0.0e+00;
	v5 =	vimm.f32 $0.0e+00;
	v6 =	vimm.f32 $0.0e+00  }
.LBB2_59:
.Ltmp75:
0x585: {  	(pc) =	sbr.rel .LBB2_63-.Ltmp75, $4  }
0x586: {  	_ = 	snop  }
0x587: {  	v7 =	vimm.f32 $0.0e+00;
	v11 =	vimm.f32 $0.0e+00  }
0x588: {  	v13 =	vimm.f32 $0.0e+00;
	v14 =	vimm.f32 $0.0e+00;
	v2 =	vimm.f32 $0.0e+00  }
0x589: {  	v4 =	vimm.f32 $0.0e+00;
	v5 =	vimm.f32 $0.0e+00;
	v6 =	vimm.f32 $0.0e+00  }
.LBB2_66:
.Ltmp76:
0x58a: {  	(pc) =	sbr.rel .LBB2_70-.Ltmp76, $4  }
0x58b: {  	_ = 	snop  }
0x58c: {  	v7 =	vimm.f32 $0.0e+00;
	v11 =	vimm.f32 $0.0e+00  }
0x58d: {  	v13 =	vimm.f32 $0.0e+00;
	v14 =	vimm.f32 $0.0e+00;
	v2 =	vimm.f32 $0.0e+00  }
0x58e: {  	v4 =	vimm.f32 $0.0e+00;
	v5 =	vimm.f32 $0.0e+00;
	v6 =	vimm.f32 $0.0e+00  }
.LBB2_73:
.Ltmp77:
0x58f: {  	(pc) =	sbr.rel .LBB2_77-.Ltmp77, $4  }
0x590: {  	_ = 	snop  }
0x591: {  	v7 =	vimm.f32 $0.0e+00;
	v11 =	vimm.f32 $0.0e+00  }
0x592: {  	v13 =	vimm.f32 $0.0e+00;
	v14 =	vimm.f32 $0.0e+00;
	v2 =	vimm.f32 $0.0e+00  }
0x593: {  	v4 =	vimm.f32 $0.0e+00;
	v5 =	vimm.f32 $0.0e+00;
	v6 =	vimm.f32 $0.0e+00  }
.LBB2_80:
.Ltmp78:
0x594: {  	(pc) =	sbr.rel .LBB2_84-.Ltmp78, $4  }
0x595: {  	_ = 	snop  }
0x596: {  	v7 =	vimm.f32 $0.0e+00;
	v11 =	vimm.f32 $0.0e+00  }
0x597: {  	v13 =	vimm.f32 $0.0e+00;
	v14 =	vimm.f32 $0.0e+00;
	v2 =	vimm.f32 $0.0e+00  }
0x598: {  	v4 =	vimm.f32 $0.0e+00;
	v5 =	vimm.f32 $0.0e+00;
	v6 =	vimm.f32 $0.0e+00  }
.LBB2_87:
.Ltmp79:
0x599: {  	(pc) =	sbr.rel .LBB2_91-.Ltmp79, $4  }
0x59a: {  	_ = 	snop  }
0x59b: {  	v7 =	vimm.f32 $0.0e+00;
	v11 =	vimm.f32 $0.0e+00  }
0x59c: {  	v13 =	vimm.f32 $0.0e+00;
	v14 =	vimm.f32 $0.0e+00;
	v2 =	vimm.f32 $0.0e+00  }
0x59d: {  	v4 =	vimm.f32 $0.0e+00;
	v5 =	vimm.f32 $0.0e+00;
	v6 =	vimm.f32 $0.0e+00  }
.LBB2_94:
.Ltmp80:
0x59e: {  	(pc) =	sbr.rel .LBB2_98-.Ltmp80, $4  }
0x59f: {  	_ = 	snop  }
0x5a0: {  	v7 =	vimm.f32 $0.0e+00;
	v11 =	vimm.f32 $0.0e+00  }
0x5a1: {  	v13 =	vimm.f32 $0.0e+00;
	v14 =	vimm.f32 $0.0e+00;
	v2 =	vimm.f32 $0.0e+00  }
0x5a2: {  	v4 =	vimm.f32 $0.0e+00;
	v5 =	vimm.f32 $0.0e+00;
	v6 =	vimm.f32 $0.0e+00  }
.LBB2_101:
.Ltmp81:
0x5a3: {  	(pc) =	sbr.rel .LBB2_105-.Ltmp81, $4  }
0x5a4: {  	_ = 	snop  }
0x5a5: {  	v7 =	vimm.f32 $0.0e+00;
	v11 =	vimm.f32 $0.0e+00  }
0x5a6: {  	v13 =	vimm.f32 $0.0e+00;
	v14 =	vimm.f32 $0.0e+00;
	v2 =	vimm.f32 $0.0e+00  }
0x5a7: {  	v4 =	vimm.f32 $0.0e+00;
	v5 =	vimm.f32 $0.0e+00;
	v6 =	vimm.f32 $0.0e+00  }
.LBB2_12:
.Ltmp82:
0x5a8: {  	(pc) =	sbr.rel .LBB2_14-.Ltmp82, $3  }
0x5a9: {  	_ =	sdelay $0x1  }
0x5aa: {  	v7 =	vimm.f32 $0.0e+00  }
0x5ab: {  	v11 =	vimm.f32 $0.0e+00;
	v13 =	vimm.f32 $0.0e+00;
	v14 =	vimm.f32 $0.0e+00  }
.LBB2_19:
.Ltmp83:
0x5ac: {  	(pc) =	sbr.rel .LBB2_21-.Ltmp83, $3  }
0x5ad: {  	_ =	sdelay $0x1  }
0x5ae: {  	v7 =	vimm.f32 $0.0e+00  }
0x5af: {  	v11 =	vimm.f32 $0.0e+00;
	v13 =	vimm.f32 $0.0e+00;
	v14 =	vimm.f32 $0.0e+00  }
.LBB2_26:
.Ltmp84:
0x5b0: {  	(pc) =	sbr.rel .LBB2_28-.Ltmp84, $3  }
0x5b1: {  	_ =	sdelay $0x1  }
0x5b2: {  	v7 =	vimm.f32 $0.0e+00  }
0x5b3: {  	v11 =	vimm.f32 $0.0e+00;
	v13 =	vimm.f32 $0.0e+00;
	v14 =	vimm.f32 $0.0e+00  }
.LBB2_33:
.Ltmp85:
0x5b4: {  	(pc) =	sbr.rel .LBB2_35-.Ltmp85, $3  }
0x5b5: {  	_ =	sdelay $0x1  }
0x5b6: {  	v7 =	vimm.f32 $0.0e+00  }
0x5b7: {  	v11 =	vimm.f32 $0.0e+00;
	v13 =	vimm.f32 $0.0e+00;
	v14 =	vimm.f32 $0.0e+00  }
.LBB2_40:
.Ltmp86:
0x5b8: {  	(pc) =	sbr.rel .LBB2_42-.Ltmp86, $3  }
0x5b9: {  	_ =	sdelay $0x1  }
0x5ba: {  	v7 =	vimm.f32 $0.0e+00  }
0x5bb: {  	v11 =	vimm.f32 $0.0e+00;
	v13 =	vimm.f32 $0.0e+00;
	v14 =	vimm.f32 $0.0e+00  }
.LBB2_47:
.Ltmp87:
0x5bc: {  	(pc) =	sbr.rel .LBB2_49-.Ltmp87, $3  }
0x5bd: {  	_ =	sdelay $0x1  }
0x5be: {  	v7 =	vimm.f32 $0.0e+00  }
0x5bf: {  	v11 =	vimm.f32 $0.0e+00;
	v13 =	vimm.f32 $0.0e+00;
	v14 =	vimm.f32 $0.0e+00  }
.LBB2_54:
.Ltmp88:
0x5c0: {  	(pc) =	sbr.rel .LBB2_56-.Ltmp88, $3  }
0x5c1: {  	_ =	sdelay $0x1  }
0x5c2: {  	v7 =	vimm.f32 $0.0e+00  }
0x5c3: {  	v11 =	vimm.f32 $0.0e+00;
	v13 =	vimm.f32 $0.0e+00;
	v14 =	vimm.f32 $0.0e+00  }
.LBB2_61:
.Ltmp89:
0x5c4: {  	(pc) =	sbr.rel .LBB2_63-.Ltmp89, $3  }
0x5c5: {  	_ =	sdelay $0x1  }
0x5c6: {  	v7 =	vimm.f32 $0.0e+00  }
0x5c7: {  	v11 =	vimm.f32 $0.0e+00;
	v13 =	vimm.f32 $0.0e+00;
	v14 =	vimm.f32 $0.0e+00  }
.LBB2_68:
.Ltmp90:
0x5c8: {  	(pc) =	sbr.rel .LBB2_70-.Ltmp90, $3  }
0x5c9: {  	_ =	sdelay $0x1  }
0x5ca: {  	v7 =	vimm.f32 $0.0e+00  }
0x5cb: {  	v11 =	vimm.f32 $0.0e+00;
	v13 =	vimm.f32 $0.0e+00;
	v14 =	vimm.f32 $0.0e+00  }
.LBB2_75:
.Ltmp91:
0x5cc: {  	(pc) =	sbr.rel .LBB2_77-.Ltmp91, $3  }
0x5cd: {  	_ =	sdelay $0x1  }
0x5ce: {  	v7 =	vimm.f32 $0.0e+00  }
0x5cf: {  	v11 =	vimm.f32 $0.0e+00;
	v13 =	vimm.f32 $0.0e+00;
	v14 =	vimm.f32 $0.0e+00  }
.LBB2_82:
.Ltmp92:
0x5d0: {  	(pc) =	sbr.rel .LBB2_84-.Ltmp92, $3  }
0x5d1: {  	_ =	sdelay $0x1  }
0x5d2: {  	v7 =	vimm.f32 $0.0e+00  }
0x5d3: {  	v11 =	vimm.f32 $0.0e+00;
	v13 =	vimm.f32 $0.0e+00;
	v14 =	vimm.f32 $0.0e+00  }
.LBB2_89:
.Ltmp93:
0x5d4: {  	(pc) =	sbr.rel .LBB2_91-.Ltmp93, $3  }
0x5d5: {  	_ =	sdelay $0x1  }
0x5d6: {  	v7 =	vimm.f32 $0.0e+00  }
0x5d7: {  	v11 =	vimm.f32 $0.0e+00;
	v13 =	vimm.f32 $0.0e+00;
	v14 =	vimm.f32 $0.0e+00  }
.LBB2_96:
.Ltmp94:
0x5d8: {  	(pc) =	sbr.rel .LBB2_98-.Ltmp94, $3  }
0x5d9: {  	_ =	sdelay $0x1  }
0x5da: {  	v7 =	vimm.f32 $0.0e+00  }
0x5db: {  	v11 =	vimm.f32 $0.0e+00;
	v13 =	vimm.f32 $0.0e+00;
	v14 =	vimm.f32 $0.0e+00  }
.LBB2_103:
.Ltmp95:
0x5dc: {  	(pc) =	sbr.rel .LBB2_105-.Ltmp95, $3  }
0x5dd: {  	_ =	sdelay $0x1  }
0x5de: {  	v7 =	vimm.f32 $0.0e+00  }
0x5df: {  	v11 =	vimm.f32 $0.0e+00;
	v13 =	vimm.f32 $0.0e+00;
	v14 =	vimm.f32 $0.0e+00  }
.LBB2_111:
0x5e0: {  	_ =	sfence.sel $0x180000  }
0x5e1: {  	[bflag:$0x0] =	sbarrier.arrive $0xFFFF  }
0x5e2: {  	_ =	strace $0x90000047  }
0x5e3: {  	s0 =	stileid.u32;
	[bflag:$0x2] =	sbarrier.arrive $0xFFFF  }
0x5e4: {  	p0 =	sne.s32 s0, $0x0;
	s0 =	rddreg [dreg:$0x3]  }
0x5e5: {  	s0 =	sadd.s32 @!p0 $0x100000, s0  }
0x5e6: {  	[sflag:s0] =	ssyncadd.tile.s32 @!p0 $0x1;
	_ =	shalt  }
.Lfunc_end2:
_tile_overlayer_lowered:
.L_overlay_start_2:
0x5e7: {  	(tag) =	ssettag $0x2  }
0x5e8: {  	s0 =	rddreg [dreg:$0x0];
	s2 =	stileid.u32  }
0x5e9: {  	s1 =	rddreg [dreg:$0x1];
	p0 =	sne.s32 s2, $0x0  }
0x5ea: {  	s3 =	rddreg [dreg:$0x2];
	[bflag:$0x3] =	sbarrier.arrive $0xFFFF;
	s2 =	simm.s32 @!p0 $0x1C03  }
0x5eb: {  	[timem:s3], [sflag:s2] =	dma.local @!p0 [hbm:s0], s1  }
0x5ec: {  	s0 =	simm.s32 @!p0 $0x3  }
0x5ed: {  	_ =	swait.ge @!p0 [sflag:s0], s1  }
0x5ee: {  	s1 =	ssub.s32 @!p0 $0x0, s1;
	[sflag:s0] =	ssyncset.done @!p0 $0x0  }
0x5ef: {  	[sflag:s0] =	ssyncadd.s32 @!p0 s1  }
0x5f0: {  	[bflag:$0x3] =	sbarrier.arrive $0xFFFF  }
0x5f1: {  	_ =	shalt  }

</sc_bundles>
